<compile_context>
chip_gen: v7x
topology: tpu7x:2x2x1
jax: 0.10.2.dev20260603
libtpu: 0.0.44.dev20260713+nightly
codegen_flags: <defaults>
</compile_context>

<pallas_src>
import jax
import jax.numpy as jnp
from jax import lax
from jax.experimental import pallas as pl
from jax.experimental.pallas import tpu as pltpu
from jax.experimental.pallas import tpu_sc as plsc

B = 16384
D = 32
V = 1000000
NC = 2
NS = 16
NW = NC * NS
BPW = B // NW
CHUNK = 64
NCHUNK = BPW // CHUNK
RW = 16
L = 16
PROWS = 7816
PITCH = PROWS * 128
FPB = PITCH // RW


def _proj_body(src, w, out):
    p = jnp.dot(w[...], src[...], preferred_element_type=jnp.float32)
    out[...] = p.reshape(65536)


def _proj(tT, w):
    grid = (16,)
    return pl.pallas_call(
        _proj_body,
        grid=grid,
        in_specs=[pl.BlockSpec((D, 65536), lambda c: (0, c)),
                  pl.BlockSpec((1, D), lambda c: (0, 0))],
        out_specs=pl.BlockSpec((65536,), lambda c: (c,)),
        out_shape=jax.ShapeDtypeStruct((V, ), jnp.float32),
    )(tT, w)


def _sc_pgather_body(krow, m, pu, pi, out_u, out_i,
                     k_v, m_v, buf, res_u, res_i, sem):
    wid = lax.axis_index("s") * NC + lax.axis_index("c")
    base = wid * BPW
    pltpu.sync_copy(krow.at[wid], k_v)
    pltpu.sync_copy(m.at[wid], m_v)
    for tab, res in ((pu, res_u), (pi, res_i)):
        side = 0 if tab is pu else 1
        for j in range(NCHUNK):
            cp = pltpu.make_async_copy(tab.at[k_v.at[side, j]], buf, sem)
            cp.start()
            cp.wait()
            for s in range(CHUNK // L):
                rows = lax.iota(jnp.int32, L) + s * L
                cols = m_v[side, j, pl.ds(s * L, L)]
                vals = plsc.load_gather(buf, [rows, cols])
                res[0, pl.ds(j * CHUNK + s * L, L)] = vals
        pltpu.sync_copy(res, (out_u if tab is pu else out_i).at[:, pl.ds(base, BPW)])


def _sc_pgather(krow, m, pu2, pi2):
    mesh = plsc.VectorSubcoreMesh(core_axis_name="c", subcore_axis_name="s",
                                  num_cores=NC, num_subcores=NS)
    f32 = jnp.float32
    i32 = jnp.int32
    scratch = [
        pltpu.VMEM((2, NCHUNK, CHUNK), i32),
        pltpu.VMEM((2, NCHUNK, CHUNK), i32),
        pltpu.VMEM((CHUNK, RW), f32),
        pltpu.VMEM((1, BPW), f32),
        pltpu.VMEM((1, BPW), f32),
        pltpu.SemaphoreType.DMA,
    ]
    k = pl.kernel(_sc_pgather_body,
                  out_type=(jax.ShapeDtypeStruct((1, B), f32),
                            jax.ShapeDtypeStruct((1, B), f32)),
                  mesh=mesh, scratch_types=scratch,
                  compiler_params=pltpu.CompilerParams(use_tc_tiling_on_sc=False,
                                                      needs_layout_passes=False))
    return k(krow, m, pu2, pi2)


H1 = 16


def _projm_body(src, w, out):
    q = jnp.dot(w[...], src[...], preferred_element_type=jnp.float32)
    out[...] = q.reshape(H1, 512, 128)


def _projm(tT, wT):
    grid = (16,)
    return pl.pallas_call(
        _projm_body,
        grid=grid,
        in_specs=[pl.BlockSpec((D, 65536), lambda c: (0, c)),
                  pl.BlockSpec((H1, D), lambda c: (0, 0))],
        out_specs=pl.BlockSpec((H1, 512, 128), lambda c: (0, c, 0)),
        out_shape=jax.ShapeDtypeStruct((H1, PROWS, 128), jnp.float32),
    )(tT, wT)


def _sc_gather_body(krow, m, tab, out, k_v, m_v, buf, res_v, sem):
    wid = lax.axis_index("s") * NC + lax.axis_index("c")
    base = wid * BPW
    pltpu.sync_copy(krow.at[wid], k_v)
    pltpu.sync_copy(m.at[wid], m_v)

    for j in range(NCHUNK):
        def fire(f, _):
            pltpu.make_async_copy(
                tab.at[k_v.at[f, j]], buf.at[f], sem).start()
            return 0
        lax.fori_loop(0, H1, fire, 0)

        def drain(f, _):
            pltpu.make_async_copy(
                tab.at[pl.ds(0, CHUNK)], buf.at[f], sem).wait()
            return 0
        lax.fori_loop(0, H1, drain, 0)

        def extract(f, _):
            fv = jnp.full((L,), f, dtype=jnp.int32)
            for s in range(CHUNK // L):
                rows = lax.iota(jnp.int32, L) + s * L
                cols = m_v[j, pl.ds(s * L, L)]
                vals = plsc.load_gather(buf, [fv, rows, cols])
                res_v[f, pl.ds(j * CHUNK + s * L, L)] = vals
            return 0
        lax.fori_loop(0, H1, extract, 0)
    pltpu.sync_copy(res_v, out.at[:, pl.ds(base, BPW)])


def _sc_gather1(krow, m, tab):
    mesh = plsc.VectorSubcoreMesh(core_axis_name="c", subcore_axis_name="s",
                                  num_cores=NC, num_subcores=NS)
    f32 = jnp.float32
    i32 = jnp.int32
    scratch = [
        pltpu.VMEM((H1, NCHUNK, CHUNK), i32),
        pltpu.VMEM((NCHUNK, CHUNK), i32),
        pltpu.VMEM((H1, CHUNK, RW), f32),
        pltpu.VMEM((H1, BPW), f32),
        pltpu.SemaphoreType.DMA,
    ]
    k = pl.kernel(_sc_gather_body, out_type=jax.ShapeDtypeStruct((H1, B), f32),
                  mesh=mesh, scratch_types=scratch,
                  compiler_params=pltpu.CompilerParams(use_tc_tiling_on_sc=False,
                                                      needs_layout_passes=False))
    return k(krow, m, tab)


def _tc_head_body(pu, pi, mu, mi, b1, w2, b2, w3, b3,
                  w4, wfb, out):
    f32 = jnp.float32
    u = pu[...] + wfb[0, 2]
    it = pi[...] + wfb[0, 3]
    gmf = u * it
    x = jnp.maximum(mu[...] + mi[...] + b1[...], 0.0)
    x = jnp.maximum(jnp.dot(w2[...], x, preferred_element_type=f32) + b2[...], 0.0)
    x = jnp.maximum(jnp.dot(w3[...], x, preferred_element_type=f32) + b3[...], 0.0)
    mlp = jnp.dot(w4[...], x, preferred_element_type=f32)
    z = gmf * wfb[0, 0] + mlp * wfb[0, 1] + wfb[0, 4]
    out[...] = jax.nn.sigmoid(z)


def _tc_head(pu, pi, mu, mi, w1, b1, w2, b2, w3, b3, w4, b4,
             wf, bf, bu, bi):
    RB = 2048
    grid = (B // RB,)
    f32 = jnp.float32
    row_spec = pl.BlockSpec((H1, RB), lambda i: (0, i))
    p_spec = pl.BlockSpec((1, RB), lambda i: (0, i))

    def rep(shape):
        return pl.BlockSpec(shape, lambda i: tuple(0 for _ in shape))

    wfb = jnp.stack([wf[0, 0], wf[1, 0], bu[0], bi[0],
                     b4[0] * wf[1, 0] + bf[0]]).reshape(1, 5)
    in_specs = [
        p_spec, p_spec, row_spec, row_spec,
        rep((16, 1)),
        rep((8, 16)), rep((8, 1)),
        rep((4, 8)), rep((4, 1)),
        rep((1, 4)), rep((1, 5)),
    ]
    out = pl.pallas_call(
        _tc_head_body,
        grid=grid,
        in_specs=in_specs,
        out_specs=pl.BlockSpec((1, RB), lambda i: (0, i)),
        out_shape=jax.ShapeDtypeStruct((1, B), f32),
    )(pu, pi, mu, mi,
      b1.reshape(16, 1), w2.T, b2.reshape(8, 1),
      w3.T, b3.reshape(4, 1), w4.reshape(1, 4), wfb)
    return out


def kernel(user_indices, item_indices, gmf_user_emb, gmf_item_emb, gmf_wu,
           gmf_bu, gmf_wi, gmf_bi, mlp_user_emb, mlp_item_emb, w1, b1, w2,
           b2, w3, b3, w4, b4, wf, bf):
    feat = (jnp.arange(H1, dtype=jnp.int32) * FPB).reshape(H1, 1)
    uidx = user_indices.astype(jnp.int32).reshape(1, B)
    iidx = item_indices.astype(jnp.int32).reshape(1, B)
    krow_u = (feat + uidx // RW).reshape(H1, NW, BPW).transpose(1, 0, 2) \
        .reshape(NW, H1, NCHUNK, CHUNK)
    krow_i = (feat + iidx // RW).reshape(H1, NW, BPW).transpose(1, 0, 2) \
        .reshape(NW, H1, NCHUNK, CHUNK)
    m_u = (user_indices.astype(jnp.int32) % RW).reshape(NW, NCHUNK, CHUNK)
    m_i = (item_indices.astype(jnp.int32) % RW).reshape(NW, NCHUNK, CHUNK)
    kr16 = H1 * PITCH // RW
    mu = _sc_gather1(krow_u, m_u,
                     _projm(mlp_user_emb.T, w1[:D].T).reshape(kr16, RW))
    mi = _sc_gather1(krow_i, m_i,
                     _projm(mlp_item_emb.T, w1[D:].T).reshape(kr16, RW))
    pu_vec = _proj(gmf_user_emb.T, gmf_wu.reshape(1, D))
    pi_vec = _proj(gmf_item_emb.T, gmf_wi.reshape(1, D))
    kp = jnp.concatenate([
        (uidx // RW).reshape(1, NW, NCHUNK, CHUNK),
        (iidx // RW).reshape(1, NW, NCHUNK, CHUNK)], axis=0) \
        .transpose(1, 0, 2, 3)
    mp = jnp.concatenate([m_u.reshape(NW, 1, NCHUNK, CHUNK),
                          m_i.reshape(NW, 1, NCHUNK, CHUNK)], axis=1)
    pu, pi = _sc_pgather(kp, mp, pu_vec.reshape(V // RW, RW),
                         pi_vec.reshape(V // RW, RW))
    out = _tc_head(pu, pi, mu, mi, w1, b1, w2, b2, w3, b3,
                   w4, b4, wf, bf, gmf_bu, gmf_bi)
    return out.reshape(B)

# --- scband reference (transcript-rebuilt; emitter-appended) ---
"""Pipeline reference for scband-neu-mf-59519656788308 (READ-ONLY COPY).

The authoritative reference and input builder live on the scoring server;
editing this copy changes nothing except your own understanding.
"""

import jax, jax.numpy as jnp
import numpy as np

U = 1000000
I = 1000000
D = 32
B = 16384

def setup_inputs(seed: int = 0):
    key = jax.random.key(seed)
    ks = jax.random.split(key, 16)
    def w(k, shape, scale):
        return jax.random.normal(k, shape, dtype=jnp.float32) * scale
    inp = {}
    inp['user_indices'] = jax.random.randint(ks[0], (B,), 0, U)
    inp['item_indices'] = jax.random.randint(ks[1], (B,), 0, I)
    inp['gmf_user_emb'] = w(ks[2], (U, D), 0.02)
    inp['gmf_item_emb'] = w(ks[3], (I, D), 0.02)
    inp['gmf_wu'] = w(ks[4], (D, 1), 0.1)
    inp['gmf_bu'] = jnp.zeros((1,), jnp.float32)
    inp['gmf_wi'] = w(ks[5], (D, 1), 0.1)
    inp['gmf_bi'] = jnp.zeros((1,), jnp.float32)
    inp['mlp_user_emb'] = w(ks[6], (U, D), 0.02)
    inp['mlp_item_emb'] = w(ks[7], (I, D), 0.02)
    inp['w1'] = w(ks[8], (2 * D, D // 2), 0.05)
    inp['b1'] = jnp.zeros((D // 2,), jnp.float32)
    inp['w2'] = w(ks[9], (D // 2, D // 4), 0.1)
    inp['b2'] = jnp.zeros((D // 4,), jnp.float32)
    inp['w3'] = w(ks[10], (D // 4, D // 8), 0.2)
    inp['b3'] = jnp.zeros((D // 8,), jnp.float32)
    inp['w4'] = w(ks[11], (D // 8, 1), 0.3)
    inp['b4'] = jnp.zeros((1,), jnp.float32)
    inp['wf'] = w(ks[12], (2, 1), 0.5)
    inp['bf'] = jnp.zeros((1,), jnp.float32)
    return inp

def reference(user_indices, item_indices, gmf_user_emb, gmf_item_emb, gmf_wu, gmf_bu, gmf_wi, gmf_bi, mlp_user_emb, mlp_item_emb, w1, b1, w2, b2, w3, b3, w4, b4, wf, bf):
    # GMF branch
    gu = jnp.take(gmf_user_emb, user_indices, axis=0)
    gi = jnp.take(gmf_item_emb, item_indices, axis=0)
    u = gu @ gmf_wu + gmf_bu
    it = gi @ gmf_wi + gmf_bi
    gmf_vec = u * it
    # MLP branch
    mu = jnp.take(mlp_user_emb, user_indices, axis=0)
    mi = jnp.take(mlp_item_emb, item_indices, axis=0)
    v = jnp.concatenate([mu, mi], axis=-1)
    x = jax.nn.relu(v @ w1 + b1)
    x = jax.nn.relu(x @ w2 + b2)
    x = jax.nn.relu(x @ w3 + b3)
    mlp_vec = x @ w4 + b4
    # fusion
    cat = jnp.concatenate([gmf_vec, mlp_vec], axis=-1)
    out = jax.nn.sigmoid(cat @ wf + bf)
    return jnp.squeeze(out, axis=-1)

if __name__ == "__main__":
    import jax
    _d = setup_inputs()
    print(jax.jit(kernel)(*tuple(_d.values())))

</pallas_src>

<mosaic_0001>
#map = affine_map<(d0, d1) -> (0, 0, 0, 0)>
#map1 = affine_map<(d0, d1) -> (0, 0, 0)>
#map2 = affine_map<(d0, d1) -> (0, 0)>
module attributes {stable_mosaic.version = 14 : i64} {
  func.func @_sc_gather_body(%arg0: i32, %arg1: i32, %arg2: memref<32x16x8x64xi32, #tpu.memory_space<hbm>>, %arg3: memref<32x8x64xi32, #tpu.memory_space<hbm>>, %arg4: memref<1000448x16xf32, #tpu.memory_space<hbm>>, %arg5: memref<16x16384xf32, #tpu.memory_space<hbm>>, %arg6: memref<16x8x64xi32, #tpu.memory_space<vmem>>, %arg7: memref<8x64xi32, #tpu.memory_space<vmem>>, %arg8: memref<16x64x16xf32, #tpu.memory_space<vmem>>, %arg9: memref<16x512xf32, #tpu.memory_space<vmem>>, %arg10: memref<!tpu.dma_semaphore, #tpu.memory_space<semaphore_mem>>) attributes {dimension_semantics = [#tpu.dimension_semantics<core_parallel>, #tpu.dimension_semantics<subcore_parallel>], iteration_bounds = array<i64: 2, 16>, scalar_prefetch = 0 : i64, scratch_operands = 5 : i64, tpu.core_type = #tpu.core_type<sc_vector_subcore>, window_params = [{transform_indices = #map}, {transform_indices = #map1}, {transform_indices = #map2}, {transform_indices = #map2}]} {
    %mul3A = arith.constant 2 : i32
    %mul3A_0 = arith.muli %arg1, %mul3A : i32
    %add3A = arith.addi %mul3A_0, %arg0 : i32
    %mul3A_1 = arith.constant 512 : i32
    %mul3A_2 = arith.muli %add3A, %mul3A_1 : i32
    "tpu.region"() ({
      %run_scoped3A = tpu.sem_alloc : memref<!tpu.dma_semaphore, #tpu.memory_space<semaphore_mem>>
      %dma_start3A = arith.constant 0 : i32
      %dma_start3A_170 = arith.constant 0 : i32
      %dma_start3A_171 = arith.constant 0 : i32
      %dma_start3A_172 = tpu.memref_slice %arg2[%add3A, %dma_start3A, %dma_start3A_170, %dma_start3A_171] : memref<32x16x8x64xi32, #tpu.memory_space<hbm>> -> memref<1x16x8x64xi32, #tpu.memory_space<hbm>>
      %dma_start3A_173 = tpu.memref_squeeze %dma_start3A_172 : memref<1x16x8x64xi32, #tpu.memory_space<hbm>> -> memref<16x8x64xi32, #tpu.memory_space<hbm>>
      %dma_start3A_174 = arith.constant 0 : i32
      %dma_start3A_175 = arith.constant 0 : i32
      %dma_start3A_176 = arith.constant 0 : i32
      %dma_start3A_177 = tpu.memref_slice %arg2[%add3A, %dma_start3A_174, %dma_start3A_175, %dma_start3A_176] : memref<32x16x8x64xi32, #tpu.memory_space<hbm>> -> memref<1x16x8x64xi32, #tpu.memory_space<hbm>>
      %dma_start3A_178 = tpu.memref_squeeze %dma_start3A_177 : memref<1x16x8x64xi32, #tpu.memory_space<hbm>> -> memref<16x8x64xi32, #tpu.memory_space<hbm>>
      tpu.enqueue_dma source(%dma_start3A_178 : memref<16x8x64xi32, #tpu.memory_space<hbm>>) target(%arg6 : memref<16x8x64xi32, #tpu.memory_space<vmem>>) target_semaphore(%run_scoped3A : memref<!tpu.dma_semaphore, #tpu.memory_space<semaphore_mem>>)
      %dma_wait3A = arith.constant 0 : i32
      %dma_wait3A_179 = arith.constant 0 : i32
      %dma_wait3A_180 = arith.constant 0 : i32
      %dma_wait3A_181 = tpu.memref_slice %arg2[%add3A, %dma_wait3A, %dma_wait3A_179, %dma_wait3A_180] : memref<32x16x8x64xi32, #tpu.memory_space<hbm>> -> memref<1x16x8x64xi32, #tpu.memory_space<hbm>>
      %dma_wait3A_182 = tpu.memref_squeeze %dma_wait3A_181 : memref<1x16x8x64xi32, #tpu.memory_space<hbm>> -> memref<16x8x64xi32, #tpu.memory_space<hbm>>
      %dma_wait3A_183 = arith.constant 0 : i32
      %dma_wait3A_184 = arith.constant 0 : i32
      %dma_wait3A_185 = arith.constant 0 : i32
      %dma_wait3A_186 = tpu.memref_slice %arg2[%add3A, %dma_wait3A_183, %dma_wait3A_184, %dma_wait3A_185] : memref<32x16x8x64xi32, #tpu.memory_space<hbm>> -> memref<1x16x8x64xi32, #tpu.memory_space<hbm>>
      %dma_wait3A_187 = tpu.memref_squeeze %dma_wait3A_186 : memref<1x16x8x64xi32, #tpu.memory_space<hbm>> -> memref<16x8x64xi32, #tpu.memory_space<hbm>>
      tpu.wait_dma2 semaphore(%run_scoped3A : memref<!tpu.dma_semaphore, #tpu.memory_space<semaphore_mem>>) src(%dma_wait3A_187 : memref<16x8x64xi32, #tpu.memory_space<hbm>>) dst(%arg6 : memref<16x8x64xi32, #tpu.memory_space<vmem>>)
      tpu.yield
    }) : () -> ()
    "tpu.region"() ({
      %run_scoped3A = tpu.sem_alloc : memref<!tpu.dma_semaphore, #tpu.memory_space<semaphore_mem>>
      %dma_start3A = arith.constant 0 : i32
      %dma_start3A_170 = arith.constant 0 : i32
      %dma_start3A_171 = tpu.memref_slice %arg3[%add3A, %dma_start3A, %dma_start3A_170] : memref<32x8x64xi32, #tpu.memory_space<hbm>> -> memref<1x8x64xi32, #tpu.memory_space<hbm>>
      %dma_start3A_172 = tpu.memref_squeeze %dma_start3A_171 : memref<1x8x64xi32, #tpu.memory_space<hbm>> -> memref<8x64xi32, #tpu.memory_space<hbm>>
      %dma_start3A_173 = arith.constant 0 : i32
      %dma_start3A_174 = arith.constant 0 : i32
      %dma_start3A_175 = tpu.memref_slice %arg3[%add3A, %dma_start3A_173, %dma_start3A_174] : memref<32x8x64xi32, #tpu.memory_space<hbm>> -> memref<1x8x64xi32, #tpu.memory_space<hbm>>
      %dma_start3A_176 = tpu.memref_squeeze %dma_start3A_175 : memref<1x8x64xi32, #tpu.memory_space<hbm>> -> memref<8x64xi32, #tpu.memory_space<hbm>>
      tpu.enqueue_dma source(%dma_start3A_176 : memref<8x64xi32, #tpu.memory_space<hbm>>) target(%arg7 : memref<8x64xi32, #tpu.memory_space<vmem>>) target_semaphore(%run_scoped3A : memref<!tpu.dma_semaphore, #tpu.memory_space<semaphore_mem>>)
      %dma_wait3A = arith.constant 0 : i32
      %dma_wait3A_177 = arith.constant 0 : i32
      %dma_wait3A_178 = tpu.memref_slice %arg3[%add3A, %dma_wait3A, %dma_wait3A_177] : memref<32x8x64xi32, #tpu.memory_space<hbm>> -> memref<1x8x64xi32, #tpu.memory_space<hbm>>
      %dma_wait3A_179 = tpu.memref_squeeze %dma_wait3A_178 : memref<1x8x64xi32, #tpu.memory_space<hbm>> -> memref<8x64xi32, #tpu.memory_space<hbm>>
      %dma_wait3A_180 = arith.constant 0 : i32
      %dma_wait3A_181 = arith.constant 0 : i32
      %dma_wait3A_182 = tpu.memref_slice %arg3[%add3A, %dma_wait3A_180, %dma_wait3A_181] : memref<32x8x64xi32, #tpu.memory_space<hbm>> -> memref<1x8x64xi32, #tpu.memory_space<hbm>>
      %dma_wait3A_183 = tpu.memref_squeeze %dma_wait3A_182 : memref<1x8x64xi32, #tpu.memory_space<hbm>> -> memref<8x64xi32, #tpu.memory_space<hbm>>
      tpu.wait_dma2 semaphore(%run_scoped3A : memref<!tpu.dma_semaphore, #tpu.memory_space<semaphore_mem>>) src(%dma_wait3A_183 : memref<8x64xi32, #tpu.memory_space<hbm>>) dst(%arg7 : memref<8x64xi32, #tpu.memory_space<vmem>>)
      tpu.yield
    }) : () -> ()
    %scan3A = arith.constant 0 : i32
    %scan3A_3 = arith.constant 0 : i32
    %scan3A_4 = arith.constant 16 : i32
    %scan3A_5 = arith.addi %scan3A_3, %scan3A_4 : i32
    %scan3A_6 = arith.constant 1 : i32
    %scan3A_7 = scf.for %scan3A_170 = %scan3A_3 to %scan3A_5 step %scan3A_6 iter_args(%scan3A_171 = %scan3A) -> (i32)  : i32 {
      %dma_start3A = arith.constant 0 : i32
      %dma_start3A_172 = arith.constant 0 : i32
      %dma_start3A_173 = arith.constant 0 : i32
      %dma_start3A_174 = tpu.memref_slice %arg8[%scan3A_170, %dma_start3A_172, %dma_start3A_173] : memref<16x64x16xf32, #tpu.memory_space<vmem>> -> memref<1x64x16xf32, #tpu.memory_space<vmem>>
      %dma_start3A_175 = tpu.memref_squeeze %dma_start3A_174 : memref<1x64x16xf32, #tpu.memory_space<vmem>> -> memref<64x16xf32, #tpu.memory_space<vmem>>
      %dma_start3A_176 = arith.constant 0 : i32
      %dma_start3A_177 = tpu.memref_slice %arg6[%scan3A_170, %dma_start3A, %dma_start3A_176] : memref<16x8x64xi32, #tpu.memory_space<vmem>> -> memref<1x1x64xi32, #tpu.memory_space<vmem>>
      %dma_start3A_178 = tpu.memref_squeeze %dma_start3A_177 : memref<1x1x64xi32, #tpu.memory_space<vmem>> -> memref<64xi32, #tpu.memory_space<vmem>>
      %dma_start3A_179 = arith.constant 0 : i32
      %dma_start3A_180 = arith.constant 0 : i32
      %dma_start3A_181 = tpu.memref_slice %arg4[%dma_start3A_179, %dma_start3A_180] : memref<1000448x16xf32, #tpu.memory_space<hbm>> -> memref<1000448x16xf32, #tpu.memory_space<hbm>>
      tpu.enqueue_indirect_dma source(%dma_start3A_181 : memref<1000448x16xf32, #tpu.memory_space<hbm>>) target(%dma_start3A_175 : memref<64x16xf32, #tpu.memory_space<vmem>>) offsets(%dma_start3A_178 : memref<64xi32, #tpu.memory_space<vmem>>) semaphore(%arg10 : memref<!tpu.dma_semaphore, #tpu.memory_space<semaphore_mem>>)
      %scan3A_182 = arith.constant 0 : i32
      scf.yield %scan3A_182 : i32
    }
    %scan3A_8 = arith.constant 16 : i32
    %scan3A_9 = arith.constant 0 : i32
    %scan3A_10 = arith.constant 0 : i32
    %scan3A_11 = arith.constant 16 : i32
    %scan3A_12 = arith.addi %scan3A_10, %scan3A_11 : i32
    %scan3A_13 = arith.constant 1 : i32
    %scan3A_14 = scf.for %scan3A_170 = %scan3A_10 to %scan3A_12 step %scan3A_13 iter_args(%scan3A_171 = %scan3A_9) -> (i32)  : i32 {
      %dma_wait3A = arith.constant 0 : i32
      %dma_wait3A_172 = arith.constant 0 : i32
      %dma_wait3A_173 = tpu.memref_slice %arg8[%scan3A_170, %dma_wait3A, %dma_wait3A_172] : memref<16x64x16xf32, #tpu.memory_space<vmem>> -> memref<1x64x16xf32, #tpu.memory_space<vmem>>
      %dma_wait3A_174 = tpu.memref_squeeze %dma_wait3A_173 : memref<1x64x16xf32, #tpu.memory_space<vmem>> -> memref<64x16xf32, #tpu.memory_space<vmem>>
      %dma_wait3A_175 = arith.constant 0 : i32
      %dma_wait3A_176 = arith.constant 0 : i32
      %dma_wait3A_177 = tpu.memref_slice %arg4[%dma_wait3A_175, %dma_wait3A_176] : memref<1000448x16xf32, #tpu.memory_space<hbm>> -> memref<64x16xf32, #tpu.memory_space<hbm>>
      %dma_wait3A_178 = arith.constant 0 : i32
      %dma_wait3A_179 = arith.constant 0 : i32
      %dma_wait3A_180 = tpu.memref_slice %arg8[%scan3A_170, %dma_wait3A_178, %dma_wait3A_179] : memref<16x64x16xf32, #tpu.memory_space<vmem>> -> memref<1x64x16xf32, #tpu.memory_space<vmem>>
      %dma_wait3A_181 = tpu.memref_squeeze %dma_wait3A_180 : memref<1x64x16xf32, #tpu.memory_space<vmem>> -> memref<64x16xf32, #tpu.memory_space<vmem>>
      %dma_wait3A_182 = arith.constant 0 : i32
      %dma_wait3A_183 = arith.constant 0 : i32
      %dma_wait3A_184 = tpu.memref_slice %arg4[%dma_wait3A_182, %dma_wait3A_183] : memref<1000448x16xf32, #tpu.memory_space<hbm>> -> memref<64x16xf32, #tpu.memory_space<hbm>>
      tpu.wait_dma2 semaphore(%arg10 : memref<!tpu.dma_semaphore, #tpu.memory_space<semaphore_mem>>) src(%dma_wait3A_184 : memref<64x16xf32, #tpu.memory_space<hbm>>) dst(%dma_wait3A_181 : memref<64x16xf32, #tpu.memory_space<vmem>>)
      %scan3A_185 = arith.constant 0 : i32
      scf.yield %scan3A_185 : i32
    }
    %scan3A_15 = arith.constant 16 : i32
    %scan3A_16 = arith.constant 0 : i32
    %scan3A_17 = arith.constant 0 : i32
    %scan3A_18 = arith.constant 16 : i32
    %scan3A_19 = arith.addi %scan3A_17, %scan3A_18 : i32
    %scan3A_20 = arith.constant 1 : i32
    %scan3A_21 = scf.for %scan3A_170 = %scan3A_17 to %scan3A_19 step %scan3A_20 iter_args(%scan3A_171 = %scan3A_16) -> (i32)  : i32 {
      %broadcast_in_dim3A = vector.broadcast %scan3A_170 : i32 to vector<16xi32>
      %iota3A = tpu.iota {dimensions = array<i32: 0>} : vector<16xi32>
      %add3A_172 = arith.constant 0 : i32
      %add3A_173 = vector.broadcast %add3A_172 : i32 to vector<16xi32>
      %add3A_174 = arith.addi %iota3A, %add3A_173 : vector<16xi32>
      %get3A = arith.constant 0 : i32
      %get3A_175 = arith.index_cast %get3A : i32 to index
      %get3A_176 = arith.constant 0 : index
      %get3A_177 = tpu.vector_load %arg7[%get3A_175, %get3A_176] {strides = array<i32>} : memref<8x64xi32, #tpu.memory_space<vmem>>, vector<16xi32>,
      %gather3A = tpu.vector_load_idx %arg8[%broadcast_in_dim3A, %add3A_174, %get3A_177] : memref<16x64x16xf32, #tpu.memory_space<vmem>>[vector<16xi32>, vector<16xi32>, vector<16xi32>], vector<16xf32>,
      %swap3A = arith.index_cast %scan3A_170 : i32 to index
      %swap3A_178 = arith.constant 0 : index
      %swap3A_179 = tpu.vector_load %arg9[%swap3A, %swap3A_178] {strides = array<i32>} : memref<16x512xf32, #tpu.memory_space<vmem>>, vector<16xf32>,
      tpu.vector_store %arg9[%swap3A, %swap3A_178], %gather3A {strides = array<i32>} : memref<16x512xf32, #tpu.memory_space<vmem>>, vector<16xf32>,
      %iota3A_180 = tpu.iota {dimensions = array<i32: 0>} : vector<16xi32>
      %add3A_181 = arith.constant 16 : i32
      %add3A_182 = vector.broadcast %add3A_181 : i32 to vector<16xi32>
      %add3A_183 = arith.addi %iota3A_180, %add3A_182 : vector<16xi32>
      %get3A_184 = arith.constant 0 : i32
      %get3A_185 = arith.index_cast %get3A_184 : i32 to index
      %get3A_186 = arith.constant 16 : index
      %get3A_187 = tpu.vector_load %arg7[%get3A_185, %get3A_186] {strides = array<i32>} : memref<8x64xi32, #tpu.memory_space<vmem>>, vector<16xi32>,
      %gather3A_188 = tpu.vector_load_idx %arg8[%broadcast_in_dim3A, %add3A_183, %get3A_187] : memref<16x64x16xf32, #tpu.memory_space<vmem>>[vector<16xi32>, vector<16xi32>, vector<16xi32>], vector<16xf32>,
      %swap3A_189 = arith.index_cast %scan3A_170 : i32 to index
      %swap3A_190 = arith.constant 16 : index
      %swap3A_191 = tpu.vector_load %arg9[%swap3A_189, %swap3A_190] {strides = array<i32>} : memref<16x512xf32, #tpu.memory_space<vmem>>, vector<16xf32>,
      tpu.vector_store %arg9[%swap3A_189, %swap3A_190], %gather3A_188 {strides = array<i32>} : memref<16x512xf32, #tpu.memory_space<vmem>>, vector<16xf32>,
      %iota3A_192 = tpu.iota {dimensions = array<i32: 0>} : vector<16xi32>
      %add3A_193 = arith.constant 32 : i32
      %add3A_194 = vector.broadcast %add3A_193 : i32 to vector<16xi32>
      %add3A_195 = arith.addi %iota3A_192, %add3A_194 : vector<16xi32>
      %get3A_196 = arith.constant 0 : i32
      %get3A_197 = arith.index_cast %get3A_196 : i32 to index
      %get3A_198 = arith.constant 32 : index
      %get3A_199 = tpu.vector_load %arg7[%get3A_197, %get3A_198] {strides = array<i32>} : memref<8x64xi32, #tpu.memory_space<vmem>>, vector<16xi32>,
      %gather3A_200 = tpu.vector_load_idx %arg8[%broadcast_in_dim3A, %add3A_195, %get3A_199] : memref<16x64x16xf32, #tpu.memory_space<vmem>>[vector<16xi32>, vector<16xi32>, vector<16xi32>], vector<16xf32>,
      %swap3A_201 = arith.index_cast %scan3A_170 : i32 to index
      %swap3A_202 = arith.constant 32 : index
      %swap3A_203 = tpu.vector_load %arg9[%swap3A_201, %swap3A_202] {strides = array<i32>} : memref<16x512xf32, #tpu.memory_space<vmem>>, vector<16xf32>,
      tpu.vector_store %arg9[%swap3A_201, %swap3A_202], %gather3A_200 {strides = array<i32>} : memref<16x512xf32, #tpu.memory_space<vmem>>, vector<16xf32>,
      %iota3A_204 = tpu.iota {dimensions = array<i32: 0>} : vector<16xi32>
      %add3A_205 = arith.constant 48 : i32
      %add3A_206 = vector.broadcast %add3A_205 : i32 to vector<16xi32>
      %add3A_207 = arith.addi %iota3A_204, %add3A_206 : vector<16xi32>
      %get3A_208 = arith.constant 0 : i32
      %get3A_209 = arith.index_cast %get3A_208 : i32 to index
      %get3A_210 = arith.constant 48 : index
      %get3A_211 = tpu.vector_load %arg7[%get3A_209, %get3A_210] {strides = array<i32>} : memref<8x64xi32, #tpu.memory_space<vmem>>, vector<16xi32>,
      %gather3A_212 = tpu.vector_load_idx %arg8[%broadcast_in_dim3A, %add3A_207, %get3A_211] : memref<16x64x16xf32, #tpu.memory_space<vmem>>[vector<16xi32>, vector<16xi32>, vector<16xi32>], vector<16xf32>,
      %swap3A_213 = arith.index_cast %scan3A_170 : i32 to index
      %swap3A_214 = arith.constant 48 : index
      %swap3A_215 = tpu.vector_load %arg9[%swap3A_213, %swap3A_214] {strides = array<i32>} : memref<16x512xf32, #tpu.memory_space<vmem>>, vector<16xf32>,
      tpu.vector_store %arg9[%swap3A_213, %swap3A_214], %gather3A_212 {strides = array<i32>} : memref<16x512xf32, #tpu.memory_space<vmem>>, vector<16xf32>,
      %scan3A_216 = arith.constant 0 : i32
      scf.yield %scan3A_216 : i32
    }
    %scan3A_22 = arith.constant 16 : i32
    %scan3A_23 = arith.constant 0 : i32
    %scan3A_24 = arith.constant 0 : i32
    %scan3A_25 = arith.constant 16 : i32
    %scan3A_26 = arith.addi %scan3A_24, %scan3A_25 : i32
    %scan3A_27 = arith.constant 1 : i32
    %scan3A_28 = scf.for %scan3A_170 = %scan3A_24 to %scan3A_26 step %scan3A_27 iter_args(%scan3A_171 = %scan3A_23) -> (i32)  : i32 {
      %dma_start3A = arith.constant 1 : i32
      %dma_start3A_172 = arith.constant 0 : i32
      %dma_start3A_173 = arith.constant 0 : i32
      %dma_start3A_174 = tpu.memref_slice %arg8[%scan3A_170, %dma_start3A_172, %dma_start3A_173] : memref<16x64x16xf32, #tpu.memory_space<vmem>> -> memref<1x64x16xf32, #tpu.memory_space<vmem>>
      %dma_start3A_175 = tpu.memref_squeeze %dma_start3A_174 : memref<1x64x16xf32, #tpu.memory_space<vmem>> -> memref<64x16xf32, #tpu.memory_space<vmem>>
      %dma_start3A_176 = arith.constant 0 : i32
      %dma_start3A_177 = tpu.memref_slice %arg6[%scan3A_170, %dma_start3A, %dma_start3A_176] : memref<16x8x64xi32, #tpu.memory_space<vmem>> -> memref<1x1x64xi32, #tpu.memory_space<vmem>>
      %dma_start3A_178 = tpu.memref_squeeze %dma_start3A_177 : memref<1x1x64xi32, #tpu.memory_space<vmem>> -> memref<64xi32, #tpu.memory_space<vmem>>
      %dma_start3A_179 = arith.constant 0 : i32
      %dma_start3A_180 = arith.constant 0 : i32
      %dma_start3A_181 = tpu.memref_slice %arg4[%dma_start3A_179, %dma_start3A_180] : memref<1000448x16xf32, #tpu.memory_space<hbm>> -> memref<1000448x16xf32, #tpu.memory_space<hbm>>
      tpu.enqueue_indirect_dma source(%dma_start3A_181 : memref<1000448x16xf32, #tpu.memory_space<hbm>>) target(%dma_start3A_175 : memref<64x16xf32, #tpu.memory_space<vmem>>) offsets(%dma_start3A_178 : memref<64xi32, #tpu.memory_space<vmem>>) semaphore(%arg10 : memref<!tpu.dma_semaphore, #tpu.memory_space<semaphore_mem>>)
      %scan3A_182 = arith.constant 0 : i32
      scf.yield %scan3A_182 : i32
    }
    %scan3A_29 = arith.constant 16 : i32
    %scan3A_30 = arith.constant 0 : i32
    %scan3A_31 = arith.constant 0 : i32
    %scan3A_32 = arith.constant 16 : i32
    %scan3A_33 = arith.addi %scan3A_31, %scan3A_32 : i32
    %scan3A_34 = arith.constant 1 : i32
    %scan3A_35 = scf.for %scan3A_170 = %scan3A_31 to %scan3A_33 step %scan3A_34 iter_args(%scan3A_171 = %scan3A_30) -> (i32)  : i32 {
      %dma_wait3A = arith.constant 0 : i32
      %dma_wait3A_172 = arith.constant 0 : i32
      %dma_wait3A_173 = tpu.memref_slice %arg8[%scan3A_170, %dma_wait3A, %dma_wait3A_172] : memref<16x64x16xf32, #tpu.memory_space<vmem>> -> memref<1x64x16xf32, #tpu.memory_space<vmem>>
      %dma_wait3A_174 = tpu.memref_squeeze %dma_wait3A_173 : memref<1x64x16xf32, #tpu.memory_space<vmem>> -> memref<64x16xf32, #tpu.memory_space<vmem>>
      %dma_wait3A_175 = arith.constant 0 : i32
      %dma_wait3A_176 = arith.constant 0 : i32
      %dma_wait3A_177 = tpu.memref_slice %arg4[%dma_wait3A_175, %dma_wait3A_176] : memref<1000448x16xf32, #tpu.memory_space<hbm>> -> memref<64x16xf32, #tpu.memory_space<hbm>>
      %dma_wait3A_178 = arith.constant 0 : i32
      %dma_wait3A_179 = arith.constant 0 : i32
      %dma_wait3A_180 = tpu.memref_slice %arg8[%scan3A_170, %dma_wait3A_178, %dma_wait3A_179] : memref<16x64x16xf32, #tpu.memory_space<vmem>> -> memref<1x64x16xf32, #tpu.memory_space<vmem>>
      %dma_wait3A_181 = tpu.memref_squeeze %dma_wait3A_180 : memref<1x64x16xf32, #tpu.memory_space<vmem>> -> memref<64x16xf32, #tpu.memory_space<vmem>>
      %dma_wait3A_182 = arith.constant 0 : i32
      %dma_wait3A_183 = arith.constant 0 : i32
      %dma_wait3A_184 = tpu.memref_slice %arg4[%dma_wait3A_182, %dma_wait3A_183] : memref<1000448x16xf32, #tpu.memory_space<hbm>> -> memref<64x16xf32, #tpu.memory_space<hbm>>
      tpu.wait_dma2 semaphore(%arg10 : memref<!tpu.dma_semaphore, #tpu.memory_space<semaphore_mem>>) src(%dma_wait3A_184 : memref<64x16xf32, #tpu.memory_space<hbm>>) dst(%dma_wait3A_181 : memref<64x16xf32, #tpu.memory_space<vmem>>)
      %scan3A_185 = arith.constant 0 : i32
      scf.yield %scan3A_185 : i32
    }
    %scan3A_36 = arith.constant 16 : i32
    %scan3A_37 = arith.constant 0 : i32
    %scan3A_38 = arith.constant 0 : i32
    %scan3A_39 = arith.constant 16 : i32
    %scan3A_40 = arith.addi %scan3A_38, %scan3A_39 : i32
    %scan3A_41 = arith.constant 1 : i32
    %scan3A_42 = scf.for %scan3A_170 = %scan3A_38 to %scan3A_40 step %scan3A_41 iter_args(%scan3A_171 = %scan3A_37) -> (i32)  : i32 {
      %broadcast_in_dim3A = vector.broadcast %scan3A_170 : i32 to vector<16xi32>
      %iota3A = tpu.iota {dimensions = array<i32: 0>} : vector<16xi32>
      %add3A_172 = arith.constant 0 : i32
      %add3A_173 = vector.broadcast %add3A_172 : i32 to vector<16xi32>
      %add3A_174 = arith.addi %iota3A, %add3A_173 : vector<16xi32>
      %get3A = arith.constant 1 : i32
      %get3A_175 = arith.index_cast %get3A : i32 to index
      %get3A_176 = arith.constant 0 : index
      %get3A_177 = tpu.vector_load %arg7[%get3A_175, %get3A_176] {strides = array<i32>} : memref<8x64xi32, #tpu.memory_space<vmem>>, vector<16xi32>,
      %gather3A = tpu.vector_load_idx %arg8[%broadcast_in_dim3A, %add3A_174, %get3A_177] : memref<16x64x16xf32, #tpu.memory_space<vmem>>[vector<16xi32>, vector<16xi32>, vector<16xi32>], vector<16xf32>,
      %swap3A = arith.index_cast %scan3A_170 : i32 to index
      %swap3A_178 = arith.constant 64 : index
      %swap3A_179 = tpu.vector_load %arg9[%swap3A, %swap3A_178] {strides = array<i32>} : memref<16x512xf32, #tpu.memory_space<vmem>>, vector<16xf32>,
      tpu.vector_store %arg9[%swap3A, %swap3A_178], %gather3A {strides = array<i32>} : memref<16x512xf32, #tpu.memory_space<vmem>>, vector<16xf32>,
      %iota3A_180 = tpu.iota {dimensions = array<i32: 0>} : vector<16xi32>
      %add3A_181 = arith.constant 16 : i32
      %add3A_182 = vector.broadcast %add3A_181 : i32 to vector<16xi32>
      %add3A_183 = arith.addi %iota3A_180, %add3A_182 : vector<16xi32>
      %get3A_184 = arith.constant 1 : i32
      %get3A_185 = arith.index_cast %get3A_184 : i32 to index
      %get3A_186 = arith.constant 16 : index
      %get3A_187 = tpu.vector_load %arg7[%get3A_185, %get3A_186] {strides = array<i32>} : memref<8x64xi32, #tpu.memory_space<vmem>>, vector<16xi32>,
      %gather3A_188 = tpu.vector_load_idx %arg8[%broadcast_in_dim3A, %add3A_183, %get3A_187] : memref<16x64x16xf32, #tpu.memory_space<vmem>>[vector<16xi32>, vector<16xi32>, vector<16xi32>], vector<16xf32>,
      %swap3A_189 = arith.index_cast %scan3A_170 : i32 to index
      %swap3A_190 = arith.constant 80 : index
      %swap3A_191 = tpu.vector_load %arg9[%swap3A_189, %swap3A_190] {strides = array<i32>} : memref<16x512xf32, #tpu.memory_space<vmem>>, vector<16xf32>,
      tpu.vector_store %arg9[%swap3A_189, %swap3A_190], %gather3A_188 {strides = array<i32>} : memref<16x512xf32, #tpu.memory_space<vmem>>, vector<16xf32>,
      %iota3A_192 = tpu.iota {dimensions = array<i32: 0>} : vector<16xi32>
      %add3A_193 = arith.constant 32 : i32
      %add3A_194 = vector.broadcast %add3A_193 : i32 to vector<16xi32>
      %add3A_195 = arith.addi %iota3A_192, %add3A_194 : vector<16xi32>
      %get3A_196 = arith.constant 1 : i32
      %get3A_197 = arith.index_cast %get3A_196 : i32 to index
      %get3A_198 = arith.constant 32 : index
      %get3A_199 = tpu.vector_load %arg7[%get3A_197, %get3A_198] {strides = array<i32>} : memref<8x64xi32, #tpu.memory_space<vmem>>, vector<16xi32>,
      %gather3A_200 = tpu.vector_load_idx %arg8[%broadcast_in_dim3A, %add3A_195, %get3A_199] : memref<16x64x16xf32, #tpu.memory_space<vmem>>[vector<16xi32>, vector<16xi32>, vector<16xi32>], vector<16xf32>,
      %swap3A_201 = arith.index_cast %scan3A_170 : i32 to index
      %swap3A_202 = arith.constant 96 : index
      %swap3A_203 = tpu.vector_load %arg9[%swap3A_201, %swap3A_202] {strides = array<i32>} : memref<16x512xf32, #tpu.memory_space<vmem>>, vector<16xf32>,
      tpu.vector_store %arg9[%swap3A_201, %swap3A_202], %gather3A_200 {strides = array<i32>} : memref<16x512xf32, #tpu.memory_space<vmem>>, vector<16xf32>,
      %iota3A_204 = tpu.iota {dimensions = array<i32: 0>} : vector<16xi32>
      %add3A_205 = arith.constant 48 : i32
      %add3A_206 = vector.broadcast %add3A_205 : i32 to vector<16xi32>
      %add3A_207 = arith.addi %iota3A_204, %add3A_206 : vector<16xi32>
      %get3A_208 = arith.constant 1 : i32
      %get3A_209 = arith.index_cast %get3A_208 : i32 to index
      %get3A_210 = arith.constant 48 : index
      %get3A_211 = tpu.vector_load %arg7[%get3A_209, %get3A_210] {strides = array<i32>} : memref<8x64xi32, #tpu.memory_space<vmem>>, vector<16xi32>,
      %gather3A_212 = tpu.vector_load_idx %arg8[%broadcast_in_dim3A, %add3A_207, %get3A_211] : memref<16x64x16xf32, #tpu.memory_space<vmem>>[vector<16xi32>, vector<16xi32>, vector<16xi32>], vector<16xf32>,
      %swap3A_213 = arith.index_cast %scan3A_170 : i32 to index
      %swap3A_214 = arith.constant 112 : index
      %swap3A_215 = tpu.vector_load %arg9[%swap3A_213, %swap3A_214] {strides = array<i32>} : memref<16x512xf32, #tpu.memory_space<vmem>>, vector<16xf32>,
      tpu.vector_store %arg9[%swap3A_213, %swap3A_214], %gather3A_212 {strides = array<i32>} : memref<16x512xf32, #tpu.memory_space<vmem>>, vector<16xf32>,
      %scan3A_216 = arith.constant 0 : i32
      scf.yield %scan3A_216 : i32
    }
    %scan3A_43 = arith.constant 16 : i32
    %scan3A_44 = arith.constant 0 : i32
    %scan3A_45 = arith.constant 0 : i32
    %scan3A_46 = arith.constant 16 : i32
    %scan3A_47 = arith.addi %scan3A_45, %scan3A_46 : i32
    %scan3A_48 = arith.constant 1 : i32
    %scan3A_49 = scf.for %scan3A_170 = %scan3A_45 to %scan3A_47 step %scan3A_48 iter_args(%scan3A_171 = %scan3A_44) -> (i32)  : i32 {
      %dma_start3A = arith.constant 2 : i32
      %dma_start3A_172 = arith.constant 0 : i32
      %dma_start3A_173 = arith.constant 0 : i32
      %dma_start3A_174 = tpu.memref_slice %arg8[%scan3A_170, %dma_start3A_172, %dma_start3A_173] : memref<16x64x16xf32, #tpu.memory_space<vmem>> -> memref<1x64x16xf32, #tpu.memory_space<vmem>>
      %dma_start3A_175 = tpu.memref_squeeze %dma_start3A_174 : memref<1x64x16xf32, #tpu.memory_space<vmem>> -> memref<64x16xf32, #tpu.memory_space<vmem>>
      %dma_start3A_176 = arith.constant 0 : i32
      %dma_start3A_177 = tpu.memref_slice %arg6[%scan3A_170, %dma_start3A, %dma_start3A_176] : memref<16x8x64xi32, #tpu.memory_space<vmem>> -> memref<1x1x64xi32, #tpu.memory_space<vmem>>
      %dma_start3A_178 = tpu.memref_squeeze %dma_start3A_177 : memref<1x1x64xi32, #tpu.memory_space<vmem>> -> memref<64xi32, #tpu.memory_space<vmem>>
      %dma_start3A_179 = arith.constant 0 : i32
      %dma_start3A_180 = arith.constant 0 : i32
      %dma_start3A_181 = tpu.memref_slice %arg4[%dma_start3A_179, %dma_start3A_180] : memref<1000448x16xf32, #tpu.memory_space<hbm>> -> memref<1000448x16xf32, #tpu.memory_space<hbm>>
      tpu.enqueue_indirect_dma source(%dma_start3A_181 : memref<1000448x16xf32, #tpu.memory_space<hbm>>) target(%dma_start3A_175 : memref<64x16xf32, #tpu.memory_space<vmem>>) offsets(%dma_start3A_178 : memref<64xi32, #tpu.memory_space<vmem>>) semaphore(%arg10 : memref<!tpu.dma_semaphore, #tpu.memory_space<semaphore_mem>>)
      %scan3A_182 = arith.constant 0 : i32
      scf.yield %scan3A_182 : i32
    }
    %scan3A_50 = arith.constant 16 : i32
    %scan3A_51 = arith.constant 0 : i32
    %scan3A_52 = arith.constant 0 : i32
    %scan3A_53 = arith.constant 16 : i32
    %scan3A_54 = arith.addi %scan3A_52, %scan3A_53 : i32
    %scan3A_55 = arith.constant 1 : i32
    %scan3A_56 = scf.for %scan3A_170 = %scan3A_52 to %scan3A_54 step %scan3A_55 iter_args(%scan3A_171 = %scan3A_51) -> (i32)  : i32 {
      %dma_wait3A = arith.constant 0 : i32
      %dma_wait3A_172 = arith.constant 0 : i32
      %dma_wait3A_173 = tpu.memref_slice %arg8[%scan3A_170, %dma_wait3A, %dma_wait3A_172] : memref<16x64x16xf32, #tpu.memory_space<vmem>> -> memref<1x64x16xf32, #tpu.memory_space<vmem>>
      %dma_wait3A_174 = tpu.memref_squeeze %dma_wait3A_173 : memref<1x64x16xf32, #tpu.memory_space<vmem>> -> memref<64x16xf32, #tpu.memory_space<vmem>>
      %dma_wait3A_175 = arith.constant 0 : i32
      %dma_wait3A_176 = arith.constant 0 : i32
      %dma_wait3A_177 = tpu.memref_slice %arg4[%dma_wait3A_175, %dma_wait3A_176] : memref<1000448x16xf32, #tpu.memory_space<hbm>> -> memref<64x16xf32, #tpu.memory_space<hbm>>
      %dma_wait3A_178 = arith.constant 0 : i32
      %dma_wait3A_179 = arith.constant 0 : i32
      %dma_wait3A_180 = tpu.memref_slice %arg8[%scan3A_170, %dma_wait3A_178, %dma_wait3A_179] : memref<16x64x16xf32, #tpu.memory_space<vmem>> -> memref<1x64x16xf32, #tpu.memory_space<vmem>>
      %dma_wait3A_181 = tpu.memref_squeeze %dma_wait3A_180 : memref<1x64x16xf32, #tpu.memory_space<vmem>> -> memref<64x16xf32, #tpu.memory_space<vmem>>
      %dma_wait3A_182 = arith.constant 0 : i32
      %dma_wait3A_183 = arith.constant 0 : i32
      %dma_wait3A_184 = tpu.memref_slice %arg4[%dma_wait3A_182, %dma_wait3A_183] : memref<1000448x16xf32, #tpu.memory_space<hbm>> -> memref<64x16xf32, #tpu.memory_space<hbm>>
      tpu.wait_dma2 semaphore(%arg10 : memref<!tpu.dma_semaphore, #tpu.memory_space<semaphore_mem>>) src(%dma_wait3A_184 : memref<64x16xf32, #tpu.memory_space<hbm>>) dst(%dma_wait3A_181 : memref<64x16xf32, #tpu.memory_space<vmem>>)
      %scan3A_185 = arith.constant 0 : i32
      scf.yield %scan3A_185 : i32
    }
    %scan3A_57 = arith.constant 16 : i32
    %scan3A_58 = arith.constant 0 : i32
    %scan3A_59 = arith.constant 0 : i32
    %scan3A_60 = arith.constant 16 : i32
    %scan3A_61 = arith.addi %scan3A_59, %scan3A_60 : i32
    %scan3A_62 = arith.constant 1 : i32
    %scan3A_63 = scf.for %scan3A_170 = %scan3A_59 to %scan3A_61 step %scan3A_62 iter_args(%scan3A_171 = %scan3A_58) -> (i32)  : i32 {
      %broadcast_in_dim3A = vector.broadcast %scan3A_170 : i32 to vector<16xi32>
      %iota3A = tpu.iota {dimensions = array<i32: 0>} : vector<16xi32>
      %add3A_172 = arith.constant 0 : i32
      %add3A_173 = vector.broadcast %add3A_172 : i32 to vector<16xi32>
      %add3A_174 = arith.addi %iota3A, %add3A_173 : vector<16xi32>
      %get3A = arith.constant 2 : i32
      %get3A_175 = arith.index_cast %get3A : i32 to index
      %get3A_176 = arith.constant 0 : index
      %get3A_177 = tpu.vector_load %arg7[%get3A_175, %get3A_176] {strides = array<i32>} : memref<8x64xi32, #tpu.memory_space<vmem>>, vector<16xi32>,
      %gather3A = tpu.vector_load_idx %arg8[%broadcast_in_dim3A, %add3A_174, %get3A_177] : memref<16x64x16xf32, #tpu.memory_space<vmem>>[vector<16xi32>, vector<16xi32>, vector<16xi32>], vector<16xf32>,
      %swap3A = arith.index_cast %scan3A_170 : i32 to index
      %swap3A_178 = arith.constant 128 : index
      %swap3A_179 = tpu.vector_load %arg9[%swap3A, %swap3A_178] {strides = array<i32>} : memref<16x512xf32, #tpu.memory_space<vmem>>, vector<16xf32>,
      tpu.vector_store %arg9[%swap3A, %swap3A_178], %gather3A {strides = array<i32>} : memref<16x512xf32, #tpu.memory_space<vmem>>, vector<16xf32>,
      %iota3A_180 = tpu.iota {dimensions = array<i32: 0>} : vector<16xi32>
      %add3A_181 = arith.constant 16 : i32
      %add3A_182 = vector.broadcast %add3A_181 : i32 to vector<16xi32>
      %add3A_183 = arith.addi %iota3A_180, %add3A_182 : vector<16xi32>
      %get3A_184 = arith.constant 2 : i32
      %get3A_185 = arith.index_cast %get3A_184 : i32 to index
      %get3A_186 = arith.constant 16 : index
      %get3A_187 = tpu.vector_load %arg7[%get3A_185, %get3A_186] {strides = array<i32>} : memref<8x64xi32, #tpu.memory_space<vmem>>, vector<16xi32>,
      %gather3A_188 = tpu.vector_load_idx %arg8[%broadcast_in_dim3A, %add3A_183, %get3A_187] : memref<16x64x16xf32, #tpu.memory_space<vmem>>[vector<16xi32>, vector<16xi32>, vector<16xi32>], vector<16xf32>,
      %swap3A_189 = arith.index_cast %scan3A_170 : i32 to index
      %swap3A_190 = arith.constant 144 : index
      %swap3A_191 = tpu.vector_load %arg9[%swap3A_189, %swap3A_190] {strides = array<i32>} : memref<16x512xf32, #tpu.memory_space<vmem>>, vector<16xf32>,
      tpu.vector_store %arg9[%swap3A_189, %swap3A_190], %gather3A_188 {strides = array<i32>} : memref<16x512xf32, #tpu.memory_space<vmem>>, vector<16xf32>,
      %iota3A_192 = tpu.iota {dimensions = array<i32: 0>} : vector<16xi32>
      %add3A_193 = arith.constant 32 : i32
      %add3A_194 = vector.broadcast %add3A_193 : i32 to vector<16xi32>
      %add3A_195 = arith.addi %iota3A_192, %add3A_194 : vector<16xi32>
      %get3A_196 = arith.constant 2 : i32
      %get3A_197 = arith.index_cast %get3A_196 : i32 to index
      %get3A_198 = arith.constant 32 : index
      %get3A_199 = tpu.vector_load %arg7[%get3A_197, %get3A_198] {strides = array<i32>} : memref<8x64xi32, #tpu.memory_space<vmem>>, vector<16xi32>,
      %gather3A_200 = tpu.vector_load_idx %arg8[%broadcast_in_dim3A, %add3A_195, %get3A_199] : memref<16x64x16xf32, #tpu.memory_space<vmem>>[vector<16xi32>, vector<16xi32>, vector<16xi32>], vector<16xf32>,
      %swap3A_201 = arith.index_cast %scan3A_170 : i32 to index
      %swap3A_202 = arith.constant 160 : index
      %swap3A_203 = tpu.vector_load %arg9[%swap3A_201, %swap3A_202] {strides = array<i32>} : memref<16x512xf32, #tpu.memory_space<vmem>>, vector<16xf32>,
      tpu.vector_store %arg9[%swap3A_201, %swap3A_202], %gather3A_200 {strides = array<i32>} : memref<16x512xf32, #tpu.memory_space<vmem>>, vector<16xf32>,
      %iota3A_204 = tpu.iota {dimensions = array<i32: 0>} : vector<16xi32>
      %add3A_205 = arith.constant 48 : i32
      %add3A_206 = vector.broadcast %add3A_205 : i32 to vector<16xi32>
      %add3A_207 = arith.addi %iota3A_204, %add3A_206 : vector<16xi32>
      %get3A_208 = arith.constant 2 : i32
      %get3A_209 = arith.index_cast %get3A_208 : i32 to index
      %get3A_210 = arith.constant 48 : index
      %get3A_211 = tpu.vector_load %arg7[%get3A_209, %get3A_210] {strides = array<i32>} : memref<8x64xi32, #tpu.memory_space<vmem>>, vector<16xi32>,
      %gather3A_212 = tpu.vector_load_idx %arg8[%broadcast_in_dim3A, %add3A_207, %get3A_211] : memref<16x64x16xf32, #tpu.memory_space<vmem>>[vector<16xi32>, vector<16xi32>, vector<16xi32>], vector<16xf32>,
      %swap3A_213 = arith.index_cast %scan3A_170 : i32 to index
      %swap3A_214 = arith.constant 176 : index
      %swap3A_215 = tpu.vector_load %arg9[%swap3A_213, %swap3A_214] {strides = array<i32>} : memref<16x512xf32, #tpu.memory_space<vmem>>, vector<16xf32>,
      tpu.vector_store %arg9[%swap3A_213, %swap3A_214], %gather3A_212 {strides = array<i32>} : memref<16x512xf32, #tpu.memory_space<vmem>>, vector<16xf32>,
      %scan3A_216 = arith.constant 0 : i32
      scf.yield %scan3A_216 : i32
    }
    %scan3A_64 = arith.constant 16 : i32
    %scan3A_65 = arith.constant 0 : i32
    %scan3A_66 = arith.constant 0 : i32
    %scan3A_67 = arith.constant 16 : i32
    %scan3A_68 = arith.addi %scan3A_66, %scan3A_67 : i32
    %scan3A_69 = arith.constant 1 : i32
    %scan3A_70 = scf.for %scan3A_170 = %scan3A_66 to %scan3A_68 step %scan3A_69 iter_args(%scan3A_171 = %scan3A_65) -> (i32)  : i32 {
      %dma_start3A = arith.constant 3 : i32
      %dma_start3A_172 = arith.constant 0 : i32
      %dma_start3A_173 = arith.constant 0 : i32
      %dma_start3A_174 = tpu.memref_slice %arg8[%scan3A_170, %dma_start3A_172, %dma_start3A_173] : memref<16x64x16xf32, #tpu.memory_space<vmem>> -> memref<1x64x16xf32, #tpu.memory_space<vmem>>
      %dma_start3A_175 = tpu.memref_squeeze %dma_start3A_174 : memref<1x64x16xf32, #tpu.memory_space<vmem>> -> memref<64x16xf32, #tpu.memory_space<vmem>>
      %dma_start3A_176 = arith.constant 0 : i32
      %dma_start3A_177 = tpu.memref_slice %arg6[%scan3A_170, %dma_start3A, %dma_start3A_176] : memref<16x8x64xi32, #tpu.memory_space<vmem>> -> memref<1x1x64xi32, #tpu.memory_space<vmem>>
      %dma_start3A_178 = tpu.memref_squeeze %dma_start3A_177 : memref<1x1x64xi32, #tpu.memory_space<vmem>> -> memref<64xi32, #tpu.memory_space<vmem>>
      %dma_start3A_179 = arith.constant 0 : i32
      %dma_start3A_180 = arith.constant 0 : i32
      %dma_start3A_181 = tpu.memref_slice %arg4[%dma_start3A_179, %dma_start3A_180] : memref<1000448x16xf32, #tpu.memory_space<hbm>> -> memref<1000448x16xf32, #tpu.memory_space<hbm>>
      tpu.enqueue_indirect_dma source(%dma_start3A_181 : memref<1000448x16xf32, #tpu.memory_space<hbm>>) target(%dma_start3A_175 : memref<64x16xf32, #tpu.memory_space<vmem>>) offsets(%dma_start3A_178 : memref<64xi32, #tpu.memory_space<vmem>>) semaphore(%arg10 : memref<!tpu.dma_semaphore, #tpu.memory_space<semaphore_mem>>)
      %scan3A_182 = arith.constant 0 : i32
      scf.yield %scan3A_182 : i32
    }
    %scan3A_71 = arith.constant 16 : i32
    %scan3A_72 = arith.constant 0 : i32
    %scan3A_73 = arith.constant 0 : i32
    %scan3A_74 = arith.constant 16 : i32
    %scan3A_75 = arith.addi %scan3A_73, %scan3A_74 : i32
    %scan3A_76 = arith.constant 1 : i32
    %scan3A_77 = scf.for %scan3A_170 = %scan3A_73 to %scan3A_75 step %scan3A_76 iter_args(%scan3A_171 = %scan3A_72) -> (i32)  : i32 {
      %dma_wait3A = arith.constant 0 : i32
      %dma_wait3A_172 = arith.constant 0 : i32
      %dma_wait3A_173 = tpu.memref_slice %arg8[%scan3A_170, %dma_wait3A, %dma_wait3A_172] : memref<16x64x16xf32, #tpu.memory_space<vmem>> -> memref<1x64x16xf32, #tpu.memory_space<vmem>>
      %dma_wait3A_174 = tpu.memref_squeeze %dma_wait3A_173 : memref<1x64x16xf32, #tpu.memory_space<vmem>> -> memref<64x16xf32, #tpu.memory_space<vmem>>
      %dma_wait3A_175 = arith.constant 0 : i32
      %dma_wait3A_176 = arith.constant 0 : i32
      %dma_wait3A_177 = tpu.memref_slice %arg4[%dma_wait3A_175, %dma_wait3A_176] : memref<1000448x16xf32, #tpu.memory_space<hbm>> -> memref<64x16xf32, #tpu.memory_space<hbm>>
      %dma_wait3A_178 = arith.constant 0 : i32
      %dma_wait3A_179 = arith.constant 0 : i32
      %dma_wait3A_180 = tpu.memref_slice %arg8[%scan3A_170, %dma_wait3A_178, %dma_wait3A_179] : memref<16x64x16xf32, #tpu.memory_space<vmem>> -> memref<1x64x16xf32, #tpu.memory_space<vmem>>
      %dma_wait3A_181 = tpu.memref_squeeze %dma_wait3A_180 : memref<1x64x16xf32, #tpu.memory_space<vmem>> -> memref<64x16xf32, #tpu.memory_space<vmem>>
      %dma_wait3A_182 = arith.constant 0 : i32
      %dma_wait3A_183 = arith.constant 0 : i32
      %dma_wait3A_184 = tpu.memref_slice %arg4[%dma_wait3A_182, %dma_wait3A_183] : memref<1000448x16xf32, #tpu.memory_space<hbm>> -> memref<64x16xf32, #tpu.memory_space<hbm>>
      tpu.wait_dma2 semaphore(%arg10 : memref<!tpu.dma_semaphore, #tpu.memory_space<semaphore_mem>>) src(%dma_wait3A_184 : memref<64x16xf32, #tpu.memory_space<hbm>>) dst(%dma_wait3A_181 : memref<64x16xf32, #tpu.memory_space<vmem>>)
      %scan3A_185 = arith.constant 0 : i32
      scf.yield %scan3A_185 : i32
    }
    %scan3A_78 = arith.constant 16 : i32
    %scan3A_79 = arith.constant 0 : i32
    %scan3A_80 = arith.constant 0 : i32
    %scan3A_81 = arith.constant 16 : i32
    %scan3A_82 = arith.addi %scan3A_80, %scan3A_81 : i32
    %scan3A_83 = arith.constant 1 : i32
    %scan3A_84 = scf.for %scan3A_170 = %scan3A_80 to %scan3A_82 step %scan3A_83 iter_args(%scan3A_171 = %scan3A_79) -> (i32)  : i32 {
      %broadcast_in_dim3A = vector.broadcast %scan3A_170 : i32 to vector<16xi32>
      %iota3A = tpu.iota {dimensions = array<i32: 0>} : vector<16xi32>
      %add3A_172 = arith.constant 0 : i32
      %add3A_173 = vector.broadcast %add3A_172 : i32 to vector<16xi32>
      %add3A_174 = arith.addi %iota3A, %add3A_173 : vector<16xi32>
      %get3A = arith.constant 3 : i32
      %get3A_175 = arith.index_cast %get3A : i32 to index
      %get3A_176 = arith.constant 0 : index
      %get3A_177 = tpu.vector_load %arg7[%get3A_175, %get3A_176] {strides = array<i32>} : memref<8x64xi32, #tpu.memory_space<vmem>>, vector<16xi32>,
      %gather3A = tpu.vector_load_idx %arg8[%broadcast_in_dim3A, %add3A_174, %get3A_177] : memref<16x64x16xf32, #tpu.memory_space<vmem>>[vector<16xi32>, vector<16xi32>, vector<16xi32>], vector<16xf32>,
      %swap3A = arith.index_cast %scan3A_170 : i32 to index
      %swap3A_178 = arith.constant 192 : index
      %swap3A_179 = tpu.vector_load %arg9[%swap3A, %swap3A_178] {strides = array<i32>} : memref<16x512xf32, #tpu.memory_space<vmem>>, vector<16xf32>,
      tpu.vector_store %arg9[%swap3A, %swap3A_178], %gather3A {strides = array<i32>} : memref<16x512xf32, #tpu.memory_space<vmem>>, vector<16xf32>,
      %iota3A_180 = tpu.iota {dimensions = array<i32: 0>} : vector<16xi32>
      %add3A_181 = arith.constant 16 : i32
      %add3A_182 = vector.broadcast %add3A_181 : i32 to vector<16xi32>
      %add3A_183 = arith.addi %iota3A_180, %add3A_182 : vector<16xi32>
      %get3A_184 = arith.constant 3 : i32
      %get3A_185 = arith.index_cast %get3A_184 : i32 to index
      %get3A_186 = arith.constant 16 : index
      %get3A_187 = tpu.vector_load %arg7[%get3A_185, %get3A_186] {strides = array<i32>} : memref<8x64xi32, #tpu.memory_space<vmem>>, vector<16xi32>,
      %gather3A_188 = tpu.vector_load_idx %arg8[%broadcast_in_dim3A, %add3A_183, %get3A_187] : memref<16x64x16xf32, #tpu.memory_space<vmem>>[vector<16xi32>, vector<16xi32>, vector<16xi32>], vector<16xf32>,
      %swap3A_189 = arith.index_cast %scan3A_170 : i32 to index
      %swap3A_190 = arith.constant 208 : index
      %swap3A_191 = tpu.vector_load %arg9[%swap3A_189, %swap3A_190] {strides = array<i32>} : memref<16x512xf32, #tpu.memory_space<vmem>>, vector<16xf32>,
      tpu.vector_store %arg9[%swap3A_189, %swap3A_190], %gather3A_188 {strides = array<i32>} : memref<16x512xf32, #tpu.memory_space<vmem>>, vector<16xf32>,
      %iota3A_192 = tpu.iota {dimensions = array<i32: 0>} : vector<16xi32>
      %add3A_193 = arith.constant 32 : i32
      %add3A_194 = vector.broadcast %add3A_193 : i32 to vector<16xi32>
      %add3A_195 = arith.addi %iota3A_192, %add3A_194 : vector<16xi32>
      %get3A_196 = arith.constant 3 : i32
      %get3A_197 = arith.index_cast %get3A_196 : i32 to index
      %get3A_198 = arith.constant 32 : index
      %get3A_199 = tpu.vector_load %arg7[%get3A_197, %get3A_198] {strides = array<i32>} : memref<8x64xi32, #tpu.memory_space<vmem>>, vector<16xi32>,
      %gather3A_200 = tpu.vector_load_idx %arg8[%broadcast_in_dim3A, %add3A_195, %get3A_199] : memref<16x64x16xf32, #tpu.memory_space<vmem>>[vector<16xi32>, vector<16xi32>, vector<16xi32>], vector<16xf32>,
      %swap3A_201 = arith.index_cast %scan3A_170 : i32 to index
      %swap3A_202 = arith.constant 224 : index
      %swap3A_203 = tpu.vector_load %arg9[%swap3A_201, %swap3A_202] {strides = array<i32>} : memref<16x512xf32, #tpu.memory_space<vmem>>, vector<16xf32>,
      tpu.vector_store %arg9[%swap3A_201, %swap3A_202], %gather3A_200 {strides = array<i32>} : memref<16x512xf32, #tpu.memory_space<vmem>>, vector<16xf32>,
      %iota3A_204 = tpu.iota {dimensions = array<i32: 0>} : vector<16xi32>
      %add3A_205 = arith.constant 48 : i32
      %add3A_206 = vector.broadcast %add3A_205 : i32 to vector<16xi32>
      %add3A_207 = arith.addi %iota3A_204, %add3A_206 : vector<16xi32>
      %get3A_208 = arith.constant 3 : i32
      %get3A_209 = arith.index_cast %get3A_208 : i32 to index
      %get3A_210 = arith.constant 48 : index
      %get3A_211 = tpu.vector_load %arg7[%get3A_209, %get3A_210] {strides = array<i32>} : memref<8x64xi32, #tpu.memory_space<vmem>>, vector<16xi32>,
      %gather3A_212 = tpu.vector_load_idx %arg8[%broadcast_in_dim3A, %add3A_207, %get3A_211] : memref<16x64x16xf32, #tpu.memory_space<vmem>>[vector<16xi32>, vector<16xi32>, vector<16xi32>], vector<16xf32>,
      %swap3A_213 = arith.index_cast %scan3A_170 : i32 to index
      %swap3A_214 = arith.constant 240 : index
      %swap3A_215 = tpu.vector_load %arg9[%swap3A_213, %swap3A_214] {strides = array<i32>} : memref<16x512xf32, #tpu.memory_space<vmem>>, vector<16xf32>,
      tpu.vector_store %arg9[%swap3A_213, %swap3A_214], %gather3A_212 {strides = array<i32>} : memref<16x512xf32, #tpu.memory_space<vmem>>, vector<16xf32>,
      %scan3A_216 = arith.constant 0 : i32
      scf.yield %scan3A_216 : i32
    }
    %scan3A_85 = arith.constant 16 : i32
    %scan3A_86 = arith.constant 0 : i32
    %scan3A_87 = arith.constant 0 : i32
    %scan3A_88 = arith.constant 16 : i32
    %scan3A_89 = arith.addi %scan3A_87, %scan3A_88 : i32
    %scan3A_90 = arith.constant 1 : i32
    %scan3A_91 = scf.for %scan3A_170 = %scan3A_87 to %scan3A_89 step %scan3A_90 iter_args(%scan3A_171 = %scan3A_86) -> (i32)  : i32 {
      %dma_start3A = arith.constant 4 : i32
      %dma_start3A_172 = arith.constant 0 : i32
      %dma_start3A_173 = arith.constant 0 : i32
      %dma_start3A_174 = tpu.memref_slice %arg8[%scan3A_170, %dma_start3A_172, %dma_start3A_173] : memref<16x64x16xf32, #tpu.memory_space<vmem>> -> memref<1x64x16xf32, #tpu.memory_space<vmem>>
      %dma_start3A_175 = tpu.memref_squeeze %dma_start3A_174 : memref<1x64x16xf32, #tpu.memory_space<vmem>> -> memref<64x16xf32, #tpu.memory_space<vmem>>
      %dma_start3A_176 = arith.constant 0 : i32
      %dma_start3A_177 = tpu.memref_slice %arg6[%scan3A_170, %dma_start3A, %dma_start3A_176] : memref<16x8x64xi32, #tpu.memory_space<vmem>> -> memref<1x1x64xi32, #tpu.memory_space<vmem>>
      %dma_start3A_178 = tpu.memref_squeeze %dma_start3A_177 : memref<1x1x64xi32, #tpu.memory_space<vmem>> -> memref<64xi32, #tpu.memory_space<vmem>>
      %dma_start3A_179 = arith.constant 0 : i32
      %dma_start3A_180 = arith.constant 0 : i32
      %dma_start3A_181 = tpu.memref_slice %arg4[%dma_start3A_179, %dma_start3A_180] : memref<1000448x16xf32, #tpu.memory_space<hbm>> -> memref<1000448x16xf32, #tpu.memory_space<hbm>>
      tpu.enqueue_indirect_dma source(%dma_start3A_181 : memref<1000448x16xf32, #tpu.memory_space<hbm>>) target(%dma_start3A_175 : memref<64x16xf32, #tpu.memory_space<vmem>>) offsets(%dma_start3A_178 : memref<64xi32, #tpu.memory_space<vmem>>) semaphore(%arg10 : memref<!tpu.dma_semaphore, #tpu.memory_space<semaphore_mem>>)
      %scan3A_182 = arith.constant 0 : i32
      scf.yield %scan3A_182 : i32
    }
    %scan3A_92 = arith.constant 16 : i32
    %scan3A_93 = arith.constant 0 : i32
    %scan3A_94 = arith.constant 0 : i32
    %scan3A_95 = arith.constant 16 : i32
    %scan3A_96 = arith.addi %scan3A_94, %scan3A_95 : i32
    %scan3A_97 = arith.constant 1 : i32
    %scan3A_98 = scf.for %scan3A_170 = %scan3A_94 to %scan3A_96 step %scan3A_97 iter_args(%scan3A_171 = %scan3A_93) -> (i32)  : i32 {
      %dma_wait3A = arith.constant 0 : i32
      %dma_wait3A_172 = arith.constant 0 : i32
      %dma_wait3A_173 = tpu.memref_slice %arg8[%scan3A_170, %dma_wait3A, %dma_wait3A_172] : memref<16x64x16xf32, #tpu.memory_space<vmem>> -> memref<1x64x16xf32, #tpu.memory_space<vmem>>
      %dma_wait3A_174 = tpu.memref_squeeze %dma_wait3A_173 : memref<1x64x16xf32, #tpu.memory_space<vmem>> -> memref<64x16xf32, #tpu.memory_space<vmem>>
      %dma_wait3A_175 = arith.constant 0 : i32
      %dma_wait3A_176 = arith.constant 0 : i32
      %dma_wait3A_177 = tpu.memref_slice %arg4[%dma_wait3A_175, %dma_wait3A_176] : memref<1000448x16xf32, #tpu.memory_space<hbm>> -> memref<64x16xf32, #tpu.memory_space<hbm>>
      %dma_wait3A_178 = arith.constant 0 : i32
      %dma_wait3A_179 = arith.constant 0 : i32
      %dma_wait3A_180 = tpu.memref_slice %arg8[%scan3A_170, %dma_wait3A_178, %dma_wait3A_179] : memref<16x64x16xf32, #tpu.memory_space<vmem>> -> memref<1x64x16xf32, #tpu.memory_space<vmem>>
      %dma_wait3A_181 = tpu.memref_squeeze %dma_wait3A_180 : memref<1x64x16xf32, #tpu.memory_space<vmem>> -> memref<64x16xf32, #tpu.memory_space<vmem>>
      %dma_wait3A_182 = arith.constant 0 : i32
      %dma_wait3A_183 = arith.constant 0 : i32
      %dma_wait3A_184 = tpu.memref_slice %arg4[%dma_wait3A_182, %dma_wait3A_183] : memref<1000448x16xf32, #tpu.memory_space<hbm>> -> memref<64x16xf32, #tpu.memory_space<hbm>>
      tpu.wait_dma2 semaphore(%arg10 : memref<!tpu.dma_semaphore, #tpu.memory_space<semaphore_mem>>) src(%dma_wait3A_184 : memref<64x16xf32, #tpu.memory_space<hbm>>) dst(%dma_wait3A_181 : memref<64x16xf32, #tpu.memory_space<vmem>>)
      %scan3A_185 = arith.constant 0 : i32
      scf.yield %scan3A_185 : i32
    }
    %scan3A_99 = arith.constant 16 : i32
    %scan3A_100 = arith.constant 0 : i32
    %scan3A_101 = arith.constant 0 : i32
    %scan3A_102 = arith.constant 16 : i32
    %scan3A_103 = arith.addi %scan3A_101, %scan3A_102 : i32
    %scan3A_104 = arith.constant 1 : i32
    %scan3A_105 = scf.for %scan3A_170 = %scan3A_101 to %scan3A_103 step %scan3A_104 iter_args(%scan3A_171 = %scan3A_100) -> (i32)  : i32 {
      %broadcast_in_dim3A = vector.broadcast %scan3A_170 : i32 to vector<16xi32>
      %iota3A = tpu.iota {dimensions = array<i32: 0>} : vector<16xi32>
      %add3A_172 = arith.constant 0 : i32
      %add3A_173 = vector.broadcast %add3A_172 : i32 to vector<16xi32>
      %add3A_174 = arith.addi %iota3A, %add3A_173 : vector<16xi32>
      %get3A = arith.constant 4 : i32
      %get3A_175 = arith.index_cast %get3A : i32 to index
      %get3A_176 = arith.constant 0 : index
      %get3A_177 = tpu.vector_load %arg7[%get3A_175, %get3A_176] {strides = array<i32>} : memref<8x64xi32, #tpu.memory_space<vmem>>, vector<16xi32>,
      %gather3A = tpu.vector_load_idx %arg8[%broadcast_in_dim3A, %add3A_174, %get3A_177] : memref<16x64x16xf32, #tpu.memory_space<vmem>>[vector<16xi32>, vector<16xi32>, vector<16xi32>], vector<16xf32>,
      %swap3A = arith.index_cast %scan3A_170 : i32 to index
      %swap3A_178 = arith.constant 256 : index
      %swap3A_179 = tpu.vector_load %arg9[%swap3A, %swap3A_178] {strides = array<i32>} : memref<16x512xf32, #tpu.memory_space<vmem>>, vector<16xf32>,
      tpu.vector_store %arg9[%swap3A, %swap3A_178], %gather3A {strides = array<i32>} : memref<16x512xf32, #tpu.memory_space<vmem>>, vector<16xf32>,
      %iota3A_180 = tpu.iota {dimensions = array<i32: 0>} : vector<16xi32>
      %add3A_181 = arith.constant 16 : i32
      %add3A_182 = vector.broadcast %add3A_181 : i32 to vector<16xi32>
      %add3A_183 = arith.addi %iota3A_180, %add3A_182 : vector<16xi32>
      %get3A_184 = arith.constant 4 : i32
      %get3A_185 = arith.index_cast %get3A_184 : i32 to index
      %get3A_186 = arith.constant 16 : index
      %get3A_187 = tpu.vector_load %arg7[%get3A_185, %get3A_186] {strides = array<i32>} : memref<8x64xi32, #tpu.memory_space<vmem>>, vector<16xi32>,
      %gather3A_188 = tpu.vector_load_idx %arg8[%broadcast_in_dim3A, %add3A_183, %get3A_187] : memref<16x64x16xf32, #tpu.memory_space<vmem>>[vector<16xi32>, vector<16xi32>, vector<16xi32>], vector<16xf32>,
      %swap3A_189 = arith.index_cast %scan3A_170 : i32 to index
      %swap3A_190 = arith.constant 272 : index
      %swap3A_191 = tpu.vector_load %arg9[%swap3A_189, %swap3A_190] {strides = array<i32>} : memref<16x512xf32, #tpu.memory_space<vmem>>, vector<16xf32>,
      tpu.vector_store %arg9[%swap3A_189, %swap3A_190], %gather3A_188 {strides = array<i32>} : memref<16x512xf32, #tpu.memory_space<vmem>>, vector<16xf32>,
      %iota3A_192 = tpu.iota {dimensions = array<i32: 0>} : vector<16xi32>
      %add3A_193 = arith.constant 32 : i32
      %add3A_194 = vector.broadcast %add3A_193 : i32 to vector<16xi32>
      %add3A_195 = arith.addi %iota3A_192, %add3A_194 : vector<16xi32>
      %get3A_196 = arith.constant 4 : i32
      %get3A_197 = arith.index_cast %get3A_196 : i32 to index
      %get3A_198 = arith.constant 32 : index
      %get3A_199 = tpu.vector_load %arg7[%get3A_197, %get3A_198] {strides = array<i32>} : memref<8x64xi32, #tpu.memory_space<vmem>>, vector<16xi32>,
      %gather3A_200 = tpu.vector_load_idx %arg8[%broadcast_in_dim3A, %add3A_195, %get3A_199] : memref<16x64x16xf32, #tpu.memory_space<vmem>>[vector<16xi32>, vector<16xi32>, vector<16xi32>], vector<16xf32>,
      %swap3A_201 = arith.index_cast %scan3A_170 : i32 to index
      %swap3A_202 = arith.constant 288 : index
      %swap3A_203 = tpu.vector_load %arg9[%swap3A_201, %swap3A_202] {strides = array<i32>} : memref<16x512xf32, #tpu.memory_space<vmem>>, vector<16xf32>,
      tpu.vector_store %arg9[%swap3A_201, %swap3A_202], %gather3A_200 {strides = array<i32>} : memref<16x512xf32, #tpu.memory_space<vmem>>, vector<16xf32>,
      %iota3A_204 = tpu.iota {dimensions = array<i32: 0>} : vector<16xi32>
      %add3A_205 = arith.constant 48 : i32
      %add3A_206 = vector.broadcast %add3A_205 : i32 to vector<16xi32>
      %add3A_207 = arith.addi %iota3A_204, %add3A_206 : vector<16xi32>
      %get3A_208 = arith.constant 4 : i32
      %get3A_209 = arith.index_cast %get3A_208 : i32 to index
      %get3A_210 = arith.constant 48 : index
      %get3A_211 = tpu.vector_load %arg7[%get3A_209, %get3A_210] {strides = array<i32>} : memref<8x64xi32, #tpu.memory_space<vmem>>, vector<16xi32>,
      %gather3A_212 = tpu.vector_load_idx %arg8[%broadcast_in_dim3A, %add3A_207, %get3A_211] : memref<16x64x16xf32, #tpu.memory_space<vmem>>[vector<16xi32>, vector<16xi32>, vector<16xi32>], vector<16xf32>,
      %swap3A_213 = arith.index_cast %scan3A_170 : i32 to index
      %swap3A_214 = arith.constant 304 : index
      %swap3A_215 = tpu.vector_load %arg9[%swap3A_213, %swap3A_214] {strides = array<i32>} : memref<16x512xf32, #tpu.memory_space<vmem>>, vector<16xf32>,
      tpu.vector_store %arg9[%swap3A_213, %swap3A_214], %gather3A_212 {strides = array<i32>} : memref<16x512xf32, #tpu.memory_space<vmem>>, vector<16xf32>,
      %scan3A_216 = arith.constant 0 : i32
      scf.yield %scan3A_216 : i32
    }
    %scan3A_106 = arith.constant 16 : i32
    %scan3A_107 = arith.constant 0 : i32
    %scan3A_108 = arith.constant 0 : i32
    %scan3A_109 = arith.constant 16 : i32
    %scan3A_110 = arith.addi %scan3A_108, %scan3A_109 : i32
    %scan3A_111 = arith.constant 1 : i32
    %scan3A_112 = scf.for %scan3A_170 = %scan3A_108 to %scan3A_110 step %scan3A_111 iter_args(%scan3A_171 = %scan3A_107) -> (i32)  : i32 {
      %dma_start3A = arith.constant 5 : i32
      %dma_start3A_172 = arith.constant 0 : i32
      %dma_start3A_173 = arith.constant 0 : i32
      %dma_start3A_174 = tpu.memref_slice %arg8[%scan3A_170, %dma_start3A_172, %dma_start3A_173] : memref<16x64x16xf32, #tpu.memory_space<vmem>> -> memref<1x64x16xf32, #tpu.memory_space<vmem>>
      %dma_start3A_175 = tpu.memref_squeeze %dma_start3A_174 : memref<1x64x16xf32, #tpu.memory_space<vmem>> -> memref<64x16xf32, #tpu.memory_space<vmem>>
      %dma_start3A_176 = arith.constant 0 : i32
      %dma_start3A_177 = tpu.memref_slice %arg6[%scan3A_170, %dma_start3A, %dma_start3A_176] : memref<16x8x64xi32, #tpu.memory_space<vmem>> -> memref<1x1x64xi32, #tpu.memory_space<vmem>>
      %dma_start3A_178 = tpu.memref_squeeze %dma_start3A_177 : memref<1x1x64xi32, #tpu.memory_space<vmem>> -> memref<64xi32, #tpu.memory_space<vmem>>
      %dma_start3A_179 = arith.constant 0 : i32
      %dma_start3A_180 = arith.constant 0 : i32
      %dma_start3A_181 = tpu.memref_slice %arg4[%dma_start3A_179, %dma_start3A_180] : memref<1000448x16xf32, #tpu.memory_space<hbm>> -> memref<1000448x16xf32, #tpu.memory_space<hbm>>
      tpu.enqueue_indirect_dma source(%dma_start3A_181 : memref<1000448x16xf32, #tpu.memory_space<hbm>>) target(%dma_start3A_175 : memref<64x16xf32, #tpu.memory_space<vmem>>) offsets(%dma_start3A_178 : memref<64xi32, #tpu.memory_space<vmem>>) semaphore(%arg10 : memref<!tpu.dma_semaphore, #tpu.memory_space<semaphore_mem>>)
      %scan3A_182 = arith.constant 0 : i32
      scf.yield %scan3A_182 : i32
    }
    %scan3A_113 = arith.constant 16 : i32
    %scan3A_114 = arith.constant 0 : i32
    %scan3A_115 = arith.constant 0 : i32
    %scan3A_116 = arith.constant 16 : i32
    %scan3A_117 = arith.addi %scan3A_115, %scan3A_116 : i32
    %scan3A_118 = arith.constant 1 : i32
    %scan3A_119 = scf.for %scan3A_170 = %scan3A_115 to %scan3A_117 step %scan3A_118 iter_args(%scan3A_171 = %scan3A_114) -> (i32)  : i32 {
      %dma_wait3A = arith.constant 0 : i32
      %dma_wait3A_172 = arith.constant 0 : i32
      %dma_wait3A_173 = tpu.memref_slice %arg8[%scan3A_170, %dma_wait3A, %dma_wait3A_172] : memref<16x64x16xf32, #tpu.memory_space<vmem>> -> memref<1x64x16xf32, #tpu.memory_space<vmem>>
      %dma_wait3A_174 = tpu.memref_squeeze %dma_wait3A_173 : memref<1x64x16xf32, #tpu.memory_space<vmem>> -> memref<64x16xf32, #tpu.memory_space<vmem>>
      %dma_wait3A_175 = arith.constant 0 : i32
      %dma_wait3A_176 = arith.constant 0 : i32
      %dma_wait3A_177 = tpu.memref_slice %arg4[%dma_wait3A_175, %dma_wait3A_176] : memref<1000448x16xf32, #tpu.memory_space<hbm>> -> memref<64x16xf32, #tpu.memory_space<hbm>>
      %dma_wait3A_178 = arith.constant 0 : i32
      %dma_wait3A_179 = arith.constant 0 : i32
      %dma_wait3A_180 = tpu.memref_slice %arg8[%scan3A_170, %dma_wait3A_178, %dma_wait3A_179] : memref<16x64x16xf32, #tpu.memory_space<vmem>> -> memref<1x64x16xf32, #tpu.memory_space<vmem>>
      %dma_wait3A_181 = tpu.memref_squeeze %dma_wait3A_180 : memref<1x64x16xf32, #tpu.memory_space<vmem>> -> memref<64x16xf32, #tpu.memory_space<vmem>>
      %dma_wait3A_182 = arith.constant 0 : i32
      %dma_wait3A_183 = arith.constant 0 : i32
      %dma_wait3A_184 = tpu.memref_slice %arg4[%dma_wait3A_182, %dma_wait3A_183] : memref<1000448x16xf32, #tpu.memory_space<hbm>> -> memref<64x16xf32, #tpu.memory_space<hbm>>
      tpu.wait_dma2 semaphore(%arg10 : memref<!tpu.dma_semaphore, #tpu.memory_space<semaphore_mem>>) src(%dma_wait3A_184 : memref<64x16xf32, #tpu.memory_space<hbm>>) dst(%dma_wait3A_181 : memref<64x16xf32, #tpu.memory_space<vmem>>)
      %scan3A_185 = arith.constant 0 : i32
      scf.yield %scan3A_185 : i32
    }
    %scan3A_120 = arith.constant 16 : i32
    %scan3A_121 = arith.constant 0 : i32
    %scan3A_122 = arith.constant 0 : i32
    %scan3A_123 = arith.constant 16 : i32
    %scan3A_124 = arith.addi %scan3A_122, %scan3A_123 : i32
    %scan3A_125 = arith.constant 1 : i32
    %scan3A_126 = scf.for %scan3A_170 = %scan3A_122 to %scan3A_124 step %scan3A_125 iter_args(%scan3A_171 = %scan3A_121) -> (i32)  : i32 {
      %broadcast_in_dim3A = vector.broadcast %scan3A_170 : i32 to vector<16xi32>
      %iota3A = tpu.iota {dimensions = array<i32: 0>} : vector<16xi32>
      %add3A_172 = arith.constant 0 : i32
      %add3A_173 = vector.broadcast %add3A_172 : i32 to vector<16xi32>
      %add3A_174 = arith.addi %iota3A, %add3A_173 : vector<16xi32>
      %get3A = arith.constant 5 : i32
      %get3A_175 = arith.index_cast %get3A : i32 to index
      %get3A_176 = arith.constant 0 : index
      %get3A_177 = tpu.vector_load %arg7[%get3A_175, %get3A_176] {strides = array<i32>} : memref<8x64xi32, #tpu.memory_space<vmem>>, vector<16xi32>,
      %gather3A = tpu.vector_load_idx %arg8[%broadcast_in_dim3A, %add3A_174, %get3A_177] : memref<16x64x16xf32, #tpu.memory_space<vmem>>[vector<16xi32>, vector<16xi32>, vector<16xi32>], vector<16xf32>,
      %swap3A = arith.index_cast %scan3A_170 : i32 to index
      %swap3A_178 = arith.constant 320 : index
      %swap3A_179 = tpu.vector_load %arg9[%swap3A, %swap3A_178] {strides = array<i32>} : memref<16x512xf32, #tpu.memory_space<vmem>>, vector<16xf32>,
      tpu.vector_store %arg9[%swap3A, %swap3A_178], %gather3A {strides = array<i32>} : memref<16x512xf32, #tpu.memory_space<vmem>>, vector<16xf32>,
      %iota3A_180 = tpu.iota {dimensions = array<i32: 0>} : vector<16xi32>
      %add3A_181 = arith.constant 16 : i32
      %add3A_182 = vector.broadcast %add3A_181 : i32 to vector<16xi32>
      %add3A_183 = arith.addi %iota3A_180, %add3A_182 : vector<16xi32>
      %get3A_184 = arith.constant 5 : i32
      %get3A_185 = arith.index_cast %get3A_184 : i32 to index
      %get3A_186 = arith.constant 16 : index
      %get3A_187 = tpu.vector_load %arg7[%get3A_185, %get3A_186] {strides = array<i32>} : memref<8x64xi32, #tpu.memory_space<vmem>>, vector<16xi32>,
      %gather3A_188 = tpu.vector_load_idx %arg8[%broadcast_in_dim3A, %add3A_183, %get3A_187] : memref<16x64x16xf32, #tpu.memory_space<vmem>>[vector<16xi32>, vector<16xi32>, vector<16xi32>], vector<16xf32>,
      %swap3A_189 = arith.index_cast %scan3A_170 : i32 to index
      %swap3A_190 = arith.constant 336 : index
      %swap3A_191 = tpu.vector_load %arg9[%swap3A_189, %swap3A_190] {strides = array<i32>} : memref<16x512xf32, #tpu.memory_space<vmem>>, vector<16xf32>,
      tpu.vector_store %arg9[%swap3A_189, %swap3A_190], %gather3A_188 {strides = array<i32>} : memref<16x512xf32, #tpu.memory_space<vmem>>, vector<16xf32>,
      %iota3A_192 = tpu.iota {dimensions = array<i32: 0>} : vector<16xi32>
      %add3A_193 = arith.constant 32 : i32
      %add3A_194 = vector.broadcast %add3A_193 : i32 to vector<16xi32>
      %add3A_195 = arith.addi %iota3A_192, %add3A_194 : vector<16xi32>
      %get3A_196 = arith.constant 5 : i32
      %get3A_197 = arith.index_cast %get3A_196 : i32 to index
      %get3A_198 = arith.constant 32 : index
      %get3A_199 = tpu.vector_load %arg7[%get3A_197, %get3A_198] {strides = array<i32>} : memref<8x64xi32, #tpu.memory_space<vmem>>, vector<16xi32>,
      %gather3A_200 = tpu.vector_load_idx %arg8[%broadcast_in_dim3A, %add3A_195, %get3A_199] : memref<16x64x16xf32, #tpu.memory_space<vmem>>[vector<16xi32>, vector<16xi32>, vector<16xi32>], vector<16xf32>,
      %swap3A_201 = arith.index_cast %scan3A_170 : i32 to index
      %swap3A_202 = arith.constant 352 : index
      %swap3A_203 = tpu.vector_load %arg9[%swap3A_201, %swap3A_202] {strides = array<i32>} : memref<16x512xf32, #tpu.memory_space<vmem>>, vector<16xf32>,
      tpu.vector_store %arg9[%swap3A_201, %swap3A_202], %gather3A_200 {strides = array<i32>} : memref<16x512xf32, #tpu.memory_space<vmem>>, vector<16xf32>,
      %iota3A_204 = tpu.iota {dimensions = array<i32: 0>} : vector<16xi32>
      %add3A_205 = arith.constant 48 : i32
      %add3A_206 = vector.broadcast %add3A_205 : i32 to vector<16xi32>
      %add3A_207 = arith.addi %iota3A_204, %add3A_206 : vector<16xi32>
      %get3A_208 = arith.constant 5 : i32
      %get3A_209 = arith.index_cast %get3A_208 : i32 to index
      %get3A_210 = arith.constant 48 : index
      %get3A_211 = tpu.vector_load %arg7[%get3A_209, %get3A_210] {strides = array<i32>} : memref<8x64xi32, #tpu.memory_space<vmem>>, vector<16xi32>,
      %gather3A_212 = tpu.vector_load_idx %arg8[%broadcast_in_dim3A, %add3A_207, %get3A_211] : memref<16x64x16xf32, #tpu.memory_space<vmem>>[vector<16xi32>, vector<16xi32>, vector<16xi32>], vector<16xf32>,
      %swap3A_213 = arith.index_cast %scan3A_170 : i32 to index
      %swap3A_214 = arith.constant 368 : index
      %swap3A_215 = tpu.vector_load %arg9[%swap3A_213, %swap3A_214] {strides = array<i32>} : memref<16x512xf32, #tpu.memory_space<vmem>>, vector<16xf32>,
      tpu.vector_store %arg9[%swap3A_213, %swap3A_214], %gather3A_212 {strides = array<i32>} : memref<16x512xf32, #tpu.memory_space<vmem>>, vector<16xf32>,
      %scan3A_216 = arith.constant 0 : i32
      scf.yield %scan3A_216 : i32
    }
    %scan3A_127 = arith.constant 16 : i32
    %scan3A_128 = arith.constant 0 : i32
    %scan3A_129 = arith.constant 0 : i32
    %scan3A_130 = arith.constant 16 : i32
    %scan3A_131 = arith.addi %scan3A_129, %scan3A_130 : i32
    %scan3A_132 = arith.constant 1 : i32
    %scan3A_133 = scf.for %scan3A_170 = %scan3A_129 to %scan3A_131 step %scan3A_132 iter_args(%scan3A_171 = %scan3A_128) -> (i32)  : i32 {
      %dma_start3A = arith.constant 6 : i32
      %dma_start3A_172 = arith.constant 0 : i32
      %dma_start3A_173 = arith.constant 0 : i32
      %dma_start3A_174 = tpu.memref_slice %arg8[%scan3A_170, %dma_start3A_172, %dma_start3A_173] : memref<16x64x16xf32, #tpu.memory_space<vmem>> -> memref<1x64x16xf32, #tpu.memory_space<vmem>>
      %dma_start3A_175 = tpu.memref_squeeze %dma_start3A_174 : memref<1x64x16xf32, #tpu.memory_space<vmem>> -> memref<64x16xf32, #tpu.memory_space<vmem>>
      %dma_start3A_176 = arith.constant 0 : i32
      %dma_start3A_177 = tpu.memref_slice %arg6[%scan3A_170, %dma_start3A, %dma_start3A_176] : memref<16x8x64xi32, #tpu.memory_space<vmem>> -> memref<1x1x64xi32, #tpu.memory_space<vmem>>
      %dma_start3A_178 = tpu.memref_squeeze %dma_start3A_177 : memref<1x1x64xi32, #tpu.memory_space<vmem>> -> memref<64xi32, #tpu.memory_space<vmem>>
      %dma_start3A_179 = arith.constant 0 : i32
      %dma_start3A_180 = arith.constant 0 : i32
      %dma_start3A_181 = tpu.memref_slice %arg4[%dma_start3A_179, %dma_start3A_180] : memref<1000448x16xf32, #tpu.memory_space<hbm>> -> memref<1000448x16xf32, #tpu.memory_space<hbm>>
      tpu.enqueue_indirect_dma source(%dma_start3A_181 : memref<1000448x16xf32, #tpu.memory_space<hbm>>) target(%dma_start3A_175 : memref<64x16xf32, #tpu.memory_space<vmem>>) offsets(%dma_start3A_178 : memref<64xi32, #tpu.memory_space<vmem>>) semaphore(%arg10 : memref<!tpu.dma_semaphore, #tpu.memory_space<semaphore_mem>>)
      %scan3A_182 = arith.constant 0 : i32
      scf.yield %scan3A_182 : i32
    }
    %scan3A_134 = arith.constant 16 : i32
    %scan3A_135 = arith.constant 0 : i32
    %scan3A_136 = arith.constant 0 : i32
    %scan3A_137 = arith.constant 16 : i32
    %scan3A_138 = arith.addi %scan3A_136, %scan3A_137 : i32
    %scan3A_139 = arith.constant 1 : i32
    %scan3A_140 = scf.for %scan3A_170 = %scan3A_136 to %scan3A_138 step %scan3A_139 iter_args(%scan3A_171 = %scan3A_135) -> (i32)  : i32 {
      %dma_wait3A = arith.constant 0 : i32
      %dma_wait3A_172 = arith.constant 0 : i32
      %dma_wait3A_173 = tpu.memref_slice %arg8[%scan3A_170, %dma_wait3A, %dma_wait3A_172] : memref<16x64x16xf32, #tpu.memory_space<vmem>> -> memref<1x64x16xf32, #tpu.memory_space<vmem>>
      %dma_wait3A_174 = tpu.memref_squeeze %dma_wait3A_173 : memref<1x64x16xf32, #tpu.memory_space<vmem>> -> memref<64x16xf32, #tpu.memory_space<vmem>>
      %dma_wait3A_175 = arith.constant 0 : i32
      %dma_wait3A_176 = arith.constant 0 : i32
      %dma_wait3A_177 = tpu.memref_slice %arg4[%dma_wait3A_175, %dma_wait3A_176] : memref<1000448x16xf32, #tpu.memory_space<hbm>> -> memref<64x16xf32, #tpu.memory_space<hbm>>
      %dma_wait3A_178 = arith.constant 0 : i32
      %dma_wait3A_179 = arith.constant 0 : i32
      %dma_wait3A_180 = tpu.memref_slice %arg8[%scan3A_170, %dma_wait3A_178, %dma_wait3A_179] : memref<16x64x16xf32, #tpu.memory_space<vmem>> -> memref<1x64x16xf32, #tpu.memory_space<vmem>>
      %dma_wait3A_181 = tpu.memref_squeeze %dma_wait3A_180 : memref<1x64x16xf32, #tpu.memory_space<vmem>> -> memref<64x16xf32, #tpu.memory_space<vmem>>
      %dma_wait3A_182 = arith.constant 0 : i32
      %dma_wait3A_183 = arith.constant 0 : i32
      %dma_wait3A_184 = tpu.memref_slice %arg4[%dma_wait3A_182, %dma_wait3A_183] : memref<1000448x16xf32, #tpu.memory_space<hbm>> -> memref<64x16xf32, #tpu.memory_space<hbm>>
      tpu.wait_dma2 semaphore(%arg10 : memref<!tpu.dma_semaphore, #tpu.memory_space<semaphore_mem>>) src(%dma_wait3A_184 : memref<64x16xf32, #tpu.memory_space<hbm>>) dst(%dma_wait3A_181 : memref<64x16xf32, #tpu.memory_space<vmem>>)
      %scan3A_185 = arith.constant 0 : i32
      scf.yield %scan3A_185 : i32
    }
    %scan3A_141 = arith.constant 16 : i32
    %scan3A_142 = arith.constant 0 : i32
    %scan3A_143 = arith.constant 0 : i32
    %scan3A_144 = arith.constant 16 : i32
    %scan3A_145 = arith.addi %scan3A_143, %scan3A_144 : i32
    %scan3A_146 = arith.constant 1 : i32
    %scan3A_147 = scf.for %scan3A_170 = %scan3A_143 to %scan3A_145 step %scan3A_146 iter_args(%scan3A_171 = %scan3A_142) -> (i32)  : i32 {
      %broadcast_in_dim3A = vector.broadcast %scan3A_170 : i32 to vector<16xi32>
      %iota3A = tpu.iota {dimensions = array<i32: 0>} : vector<16xi32>
      %add3A_172 = arith.constant 0 : i32
      %add3A_173 = vector.broadcast %add3A_172 : i32 to vector<16xi32>
      %add3A_174 = arith.addi %iota3A, %add3A_173 : vector<16xi32>
      %get3A = arith.constant 6 : i32
      %get3A_175 = arith.index_cast %get3A : i32 to index
      %get3A_176 = arith.constant 0 : index
      %get3A_177 = tpu.vector_load %arg7[%get3A_175, %get3A_176] {strides = array<i32>} : memref<8x64xi32, #tpu.memory_space<vmem>>, vector<16xi32>,
      %gather3A = tpu.vector_load_idx %arg8[%broadcast_in_dim3A, %add3A_174, %get3A_177] : memref<16x64x16xf32, #tpu.memory_space<vmem>>[vector<16xi32>, vector<16xi32>, vector<16xi32>], vector<16xf32>,
      %swap3A = arith.index_cast %scan3A_170 : i32 to index
      %swap3A_178 = arith.constant 384 : index
      %swap3A_179 = tpu.vector_load %arg9[%swap3A, %swap3A_178] {strides = array<i32>} : memref<16x512xf32, #tpu.memory_space<vmem>>, vector<16xf32>,
      tpu.vector_store %arg9[%swap3A, %swap3A_178], %gather3A {strides = array<i32>} : memref<16x512xf32, #tpu.memory_space<vmem>>, vector<16xf32>,
      %iota3A_180 = tpu.iota {dimensions = array<i32: 0>} : vector<16xi32>
      %add3A_181 = arith.constant 16 : i32
      %add3A_182 = vector.broadcast %add3A_181 : i32 to vector<16xi32>
      %add3A_183 = arith.addi %iota3A_180, %add3A_182 : vector<16xi32>
      %get3A_184 = arith.constant 6 : i32
      %get3A_185 = arith.index_cast %get3A_184 : i32 to index
      %get3A_186 = arith.constant 16 : index
      %get3A_187 = tpu.vector_load %arg7[%get3A_185, %get3A_186] {strides = array<i32>} : memref<8x64xi32, #tpu.memory_space<vmem>>, vector<16xi32>,
      %gather3A_188 = tpu.vector_load_idx %arg8[%broadcast_in_dim3A, %add3A_183, %get3A_187] : memref<16x64x16xf32, #tpu.memory_space<vmem>>[vector<16xi32>, vector<16xi32>, vector<16xi32>], vector<16xf32>,
      %swap3A_189 = arith.index_cast %scan3A_170 : i32 to index
      %swap3A_190 = arith.constant 400 : index
      %swap3A_191 = tpu.vector_load %arg9[%swap3A_189, %swap3A_190] {strides = array<i32>} : memref<16x512xf32, #tpu.memory_space<vmem>>, vector<16xf32>,
      tpu.vector_store %arg9[%swap3A_189, %swap3A_190], %gather3A_188 {strides = array<i32>} : memref<16x512xf32, #tpu.memory_space<vmem>>, vector<16xf32>,
      %iota3A_192 = tpu.iota {dimensions = array<i32: 0>} : vector<16xi32>
      %add3A_193 = arith.constant 32 : i32
      %add3A_194 = vector.broadcast %add3A_193 : i32 to vector<16xi32>
      %add3A_195 = arith.addi %iota3A_192, %add3A_194 : vector<16xi32>
      %get3A_196 = arith.constant 6 : i32
      %get3A_197 = arith.index_cast %get3A_196 : i32 to index
      %get3A_198 = arith.constant 32 : index
      %get3A_199 = tpu.vector_load %arg7[%get3A_197, %get3A_198] {strides = array<i32>} : memref<8x64xi32, #tpu.memory_space<vmem>>, vector<16xi32>,
      %gather3A_200 = tpu.vector_load_idx %arg8[%broadcast_in_dim3A, %add3A_195, %get3A_199] : memref<16x64x16xf32, #tpu.memory_space<vmem>>[vector<16xi32>, vector<16xi32>, vector<16xi32>], vector<16xf32>,
      %swap3A_201 = arith.index_cast %scan3A_170 : i32 to index
      %swap3A_202 = arith.constant 416 : index
      %swap3A_203 = tpu.vector_load %arg9[%swap3A_201, %swap3A_202] {strides = array<i32>} : memref<16x512xf32, #tpu.memory_space<vmem>>, vector<16xf32>,
      tpu.vector_store %arg9[%swap3A_201, %swap3A_202], %gather3A_200 {strides = array<i32>} : memref<16x512xf32, #tpu.memory_space<vmem>>, vector<16xf32>,
      %iota3A_204 = tpu.iota {dimensions = array<i32: 0>} : vector<16xi32>
      %add3A_205 = arith.constant 48 : i32
      %add3A_206 = vector.broadcast %add3A_205 : i32 to vector<16xi32>
      %add3A_207 = arith.addi %iota3A_204, %add3A_206 : vector<16xi32>
      %get3A_208 = arith.constant 6 : i32
      %get3A_209 = arith.index_cast %get3A_208 : i32 to index
      %get3A_210 = arith.constant 48 : index
      %get3A_211 = tpu.vector_load %arg7[%get3A_209, %get3A_210] {strides = array<i32>} : memref<8x64xi32, #tpu.memory_space<vmem>>, vector<16xi32>,
      %gather3A_212 = tpu.vector_load_idx %arg8[%broadcast_in_dim3A, %add3A_207, %get3A_211] : memref<16x64x16xf32, #tpu.memory_space<vmem>>[vector<16xi32>, vector<16xi32>, vector<16xi32>], vector<16xf32>,
      %swap3A_213 = arith.index_cast %scan3A_170 : i32 to index
      %swap3A_214 = arith.constant 432 : index
      %swap3A_215 = tpu.vector_load %arg9[%swap3A_213, %swap3A_214] {strides = array<i32>} : memref<16x512xf32, #tpu.memory_space<vmem>>, vector<16xf32>,
      tpu.vector_store %arg9[%swap3A_213, %swap3A_214], %gather3A_212 {strides = array<i32>} : memref<16x512xf32, #tpu.memory_space<vmem>>, vector<16xf32>,
      %scan3A_216 = arith.constant 0 : i32
      scf.yield %scan3A_216 : i32
    }
    %scan3A_148 = arith.constant 16 : i32
    %scan3A_149 = arith.constant 0 : i32
    %scan3A_150 = arith.constant 0 : i32
    %scan3A_151 = arith.constant 16 : i32
    %scan3A_152 = arith.addi %scan3A_150, %scan3A_151 : i32
    %scan3A_153 = arith.constant 1 : i32
    %scan3A_154 = scf.for %scan3A_170 = %scan3A_150 to %scan3A_152 step %scan3A_153 iter_args(%scan3A_171 = %scan3A_149) -> (i32)  : i32 {
      %dma_start3A = arith.constant 7 : i32
      %dma_start3A_172 = arith.constant 0 : i32
      %dma_start3A_173 = arith.constant 0 : i32
      %dma_start3A_174 = tpu.memref_slice %arg8[%scan3A_170, %dma_start3A_172, %dma_start3A_173] : memref<16x64x16xf32, #tpu.memory_space<vmem>> -> memref<1x64x16xf32, #tpu.memory_space<vmem>>
      %dma_start3A_175 = tpu.memref_squeeze %dma_start3A_174 : memref<1x64x16xf32, #tpu.memory_space<vmem>> -> memref<64x16xf32, #tpu.memory_space<vmem>>
      %dma_start3A_176 = arith.constant 0 : i32
      %dma_start3A_177 = tpu.memref_slice %arg6[%scan3A_170, %dma_start3A, %dma_start3A_176] : memref<16x8x64xi32, #tpu.memory_space<vmem>> -> memref<1x1x64xi32, #tpu.memory_space<vmem>>
      %dma_start3A_178 = tpu.memref_squeeze %dma_start3A_177 : memref<1x1x64xi32, #tpu.memory_space<vmem>> -> memref<64xi32, #tpu.memory_space<vmem>>
      %dma_start3A_179 = arith.constant 0 : i32
      %dma_start3A_180 = arith.constant 0 : i32
      %dma_start3A_181 = tpu.memref_slice %arg4[%dma_start3A_179, %dma_start3A_180] : memref<1000448x16xf32, #tpu.memory_space<hbm>> -> memref<1000448x16xf32, #tpu.memory_space<hbm>>
      tpu.enqueue_indirect_dma source(%dma_start3A_181 : memref<1000448x16xf32, #tpu.memory_space<hbm>>) target(%dma_start3A_175 : memref<64x16xf32, #tpu.memory_space<vmem>>) offsets(%dma_start3A_178 : memref<64xi32, #tpu.memory_space<vmem>>) semaphore(%arg10 : memref<!tpu.dma_semaphore, #tpu.memory_space<semaphore_mem>>)
      %scan3A_182 = arith.constant 0 : i32
      scf.yield %scan3A_182 : i32
    }
    %scan3A_155 = arith.constant 16 : i32
    %scan3A_156 = arith.constant 0 : i32
    %scan3A_157 = arith.constant 0 : i32
    %scan3A_158 = arith.constant 16 : i32
    %scan3A_159 = arith.addi %scan3A_157, %scan3A_158 : i32
    %scan3A_160 = arith.constant 1 : i32
    %scan3A_161 = scf.for %scan3A_170 = %scan3A_157 to %scan3A_159 step %scan3A_160 iter_args(%scan3A_171 = %scan3A_156) -> (i32)  : i32 {
      %dma_wait3A = arith.constant 0 : i32
      %dma_wait3A_172 = arith.constant 0 : i32
      %dma_wait3A_173 = tpu.memref_slice %arg8[%scan3A_170, %dma_wait3A, %dma_wait3A_172] : memref<16x64x16xf32, #tpu.memory_space<vmem>> -> memref<1x64x16xf32, #tpu.memory_space<vmem>>
      %dma_wait3A_174 = tpu.memref_squeeze %dma_wait3A_173 : memref<1x64x16xf32, #tpu.memory_space<vmem>> -> memref<64x16xf32, #tpu.memory_space<vmem>>
      %dma_wait3A_175 = arith.constant 0 : i32
      %dma_wait3A_176 = arith.constant 0 : i32
      %dma_wait3A_177 = tpu.memref_slice %arg4[%dma_wait3A_175, %dma_wait3A_176] : memref<1000448x16xf32, #tpu.memory_space<hbm>> -> memref<64x16xf32, #tpu.memory_space<hbm>>
      %dma_wait3A_178 = arith.constant 0 : i32
      %dma_wait3A_179 = arith.constant 0 : i32
      %dma_wait3A_180 = tpu.memref_slice %arg8[%scan3A_170, %dma_wait3A_178, %dma_wait3A_179] : memref<16x64x16xf32, #tpu.memory_space<vmem>> -> memref<1x64x16xf32, #tpu.memory_space<vmem>>
      %dma_wait3A_181 = tpu.memref_squeeze %dma_wait3A_180 : memref<1x64x16xf32, #tpu.memory_space<vmem>> -> memref<64x16xf32, #tpu.memory_space<vmem>>
      %dma_wait3A_182 = arith.constant 0 : i32
      %dma_wait3A_183 = arith.constant 0 : i32
      %dma_wait3A_184 = tpu.memref_slice %arg4[%dma_wait3A_182, %dma_wait3A_183] : memref<1000448x16xf32, #tpu.memory_space<hbm>> -> memref<64x16xf32, #tpu.memory_space<hbm>>
      tpu.wait_dma2 semaphore(%arg10 : memref<!tpu.dma_semaphore, #tpu.memory_space<semaphore_mem>>) src(%dma_wait3A_184 : memref<64x16xf32, #tpu.memory_space<hbm>>) dst(%dma_wait3A_181 : memref<64x16xf32, #tpu.memory_space<vmem>>)
      %scan3A_185 = arith.constant 0 : i32
      scf.yield %scan3A_185 : i32
    }
    %scan3A_162 = arith.constant 16 : i32
    %scan3A_163 = arith.constant 0 : i32
    %scan3A_164 = arith.constant 0 : i32
    %scan3A_165 = arith.constant 16 : i32
    %scan3A_166 = arith.addi %scan3A_164, %scan3A_165 : i32
    %scan3A_167 = arith.constant 1 : i32
    %scan3A_168 = scf.for %scan3A_170 = %scan3A_164 to %scan3A_166 step %scan3A_167 iter_args(%scan3A_171 = %scan3A_163) -> (i32)  : i32 {
      %broadcast_in_dim3A = vector.broadcast %scan3A_170 : i32 to vector<16xi32>
      %iota3A = tpu.iota {dimensions = array<i32: 0>} : vector<16xi32>
      %add3A_172 = arith.constant 0 : i32
      %add3A_173 = vector.broadcast %add3A_172 : i32 to vector<16xi32>
      %add3A_174 = arith.addi %iota3A, %add3A_173 : vector<16xi32>
      %get3A = arith.constant 7 : i32
      %get3A_175 = arith.index_cast %get3A : i32 to index
      %get3A_176 = arith.constant 0 : index
      %get3A_177 = tpu.vector_load %arg7[%get3A_175, %get3A_176] {strides = array<i32>} : memref<8x64xi32, #tpu.memory_space<vmem>>, vector<16xi32>,
      %gather3A = tpu.vector_load_idx %arg8[%broadcast_in_dim3A, %add3A_174, %get3A_177] : memref<16x64x16xf32, #tpu.memory_space<vmem>>[vector<16xi32>, vector<16xi32>, vector<16xi32>], vector<16xf32>,
      %swap3A = arith.index_cast %scan3A_170 : i32 to index
      %swap3A_178 = arith.constant 448 : index
      %swap3A_179 = tpu.vector_load %arg9[%swap3A, %swap3A_178] {strides = array<i32>} : memref<16x512xf32, #tpu.memory_space<vmem>>, vector<16xf32>,
      tpu.vector_store %arg9[%swap3A, %swap3A_178], %gather3A {strides = array<i32>} : memref<16x512xf32, #tpu.memory_space<vmem>>, vector<16xf32>,
      %iota3A_180 = tpu.iota {dimensions = array<i32: 0>} : vector<16xi32>
      %add3A_181 = arith.constant 16 : i32
      %add3A_182 = vector.broadcast %add3A_181 : i32 to vector<16xi32>
      %add3A_183 = arith.addi %iota3A_180, %add3A_182 : vector<16xi32>
      %get3A_184 = arith.constant 7 : i32
      %get3A_185 = arith.index_cast %get3A_184 : i32 to index
      %get3A_186 = arith.constant 16 : index
      %get3A_187 = tpu.vector_load %arg7[%get3A_185, %get3A_186] {strides = array<i32>} : memref<8x64xi32, #tpu.memory_space<vmem>>, vector<16xi32>,
      %gather3A_188 = tpu.vector_load_idx %arg8[%broadcast_in_dim3A, %add3A_183, %get3A_187] : memref<16x64x16xf32, #tpu.memory_space<vmem>>[vector<16xi32>, vector<16xi32>, vector<16xi32>], vector<16xf32>,
      %swap3A_189 = arith.index_cast %scan3A_170 : i32 to index
      %swap3A_190 = arith.constant 464 : index
      %swap3A_191 = tpu.vector_load %arg9[%swap3A_189, %swap3A_190] {strides = array<i32>} : memref<16x512xf32, #tpu.memory_space<vmem>>, vector<16xf32>,
      tpu.vector_store %arg9[%swap3A_189, %swap3A_190], %gather3A_188 {strides = array<i32>} : memref<16x512xf32, #tpu.memory_space<vmem>>, vector<16xf32>,
      %iota3A_192 = tpu.iota {dimensions = array<i32: 0>} : vector<16xi32>
      %add3A_193 = arith.constant 32 : i32
      %add3A_194 = vector.broadcast %add3A_193 : i32 to vector<16xi32>
      %add3A_195 = arith.addi %iota3A_192, %add3A_194 : vector<16xi32>
      %get3A_196 = arith.constant 7 : i32
      %get3A_197 = arith.index_cast %get3A_196 : i32 to index
      %get3A_198 = arith.constant 32 : index
      %get3A_199 = tpu.vector_load %arg7[%get3A_197, %get3A_198] {strides = array<i32>} : memref<8x64xi32, #tpu.memory_space<vmem>>, vector<16xi32>,
      %gather3A_200 = tpu.vector_load_idx %arg8[%broadcast_in_dim3A, %add3A_195, %get3A_199] : memref<16x64x16xf32, #tpu.memory_space<vmem>>[vector<16xi32>, vector<16xi32>, vector<16xi32>], vector<16xf32>,
      %swap3A_201 = arith.index_cast %scan3A_170 : i32 to index
      %swap3A_202 = arith.constant 480 : index
      %swap3A_203 = tpu.vector_load %arg9[%swap3A_201, %swap3A_202] {strides = array<i32>} : memref<16x512xf32, #tpu.memory_space<vmem>>, vector<16xf32>,
      tpu.vector_store %arg9[%swap3A_201, %swap3A_202], %gather3A_200 {strides = array<i32>} : memref<16x512xf32, #tpu.memory_space<vmem>>, vector<16xf32>,
      %iota3A_204 = tpu.iota {dimensions = array<i32: 0>} : vector<16xi32>
      %add3A_205 = arith.constant 48 : i32
      %add3A_206 = vector.broadcast %add3A_205 : i32 to vector<16xi32>
      %add3A_207 = arith.addi %iota3A_204, %add3A_206 : vector<16xi32>
      %get3A_208 = arith.constant 7 : i32
      %get3A_209 = arith.index_cast %get3A_208 : i32 to index
      %get3A_210 = arith.constant 48 : index
      %get3A_211 = tpu.vector_load %arg7[%get3A_209, %get3A_210] {strides = array<i32>} : memref<8x64xi32, #tpu.memory_space<vmem>>, vector<16xi32>,
      %gather3A_212 = tpu.vector_load_idx %arg8[%broadcast_in_dim3A, %add3A_207, %get3A_211] : memref<16x64x16xf32, #tpu.memory_space<vmem>>[vector<16xi32>, vector<16xi32>, vector<16xi32>], vector<16xf32>,
      %swap3A_213 = arith.index_cast %scan3A_170 : i32 to index
      %swap3A_214 = arith.constant 496 : index
      %swap3A_215 = tpu.vector_load %arg9[%swap3A_213, %swap3A_214] {strides = array<i32>} : memref<16x512xf32, #tpu.memory_space<vmem>>, vector<16xf32>,
      tpu.vector_store %arg9[%swap3A_213, %swap3A_214], %gather3A_212 {strides = array<i32>} : memref<16x512xf32, #tpu.memory_space<vmem>>, vector<16xf32>,
      %scan3A_216 = arith.constant 0 : i32
      scf.yield %scan3A_216 : i32
    }
    %scan3A_169 = arith.constant 16 : i32
    "tpu.region"() ({
      %run_scoped3A = tpu.sem_alloc : memref<!tpu.dma_semaphore, #tpu.memory_space<semaphore_mem>>
      %dma_start3A = arith.constant 0 : i32
      %dma_start3A_170 = tpu.memref_slice %arg5[%dma_start3A, %mul3A_2] : memref<16x16384xf32, #tpu.memory_space<hbm>> -> memref<16x512xf32, #tpu.memory_space<hbm>>
      %dma_start3A_171 = arith.constant 0 : i32
      %dma_start3A_172 = tpu.memref_slice %arg5[%dma_start3A_171, %mul3A_2] : memref<16x16384xf32, #tpu.memory_space<hbm>> -> memref<16x512xf32, #tpu.memory_space<hbm>>
      tpu.enqueue_dma source(%arg9 : memref<16x512xf32, #tpu.memory_space<vmem>>) target(%dma_start3A_172 : memref<16x512xf32, #tpu.memory_space<hbm>>) target_semaphore(%run_scoped3A : memref<!tpu.dma_semaphore, #tpu.memory_space<semaphore_mem>>)
      %dma_wait3A = arith.constant 0 : i32
      %dma_wait3A_173 = tpu.memref_slice %arg5[%dma_wait3A, %mul3A_2] : memref<16x16384xf32, #tpu.memory_space<hbm>> -> memref<16x512xf32, #tpu.memory_space<hbm>>
      %dma_wait3A_174 = arith.constant 0 : i32
      %dma_wait3A_175 = tpu.memref_slice %arg5[%dma_wait3A_174, %mul3A_2] : memref<16x16384xf32, #tpu.memory_space<hbm>> -> memref<16x512xf32, #tpu.memory_space<hbm>>
      tpu.wait_dma2 semaphore(%run_scoped3A : memref<!tpu.dma_semaphore, #tpu.memory_space<semaphore_mem>>) src(%arg9 : memref<16x512xf32, #tpu.memory_space<vmem>>) dst(%dma_wait3A_175 : memref<16x512xf32, #tpu.memory_space<hbm>>)
      tpu.yield
    }) : () -> ()
    return
  }
}

#map = affine_map<(d0, d1) -> (0, 0, 0, 0)>
#map1 = affine_map<(d0, d1) -> (0, 0, 0)>
#map2 = affine_map<(d0, d1) -> (0, 0)>
module attributes {stable_mosaic.version = 14 : i64} {
  func.func @_sc_gather_body(%arg0: i32, %arg1: i32, %arg2: memref<32x16x8x64xi32, #tpu.memory_space<hbm>>, %arg3: memref<32x8x64xi32, #tpu.memory_space<hbm>>, %arg4: memref<1000448x16xf32, #tpu.memory_space<hbm>>, %arg5: memref<16x16384xf32, #tpu.memory_space<hbm>>, %arg6: memref<16x8x64xi32, #tpu.memory_space<vmem>>, %arg7: memref<8x64xi32, #tpu.memory_space<vmem>>, %arg8: memref<16x64x16xf32, #tpu.memory_space<vmem>>, %arg9: memref<16x512xf32, #tpu.memory_space<vmem>>, %arg10: memref<!tpu.dma_semaphore, #tpu.memory_space<semaphore_mem>>) attributes {dimension_semantics = [#tpu.dimension_semantics<core_parallel>, #tpu.dimension_semantics<subcore_parallel>], iteration_bounds = array<i64: 2, 16>, scalar_prefetch = 0 : i64, scratch_operands = 5 : i64, tpu.core_type = #tpu.core_type<sc_vector_subcore>, window_params = [{transform_indices = #map}, {transform_indices = #map1}, {transform_indices = #map2}, {transform_indices = #map2}]} {
    %mul3A = arith.constant 2 : i32
    %mul3A_0 = arith.muli %arg1, %mul3A : i32
    %add3A = arith.addi %mul3A_0, %arg0 : i32
    %mul3A_1 = arith.constant 512 : i32
    %mul3A_2 = arith.muli %add3A, %mul3A_1 : i32
    "tpu.region"() ({
      %run_scoped3A = tpu.sem_alloc : memref<!tpu.dma_semaphore, #tpu.memory_space<semaphore_mem>>
      %dma_start3A = arith.constant 0 : i32
      %dma_start3A_170 = arith.constant 0 : i32
      %dma_start3A_171 = arith.constant 0 : i32
      %dma_start3A_172 = tpu.memref_slice %arg2[%add3A, %dma_start3A, %dma_start3A_170, %dma_start3A_171] : memref<32x16x8x64xi32, #tpu.memory_space<hbm>> -> memref<1x16x8x64xi32, #tpu.memory_space<hbm>>
      %dma_start3A_173 = tpu.memref_squeeze %dma_start3A_172 : memref<1x16x8x64xi32, #tpu.memory_space<hbm>> -> memref<16x8x64xi32, #tpu.memory_space<hbm>>
      %dma_start3A_174 = arith.constant 0 : i32
      %dma_start3A_175 = arith.constant 0 : i32
      %dma_start3A_176 = arith.constant 0 : i32
      %dma_start3A_177 = tpu.memref_slice %arg2[%add3A, %dma_start3A_174, %dma_start3A_175, %dma_start3A_176] : memref<32x16x8x64xi32, #tpu.memory_space<hbm>> -> memref<1x16x8x64xi32, #tpu.memory_space<hbm>>
      %dma_start3A_178 = tpu.memref_squeeze %dma_start3A_177 : memref<1x16x8x64xi32, #tpu.memory_space<hbm>> -> memref<16x8x64xi32, #tpu.memory_space<hbm>>
      tpu.enqueue_dma source(%dma_start3A_178 : memref<16x8x64xi32, #tpu.memory_space<hbm>>) target(%arg6 : memref<16x8x64xi32, #tpu.memory_space<vmem>>) target_semaphore(%run_scoped3A : memref<!tpu.dma_semaphore, #tpu.memory_space<semaphore_mem>>)
      %dma_wait3A = arith.constant 0 : i32
      %dma_wait3A_179 = arith.constant 0 : i32
      %dma_wait3A_180 = arith.constant 0 : i32
      %dma_wait3A_181 = tpu.memref_slice %arg2[%add3A, %dma_wait3A, %dma_wait3A_179, %dma_wait3A_180] : memref<32x16x8x64xi32, #tpu.memory_space<hbm>> -> memref<1x16x8x64xi32, #tpu.memory_space<hbm>>
      %dma_wait3A_182 = tpu.memref_squeeze %dma_wait3A_181 : memref<1x16x8x64xi32, #tpu.memory_space<hbm>> -> memref<16x8x64xi32, #tpu.memory_space<hbm>>
      %dma_wait3A_183 = arith.constant 0 : i32
      %dma_wait3A_184 = arith.constant 0 : i32
      %dma_wait3A_185 = arith.constant 0 : i32
      %dma_wait3A_186 = tpu.memref_slice %arg2[%add3A, %dma_wait3A_183, %dma_wait3A_184, %dma_wait3A_185] : memref<32x16x8x64xi32, #tpu.memory_space<hbm>> -> memref<1x16x8x64xi32, #tpu.memory_space<hbm>>
      %dma_wait3A_187 = tpu.memref_squeeze %dma_wait3A_186 : memref<1x16x8x64xi32, #tpu.memory_space<hbm>> -> memref<16x8x64xi32, #tpu.memory_space<hbm>>
      tpu.wait_dma2 semaphore(%run_scoped3A : memref<!tpu.dma_semaphore, #tpu.memory_space<semaphore_mem>>) src(%dma_wait3A_187 : memref<16x8x64xi32, #tpu.memory_space<hbm>>) dst(%arg6 : memref<16x8x64xi32, #tpu.memory_space<vmem>>)
      tpu.yield
    }) : () -> ()
    "tpu.region"() ({
      %run_scoped3A = tpu.sem_alloc : memref<!tpu.dma_semaphore, #tpu.memory_space<semaphore_mem>>
      %dma_start3A = arith.constant 0 : i32
      %dma_start3A_170 = arith.constant 0 : i32
      %dma_start3A_171 = tpu.memref_slice %arg3[%add3A, %dma_start3A, %dma_start3A_170] : memref<32x8x64xi32, #tpu.memory_space<hbm>> -> memref<1x8x64xi32, #tpu.memory_space<hbm>>
      %dma_start3A_172 = tpu.memref_squeeze %dma_start3A_171 : memref<1x8x64xi32, #tpu.memory_space<hbm>> -> memref<8x64xi32, #tpu.memory_space<hbm>>
      %dma_start3A_173 = arith.constant 0 : i32
      %dma_start3A_174 = arith.constant 0 : i32
      %dma_start3A_175 = tpu.memref_slice %arg3[%add3A, %dma_start3A_173, %dma_start3A_174] : memref<32x8x64xi32, #tpu.memory_space<hbm>> -> memref<1x8x64xi32, #tpu.memory_space<hbm>>
      %dma_start3A_176 = tpu.memref_squeeze %dma_start3A_175 : memref<1x8x64xi32, #tpu.memory_space<hbm>> -> memref<8x64xi32, #tpu.memory_space<hbm>>
      tpu.enqueue_dma source(%dma_start3A_176 : memref<8x64xi32, #tpu.memory_space<hbm>>) target(%arg7 : memref<8x64xi32, #tpu.memory_space<vmem>>) target_semaphore(%run_scoped3A : memref<!tpu.dma_semaphore, #tpu.memory_space<semaphore_mem>>)
      %dma_wait3A = arith.constant 0 : i32
      %dma_wait3A_177 = arith.constant 0 : i32
      %dma_wait3A_178 = tpu.memref_slice %arg3[%add3A, %dma_wait3A, %dma_wait3A_177] : memref<32x8x64xi32, #tpu.memory_space<hbm>> -> memref<1x8x64xi32, #tpu.memory_space<hbm>>
      %dma_wait3A_179 = tpu.memref_squeeze %dma_wait3A_178 : memref<1x8x64xi32, #tpu.memory_space<hbm>> -> memref<8x64xi32, #tpu.memory_space<hbm>>
      %dma_wait3A_180 = arith.constant 0 : i32
      %dma_wait3A_181 = arith.constant 0 : i32
      %dma_wait3A_182 = tpu.memref_slice %arg3[%add3A, %dma_wait3A_180, %dma_wait3A_181] : memref<32x8x64xi32, #tpu.memory_space<hbm>> -> memref<1x8x64xi32, #tpu.memory_space<hbm>>
      %dma_wait3A_183 = tpu.memref_squeeze %dma_wait3A_182 : memref<1x8x64xi32, #tpu.memory_space<hbm>> -> memref<8x64xi32, #tpu.memory_space<hbm>>
      tpu.wait_dma2 semaphore(%run_scoped3A : memref<!tpu.dma_semaphore, #tpu.memory_space<semaphore_mem>>) src(%dma_wait3A_183 : memref<8x64xi32, #tpu.memory_space<hbm>>) dst(%arg7 : memref<8x64xi32, #tpu.memory_space<vmem>>)
      tpu.yield
    }) : () -> ()
    %scan3A = arith.constant 0 : i32
    %scan3A_3 = arith.constant 0 : i32
    %scan3A_4 = arith.constant 16 : i32
    %scan3A_5 = arith.addi %scan3A_3, %scan3A_4 : i32
    %scan3A_6 = arith.constant 1 : i32
    %scan3A_7 = scf.for %scan3A_170 = %scan3A_3 to %scan3A_5 step %scan3A_6 iter_args(%scan3A_171 = %scan3A) -> (i32)  : i32 {
      %dma_start3A = arith.constant 0 : i32
      %dma_start3A_172 = arith.constant 0 : i32
      %dma_start3A_173 = arith.constant 0 : i32
      %dma_start3A_174 = tpu.memref_slice %arg8[%scan3A_170, %dma_start3A_172, %dma_start3A_173] : memref<16x64x16xf32, #tpu.memory_space<vmem>> -> memref<1x64x16xf32, #tpu.memory_space<vmem>>
      %dma_start3A_175 = tpu.memref_squeeze %dma_start3A_174 : memref<1x64x16xf32, #tpu.memory_space<vmem>> -> memref<64x16xf32, #tpu.memory_space<vmem>>
      %dma_start3A_176 = arith.constant 0 : i32
      %dma_start3A_177 = tpu.memref_slice %arg6[%scan3A_170, %dma_start3A, %dma_start3A_176] : memref<16x8x64xi32, #tpu.memory_space<vmem>> -> memref<1x1x64xi32, #tpu.memory_space<vmem>>
      %dma_start3A_178 = tpu.memref_squeeze %dma_start3A_177 : memref<1x1x64xi32, #tpu.memory_space<vmem>> -> memref<64xi32, #tpu.memory_space<vmem>>
      %dma_start3A_179 = arith.constant 0 : i32
      %dma_start3A_180 = arith.constant 0 : i32
      %dma_start3A_181 = tpu.memref_slice %arg4[%dma_start3A_179, %dma_start3A_180] : memref<1000448x16xf32, #tpu.memory_space<hbm>> -> memref<1000448x16xf32, #tpu.memory_space<hbm>>
      tpu.enqueue_indirect_dma source(%dma_start3A_181 : memref<1000448x16xf32, #tpu.memory_space<hbm>>) target(%dma_start3A_175 : memref<64x16xf32, #tpu.memory_space<vmem>>) offsets(%dma_start3A_178 : memref<64xi32, #tpu.memory_space<vmem>>) semaphore(%arg10 : memref<!tpu.dma_semaphore, #tpu.memory_space<semaphore_mem>>)
      %scan3A_182 = arith.constant 0 : i32
      scf.yield %scan3A_182 : i32
    }
    %scan3A_8 = arith.constant 16 : i32
    %scan3A_9 = arith.constant 0 : i32
    %scan3A_10 = arith.constant 0 : i32
    %scan3A_11 = arith.constant 16 : i32
    %scan3A_12 = arith.addi %scan3A_10, %scan3A_11 : i32
    %scan3A_13 = arith.constant 1 : i32
    %scan3A_14 = scf.for %scan3A_170 = %scan3A_10 to %scan3A_12 step %scan3A_13 iter_args(%scan3A_171 = %scan3A_9) -> (i32)  : i32 {
      %dma_wait3A = arith.constant 0 : i32
      %dma_wait3A_172 = arith.constant 0 : i32
      %dma_wait3A_173 = tpu.memref_slice %arg8[%scan3A_170, %dma_wait3A, %dma_wait3A_172] : memref<16x64x16xf32, #tpu.memory_space<vmem>> -> memref<1x64x16xf32, #tpu.memory_space<vmem>>
      %dma_wait3A_174 = tpu.memref_squeeze %dma_wait3A_173 : memref<1x64x16xf32, #tpu.memory_space<vmem>> -> memref<64x16xf32, #tpu.memory_space<vmem>>
      %dma_wait3A_175 = arith.constant 0 : i32
      %dma_wait3A_176 = arith.constant 0 : i32
      %dma_wait3A_177 = tpu.memref_slice %arg4[%dma_wait3A_175, %dma_wait3A_176] : memref<1000448x16xf32, #tpu.memory_space<hbm>> -> memref<64x16xf32, #tpu.memory_space<hbm>>
      %dma_wait3A_178 = arith.constant 0 : i32
      %dma_wait3A_179 = arith.constant 0 : i32
      %dma_wait3A_180 = tpu.memref_slice %arg8[%scan3A_170, %dma_wait3A_178, %dma_wait3A_179] : memref<16x64x16xf32, #tpu.memory_space<vmem>> -> memref<1x64x16xf32, #tpu.memory_space<vmem>>
      %dma_wait3A_181 = tpu.memref_squeeze %dma_wait3A_180 : memref<1x64x16xf32, #tpu.memory_space<vmem>> -> memref<64x16xf32, #tpu.memory_space<vmem>>
      %dma_wait3A_182 = arith.constant 0 : i32
      %dma_wait3A_183 = arith.constant 0 : i32
      %dma_wait3A_184 = tpu.memref_slice %arg4[%dma_wait3A_182, %dma_wait3A_183] : memref<1000448x16xf32, #tpu.memory_space<hbm>> -> memref<64x16xf32, #tpu.memory_space<hbm>>
      tpu.wait_dma2 semaphore(%arg10 : memref<!tpu.dma_semaphore, #tpu.memory_space<semaphore_mem>>) src(%dma_wait3A_184 : memref<64x16xf32, #tpu.memory_space<hbm>>) dst(%dma_wait3A_181 : memref<64x16xf32, #tpu.memory_space<vmem>>)
      %scan3A_185 = arith.constant 0 : i32
      scf.yield %scan3A_185 : i32
    }
    %scan3A_15 = arith.constant 16 : i32
    %scan3A_16 = arith.constant 0 : i32
    %scan3A_17 = arith.constant 0 : i32
    %scan3A_18 = arith.constant 16 : i32
    %scan3A_19 = arith.addi %scan3A_17, %scan3A_18 : i32
    %scan3A_20 = arith.constant 1 : i32
    %scan3A_21 = scf.for %scan3A_170 = %scan3A_17 to %scan3A_19 step %scan3A_20 iter_args(%scan3A_171 = %scan3A_16) -> (i32)  : i32 {
      %broadcast_in_dim3A = vector.broadcast %scan3A_170 : i32 to vector<16xi32>
      %iota3A = tpu.iota {dimensions = array<i32: 0>} : vector<16xi32>
      %add3A_172 = arith.constant 0 : i32
      %add3A_173 = vector.broadcast %add3A_172 : i32 to vector<16xi32>
      %add3A_174 = arith.addi %iota3A, %add3A_173 : vector<16xi32>
      %get3A = arith.constant 0 : i32
      %get3A_175 = arith.index_cast %get3A : i32 to index
      %get3A_176 = arith.constant 0 : index
      %get3A_177 = tpu.vector_load %arg7[%get3A_175, %get3A_176] {strides = array<i32>} : memref<8x64xi32, #tpu.memory_space<vmem>>, vector<16xi32>,
      %gather3A = tpu.vector_load_idx %arg8[%broadcast_in_dim3A, %add3A_174, %get3A_177] : memref<16x64x16xf32, #tpu.memory_space<vmem>>[vector<16xi32>, vector<16xi32>, vector<16xi32>], vector<16xf32>,
      %swap3A = arith.index_cast %scan3A_170 : i32 to index
      %swap3A_178 = arith.constant 0 : index
      %swap3A_179 = tpu.vector_load %arg9[%swap3A, %swap3A_178] {strides = array<i32>} : memref<16x512xf32, #tpu.memory_space<vmem>>, vector<16xf32>,
      tpu.vector_store %arg9[%swap3A, %swap3A_178], %gather3A {strides = array<i32>} : memref<16x512xf32, #tpu.memory_space<vmem>>, vector<16xf32>,
      %iota3A_180 = tpu.iota {dimensions = array<i32: 0>} : vector<16xi32>
      %add3A_181 = arith.constant 16 : i32
      %add3A_182 = vector.broadcast %add3A_181 : i32 to vector<16xi32>
      %add3A_183 = arith.addi %iota3A_180, %add3A_182 : vector<16xi32>
      %get3A_184 = arith.constant 0 : i32
      %get3A_185 = arith.index_cast %get3A_184 : i32 to index
      %get3A_186 = arith.constant 16 : index
      %get3A_187 = tpu.vector_load %arg7[%get3A_185, %get3A_186] {strides = array<i32>} : memref<8x64xi32, #tpu.memory_space<vmem>>, vector<16xi32>,
      %gather3A_188 = tpu.vector_load_idx %arg8[%broadcast_in_dim3A, %add3A_183, %get3A_187] : memref<16x64x16xf32, #tpu.memory_space<vmem>>[vector<16xi32>, vector<16xi32>, vector<16xi32>], vector<16xf32>,
      %swap3A_189 = arith.index_cast %scan3A_170 : i32 to index
      %swap3A_190 = arith.constant 16 : index
      %swap3A_191 = tpu.vector_load %arg9[%swap3A_189, %swap3A_190] {strides = array<i32>} : memref<16x512xf32, #tpu.memory_space<vmem>>, vector<16xf32>,
      tpu.vector_store %arg9[%swap3A_189, %swap3A_190], %gather3A_188 {strides = array<i32>} : memref<16x512xf32, #tpu.memory_space<vmem>>, vector<16xf32>,
      %iota3A_192 = tpu.iota {dimensions = array<i32: 0>} : vector<16xi32>
      %add3A_193 = arith.constant 32 : i32
      %add3A_194 = vector.broadcast %add3A_193 : i32 to vector<16xi32>
      %add3A_195 = arith.addi %iota3A_192, %add3A_194 : vector<16xi32>
      %get3A_196 = arith.constant 0 : i32
      %get3A_197 = arith.index_cast %get3A_196 : i32 to index
      %get3A_198 = arith.constant 32 : index
      %get3A_199 = tpu.vector_load %arg7[%get3A_197, %get3A_198] {strides = array<i32>} : memref<8x64xi32, #tpu.memory_space<vmem>>, vector<16xi32>,
      %gather3A_200 = tpu.vector_load_idx %arg8[%broadcast_in_dim3A, %add3A_195, %get3A_199] : memref<16x64x16xf32, #tpu.memory_space<vmem>>[vector<16xi32>, vector<16xi32>, vector<16xi32>], vector<16xf32>,
      %swap3A_201 = arith.index_cast %scan3A_170 : i32 to index
      %swap3A_202 = arith.constant 32 : index
      %swap3A_203 = tpu.vector_load %arg9[%swap3A_201, %swap3A_202] {strides = array<i32>} : memref<16x512xf32, #tpu.memory_space<vmem>>, vector<16xf32>,
      tpu.vector_store %arg9[%swap3A_201, %swap3A_202], %gather3A_200 {strides = array<i32>} : memref<16x512xf32, #tpu.memory_space<vmem>>, vector<16xf32>,
      %iota3A_204 = tpu.iota {dimensions = array<i32: 0>} : vector<16xi32>
      %add3A_205 = arith.constant 48 : i32
      %add3A_206 = vector.broadcast %add3A_205 : i32 to vector<16xi32>
      %add3A_207 = arith.addi %iota3A_204, %add3A_206 : vector<16xi32>
      %get3A_208 = arith.constant 0 : i32
      %get3A_209 = arith.index_cast %get3A_208 : i32 to index
      %get3A_210 = arith.constant 48 : index
      %get3A_211 = tpu.vector_load %arg7[%get3A_209, %get3A_210] {strides = array<i32>} : memref<8x64xi32, #tpu.memory_space<vmem>>, vector<16xi32>,
      %gather3A_212 = tpu.vector_load_idx %arg8[%broadcast_in_dim3A, %add3A_207, %get3A_211] : memref<16x64x16xf32, #tpu.memory_space<vmem>>[vector<16xi32>, vector<16xi32>, vector<16xi32>], vector<16xf32>,
      %swap3A_213 = arith.index_cast %scan3A_170 : i32 to index
      %swap3A_214 = arith.constant 48 : index
      %swap3A_215 = tpu.vector_load %arg9[%swap3A_213, %swap3A_214] {strides = array<i32>} : memref<16x512xf32, #tpu.memory_space<vmem>>, vector<16xf32>,
      tpu.vector_store %arg9[%swap3A_213, %swap3A_214], %gather3A_212 {strides = array<i32>} : memref<16x512xf32, #tpu.memory_space<vmem>>, vector<16xf32>,
      %scan3A_216 = arith.constant 0 : i32
      scf.yield %scan3A_216 : i32
    }
    %scan3A_22 = arith.constant 16 : i32
    %scan3A_23 = arith.constant 0 : i32
    %scan3A_24 = arith.constant 0 : i32
    %scan3A_25 = arith.constant 16 : i32
    %scan3A_26 = arith.addi %scan3A_24, %scan3A_25 : i32
    %scan3A_27 = arith.constant 1 : i32
    %scan3A_28 = scf.for %scan3A_170 = %scan3A_24 to %scan3A_26 step %scan3A_27 iter_args(%scan3A_171 = %scan3A_23) -> (i32)  : i32 {
      %dma_start3A = arith.constant 1 : i32
      %dma_start3A_172 = arith.constant 0 : i32
      %dma_start3A_173 = arith.constant 0 : i32
      %dma_start3A_174 = tpu.memref_slice %arg8[%scan3A_170, %dma_start3A_172, %dma_start3A_173] : memref<16x64x16xf32, #tpu.memory_space<vmem>> -> memref<1x64x16xf32, #tpu.memory_space<vmem>>
      %dma_start3A_175 = tpu.memref_squeeze %dma_start3A_174 : memref<1x64x16xf32, #tpu.memory_space<vmem>> -> memref<64x16xf32, #tpu.memory_space<vmem>>
      %dma_start3A_176 = arith.constant 0 : i32
      %dma_start3A_177 = tpu.memref_slice %arg6[%scan3A_170, %dma_start3A, %dma_start3A_176] : memref<16x8x64xi32, #tpu.memory_space<vmem>> -> memref<1x1x64xi32, #tpu.memory_space<vmem>>
      %dma_start3A_178 = tpu.memref_squeeze %dma_start3A_177 : memref<1x1x64xi32, #tpu.memory_space<vmem>> -> memref<64xi32, #tpu.memory_space<vmem>>
      %dma_start3A_179 = arith.constant 0 : i32
      %dma_start3A_180 = arith.constant 0 : i32
      %dma_start3A_181 = tpu.memref_slice %arg4[%dma_start3A_179, %dma_start3A_180] : memref<1000448x16xf32, #tpu.memory_space<hbm>> -> memref<1000448x16xf32, #tpu.memory_space<hbm>>
      tpu.enqueue_indirect_dma source(%dma_start3A_181 : memref<1000448x16xf32, #tpu.memory_space<hbm>>) target(%dma_start3A_175 : memref<64x16xf32, #tpu.memory_space<vmem>>) offsets(%dma_start3A_178 : memref<64xi32, #tpu.memory_space<vmem>>) semaphore(%arg10 : memref<!tpu.dma_semaphore, #tpu.memory_space<semaphore_mem>>)
      %scan3A_182 = arith.constant 0 : i32
      scf.yield %scan3A_182 : i32
    }
    %scan3A_29 = arith.constant 16 : i32
    %scan3A_30 = arith.constant 0 : i32
    %scan3A_31 = arith.constant 0 : i32
    %scan3A_32 = arith.constant 16 : i32
    %scan3A_33 = arith.addi %scan3A_31, %scan3A_32 : i32
    %scan3A_34 = arith.constant 1 : i32
    %scan3A_35 = scf.for %scan3A_170 = %scan3A_31 to %scan3A_33 step %scan3A_34 iter_args(%scan3A_171 = %scan3A_30) -> (i32)  : i32 {
      %dma_wait3A = arith.constant 0 : i32
      %dma_wait3A_172 = arith.constant 0 : i32
      %dma_wait3A_173 = tpu.memref_slice %arg8[%scan3A_170, %dma_wait3A, %dma_wait3A_172] : memref<16x64x16xf32, #tpu.memory_space<vmem>> -> memref<1x64x16xf32, #tpu.memory_space<vmem>>
      %dma_wait3A_174 = tpu.memref_squeeze %dma_wait3A_173 : memref<1x64x16xf32, #tpu.memory_space<vmem>> -> memref<64x16xf32, #tpu.memory_space<vmem>>
      %dma_wait3A_175 = arith.constant 0 : i32
      %dma_wait3A_176 = arith.constant 0 : i32
      %dma_wait3A_177 = tpu.memref_slice %arg4[%dma_wait3A_175, %dma_wait3A_176] : memref<1000448x16xf32, #tpu.memory_space<hbm>> -> memref<64x16xf32, #tpu.memory_space<hbm>>
      %dma_wait3A_178 = arith.constant 0 : i32
      %dma_wait3A_179 = arith.constant 0 : i32
      %dma_wait3A_180 = tpu.memref_slice %arg8[%scan3A_170, %dma_wait3A_178, %dma_wait3A_179] : memref<16x64x16xf32, #tpu.memory_space<vmem>> -> memref<1x64x16xf32, #tpu.memory_space<vmem>>
      %dma_wait3A_181 = tpu.memref_squeeze %dma_wait3A_180 : memref<1x64x16xf32, #tpu.memory_space<vmem>> -> memref<64x16xf32, #tpu.memory_space<vmem>>
      %dma_wait3A_182 = arith.constant 0 : i32
      %dma_wait3A_183 = arith.constant 0 : i32
      %dma_wait3A_184 = tpu.memref_slice %arg4[%dma_wait3A_182, %dma_wait3A_183] : memref<1000448x16xf32, #tpu.memory_space<hbm>> -> memref<64x16xf32, #tpu.memory_space<hbm>>
      tpu.wait_dma2 semaphore(%arg10 : memref<!tpu.dma_semaphore, #tpu.memory_space<semaphore_mem>>) src(%dma_wait3A_184 : memref<64x16xf32, #tpu.memory_space<hbm>>) dst(%dma_wait3A_181 : memref<64x16xf32, #tpu.memory_space<vmem>>)
      %scan3A_185 = arith.constant 0 : i32
      scf.yield %scan3A_185 : i32
    }
    %scan3A_36 = arith.constant 16 : i32
    %scan3A_37 = arith.constant 0 : i32
    %scan3A_38 = arith.constant 0 : i32
    %scan3A_39 = arith.constant 16 : i32
    %scan3A_40 = arith.addi %scan3A_38, %scan3A_39 : i32
    %scan3A_41 = arith.constant 1 : i32
    %scan3A_42 = scf.for %scan3A_170 = %scan3A_38 to %scan3A_40 step %scan3A_41 iter_args(%scan3A_171 = %scan3A_37) -> (i32)  : i32 {
      %broadcast_in_dim3A = vector.broadcast %scan3A_170 : i32 to vector<16xi32>
      %iota3A = tpu.iota {dimensions = array<i32: 0>} : vector<16xi32>
      %add3A_172 = arith.constant 0 : i32
      %add3A_173 = vector.broadcast %add3A_172 : i32 to vector<16xi32>
      %add3A_174 = arith.addi %iota3A, %add3A_173 : vector<16xi32>
      %get3A = arith.constant 1 : i32
      %get3A_175 = arith.index_cast %get3A : i32 to index
      %get3A_176 = arith.constant 0 : index
      %get3A_177 = tpu.vector_load %arg7[%get3A_175, %get3A_176] {strides = array<i32>} : memref<8x64xi32, #tpu.memory_space<vmem>>, vector<16xi32>,
      %gather3A = tpu.vector_load_idx %arg8[%broadcast_in_dim3A, %add3A_174, %get3A_177] : memref<16x64x16xf32, #tpu.memory_space<vmem>>[vector<16xi32>, vector<16xi32>, vector<16xi32>], vector<16xf32>,
      %swap3A = arith.index_cast %scan3A_170 : i32 to index
      %swap3A_178 = arith.constant 64 : index
      %swap3A_179 = tpu.vector_load %arg9[%swap3A, %swap3A_178] {strides = array<i32>} : memref<16x512xf32, #tpu.memory_space<vmem>>, vector<16xf32>,
      tpu.vector_store %arg9[%swap3A, %swap3A_178], %gather3A {strides = array<i32>} : memref<16x512xf32, #tpu.memory_space<vmem>>, vector<16xf32>,
      %iota3A_180 = tpu.iota {dimensions = array<i32: 0>} : vector<16xi32>
      %add3A_181 = arith.constant 16 : i32
      %add3A_182 = vector.broadcast %add3A_181 : i32 to vector<16xi32>
      %add3A_183 = arith.addi %iota3A_180, %add3A_182 : vector<16xi32>
      %get3A_184 = arith.constant 1 : i32
      %get3A_185 = arith.index_cast %get3A_184 : i32 to index
      %get3A_186 = arith.constant 16 : index
      %get3A_187 = tpu.vector_load %arg7[%get3A_185, %get3A_186] {strides = array<i32>} : memref<8x64xi32, #tpu.memory_space<vmem>>, vector<16xi32>,
      %gather3A_188 = tpu.vector_load_idx %arg8[%broadcast_in_dim3A, %add3A_183, %get3A_187] : memref<16x64x16xf32, #tpu.memory_space<vmem>>[vector<16xi32>, vector<16xi32>, vector<16xi32>], vector<16xf32>,
      %swap3A_189 = arith.index_cast %scan3A_170 : i32 to index
      %swap3A_190 = arith.constant 80 : index
      %swap3A_191 = tpu.vector_load %arg9[%swap3A_189, %swap3A_190] {strides = array<i32>} : memref<16x512xf32, #tpu.memory_space<vmem>>, vector<16xf32>,
      tpu.vector_store %arg9[%swap3A_189, %swap3A_190], %gather3A_188 {strides = array<i32>} : memref<16x512xf32, #tpu.memory_space<vmem>>, vector<16xf32>,
      %iota3A_192 = tpu.iota {dimensions = array<i32: 0>} : vector<16xi32>
      %add3A_193 = arith.constant 32 : i32
      %add3A_194 = vector.broadcast %add3A_193 : i32 to vector<16xi32>
      %add3A_195 = arith.addi %iota3A_192, %add3A_194 : vector<16xi32>
      %get3A_196 = arith.constant 1 : i32
      %get3A_197 = arith.index_cast %get3A_196 : i32 to index
      %get3A_198 = arith.constant 32 : index
      %get3A_199 = tpu.vector_load %arg7[%get3A_197, %get3A_198] {strides = array<i32>} : memref<8x64xi32, #tpu.memory_space<vmem>>, vector<16xi32>,
      %gather3A_200 = tpu.vector_load_idx %arg8[%broadcast_in_dim3A, %add3A_195, %get3A_199] : memref<16x64x16xf32, #tpu.memory_space<vmem>>[vector<16xi32>, vector<16xi32>, vector<16xi32>], vector<16xf32>,
      %swap3A_201 = arith.index_cast %scan3A_170 : i32 to index
      %swap3A_202 = arith.constant 96 : index
      %swap3A_203 = tpu.vector_load %arg9[%swap3A_201, %swap3A_202] {strides = array<i32>} : memref<16x512xf32, #tpu.memory_space<vmem>>, vector<16xf32>,
      tpu.vector_store %arg9[%swap3A_201, %swap3A_202], %gather3A_200 {strides = array<i32>} : memref<16x512xf32, #tpu.memory_space<vmem>>, vector<16xf32>,
      %iota3A_204 = tpu.iota {dimensions = array<i32: 0>} : vector<16xi32>
      %add3A_205 = arith.constant 48 : i32
      %add3A_206 = vector.broadcast %add3A_205 : i32 to vector<16xi32>
      %add3A_207 = arith.addi %iota3A_204, %add3A_206 : vector<16xi32>
      %get3A_208 = arith.constant 1 : i32
      %get3A_209 = arith.index_cast %get3A_208 : i32 to index
      %get3A_210 = arith.constant 48 : index
      %get3A_211 = tpu.vector_load %arg7[%get3A_209, %get3A_210] {strides = array<i32>} : memref<8x64xi32, #tpu.memory_space<vmem>>, vector<16xi32>,
      %gather3A_212 = tpu.vector_load_idx %arg8[%broadcast_in_dim3A, %add3A_207, %get3A_211] : memref<16x64x16xf32, #tpu.memory_space<vmem>>[vector<16xi32>, vector<16xi32>, vector<16xi32>], vector<16xf32>,
      %swap3A_213 = arith.index_cast %scan3A_170 : i32 to index
      %swap3A_214 = arith.constant 112 : index
      %swap3A_215 = tpu.vector_load %arg9[%swap3A_213, %swap3A_214] {strides = array<i32>} : memref<16x512xf32, #tpu.memory_space<vmem>>, vector<16xf32>,
      tpu.vector_store %arg9[%swap3A_213, %swap3A_214], %gather3A_212 {strides = array<i32>} : memref<16x512xf32, #tpu.memory_space<vmem>>, vector<16xf32>,
      %scan3A_216 = arith.constant 0 : i32
      scf.yield %scan3A_216 : i32
    }
    %scan3A_43 = arith.constant 16 : i32
    %scan3A_44 = arith.constant 0 : i32
    %scan3A_45 = arith.constant 0 : i32
    %scan3A_46 = arith.constant 16 : i32
    %scan3A_47 = arith.addi %scan3A_45, %scan3A_46 : i32
    %scan3A_48 = arith.constant 1 : i32
    %scan3A_49 = scf.for %scan3A_170 = %scan3A_45 to %scan3A_47 step %scan3A_48 iter_args(%scan3A_171 = %scan3A_44) -> (i32)  : i32 {
      %dma_start3A = arith.constant 2 : i32
      %dma_start3A_172 = arith.constant 0 : i32
      %dma_start3A_173 = arith.constant 0 : i32
      %dma_start3A_174 = tpu.memref_slice %arg8[%scan3A_170, %dma_start3A_172, %dma_start3A_173] : memref<16x64x16xf32, #tpu.memory_space<vmem>> -> memref<1x64x16xf32, #tpu.memory_space<vmem>>
      %dma_start3A_175 = tpu.memref_squeeze %dma_start3A_174 : memref<1x64x16xf32, #tpu.memory_space<vmem>> -> memref<64x16xf32, #tpu.memory_space<vmem>>
      %dma_start3A_176 = arith.constant 0 : i32
      %dma_start3A_177 = tpu.memref_slice %arg6[%scan3A_170, %dma_start3A, %dma_start3A_176] : memref<16x8x64xi32, #tpu.memory_space<vmem>> -> memref<1x1x64xi32, #tpu.memory_space<vmem>>
      %dma_start3A_178 = tpu.memref_squeeze %dma_start3A_177 : memref<1x1x64xi32, #tpu.memory_space<vmem>> -> memref<64xi32, #tpu.memory_space<vmem>>
      %dma_start3A_179 = arith.constant 0 : i32
      %dma_start3A_180 = arith.constant 0 : i32
      %dma_start3A_181 = tpu.memref_slice %arg4[%dma_start3A_179, %dma_start3A_180] : memref<1000448x16xf32, #tpu.memory_space<hbm>> -> memref<1000448x16xf32, #tpu.memory_space<hbm>>
      tpu.enqueue_indirect_dma source(%dma_start3A_181 : memref<1000448x16xf32, #tpu.memory_space<hbm>>) target(%dma_start3A_175 : memref<64x16xf32, #tpu.memory_space<vmem>>) offsets(%dma_start3A_178 : memref<64xi32, #tpu.memory_space<vmem>>) semaphore(%arg10 : memref<!tpu.dma_semaphore, #tpu.memory_space<semaphore_mem>>)
      %scan3A_182 = arith.constant 0 : i32
      scf.yield %scan3A_182 : i32
    }
    %scan3A_50 = arith.constant 16 : i32
    %scan3A_51 = arith.constant 0 : i32
    %scan3A_52 = arith.constant 0 : i32
    %scan3A_53 = arith.constant 16 : i32
    %scan3A_54 = arith.addi %scan3A_52, %scan3A_53 : i32
    %scan3A_55 = arith.constant 1 : i32
    %scan3A_56 = scf.for %scan3A_170 = %scan3A_52 to %scan3A_54 step %scan3A_55 iter_args(%scan3A_171 = %scan3A_51) -> (i32)  : i32 {
      %dma_wait3A = arith.constant 0 : i32
      %dma_wait3A_172 = arith.constant 0 : i32
      %dma_wait3A_173 = tpu.memref_slice %arg8[%scan3A_170, %dma_wait3A, %dma_wait3A_172] : memref<16x64x16xf32, #tpu.memory_space<vmem>> -> memref<1x64x16xf32, #tpu.memory_space<vmem>>
      %dma_wait3A_174 = tpu.memref_squeeze %dma_wait3A_173 : memref<1x64x16xf32, #tpu.memory_space<vmem>> -> memref<64x16xf32, #tpu.memory_space<vmem>>
      %dma_wait3A_175 = arith.constant 0 : i32
      %dma_wait3A_176 = arith.constant 0 : i32
      %dma_wait3A_177 = tpu.memref_slice %arg4[%dma_wait3A_175, %dma_wait3A_176] : memref<1000448x16xf32, #tpu.memory_space<hbm>> -> memref<64x16xf32, #tpu.memory_space<hbm>>
      %dma_wait3A_178 = arith.constant 0 : i32
      %dma_wait3A_179 = arith.constant 0 : i32
      %dma_wait3A_180 = tpu.memref_slice %arg8[%scan3A_170, %dma_wait3A_178, %dma_wait3A_179] : memref<16x64x16xf32, #tpu.memory_space<vmem>> -> memref<1x64x16xf32, #tpu.memory_space<vmem>>
      %dma_wait3A_181 = tpu.memref_squeeze %dma_wait3A_180 : memref<1x64x16xf32, #tpu.memory_space<vmem>> -> memref<64x16xf32, #tpu.memory_space<vmem>>
      %dma_wait3A_182 = arith.constant 0 : i32
      %dma_wait3A_183 = arith.constant 0 : i32
      %dma_wait3A_184 = tpu.memref_slice %arg4[%dma_wait3A_182, %dma_wait3A_183] : memref<1000448x16xf32, #tpu.memory_space<hbm>> -> memref<64x16xf32, #tpu.memory_space<hbm>>
      tpu.wait_dma2 semaphore(%arg10 : memref<!tpu.dma_semaphore, #tpu.memory_space<semaphore_mem>>) src(%dma_wait3A_184 : memref<64x16xf32, #tpu.memory_space<hbm>>) dst(%dma_wait3A_181 : memref<64x16xf32, #tpu.memory_space<vmem>>)
      %scan3A_185 = arith.constant 0 : i32
      scf.yield %scan3A_185 : i32
    }
    %scan3A_57 = arith.constant 16 : i32
    %scan3A_58 = arith.constant 0 : i32
    %scan3A_59 = arith.constant 0 : i32
    %scan3A_60 = arith.constant 16 : i32
    %scan3A_61 = arith.addi %scan3A_59, %scan3A_60 : i32
    %scan3A_62 = arith.constant 1 : i32
    %scan3A_63 = scf.for %scan3A_170 = %scan3A_59 to %scan3A_61 step %scan3A_62 iter_args(%scan3A_171 = %scan3A_58) -> (i32)  : i32 {
      %broadcast_in_dim3A = vector.broadcast %scan3A_170 : i32 to vector<16xi32>
      %iota3A = tpu.iota {dimensions = array<i32: 0>} : vector<16xi32>
      %add3A_172 = arith.constant 0 : i32
      %add3A_173 = vector.broadcast %add3A_172 : i32 to vector<16xi32>
      %add3A_174 = arith.addi %iota3A, %add3A_173 : vector<16xi32>
      %get3A = arith.constant 2 : i32
      %get3A_175 = arith.index_cast %get3A : i32 to index
      %get3A_176 = arith.constant 0 : index
      %get3A_177 = tpu.vector_load %arg7[%get3A_175, %get3A_176] {strides = array<i32>} : memref<8x64xi32, #tpu.memory_space<vmem>>, vector<16xi32>,
      %gather3A = tpu.vector_load_idx %arg8[%broadcast_in_dim3A, %add3A_174, %get3A_177] : memref<16x64x16xf32, #tpu.memory_space<vmem>>[vector<16xi32>, vector<16xi32>, vector<16xi32>], vector<16xf32>,
      %swap3A = arith.index_cast %scan3A_170 : i32 to index
      %swap3A_178 = arith.constant 128 : index
      %swap3A_179 = tpu.vector_load %arg9[%swap3A, %swap3A_178] {strides = array<i32>} : memref<16x512xf32, #tpu.memory_space<vmem>>, vector<16xf32>,
      tpu.vector_store %arg9[%swap3A, %swap3A_178], %gather3A {strides = array<i32>} : memref<16x512xf32, #tpu.memory_space<vmem>>, vector<16xf32>,
      %iota3A_180 = tpu.iota {dimensions = array<i32: 0>} : vector<16xi32>
      %add3A_181 = arith.constant 16 : i32
      %add3A_182 = vector.broadcast %add3A_181 : i32 to vector<16xi32>
      %add3A_183 = arith.addi %iota3A_180, %add3A_182 : vector<16xi32>
      %get3A_184 = arith.constant 2 : i32
      %get3A_185 = arith.index_cast %get3A_184 : i32 to index
      %get3A_186 = arith.constant 16 : index
      %get3A_187 = tpu.vector_load %arg7[%get3A_185, %get3A_186] {strides = array<i32>} : memref<8x64xi32, #tpu.memory_space<vmem>>, vector<16xi32>,
      %gather3A_188 = tpu.vector_load_idx %arg8[%broadcast_in_dim3A, %add3A_183, %get3A_187] : memref<16x64x16xf32, #tpu.memory_space<vmem>>[vector<16xi32>, vector<16xi32>, vector<16xi32>], vector<16xf32>,
      %swap3A_189 = arith.index_cast %scan3A_170 : i32 to index
      %swap3A_190 = arith.constant 144 : index
      %swap3A_191 = tpu.vector_load %arg9[%swap3A_189, %swap3A_190] {strides = array<i32>} : memref<16x512xf32, #tpu.memory_space<vmem>>, vector<16xf32>,
      tpu.vector_store %arg9[%swap3A_189, %swap3A_190], %gather3A_188 {strides = array<i32>} : memref<16x512xf32, #tpu.memory_space<vmem>>, vector<16xf32>,
      %iota3A_192 = tpu.iota {dimensions = array<i32: 0>} : vector<16xi32>
      %add3A_193 = arith.constant 32 : i32
      %add3A_194 = vector.broadcast %add3A_193 : i32 to vector<16xi32>
      %add3A_195 = arith.addi %iota3A_192, %add3A_194 : vector<16xi32>
      %get3A_196 = arith.constant 2 : i32
      %get3A_197 = arith.index_cast %get3A_196 : i32 to index
      %get3A_198 = arith.constant 32 : index
      %get3A_199 = tpu.vector_load %arg7[%get3A_197, %get3A_198] {strides = array<i32>} : memref<8x64xi32, #tpu.memory_space<vmem>>, vector<16xi32>,
      %gather3A_200 = tpu.vector_load_idx %arg8[%broadcast_in_dim3A, %add3A_195, %get3A_199] : memref<16x64x16xf32, #tpu.memory_space<vmem>>[vector<16xi32>, vector<16xi32>, vector<16xi32>], vector<16xf32>,
      %swap3A_201 = arith.index_cast %scan3A_170 : i32 to index
      %swap3A_202 = arith.constant 160 : index
      %swap3A_203 = tpu.vector_load %arg9[%swap3A_201, %swap3A_202] {strides = array<i32>} : memref<16x512xf32, #tpu.memory_space<vmem>>, vector<16xf32>,
      tpu.vector_store %arg9[%swap3A_201, %swap3A_202], %gather3A_200 {strides = array<i32>} : memref<16x512xf32, #tpu.memory_space<vmem>>, vector<16xf32>,
      %iota3A_204 = tpu.iota {dimensions = array<i32: 0>} : vector<16xi32>
      %add3A_205 = arith.constant 48 : i32
      %add3A_206 = vector.broadcast %add3A_205 : i32 to vector<16xi32>
      %add3A_207 = arith.addi %iota3A_204, %add3A_206 : vector<16xi32>
      %get3A_208 = arith.constant 2 : i32
      %get3A_209 = arith.index_cast %get3A_208 : i32 to index
      %get3A_210 = arith.constant 48 : index
      %get3A_211 = tpu.vector_load %arg7[%get3A_209, %get3A_210] {strides = array<i32>} : memref<8x64xi32, #tpu.memory_space<vmem>>, vector<16xi32>,
      %gather3A_212 = tpu.vector_load_idx %arg8[%broadcast_in_dim3A, %add3A_207, %get3A_211] : memref<16x64x16xf32, #tpu.memory_space<vmem>>[vector<16xi32>, vector<16xi32>, vector<16xi32>], vector<16xf32>,
      %swap3A_213 = arith.index_cast %scan3A_170 : i32 to index
      %swap3A_214 = arith.constant 176 : index
      %swap3A_215 = tpu.vector_load %arg9[%swap3A_213, %swap3A_214] {strides = array<i32>} : memref<16x512xf32, #tpu.memory_space<vmem>>, vector<16xf32>,
      tpu.vector_store %arg9[%swap3A_213, %swap3A_214], %gather3A_212 {strides = array<i32>} : memref<16x512xf32, #tpu.memory_space<vmem>>, vector<16xf32>,
      %scan3A_216 = arith.constant 0 : i32
      scf.yield %scan3A_216 : i32
    }
    %scan3A_64 = arith.constant 16 : i32
    %scan3A_65 = arith.constant 0 : i32
    %scan3A_66 = arith.constant 0 : i32
    %scan3A_67 = arith.constant 16 : i32
    %scan3A_68 = arith.addi %scan3A_66, %scan3A_67 : i32
    %scan3A_69 = arith.constant 1 : i32
    %scan3A_70 = scf.for %scan3A_170 = %scan3A_66 to %scan3A_68 step %scan3A_69 iter_args(%scan3A_171 = %scan3A_65) -> (i32)  : i32 {
      %dma_start3A = arith.constant 3 : i32
      %dma_start3A_172 = arith.constant 0 : i32
      %dma_start3A_173 = arith.constant 0 : i32
      %dma_start3A_174 = tpu.memref_slice %arg8[%scan3A_170, %dma_start3A_172, %dma_start3A_173] : memref<16x64x16xf32, #tpu.memory_space<vmem>> -> memref<1x64x16xf32, #tpu.memory_space<vmem>>
      %dma_start3A_175 = tpu.memref_squeeze %dma_start3A_174 : memref<1x64x16xf32, #tpu.memory_space<vmem>> -> memref<64x16xf32, #tpu.memory_space<vmem>>
      %dma_start3A_176 = arith.constant 0 : i32
      %dma_start3A_177 = tpu.memref_slice %arg6[%scan3A_170, %dma_start3A, %dma_start3A_176] : memref<16x8x64xi32, #tpu.memory_space<vmem>> -> memref<1x1x64xi32, #tpu.memory_space<vmem>>
      %dma_start3A_178 = tpu.memref_squeeze %dma_start3A_177 : memref<1x1x64xi32, #tpu.memory_space<vmem>> -> memref<64xi32, #tpu.memory_space<vmem>>
      %dma_start3A_179 = arith.constant 0 : i32
      %dma_start3A_180 = arith.constant 0 : i32
      %dma_start3A_181 = tpu.memref_slice %arg4[%dma_start3A_179, %dma_start3A_180] : memref<1000448x16xf32, #tpu.memory_space<hbm>> -> memref<1000448x16xf32, #tpu.memory_space<hbm>>
      tpu.enqueue_indirect_dma source(%dma_start3A_181 : memref<1000448x16xf32, #tpu.memory_space<hbm>>) target(%dma_start3A_175 : memref<64x16xf32, #tpu.memory_space<vmem>>) offsets(%dma_start3A_178 : memref<64xi32, #tpu.memory_space<vmem>>) semaphore(%arg10 : memref<!tpu.dma_semaphore, #tpu.memory_space<semaphore_mem>>)
      %scan3A_182 = arith.constant 0 : i32
      scf.yield %scan3A_182 : i32
    }
    %scan3A_71 = arith.constant 16 : i32
    %scan3A_72 = arith.constant 0 : i32
    %scan3A_73 = arith.constant 0 : i32
    %scan3A_74 = arith.constant 16 : i32
    %scan3A_75 = arith.addi %scan3A_73, %scan3A_74 : i32
    %scan3A_76 = arith.constant 1 : i32
    %scan3A_77 = scf.for %scan3A_170 = %scan3A_73 to %scan3A_75 step %scan3A_76 iter_args(%scan3A_171 = %scan3A_72) -> (i32)  : i32 {
      %dma_wait3A = arith.constant 0 : i32
      %dma_wait3A_172 = arith.constant 0 : i32
      %dma_wait3A_173 = tpu.memref_slice %arg8[%scan3A_170, %dma_wait3A, %dma_wait3A_172] : memref<16x64x16xf32, #tpu.memory_space<vmem>> -> memref<1x64x16xf32, #tpu.memory_space<vmem>>
      %dma_wait3A_174 = tpu.memref_squeeze %dma_wait3A_173 : memref<1x64x16xf32, #tpu.memory_space<vmem>> -> memref<64x16xf32, #tpu.memory_space<vmem>>
      %dma_wait3A_175 = arith.constant 0 : i32
      %dma_wait3A_176 = arith.constant 0 : i32
      %dma_wait3A_177 = tpu.memref_slice %arg4[%dma_wait3A_175, %dma_wait3A_176] : memref<1000448x16xf32, #tpu.memory_space<hbm>> -> memref<64x16xf32, #tpu.memory_space<hbm>>
      %dma_wait3A_178 = arith.constant 0 : i32
      %dma_wait3A_179 = arith.constant 0 : i32
      %dma_wait3A_180 = tpu.memref_slice %arg8[%scan3A_170, %dma_wait3A_178, %dma_wait3A_179] : memref<16x64x16xf32, #tpu.memory_space<vmem>> -> memref<1x64x16xf32, #tpu.memory_space<vmem>>
      %dma_wait3A_181 = tpu.memref_squeeze %dma_wait3A_180 : memref<1x64x16xf32, #tpu.memory_space<vmem>> -> memref<64x16xf32, #tpu.memory_space<vmem>>
      %dma_wait3A_182 = arith.constant 0 : i32
      %dma_wait3A_183 = arith.constant 0 : i32
      %dma_wait3A_184 = tpu.memref_slice %arg4[%dma_wait3A_182, %dma_wait3A_183] : memref<1000448x16xf32, #tpu.memory_space<hbm>> -> memref<64x16xf32, #tpu.memory_space<hbm>>
      tpu.wait_dma2 semaphore(%arg10 : memref<!tpu.dma_semaphore, #tpu.memory_space<semaphore_mem>>) src(%dma_wait3A_184 : memref<64x16xf32, #tpu.memory_space<hbm>>) dst(%dma_wait3A_181 : memref<64x16xf32, #tpu.memory_space<vmem>>)
      %scan3A_185 = arith.constant 0 : i32
      scf.yield %scan3A_185 : i32
    }
    %scan3A_78 = arith.constant 16 : i32
    %scan3A_79 = arith.constant 0 : i32
    %scan3A_80 = arith.constant 0 : i32
    %scan3A_81 = arith.constant 16 : i32
    %scan3A_82 = arith.addi %scan3A_80, %scan3A_81 : i32
    %scan3A_83 = arith.constant 1 : i32
    %scan3A_84 = scf.for %scan3A_170 = %scan3A_80 to %scan3A_82 step %scan3A_83 iter_args(%scan3A_171 = %scan3A_79) -> (i32)  : i32 {
      %broadcast_in_dim3A = vector.broadcast %scan3A_170 : i32 to vector<16xi32>
      %iota3A = tpu.iota {dimensions = array<i32: 0>} : vector<16xi32>
      %add3A_172 = arith.constant 0 : i32
      %add3A_173 = vector.broadcast %add3A_172 : i32 to vector<16xi32>
      %add3A_174 = arith.addi %iota3A, %add3A_173 : vector<16xi32>
      %get3A = arith.constant 3 : i32
      %get3A_175 = arith.index_cast %get3A : i32 to index
      %get3A_176 = arith.constant 0 : index
      %get3A_177 = tpu.vector_load %arg7[%get3A_175, %get3A_176] {strides = array<i32>} : memref<8x64xi32, #tpu.memory_space<vmem>>, vector<16xi32>,
      %gather3A = tpu.vector_load_idx %arg8[%broadcast_in_dim3A, %add3A_174, %get3A_177] : memref<16x64x16xf32, #tpu.memory_space<vmem>>[vector<16xi32>, vector<16xi32>, vector<16xi32>], vector<16xf32>,
      %swap3A = arith.index_cast %scan3A_170 : i32 to index
      %swap3A_178 = arith.constant 192 : index
      %swap3A_179 = tpu.vector_load %arg9[%swap3A, %swap3A_178] {strides = array<i32>} : memref<16x512xf32, #tpu.memory_space<vmem>>, vector<16xf32>,
      tpu.vector_store %arg9[%swap3A, %swap3A_178], %gather3A {strides = array<i32>} : memref<16x512xf32, #tpu.memory_space<vmem>>, vector<16xf32>,
      %iota3A_180 = tpu.iota {dimensions = array<i32: 0>} : vector<16xi32>
      %add3A_181 = arith.constant 16 : i32
      %add3A_182 = vector.broadcast %add3A_181 : i32 to vector<16xi32>
      %add3A_183 = arith.addi %iota3A_180, %add3A_182 : vector<16xi32>
      %get3A_184 = arith.constant 3 : i32
      %get3A_185 = arith.index_cast %get3A_184 : i32 to index
      %get3A_186 = arith.constant 16 : index
      %get3A_187 = tpu.vector_load %arg7[%get3A_185, %get3A_186] {strides = array<i32>} : memref<8x64xi32, #tpu.memory_space<vmem>>, vector<16xi32>,
      %gather3A_188 = tpu.vector_load_idx %arg8[%broadcast_in_dim3A, %add3A_183, %get3A_187] : memref<16x64x16xf32, #tpu.memory_space<vmem>>[vector<16xi32>, vector<16xi32>, vector<16xi32>], vector<16xf32>,
      %swap3A_189 = arith.index_cast %scan3A_170 : i32 to index
      %swap3A_190 = arith.constant 208 : index
      %swap3A_191 = tpu.vector_load %arg9[%swap3A_189, %swap3A_190] {strides = array<i32>} : memref<16x512xf32, #tpu.memory_space<vmem>>, vector<16xf32>,
      tpu.vector_store %arg9[%swap3A_189, %swap3A_190], %gather3A_188 {strides = array<i32>} : memref<16x512xf32, #tpu.memory_space<vmem>>, vector<16xf32>,
      %iota3A_192 = tpu.iota {dimensions = array<i32: 0>} : vector<16xi32>
      %add3A_193 = arith.constant 32 : i32
      %add3A_194 = vector.broadcast %add3A_193 : i32 to vector<16xi32>
      %add3A_195 = arith.addi %iota3A_192, %add3A_194 : vector<16xi32>
      %get3A_196 = arith.constant 3 : i32
      %get3A_197 = arith.index_cast %get3A_196 : i32 to index
      %get3A_198 = arith.constant 32 : index
      %get3A_199 = tpu.vector_load %arg7[%get3A_197, %get3A_198] {strides = array<i32>} : memref<8x64xi32, #tpu.memory_space<vmem>>, vector<16xi32>,
      %gather3A_200 = tpu.vector_load_idx %arg8[%broadcast_in_dim3A, %add3A_195, %get3A_199] : memref<16x64x16xf32, #tpu.memory_space<vmem>>[vector<16xi32>, vector<16xi32>, vector<16xi32>], vector<16xf32>,
      %swap3A_201 = arith.index_cast %scan3A_170 : i32 to index
      %swap3A_202 = arith.constant 224 : index
      %swap3A_203 = tpu.vector_load %arg9[%swap3A_201, %swap3A_202] {strides = array<i32>} : memref<16x512xf32, #tpu.memory_space<vmem>>, vector<16xf32>,
      tpu.vector_store %arg9[%swap3A_201, %swap3A_202], %gather3A_200 {strides = array<i32>} : memref<16x512xf32, #tpu.memory_space<vmem>>, vector<16xf32>,
      %iota3A_204 = tpu.iota {dimensions = array<i32: 0>} : vector<16xi32>
      %add3A_205 = arith.constant 48 : i32
      %add3A_206 = vector.broadcast %add3A_205 : i32 to vector<16xi32>
      %add3A_207 = arith.addi %iota3A_204, %add3A_206 : vector<16xi32>
      %get3A_208 = arith.constant 3 : i32
      %get3A_209 = arith.index_cast %get3A_208 : i32 to index
      %get3A_210 = arith.constant 48 : index
      %get3A_211 = tpu.vector_load %arg7[%get3A_209, %get3A_210] {strides = array<i32>} : memref<8x64xi32, #tpu.memory_space<vmem>>, vector<16xi32>,
      %gather3A_212 = tpu.vector_load_idx %arg8[%broadcast_in_dim3A, %add3A_207, %get3A_211] : memref<16x64x16xf32, #tpu.memory_space<vmem>>[vector<16xi32>, vector<16xi32>, vector<16xi32>], vector<16xf32>,
      %swap3A_213 = arith.index_cast %scan3A_170 : i32 to index
      %swap3A_214 = arith.constant 240 : index
      %swap3A_215 = tpu.vector_load %arg9[%swap3A_213, %swap3A_214] {strides = array<i32>} : memref<16x512xf32, #tpu.memory_space<vmem>>, vector<16xf32>,
      tpu.vector_store %arg9[%swap3A_213, %swap3A_214], %gather3A_212 {strides = array<i32>} : memref<16x512xf32, #tpu.memory_space<vmem>>, vector<16xf32>,
      %scan3A_216 = arith.constant 0 : i32
      scf.yield %scan3A_216 : i32
    }
    %scan3A_85 = arith.constant 16 : i32
    %scan3A_86 = arith.constant 0 : i32
    %scan3A_87 = arith.constant 0 : i32
    %scan3A_88 = arith.constant 16 : i32
    %scan3A_89 = arith.addi %scan3A_87, %scan3A_88 : i32
    %scan3A_90 = arith.constant 1 : i32
    %scan3A_91 = scf.for %scan3A_170 = %scan3A_87 to %scan3A_89 step %scan3A_90 iter_args(%scan3A_171 = %scan3A_86) -> (i32)  : i32 {
      %dma_start3A = arith.constant 4 : i32
      %dma_start3A_172 = arith.constant 0 : i32
      %dma_start3A_173 = arith.constant 0 : i32
      %dma_start3A_174 = tpu.memref_slice %arg8[%scan3A_170, %dma_start3A_172, %dma_start3A_173] : memref<16x64x16xf32, #tpu.memory_space<vmem>> -> memref<1x64x16xf32, #tpu.memory_space<vmem>>
      %dma_start3A_175 = tpu.memref_squeeze %dma_start3A_174 : memref<1x64x16xf32, #tpu.memory_space<vmem>> -> memref<64x16xf32, #tpu.memory_space<vmem>>
      %dma_start3A_176 = arith.constant 0 : i32
      %dma_start3A_177 = tpu.memref_slice %arg6[%scan3A_170, %dma_start3A, %dma_start3A_176] : memref<16x8x64xi32, #tpu.memory_space<vmem>> -> memref<1x1x64xi32, #tpu.memory_space<vmem>>
      %dma_start3A_178 = tpu.memref_squeeze %dma_start3A_177 : memref<1x1x64xi32, #tpu.memory_space<vmem>> -> memref<64xi32, #tpu.memory_space<vmem>>
      %dma_start3A_179 = arith.constant 0 : i32
      %dma_start3A_180 = arith.constant 0 : i32
      %dma_start3A_181 = tpu.memref_slice %arg4[%dma_start3A_179, %dma_start3A_180] : memref<1000448x16xf32, #tpu.memory_space<hbm>> -> memref<1000448x16xf32, #tpu.memory_space<hbm>>
      tpu.enqueue_indirect_dma source(%dma_start3A_181 : memref<1000448x16xf32, #tpu.memory_space<hbm>>) target(%dma_start3A_175 : memref<64x16xf32, #tpu.memory_space<vmem>>) offsets(%dma_start3A_178 : memref<64xi32, #tpu.memory_space<vmem>>) semaphore(%arg10 : memref<!tpu.dma_semaphore, #tpu.memory_space<semaphore_mem>>)
      %scan3A_182 = arith.constant 0 : i32
      scf.yield %scan3A_182 : i32
    }
    %scan3A_92 = arith.constant 16 : i32
    %scan3A_93 = arith.constant 0 : i32
    %scan3A_94 = arith.constant 0 : i32
    %scan3A_95 = arith.constant 16 : i32
    %scan3A_96 = arith.addi %scan3A_94, %scan3A_95 : i32
    %scan3A_97 = arith.constant 1 : i32
    %scan3A_98 = scf.for %scan3A_170 = %scan3A_94 to %scan3A_96 step %scan3A_97 iter_args(%scan3A_171 = %scan3A_93) -> (i32)  : i32 {
      %dma_wait3A = arith.constant 0 : i32
      %dma_wait3A_172 = arith.constant 0 : i32
      %dma_wait3A_173 = tpu.memref_slice %arg8[%scan3A_170, %dma_wait3A, %dma_wait3A_172] : memref<16x64x16xf32, #tpu.memory_space<vmem>> -> memref<1x64x16xf32, #tpu.memory_space<vmem>>
      %dma_wait3A_174 = tpu.memref_squeeze %dma_wait3A_173 : memref<1x64x16xf32, #tpu.memory_space<vmem>> -> memref<64x16xf32, #tpu.memory_space<vmem>>
      %dma_wait3A_175 = arith.constant 0 : i32
      %dma_wait3A_176 = arith.constant 0 : i32
      %dma_wait3A_177 = tpu.memref_slice %arg4[%dma_wait3A_175, %dma_wait3A_176] : memref<1000448x16xf32, #tpu.memory_space<hbm>> -> memref<64x16xf32, #tpu.memory_space<hbm>>
      %dma_wait3A_178 = arith.constant 0 : i32
      %dma_wait3A_179 = arith.constant 0 : i32
      %dma_wait3A_180 = tpu.memref_slice %arg8[%scan3A_170, %dma_wait3A_178, %dma_wait3A_179] : memref<16x64x16xf32, #tpu.memory_space<vmem>> -> memref<1x64x16xf32, #tpu.memory_space<vmem>>
      %dma_wait3A_181 = tpu.memref_squeeze %dma_wait3A_180 : memref<1x64x16xf32, #tpu.memory_space<vmem>> -> memref<64x16xf32, #tpu.memory_space<vmem>>
      %dma_wait3A_182 = arith.constant 0 : i32
      %dma_wait3A_183 = arith.constant 0 : i32
      %dma_wait3A_184 = tpu.memref_slice %arg4[%dma_wait3A_182, %dma_wait3A_183] : memref<1000448x16xf32, #tpu.memory_space<hbm>> -> memref<64x16xf32, #tpu.memory_space<hbm>>
      tpu.wait_dma2 semaphore(%arg10 : memref<!tpu.dma_semaphore, #tpu.memory_space<semaphore_mem>>) src(%dma_wait3A_184 : memref<64x16xf32, #tpu.memory_space<hbm>>) dst(%dma_wait3A_181 : memref<64x16xf32, #tpu.memory_space<vmem>>)
      %scan3A_185 = arith.constant 0 : i32
      scf.yield %scan3A_185 : i32
    }
    %scan3A_99 = arith.constant 16 : i32
    %scan3A_100 = arith.constant 0 : i32
    %scan3A_101 = arith.constant 0 : i32
    %scan3A_102 = arith.constant 16 : i32
    %scan3A_103 = arith.addi %scan3A_101, %scan3A_102 : i32
    %scan3A_104 = arith.constant 1 : i32
    %scan3A_105 = scf.for %scan3A_170 = %scan3A_101 to %scan3A_103 step %scan3A_104 iter_args(%scan3A_171 = %scan3A_100) -> (i32)  : i32 {
      %broadcast_in_dim3A = vector.broadcast %scan3A_170 : i32 to vector<16xi32>
      %iota3A = tpu.iota {dimensions = array<i32: 0>} : vector<16xi32>
      %add3A_172 = arith.constant 0 : i32
      %add3A_173 = vector.broadcast %add3A_172 : i32 to vector<16xi32>
      %add3A_174 = arith.addi %iota3A, %add3A_173 : vector<16xi32>
      %get3A = arith.constant 4 : i32
      %get3A_175 = arith.index_cast %get3A : i32 to index
      %get3A_176 = arith.constant 0 : index
      %get3A_177 = tpu.vector_load %arg7[%get3A_175, %get3A_176] {strides = array<i32>} : memref<8x64xi32, #tpu.memory_space<vmem>>, vector<16xi32>,
      %gather3A = tpu.vector_load_idx %arg8[%broadcast_in_dim3A, %add3A_174, %get3A_177] : memref<16x64x16xf32, #tpu.memory_space<vmem>>[vector<16xi32>, vector<16xi32>, vector<16xi32>], vector<16xf32>,
      %swap3A = arith.index_cast %scan3A_170 : i32 to index
      %swap3A_178 = arith.constant 256 : index
      %swap3A_179 = tpu.vector_load %arg9[%swap3A, %swap3A_178] {strides = array<i32>} : memref<16x512xf32, #tpu.memory_space<vmem>>, vector<16xf32>,
      tpu.vector_store %arg9[%swap3A, %swap3A_178], %gather3A {strides = array<i32>} : memref<16x512xf32, #tpu.memory_space<vmem>>, vector<16xf32>,
      %iota3A_180 = tpu.iota {dimensions = array<i32: 0>} : vector<16xi32>
      %add3A_181 = arith.constant 16 : i32
      %add3A_182 = vector.broadcast %add3A_181 : i32 to vector<16xi32>
      %add3A_183 = arith.addi %iota3A_180, %add3A_182 : vector<16xi32>
      %get3A_184 = arith.constant 4 : i32
      %get3A_185 = arith.index_cast %get3A_184 : i32 to index
      %get3A_186 = arith.constant 16 : index
      %get3A_187 = tpu.vector_load %arg7[%get3A_185, %get3A_186] {strides = array<i32>} : memref<8x64xi32, #tpu.memory_space<vmem>>, vector<16xi32>,
      %gather3A_188 = tpu.vector_load_idx %arg8[%broadcast_in_dim3A, %add3A_183, %get3A_187] : memref<16x64x16xf32, #tpu.memory_space<vmem>>[vector<16xi32>, vector<16xi32>, vector<16xi32>], vector<16xf32>,
      %swap3A_189 = arith.index_cast %scan3A_170 : i32 to index
      %swap3A_190 = arith.constant 272 : index
      %swap3A_191 = tpu.vector_load %arg9[%swap3A_189, %swap3A_190] {strides = array<i32>} : memref<16x512xf32, #tpu.memory_space<vmem>>, vector<16xf32>,
      tpu.vector_store %arg9[%swap3A_189, %swap3A_190], %gather3A_188 {strides = array<i32>} : memref<16x512xf32, #tpu.memory_space<vmem>>, vector<16xf32>,
      %iota3A_192 = tpu.iota {dimensions = array<i32: 0>} : vector<16xi32>
      %add3A_193 = arith.constant 32 : i32
      %add3A_194 = vector.broadcast %add3A_193 : i32 to vector<16xi32>
      %add3A_195 = arith.addi %iota3A_192, %add3A_194 : vector<16xi32>
      %get3A_196 = arith.constant 4 : i32
      %get3A_197 = arith.index_cast %get3A_196 : i32 to index
      %get3A_198 = arith.constant 32 : index
      %get3A_199 = tpu.vector_load %arg7[%get3A_197, %get3A_198] {strides = array<i32>} : memref<8x64xi32, #tpu.memory_space<vmem>>, vector<16xi32>,
      %gather3A_200 = tpu.vector_load_idx %arg8[%broadcast_in_dim3A, %add3A_195, %get3A_199] : memref<16x64x16xf32, #tpu.memory_space<vmem>>[vector<16xi32>, vector<16xi32>, vector<16xi32>], vector<16xf32>,
      %swap3A_201 = arith.index_cast %scan3A_170 : i32 to index
      %swap3A_202 = arith.constant 288 : index
      %swap3A_203 = tpu.vector_load %arg9[%swap3A_201, %swap3A_202] {strides = array<i32>} : memref<16x512xf32, #tpu.memory_space<vmem>>, vector<16xf32>,
      tpu.vector_store %arg9[%swap3A_201, %swap3A_202], %gather3A_200 {strides = array<i32>} : memref<16x512xf32, #tpu.memory_space<vmem>>, vector<16xf32>,
      %iota3A_204 = tpu.iota {dimensions = array<i32: 0>} : vector<16xi32>
      %add3A_205 = arith.constant 48 : i32
      %add3A_206 = vector.broadcast %add3A_205 : i32 to vector<16xi32>
      %add3A_207 = arith.addi %iota3A_204, %add3A_206 : vector<16xi32>
      %get3A_208 = arith.constant 4 : i32
      %get3A_209 = arith.index_cast %get3A_208 : i32 to index
      %get3A_210 = arith.constant 48 : index
      %get3A_211 = tpu.vector_load %arg7[%get3A_209, %get3A_210] {strides = array<i32>} : memref<8x64xi32, #tpu.memory_space<vmem>>, vector<16xi32>,
      %gather3A_212 = tpu.vector_load_idx %arg8[%broadcast_in_dim3A, %add3A_207, %get3A_211] : memref<16x64x16xf32, #tpu.memory_space<vmem>>[vector<16xi32>, vector<16xi32>, vector<16xi32>], vector<16xf32>,
      %swap3A_213 = arith.index_cast %scan3A_170 : i32 to index
      %swap3A_214 = arith.constant 304 : index
      %swap3A_215 = tpu.vector_load %arg9[%swap3A_213, %swap3A_214] {strides = array<i32>} : memref<16x512xf32, #tpu.memory_space<vmem>>, vector<16xf32>,
      tpu.vector_store %arg9[%swap3A_213, %swap3A_214], %gather3A_212 {strides = array<i32>} : memref<16x512xf32, #tpu.memory_space<vmem>>, vector<16xf32>,
      %scan3A_216 = arith.constant 0 : i32
      scf.yield %scan3A_216 : i32
    }
    %scan3A_106 = arith.constant 16 : i32
    %scan3A_107 = arith.constant 0 : i32
    %scan3A_108 = arith.constant 0 : i32
    %scan3A_109 = arith.constant 16 : i32
    %scan3A_110 = arith.addi %scan3A_108, %scan3A_109 : i32
    %scan3A_111 = arith.constant 1 : i32
    %scan3A_112 = scf.for %scan3A_170 = %scan3A_108 to %scan3A_110 step %scan3A_111 iter_args(%scan3A_171 = %scan3A_107) -> (i32)  : i32 {
      %dma_start3A = arith.constant 5 : i32
      %dma_start3A_172 = arith.constant 0 : i32
      %dma_start3A_173 = arith.constant 0 : i32
      %dma_start3A_174 = tpu.memref_slice %arg8[%scan3A_170, %dma_start3A_172, %dma_start3A_173] : memref<16x64x16xf32, #tpu.memory_space<vmem>> -> memref<1x64x16xf32, #tpu.memory_space<vmem>>
      %dma_start3A_175 = tpu.memref_squeeze %dma_start3A_174 : memref<1x64x16xf32, #tpu.memory_space<vmem>> -> memref<64x16xf32, #tpu.memory_space<vmem>>
      %dma_start3A_176 = arith.constant 0 : i32
      %dma_start3A_177 = tpu.memref_slice %arg6[%scan3A_170, %dma_start3A, %dma_start3A_176] : memref<16x8x64xi32, #tpu.memory_space<vmem>> -> memref<1x1x64xi32, #tpu.memory_space<vmem>>
      %dma_start3A_178 = tpu.memref_squeeze %dma_start3A_177 : memref<1x1x64xi32, #tpu.memory_space<vmem>> -> memref<64xi32, #tpu.memory_space<vmem>>
      %dma_start3A_179 = arith.constant 0 : i32
      %dma_start3A_180 = arith.constant 0 : i32
      %dma_start3A_181 = tpu.memref_slice %arg4[%dma_start3A_179, %dma_start3A_180] : memref<1000448x16xf32, #tpu.memory_space<hbm>> -> memref<1000448x16xf32, #tpu.memory_space<hbm>>
      tpu.enqueue_indirect_dma source(%dma_start3A_181 : memref<1000448x16xf32, #tpu.memory_space<hbm>>) target(%dma_start3A_175 : memref<64x16xf32, #tpu.memory_space<vmem>>) offsets(%dma_start3A_178 : memref<64xi32, #tpu.memory_space<vmem>>) semaphore(%arg10 : memref<!tpu.dma_semaphore, #tpu.memory_space<semaphore_mem>>)
      %scan3A_182 = arith.constant 0 : i32
      scf.yield %scan3A_182 : i32
    }
    %scan3A_113 = arith.constant 16 : i32
    %scan3A_114 = arith.constant 0 : i32
    %scan3A_115 = arith.constant 0 : i32
    %scan3A_116 = arith.constant 16 : i32
    %scan3A_117 = arith.addi %scan3A_115, %scan3A_116 : i32
    %scan3A_118 = arith.constant 1 : i32
    %scan3A_119 = scf.for %scan3A_170 = %scan3A_115 to %scan3A_117 step %scan3A_118 iter_args(%scan3A_171 = %scan3A_114) -> (i32)  : i32 {
      %dma_wait3A = arith.constant 0 : i32
      %dma_wait3A_172 = arith.constant 0 : i32
      %dma_wait3A_173 = tpu.memref_slice %arg8[%scan3A_170, %dma_wait3A, %dma_wait3A_172] : memref<16x64x16xf32, #tpu.memory_space<vmem>> -> memref<1x64x16xf32, #tpu.memory_space<vmem>>
      %dma_wait3A_174 = tpu.memref_squeeze %dma_wait3A_173 : memref<1x64x16xf32, #tpu.memory_space<vmem>> -> memref<64x16xf32, #tpu.memory_space<vmem>>
      %dma_wait3A_175 = arith.constant 0 : i32
      %dma_wait3A_176 = arith.constant 0 : i32
      %dma_wait3A_177 = tpu.memref_slice %arg4[%dma_wait3A_175, %dma_wait3A_176] : memref<1000448x16xf32, #tpu.memory_space<hbm>> -> memref<64x16xf32, #tpu.memory_space<hbm>>
      %dma_wait3A_178 = arith.constant 0 : i32
      %dma_wait3A_179 = arith.constant 0 : i32
      %dma_wait3A_180 = tpu.memref_slice %arg8[%scan3A_170, %dma_wait3A_178, %dma_wait3A_179] : memref<16x64x16xf32, #tpu.memory_space<vmem>> -> memref<1x64x16xf32, #tpu.memory_space<vmem>>
      %dma_wait3A_181 = tpu.memref_squeeze %dma_wait3A_180 : memref<1x64x16xf32, #tpu.memory_space<vmem>> -> memref<64x16xf32, #tpu.memory_space<vmem>>
      %dma_wait3A_182 = arith.constant 0 : i32
      %dma_wait3A_183 = arith.constant 0 : i32
      %dma_wait3A_184 = tpu.memref_slice %arg4[%dma_wait3A_182, %dma_wait3A_183] : memref<1000448x16xf32, #tpu.memory_space<hbm>> -> memref<64x16xf32, #tpu.memory_space<hbm>>
      tpu.wait_dma2 semaphore(%arg10 : memref<!tpu.dma_semaphore, #tpu.memory_space<semaphore_mem>>) src(%dma_wait3A_184 : memref<64x16xf32, #tpu.memory_space<hbm>>) dst(%dma_wait3A_181 : memref<64x16xf32, #tpu.memory_space<vmem>>)
      %scan3A_185 = arith.constant 0 : i32
      scf.yield %scan3A_185 : i32
    }
    %scan3A_120 = arith.constant 16 : i32
    %scan3A_121 = arith.constant 0 : i32
    %scan3A_122 = arith.constant 0 : i32
    %scan3A_123 = arith.constant 16 : i32
    %scan3A_124 = arith.addi %scan3A_122, %scan3A_123 : i32
    %scan3A_125 = arith.constant 1 : i32
    %scan3A_126 = scf.for %scan3A_170 = %scan3A_122 to %scan3A_124 step %scan3A_125 iter_args(%scan3A_171 = %scan3A_121) -> (i32)  : i32 {
      %broadcast_in_dim3A = vector.broadcast %scan3A_170 : i32 to vector<16xi32>
      %iota3A = tpu.iota {dimensions = array<i32: 0>} : vector<16xi32>
      %add3A_172 = arith.constant 0 : i32
      %add3A_173 = vector.broadcast %add3A_172 : i32 to vector<16xi32>
      %add3A_174 = arith.addi %iota3A, %add3A_173 : vector<16xi32>
      %get3A = arith.constant 5 : i32
      %get3A_175 = arith.index_cast %get3A : i32 to index
      %get3A_176 = arith.constant 0 : index
      %get3A_177 = tpu.vector_load %arg7[%get3A_175, %get3A_176] {strides = array<i32>} : memref<8x64xi32, #tpu.memory_space<vmem>>, vector<16xi32>,
      %gather3A = tpu.vector_load_idx %arg8[%broadcast_in_dim3A, %add3A_174, %get3A_177] : memref<16x64x16xf32, #tpu.memory_space<vmem>>[vector<16xi32>, vector<16xi32>, vector<16xi32>], vector<16xf32>,
      %swap3A = arith.index_cast %scan3A_170 : i32 to index
      %swap3A_178 = arith.constant 320 : index
      %swap3A_179 = tpu.vector_load %arg9[%swap3A, %swap3A_178] {strides = array<i32>} : memref<16x512xf32, #tpu.memory_space<vmem>>, vector<16xf32>,
      tpu.vector_store %arg9[%swap3A, %swap3A_178], %gather3A {strides = array<i32>} : memref<16x512xf32, #tpu.memory_space<vmem>>, vector<16xf32>,
      %iota3A_180 = tpu.iota {dimensions = array<i32: 0>} : vector<16xi32>
      %add3A_181 = arith.constant 16 : i32
      %add3A_182 = vector.broadcast %add3A_181 : i32 to vector<16xi32>
      %add3A_183 = arith.addi %iota3A_180, %add3A_182 : vector<16xi32>
      %get3A_184 = arith.constant 5 : i32
      %get3A_185 = arith.index_cast %get3A_184 : i32 to index
      %get3A_186 = arith.constant 16 : index
      %get3A_187 = tpu.vector_load %arg7[%get3A_185, %get3A_186] {strides = array<i32>} : memref<8x64xi32, #tpu.memory_space<vmem>>, vector<16xi32>,
      %gather3A_188 = tpu.vector_load_idx %arg8[%broadcast_in_dim3A, %add3A_183, %get3A_187] : memref<16x64x16xf32, #tpu.memory_space<vmem>>[vector<16xi32>, vector<16xi32>, vector<16xi32>], vector<16xf32>,
      %swap3A_189 = arith.index_cast %scan3A_170 : i32 to index
      %swap3A_190 = arith.constant 336 : index
      %swap3A_191 = tpu.vector_load %arg9[%swap3A_189, %swap3A_190] {strides = array<i32>} : memref<16x512xf32, #tpu.memory_space<vmem>>, vector<16xf32>,
      tpu.vector_store %arg9[%swap3A_189, %swap3A_190], %gather3A_188 {strides = array<i32>} : memref<16x512xf32, #tpu.memory_space<vmem>>, vector<16xf32>,
      %iota3A_192 = tpu.iota {dimensions = array<i32: 0>} : vector<16xi32>
      %add3A_193 = arith.constant 32 : i32
      %add3A_194 = vector.broadcast %add3A_193 : i32 to vector<16xi32>
      %add3A_195 = arith.addi %iota3A_192, %add3A_194 : vector<16xi32>
      %get3A_196 = arith.constant 5 : i32
      %get3A_197 = arith.index_cast %get3A_196 : i32 to index
      %get3A_198 = arith.constant 32 : index
      %get3A_199 = tpu.vector_load %arg7[%get3A_197, %get3A_198] {strides = array<i32>} : memref<8x64xi32, #tpu.memory_space<vmem>>, vector<16xi32>,
      %gather3A_200 = tpu.vector_load_idx %arg8[%broadcast_in_dim3A, %add3A_195, %get3A_199] : memref<16x64x16xf32, #tpu.memory_space<vmem>>[vector<16xi32>, vector<16xi32>, vector<16xi32>], vector<16xf32>,
      %swap3A_201 = arith.index_cast %scan3A_170 : i32 to index
      %swap3A_202 = arith.constant 352 : index
      %swap3A_203 = tpu.vector_load %arg9[%swap3A_201, %swap3A_202] {strides = array<i32>} : memref<16x512xf32, #tpu.memory_space<vmem>>, vector<16xf32>,
      tpu.vector_store %arg9[%swap3A_201, %swap3A_202], %gather3A_200 {strides = array<i32>} : memref<16x512xf32, #tpu.memory_space<vmem>>, vector<16xf32>,
      %iota3A_204 = tpu.iota {dimensions = array<i32: 0>} : vector<16xi32>
      %add3A_205 = arith.constant 48 : i32
      %add3A_206 = vector.broadcast %add3A_205 : i32 to vector<16xi32>
      %add3A_207 = arith.addi %iota3A_204, %add3A_206 : vector<16xi32>
      %get3A_208 = arith.constant 5 : i32
      %get3A_209 = arith.index_cast %get3A_208 : i32 to index
      %get3A_210 = arith.constant 48 : index
      %get3A_211 = tpu.vector_load %arg7[%get3A_209, %get3A_210] {strides = array<i32>} : memref<8x64xi32, #tpu.memory_space<vmem>>, vector<16xi32>,
      %gather3A_212 = tpu.vector_load_idx %arg8[%broadcast_in_dim3A, %add3A_207, %get3A_211] : memref<16x64x16xf32, #tpu.memory_space<vmem>>[vector<16xi32>, vector<16xi32>, vector<16xi32>], vector<16xf32>,
      %swap3A_213 = arith.index_cast %scan3A_170 : i32 to index
      %swap3A_214 = arith.constant 368 : index
      %swap3A_215 = tpu.vector_load %arg9[%swap3A_213, %swap3A_214] {strides = array<i32>} : memref<16x512xf32, #tpu.memory_space<vmem>>, vector<16xf32>,
      tpu.vector_store %arg9[%swap3A_213, %swap3A_214], %gather3A_212 {strides = array<i32>} : memref<16x512xf32, #tpu.memory_space<vmem>>, vector<16xf32>,
      %scan3A_216 = arith.constant 0 : i32
      scf.yield %scan3A_216 : i32
    }
    %scan3A_127 = arith.constant 16 : i32
    %scan3A_128 = arith.constant 0 : i32
    %scan3A_129 = arith.constant 0 : i32
    %scan3A_130 = arith.constant 16 : i32
    %scan3A_131 = arith.addi %scan3A_129, %scan3A_130 : i32
    %scan3A_132 = arith.constant 1 : i32
    %scan3A_133 = scf.for %scan3A_170 = %scan3A_129 to %scan3A_131 step %scan3A_132 iter_args(%scan3A_171 = %scan3A_128) -> (i32)  : i32 {
      %dma_start3A = arith.constant 6 : i32
      %dma_start3A_172 = arith.constant 0 : i32
      %dma_start3A_173 = arith.constant 0 : i32
      %dma_start3A_174 = tpu.memref_slice %arg8[%scan3A_170, %dma_start3A_172, %dma_start3A_173] : memref<16x64x16xf32, #tpu.memory_space<vmem>> -> memref<1x64x16xf32, #tpu.memory_space<vmem>>
      %dma_start3A_175 = tpu.memref_squeeze %dma_start3A_174 : memref<1x64x16xf32, #tpu.memory_space<vmem>> -> memref<64x16xf32, #tpu.memory_space<vmem>>
      %dma_start3A_176 = arith.constant 0 : i32
      %dma_start3A_177 = tpu.memref_slice %arg6[%scan3A_170, %dma_start3A, %dma_start3A_176] : memref<16x8x64xi32, #tpu.memory_space<vmem>> -> memref<1x1x64xi32, #tpu.memory_space<vmem>>
      %dma_start3A_178 = tpu.memref_squeeze %dma_start3A_177 : memref<1x1x64xi32, #tpu.memory_space<vmem>> -> memref<64xi32, #tpu.memory_space<vmem>>
      %dma_start3A_179 = arith.constant 0 : i32
      %dma_start3A_180 = arith.constant 0 : i32
      %dma_start3A_181 = tpu.memref_slice %arg4[%dma_start3A_179, %dma_start3A_180] : memref<1000448x16xf32, #tpu.memory_space<hbm>> -> memref<1000448x16xf32, #tpu.memory_space<hbm>>
      tpu.enqueue_indirect_dma source(%dma_start3A_181 : memref<1000448x16xf32, #tpu.memory_space<hbm>>) target(%dma_start3A_175 : memref<64x16xf32, #tpu.memory_space<vmem>>) offsets(%dma_start3A_178 : memref<64xi32, #tpu.memory_space<vmem>>) semaphore(%arg10 : memref<!tpu.dma_semaphore, #tpu.memory_space<semaphore_mem>>)
      %scan3A_182 = arith.constant 0 : i32
      scf.yield %scan3A_182 : i32
    }
    %scan3A_134 = arith.constant 16 : i32
    %scan3A_135 = arith.constant 0 : i32
    %scan3A_136 = arith.constant 0 : i32
    %scan3A_137 = arith.constant 16 : i32
    %scan3A_138 = arith.addi %scan3A_136, %scan3A_137 : i32
    %scan3A_139 = arith.constant 1 : i32
    %scan3A_140 = scf.for %scan3A_170 = %scan3A_136 to %scan3A_138 step %scan3A_139 iter_args(%scan3A_171 = %scan3A_135) -> (i32)  : i32 {
      %dma_wait3A = arith.constant 0 : i32
      %dma_wait3A_172 = arith.constant 0 : i32
      %dma_wait3A_173 = tpu.memref_slice %arg8[%scan3A_170, %dma_wait3A, %dma_wait3A_172] : memref<16x64x16xf32, #tpu.memory_space<vmem>> -> memref<1x64x16xf32, #tpu.memory_space<vmem>>
      %dma_wait3A_174 = tpu.memref_squeeze %dma_wait3A_173 : memref<1x64x16xf32, #tpu.memory_space<vmem>> -> memref<64x16xf32, #tpu.memory_space<vmem>>
      %dma_wait3A_175 = arith.constant 0 : i32
      %dma_wait3A_176 = arith.constant 0 : i32
      %dma_wait3A_177 = tpu.memref_slice %arg4[%dma_wait3A_175, %dma_wait3A_176] : memref<1000448x16xf32, #tpu.memory_space<hbm>> -> memref<64x16xf32, #tpu.memory_space<hbm>>
      %dma_wait3A_178 = arith.constant 0 : i32
      %dma_wait3A_179 = arith.constant 0 : i32
      %dma_wait3A_180 = tpu.memref_slice %arg8[%scan3A_170, %dma_wait3A_178, %dma_wait3A_179] : memref<16x64x16xf32, #tpu.memory_space<vmem>> -> memref<1x64x16xf32, #tpu.memory_space<vmem>>
      %dma_wait3A_181 = tpu.memref_squeeze %dma_wait3A_180 : memref<1x64x16xf32, #tpu.memory_space<vmem>> -> memref<64x16xf32, #tpu.memory_space<vmem>>
      %dma_wait3A_182 = arith.constant 0 : i32
      %dma_wait3A_183 = arith.constant 0 : i32
      %dma_wait3A_184 = tpu.memref_slice %arg4[%dma_wait3A_182, %dma_wait3A_183] : memref<1000448x16xf32, #tpu.memory_space<hbm>> -> memref<64x16xf32, #tpu.memory_space<hbm>>
      tpu.wait_dma2 semaphore(%arg10 : memref<!tpu.dma_semaphore, #tpu.memory_space<semaphore_mem>>) src(%dma_wait3A_184 : memref<64x16xf32, #tpu.memory_space<hbm>>) dst(%dma_wait3A_181 : memref<64x16xf32, #tpu.memory_space<vmem>>)
      %scan3A_185 = arith.constant 0 : i32
      scf.yield %scan3A_185 : i32
    }
    %scan3A_141 = arith.constant 16 : i32
    %scan3A_142 = arith.constant 0 : i32
    %scan3A_143 = arith.constant 0 : i32
    %scan3A_144 = arith.constant 16 : i32
    %scan3A_145 = arith.addi %scan3A_143, %scan3A_144 : i32
    %scan3A_146 = arith.constant 1 : i32
    %scan3A_147 = scf.for %scan3A_170 = %scan3A_143 to %scan3A_145 step %scan3A_146 iter_args(%scan3A_171 = %scan3A_142) -> (i32)  : i32 {
      %broadcast_in_dim3A = vector.broadcast %scan3A_170 : i32 to vector<16xi32>
      %iota3A = tpu.iota {dimensions = array<i32: 0>} : vector<16xi32>
      %add3A_172 = arith.constant 0 : i32
      %add3A_173 = vector.broadcast %add3A_172 : i32 to vector<16xi32>
      %add3A_174 = arith.addi %iota3A, %add3A_173 : vector<16xi32>
      %get3A = arith.constant 6 : i32
      %get3A_175 = arith.index_cast %get3A : i32 to index
      %get3A_176 = arith.constant 0 : index
      %get3A_177 = tpu.vector_load %arg7[%get3A_175, %get3A_176] {strides = array<i32>} : memref<8x64xi32, #tpu.memory_space<vmem>>, vector<16xi32>,
      %gather3A = tpu.vector_load_idx %arg8[%broadcast_in_dim3A, %add3A_174, %get3A_177] : memref<16x64x16xf32, #tpu.memory_space<vmem>>[vector<16xi32>, vector<16xi32>, vector<16xi32>], vector<16xf32>,
      %swap3A = arith.index_cast %scan3A_170 : i32 to index
      %swap3A_178 = arith.constant 384 : index
      %swap3A_179 = tpu.vector_load %arg9[%swap3A, %swap3A_178] {strides = array<i32>} : memref<16x512xf32, #tpu.memory_space<vmem>>, vector<16xf32>,
      tpu.vector_store %arg9[%swap3A, %swap3A_178], %gather3A {strides = array<i32>} : memref<16x512xf32, #tpu.memory_space<vmem>>, vector<16xf32>,
      %iota3A_180 = tpu.iota {dimensions = array<i32: 0>} : vector<16xi32>
      %add3A_181 = arith.constant 16 : i32
      %add3A_182 = vector.broadcast %add3A_181 : i32 to vector<16xi32>
      %add3A_183 = arith.addi %iota3A_180, %add3A_182 : vector<16xi32>
      %get3A_184 = arith.constant 6 : i32
      %get3A_185 = arith.index_cast %get3A_184 : i32 to index
      %get3A_186 = arith.constant 16 : index
      %get3A_187 = tpu.vector_load %arg7[%get3A_185, %get3A_186] {strides = array<i32>} : memref<8x64xi32, #tpu.memory_space<vmem>>, vector<16xi32>,
      %gather3A_188 = tpu.vector_load_idx %arg8[%broadcast_in_dim3A, %add3A_183, %get3A_187] : memref<16x64x16xf32, #tpu.memory_space<vmem>>[vector<16xi32>, vector<16xi32>, vector<16xi32>], vector<16xf32>,
      %swap3A_189 = arith.index_cast %scan3A_170 : i32 to index
      %swap3A_190 = arith.constant 400 : index
      %swap3A_191 = tpu.vector_load %arg9[%swap3A_189, %swap3A_190] {strides = array<i32>} : memref<16x512xf32, #tpu.memory_space<vmem>>, vector<16xf32>,
      tpu.vector_store %arg9[%swap3A_189, %swap3A_190], %gather3A_188 {strides = array<i32>} : memref<16x512xf32, #tpu.memory_space<vmem>>, vector<16xf32>,
      %iota3A_192 = tpu.iota {dimensions = array<i32: 0>} : vector<16xi32>
      %add3A_193 = arith.constant 32 : i32
      %add3A_194 = vector.broadcast %add3A_193 : i32 to vector<16xi32>
      %add3A_195 = arith.addi %iota3A_192, %add3A_194 : vector<16xi32>
      %get3A_196 = arith.constant 6 : i32
      %get3A_197 = arith.index_cast %get3A_196 : i32 to index
      %get3A_198 = arith.constant 32 : index
      %get3A_199 = tpu.vector_load %arg7[%get3A_197, %get3A_198] {strides = array<i32>} : memref<8x64xi32, #tpu.memory_space<vmem>>, vector<16xi32>,
      %gather3A_200 = tpu.vector_load_idx %arg8[%broadcast_in_dim3A, %add3A_195, %get3A_199] : memref<16x64x16xf32, #tpu.memory_space<vmem>>[vector<16xi32>, vector<16xi32>, vector<16xi32>], vector<16xf32>,
      %swap3A_201 = arith.index_cast %scan3A_170 : i32 to index
      %swap3A_202 = arith.constant 416 : index
      %swap3A_203 = tpu.vector_load %arg9[%swap3A_201, %swap3A_202] {strides = array<i32>} : memref<16x512xf32, #tpu.memory_space<vmem>>, vector<16xf32>,
      tpu.vector_store %arg9[%swap3A_201, %swap3A_202], %gather3A_200 {strides = array<i32>} : memref<16x512xf32, #tpu.memory_space<vmem>>, vector<16xf32>,
      %iota3A_204 = tpu.iota {dimensions = array<i32: 0>} : vector<16xi32>
      %add3A_205 = arith.constant 48 : i32
      %add3A_206 = vector.broadcast %add3A_205 : i32 to vector<16xi32>
      %add3A_207 = arith.addi %iota3A_204, %add3A_206 : vector<16xi32>
      %get3A_208 = arith.constant 6 : i32
      %get3A_209 = arith.index_cast %get3A_208 : i32 to index
      %get3A_210 = arith.constant 48 : index
      %get3A_211 = tpu.vector_load %arg7[%get3A_209, %get3A_210] {strides = array<i32>} : memref<8x64xi32, #tpu.memory_space<vmem>>, vector<16xi32>,
      %gather3A_212 = tpu.vector_load_idx %arg8[%broadcast_in_dim3A, %add3A_207, %get3A_211] : memref<16x64x16xf32, #tpu.memory_space<vmem>>[vector<16xi32>, vector<16xi32>, vector<16xi32>], vector<16xf32>,
      %swap3A_213 = arith.index_cast %scan3A_170 : i32 to index
      %swap3A_214 = arith.constant 432 : index
      %swap3A_215 = tpu.vector_load %arg9[%swap3A_213, %swap3A_214] {strides = array<i32>} : memref<16x512xf32, #tpu.memory_space<vmem>>, vector<16xf32>,
      tpu.vector_store %arg9[%swap3A_213, %swap3A_214], %gather3A_212 {strides = array<i32>} : memref<16x512xf32, #tpu.memory_space<vmem>>, vector<16xf32>,
      %scan3A_216 = arith.constant 0 : i32
      scf.yield %scan3A_216 : i32
    }
    %scan3A_148 = arith.constant 16 : i32
    %scan3A_149 = arith.constant 0 : i32
    %scan3A_150 = arith.constant 0 : i32
    %scan3A_151 = arith.constant 16 : i32
    %scan3A_152 = arith.addi %scan3A_150, %scan3A_151 : i32
    %scan3A_153 = arith.constant 1 : i32
    %scan3A_154 = scf.for %scan3A_170 = %scan3A_150 to %scan3A_152 step %scan3A_153 iter_args(%scan3A_171 = %scan3A_149) -> (i32)  : i32 {
      %dma_start3A = arith.constant 7 : i32
      %dma_start3A_172 = arith.constant 0 : i32
      %dma_start3A_173 = arith.constant 0 : i32
      %dma_start3A_174 = tpu.memref_slice %arg8[%scan3A_170, %dma_start3A_172, %dma_start3A_173] : memref<16x64x16xf32, #tpu.memory_space<vmem>> -> memref<1x64x16xf32, #tpu.memory_space<vmem>>
      %dma_start3A_175 = tpu.memref_squeeze %dma_start3A_174 : memref<1x64x16xf32, #tpu.memory_space<vmem>> -> memref<64x16xf32, #tpu.memory_space<vmem>>
      %dma_start3A_176 = arith.constant 0 : i32
      %dma_start3A_177 = tpu.memref_slice %arg6[%scan3A_170, %dma_start3A, %dma_start3A_176] : memref<16x8x64xi32, #tpu.memory_space<vmem>> -> memref<1x1x64xi32, #tpu.memory_space<vmem>>
      %dma_start3A_178 = tpu.memref_squeeze %dma_start3A_177 : memref<1x1x64xi32, #tpu.memory_space<vmem>> -> memref<64xi32, #tpu.memory_space<vmem>>
      %dma_start3A_179 = arith.constant 0 : i32
      %dma_start3A_180 = arith.constant 0 : i32
      %dma_start3A_181 = tpu.memref_slice %arg4[%dma_start3A_179, %dma_start3A_180] : memref<1000448x16xf32, #tpu.memory_space<hbm>> -> memref<1000448x16xf32, #tpu.memory_space<hbm>>
      tpu.enqueue_indirect_dma source(%dma_start3A_181 : memref<1000448x16xf32, #tpu.memory_space<hbm>>) target(%dma_start3A_175 : memref<64x16xf32, #tpu.memory_space<vmem>>) offsets(%dma_start3A_178 : memref<64xi32, #tpu.memory_space<vmem>>) semaphore(%arg10 : memref<!tpu.dma_semaphore, #tpu.memory_space<semaphore_mem>>)
      %scan3A_182 = arith.constant 0 : i32
      scf.yield %scan3A_182 : i32
    }
    %scan3A_155 = arith.constant 16 : i32
    %scan3A_156 = arith.constant 0 : i32
    %scan3A_157 = arith.constant 0 : i32
    %scan3A_158 = arith.constant 16 : i32
    %scan3A_159 = arith.addi %scan3A_157, %scan3A_158 : i32
    %scan3A_160 = arith.constant 1 : i32
    %scan3A_161 = scf.for %scan3A_170 = %scan3A_157 to %scan3A_159 step %scan3A_160 iter_args(%scan3A_171 = %scan3A_156) -> (i32)  : i32 {
      %dma_wait3A = arith.constant 0 : i32
      %dma_wait3A_172 = arith.constant 0 : i32
      %dma_wait3A_173 = tpu.memref_slice %arg8[%scan3A_170, %dma_wait3A, %dma_wait3A_172] : memref<16x64x16xf32, #tpu.memory_space<vmem>> -> memref<1x64x16xf32, #tpu.memory_space<vmem>>
      %dma_wait3A_174 = tpu.memref_squeeze %dma_wait3A_173 : memref<1x64x16xf32, #tpu.memory_space<vmem>> -> memref<64x16xf32, #tpu.memory_space<vmem>>
      %dma_wait3A_175 = arith.constant 0 : i32
      %dma_wait3A_176 = arith.constant 0 : i32
      %dma_wait3A_177 = tpu.memref_slice %arg4[%dma_wait3A_175, %dma_wait3A_176] : memref<1000448x16xf32, #tpu.memory_space<hbm>> -> memref<64x16xf32, #tpu.memory_space<hbm>>
      %dma_wait3A_178 = arith.constant 0 : i32
      %dma_wait3A_179 = arith.constant 0 : i32
      %dma_wait3A_180 = tpu.memref_slice %arg8[%scan3A_170, %dma_wait3A_178, %dma_wait3A_179] : memref<16x64x16xf32, #tpu.memory_space<vmem>> -> memref<1x64x16xf32, #tpu.memory_space<vmem>>
      %dma_wait3A_181 = tpu.memref_squeeze %dma_wait3A_180 : memref<1x64x16xf32, #tpu.memory_space<vmem>> -> memref<64x16xf32, #tpu.memory_space<vmem>>
      %dma_wait3A_182 = arith.constant 0 : i32
      %dma_wait3A_183 = arith.constant 0 : i32
      %dma_wait3A_184 = tpu.memref_slice %arg4[%dma_wait3A_182, %dma_wait3A_183] : memref<1000448x16xf32, #tpu.memory_space<hbm>> -> memref<64x16xf32, #tpu.memory_space<hbm>>
      tpu.wait_dma2 semaphore(%arg10 : memref<!tpu.dma_semaphore, #tpu.memory_space<semaphore_mem>>) src(%dma_wait3A_184 : memref<64x16xf32, #tpu.memory_space<hbm>>) dst(%dma_wait3A_181 : memref<64x16xf32, #tpu.memory_space<vmem>>)
      %scan3A_185 = arith.constant 0 : i32
      scf.yield %scan3A_185 : i32
    }
    %scan3A_162 = arith.constant 16 : i32
    %scan3A_163 = arith.constant 0 : i32
    %scan3A_164 = arith.constant 0 : i32
    %scan3A_165 = arith.constant 16 : i32
    %scan3A_166 = arith.addi %scan3A_164, %scan3A_165 : i32
    %scan3A_167 = arith.constant 1 : i32
    %scan3A_168 = scf.for %scan3A_170 = %scan3A_164 to %scan3A_166 step %scan3A_167 iter_args(%scan3A_171 = %scan3A_163) -> (i32)  : i32 {
      %broadcast_in_dim3A = vector.broadcast %scan3A_170 : i32 to vector<16xi32>
      %iota3A = tpu.iota {dimensions = array<i32: 0>} : vector<16xi32>
      %add3A_172 = arith.constant 0 : i32
      %add3A_173 = vector.broadcast %add3A_172 : i32 to vector<16xi32>
      %add3A_174 = arith.addi %iota3A, %add3A_173 : vector<16xi32>
      %get3A = arith.constant 7 : i32
      %get3A_175 = arith.index_cast %get3A : i32 to index
      %get3A_176 = arith.constant 0 : index
      %get3A_177 = tpu.vector_load %arg7[%get3A_175, %get3A_176] {strides = array<i32>} : memref<8x64xi32, #tpu.memory_space<vmem>>, vector<16xi32>,
      %gather3A = tpu.vector_load_idx %arg8[%broadcast_in_dim3A, %add3A_174, %get3A_177] : memref<16x64x16xf32, #tpu.memory_space<vmem>>[vector<16xi32>, vector<16xi32>, vector<16xi32>], vector<16xf32>,
      %swap3A = arith.index_cast %scan3A_170 : i32 to index
      %swap3A_178 = arith.constant 448 : index
      %swap3A_179 = tpu.vector_load %arg9[%swap3A, %swap3A_178] {strides = array<i32>} : memref<16x512xf32, #tpu.memory_space<vmem>>, vector<16xf32>,
      tpu.vector_store %arg9[%swap3A, %swap3A_178], %gather3A {strides = array<i32>} : memref<16x512xf32, #tpu.memory_space<vmem>>, vector<16xf32>,
      %iota3A_180 = tpu.iota {dimensions = array<i32: 0>} : vector<16xi32>
      %add3A_181 = arith.constant 16 : i32
      %add3A_182 = vector.broadcast %add3A_181 : i32 to vector<16xi32>
      %add3A_183 = arith.addi %iota3A_180, %add3A_182 : vector<16xi32>
      %get3A_184 = arith.constant 7 : i32
      %get3A_185 = arith.index_cast %get3A_184 : i32 to index
      %get3A_186 = arith.constant 16 : index
      %get3A_187 = tpu.vector_load %arg7[%get3A_185, %get3A_186] {strides = array<i32>} : memref<8x64xi32, #tpu.memory_space<vmem>>, vector<16xi32>,
      %gather3A_188 = tpu.vector_load_idx %arg8[%broadcast_in_dim3A, %add3A_183, %get3A_187] : memref<16x64x16xf32, #tpu.memory_space<vmem>>[vector<16xi32>, vector<16xi32>, vector<16xi32>], vector<16xf32>,
      %swap3A_189 = arith.index_cast %scan3A_170 : i32 to index
      %swap3A_190 = arith.constant 464 : index
      %swap3A_191 = tpu.vector_load %arg9[%swap3A_189, %swap3A_190] {strides = array<i32>} : memref<16x512xf32, #tpu.memory_space<vmem>>, vector<16xf32>,
      tpu.vector_store %arg9[%swap3A_189, %swap3A_190], %gather3A_188 {strides = array<i32>} : memref<16x512xf32, #tpu.memory_space<vmem>>, vector<16xf32>,
      %iota3A_192 = tpu.iota {dimensions = array<i32: 0>} : vector<16xi32>
      %add3A_193 = arith.constant 32 : i32
      %add3A_194 = vector.broadcast %add3A_193 : i32 to vector<16xi32>
      %add3A_195 = arith.addi %iota3A_192, %add3A_194 : vector<16xi32>
      %get3A_196 = arith.constant 7 : i32
      %get3A_197 = arith.index_cast %get3A_196 : i32 to index
      %get3A_198 = arith.constant 32 : index
      %get3A_199 = tpu.vector_load %arg7[%get3A_197, %get3A_198] {strides = array<i32>} : memref<8x64xi32, #tpu.memory_space<vmem>>, vector<16xi32>,
      %gather3A_200 = tpu.vector_load_idx %arg8[%broadcast_in_dim3A, %add3A_195, %get3A_199] : memref<16x64x16xf32, #tpu.memory_space<vmem>>[vector<16xi32>, vector<16xi32>, vector<16xi32>], vector<16xf32>,
      %swap3A_201 = arith.index_cast %scan3A_170 : i32 to index
      %swap3A_202 = arith.constant 480 : index
      %swap3A_203 = tpu.vector_load %arg9[%swap3A_201, %swap3A_202] {strides = array<i32>} : memref<16x512xf32, #tpu.memory_space<vmem>>, vector<16xf32>,
      tpu.vector_store %arg9[%swap3A_201, %swap3A_202], %gather3A_200 {strides = array<i32>} : memref<16x512xf32, #tpu.memory_space<vmem>>, vector<16xf32>,
      %iota3A_204 = tpu.iota {dimensions = array<i32: 0>} : vector<16xi32>
      %add3A_205 = arith.constant 48 : i32
      %add3A_206 = vector.broadcast %add3A_205 : i32 to vector<16xi32>
      %add3A_207 = arith.addi %iota3A_204, %add3A_206 : vector<16xi32>
      %get3A_208 = arith.constant 7 : i32
      %get3A_209 = arith.index_cast %get3A_208 : i32 to index
      %get3A_210 = arith.constant 48 : index
      %get3A_211 = tpu.vector_load %arg7[%get3A_209, %get3A_210] {strides = array<i32>} : memref<8x64xi32, #tpu.memory_space<vmem>>, vector<16xi32>,
      %gather3A_212 = tpu.vector_load_idx %arg8[%broadcast_in_dim3A, %add3A_207, %get3A_211] : memref<16x64x16xf32, #tpu.memory_space<vmem>>[vector<16xi32>, vector<16xi32>, vector<16xi32>], vector<16xf32>,
      %swap3A_213 = arith.index_cast %scan3A_170 : i32 to index
      %swap3A_214 = arith.constant 496 : index
      %swap3A_215 = tpu.vector_load %arg9[%swap3A_213, %swap3A_214] {strides = array<i32>} : memref<16x512xf32, #tpu.memory_space<vmem>>, vector<16xf32>,
      tpu.vector_store %arg9[%swap3A_213, %swap3A_214], %gather3A_212 {strides = array<i32>} : memref<16x512xf32, #tpu.memory_space<vmem>>, vector<16xf32>,
      %scan3A_216 = arith.constant 0 : i32
      scf.yield %scan3A_216 : i32
    }
    %scan3A_169 = arith.constant 16 : i32
    "tpu.region"() ({
      %run_scoped3A = tpu.sem_alloc : memref<!tpu.dma_semaphore, #tpu.memory_space<semaphore_mem>>
      %dma_start3A = arith.constant 0 : i32
      %dma_start3A_170 = tpu.memref_slice %arg5[%dma_start3A, %mul3A_2] : memref<16x16384xf32, #tpu.memory_space<hbm>> -> memref<16x512xf32, #tpu.memory_space<hbm>>
      %dma_start3A_171 = arith.constant 0 : i32
      %dma_start3A_172 = tpu.memref_slice %arg5[%dma_start3A_171, %mul3A_2] : memref<16x16384xf32, #tpu.memory_space<hbm>> -> memref<16x512xf32, #tpu.memory_space<hbm>>
      tpu.enqueue_dma source(%arg9 : memref<16x512xf32, #tpu.memory_space<vmem>>) target(%dma_start3A_172 : memref<16x512xf32, #tpu.memory_space<hbm>>) target_semaphore(%run_scoped3A : memref<!tpu.dma_semaphore, #tpu.memory_space<semaphore_mem>>)
      %dma_wait3A = arith.constant 0 : i32
      %dma_wait3A_173 = tpu.memref_slice %arg5[%dma_wait3A, %mul3A_2] : memref<16x16384xf32, #tpu.memory_space<hbm>> -> memref<16x512xf32, #tpu.memory_space<hbm>>
      %dma_wait3A_174 = arith.constant 0 : i32
      %dma_wait3A_175 = tpu.memref_slice %arg5[%dma_wait3A_174, %mul3A_2] : memref<16x16384xf32, #tpu.memory_space<hbm>> -> memref<16x512xf32, #tpu.memory_space<hbm>>
      tpu.wait_dma2 semaphore(%run_scoped3A : memref<!tpu.dma_semaphore, #tpu.memory_space<semaphore_mem>>) src(%arg9 : memref<16x512xf32, #tpu.memory_space<vmem>>) dst(%dma_wait3A_175 : memref<16x512xf32, #tpu.memory_space<hbm>>)
      tpu.yield
    }) : () -> ()
    return
  }
}

#map = affine_map<(d0, d1) -> (0, 0, 0, 0)>
#map1 = affine_map<(d0, d1) -> (0, 0)>
module attributes {stable_mosaic.version = 14 : i64} {
  func.func @_sc_pgather_body(%arg0: i32, %arg1: i32, %arg2: memref<32x2x8x64xi32, #tpu.memory_space<hbm>>, %arg3: memref<32x2x8x64xi32, #tpu.memory_space<hbm>>, %arg4: memref<62500x16xf32, #tpu.memory_space<hbm>>, %arg5: memref<62500x16xf32, #tpu.memory_space<hbm>>, %arg6: memref<1x16384xf32, #tpu.memory_space<hbm>>, %arg7: memref<1x16384xf32, #tpu.memory_space<hbm>>, %arg8: memref<2x8x64xi32, #tpu.memory_space<vmem>>, %arg9: memref<2x8x64xi32, #tpu.memory_space<vmem>>, %arg10: memref<64x16xf32, #tpu.memory_space<vmem>>, %arg11: memref<1x512xf32, #tpu.memory_space<vmem>>, %arg12: memref<1x512xf32, #tpu.memory_space<vmem>>, %arg13: memref<!tpu.dma_semaphore, #tpu.memory_space<semaphore_mem>>) attributes {dimension_semantics = [#tpu.dimension_semantics<core_parallel>, #tpu.dimension_semantics<subcore_parallel>], iteration_bounds = array<i64: 2, 16>, scalar_prefetch = 0 : i64, scratch_operands = 6 : i64, tpu.core_type = #tpu.core_type<sc_vector_subcore>, window_params = [{transform_indices = #map}, {transform_indices = #map}, {transform_indices = #map1}, {transform_indices = #map1}, {transform_indices = #map1}, {transform_indices = #map1}]} {
    %mul3A = arith.constant 2 : i32
    %mul3A_0 = arith.muli %arg1, %mul3A : i32
    %add3A = arith.addi %mul3A_0, %arg0 : i32
    %mul3A_1 = arith.constant 512 : i32
    %mul3A_2 = arith.muli %add3A, %mul3A_1 : i32
    "tpu.region"() ({
      %run_scoped3A = tpu.sem_alloc : memref<!tpu.dma_semaphore, #tpu.memory_space<semaphore_mem>>
      %dma_start3A_1213 = arith.constant 0 : i32
      %dma_start3A_1214 = arith.constant 0 : i32
      %dma_start3A_1215 = arith.constant 0 : i32
      %dma_start3A_1216 = tpu.memref_slice %arg2[%add3A, %dma_start3A_1213, %dma_start3A_1214, %dma_start3A_1215] : memref<32x2x8x64xi32, #tpu.memory_space<hbm>> -> memref<1x2x8x64xi32, #tpu.memory_space<hbm>>
      %dma_start3A_1217 = tpu.memref_squeeze %dma_start3A_1216 : memref<1x2x8x64xi32, #tpu.memory_space<hbm>> -> memref<2x8x64xi32, #tpu.memory_space<hbm>>
      %dma_start3A_1218 = arith.constant 0 : i32
      %dma_start3A_1219 = arith.constant 0 : i32
      %dma_start3A_1220 = arith.constant 0 : i32
      %dma_start3A_1221 = tpu.memref_slice %arg2[%add3A, %dma_start3A_1218, %dma_start3A_1219, %dma_start3A_1220] : memref<32x2x8x64xi32, #tpu.memory_space<hbm>> -> memref<1x2x8x64xi32, #tpu.memory_space<hbm>>
      %dma_start3A_1222 = tpu.memref_squeeze %dma_start3A_1221 : memref<1x2x8x64xi32, #tpu.memory_space<hbm>> -> memref<2x8x64xi32, #tpu.memory_space<hbm>>
      tpu.enqueue_dma source(%dma_start3A_1222 : memref<2x8x64xi32, #tpu.memory_space<hbm>>) target(%arg8 : memref<2x8x64xi32, #tpu.memory_space<vmem>>) target_semaphore(%run_scoped3A : memref<!tpu.dma_semaphore, #tpu.memory_space<semaphore_mem>>)
      %dma_wait3A_1223 = arith.constant 0 : i32
      %dma_wait3A_1224 = arith.constant 0 : i32
      %dma_wait3A_1225 = arith.constant 0 : i32
      %dma_wait3A_1226 = tpu.memref_slice %arg2[%add3A, %dma_wait3A_1223, %dma_wait3A_1224, %dma_wait3A_1225] : memref<32x2x8x64xi32, #tpu.memory_space<hbm>> -> memref<1x2x8x64xi32, #tpu.memory_space<hbm>>
      %dma_wait3A_1227 = tpu.memref_squeeze %dma_wait3A_1226 : memref<1x2x8x64xi32, #tpu.memory_space<hbm>> -> memref<2x8x64xi32, #tpu.memory_space<hbm>>
      %dma_wait3A_1228 = arith.constant 0 : i32
      %dma_wait3A_1229 = arith.constant 0 : i32
      %dma_wait3A_1230 = arith.constant 0 : i32
      %dma_wait3A_1231 = tpu.memref_slice %arg2[%add3A, %dma_wait3A_1228, %dma_wait3A_1229, %dma_wait3A_1230] : memref<32x2x8x64xi32, #tpu.memory_space<hbm>> -> memref<1x2x8x64xi32, #tpu.memory_space<hbm>>
      %dma_wait3A_1232 = tpu.memref_squeeze %dma_wait3A_1231 : memref<1x2x8x64xi32, #tpu.memory_space<hbm>> -> memref<2x8x64xi32, #tpu.memory_space<hbm>>
      tpu.wait_dma2 semaphore(%run_scoped3A : memref<!tpu.dma_semaphore, #tpu.memory_space<semaphore_mem>>) src(%dma_wait3A_1232 : memref<2x8x64xi32, #tpu.memory_space<hbm>>) dst(%arg8 : memref<2x8x64xi32, #tpu.memory_space<vmem>>)
      tpu.yield
    }) : () -> ()
    "tpu.region"() ({
      %run_scoped3A = tpu.sem_alloc : memref<!tpu.dma_semaphore, #tpu.memory_space<semaphore_mem>>
      %dma_start3A_1213 = arith.constant 0 : i32
      %dma_start3A_1214 = arith.constant 0 : i32
      %dma_start3A_1215 = arith.constant 0 : i32
      %dma_start3A_1216 = tpu.memref_slice %arg3[%add3A, %dma_start3A_1213, %dma_start3A_1214, %dma_start3A_1215] : memref<32x2x8x64xi32, #tpu.memory_space<hbm>> -> memref<1x2x8x64xi32, #tpu.memory_space<hbm>>
      %dma_start3A_1217 = tpu.memref_squeeze %dma_start3A_1216 : memref<1x2x8x64xi32, #tpu.memory_space<hbm>> -> memref<2x8x64xi32, #tpu.memory_space<hbm>>
      %dma_start3A_1218 = arith.constant 0 : i32
      %dma_start3A_1219 = arith.constant 0 : i32
      %dma_start3A_1220 = arith.constant 0 : i32
      %dma_start3A_1221 = tpu.memref_slice %arg3[%add3A, %dma_start3A_1218, %dma_start3A_1219, %dma_start3A_1220] : memref<32x2x8x64xi32, #tpu.memory_space<hbm>> -> memref<1x2x8x64xi32, #tpu.memory_space<hbm>>
      %dma_start3A_1222 = tpu.memref_squeeze %dma_start3A_1221 : memref<1x2x8x64xi32, #tpu.memory_space<hbm>> -> memref<2x8x64xi32, #tpu.memory_space<hbm>>
      tpu.enqueue_dma source(%dma_start3A_1222 : memref<2x8x64xi32, #tpu.memory_space<hbm>>) target(%arg9 : memref<2x8x64xi32, #tpu.memory_space<vmem>>) target_semaphore(%run_scoped3A : memref<!tpu.dma_semaphore, #tpu.memory_space<semaphore_mem>>)
      %dma_wait3A_1223 = arith.constant 0 : i32
      %dma_wait3A_1224 = arith.constant 0 : i32
      %dma_wait3A_1225 = arith.constant 0 : i32
      %dma_wait3A_1226 = tpu.memref_slice %arg3[%add3A, %dma_wait3A_1223, %dma_wait3A_1224, %dma_wait3A_1225] : memref<32x2x8x64xi32, #tpu.memory_space<hbm>> -> memref<1x2x8x64xi32, #tpu.memory_space<hbm>>
      %dma_wait3A_1227 = tpu.memref_squeeze %dma_wait3A_1226 : memref<1x2x8x64xi32, #tpu.memory_space<hbm>> -> memref<2x8x64xi32, #tpu.memory_space<hbm>>
      %dma_wait3A_1228 = arith.constant 0 : i32
      %dma_wait3A_1229 = arith.constant 0 : i32
      %dma_wait3A_1230 = arith.constant 0 : i32
      %dma_wait3A_1231 = tpu.memref_slice %arg3[%add3A, %dma_wait3A_1228, %dma_wait3A_1229, %dma_wait3A_1230] : memref<32x2x8x64xi32, #tpu.memory_space<hbm>> -> memref<1x2x8x64xi32, #tpu.memory_space<hbm>>
      %dma_wait3A_1232 = tpu.memref_squeeze %dma_wait3A_1231 : memref<1x2x8x64xi32, #tpu.memory_space<hbm>> -> memref<2x8x64xi32, #tpu.memory_space<hbm>>
      tpu.wait_dma2 semaphore(%run_scoped3A : memref<!tpu.dma_semaphore, #tpu.memory_space<semaphore_mem>>) src(%dma_wait3A_1232 : memref<2x8x64xi32, #tpu.memory_space<hbm>>) dst(%arg9 : memref<2x8x64xi32, #tpu.memory_space<vmem>>)
      tpu.yield
    }) : () -> ()
    %dma_start3A = arith.constant 0 : i32
    %dma_start3A_3 = arith.constant 0 : i32
    %dma_start3A_4 = arith.constant 0 : i32
    %dma_start3A_5 = tpu.memref_slice %arg8[%dma_start3A, %dma_start3A_3, %dma_start3A_4] : memref<2x8x64xi32, #tpu.memory_space<vmem>> -> memref<1x1x64xi32, #tpu.memory_space<vmem>>
    %dma_start3A_6 = tpu.memref_squeeze %dma_start3A_5 : memref<1x1x64xi32, #tpu.memory_space<vmem>> -> memref<64xi32, #tpu.memory_space<vmem>>
    %dma_start3A_7 = arith.constant 0 : i32
    %dma_start3A_8 = arith.constant 0 : i32
    %dma_start3A_9 = tpu.memref_slice %arg4[%dma_start3A_7, %dma_start3A_8] : memref<62500x16xf32, #tpu.memory_space<hbm>> -> memref<62500x16xf32, #tpu.memory_space<hbm>>
    tpu.enqueue_indirect_dma source(%dma_start3A_9 : memref<62500x16xf32, #tpu.memory_space<hbm>>) target(%arg10 : memref<64x16xf32, #tpu.memory_space<vmem>>) offsets(%dma_start3A_6 : memref<64xi32, #tpu.memory_space<vmem>>) semaphore(%arg13 : memref<!tpu.dma_semaphore, #tpu.memory_space<semaphore_mem>>)
    %dma_wait3A = arith.constant 0 : i32
    %dma_wait3A_10 = arith.constant 0 : i32
    %dma_wait3A_11 = arith.constant 0 : i32
    %dma_wait3A_12 = tpu.memref_slice %arg8[%dma_wait3A, %dma_wait3A_10, %dma_wait3A_11] : memref<2x8x64xi32, #tpu.memory_space<vmem>> -> memref<1x1x64xi32, #tpu.memory_space<vmem>>
    %dma_wait3A_13 = tpu.memref_squeeze %dma_wait3A_12 : memref<1x1x64xi32, #tpu.memory_space<vmem>> -> memref<64xi32, #tpu.memory_space<vmem>>
    %dma_wait3A_14 = arith.constant 0 : i32
    %dma_wait3A_15 = arith.constant 0 : i32
    %dma_wait3A_16 = tpu.memref_slice %arg4[%dma_wait3A_14, %dma_wait3A_15] : memref<62500x16xf32, #tpu.memory_space<hbm>> -> memref<62500x16xf32, #tpu.memory_space<hbm>>
    tpu.wait_indirect_dma semaphore(%arg13 : memref<!tpu.dma_semaphore, #tpu.memory_space<semaphore_mem>>) src(%dma_wait3A_16 : memref<62500x16xf32, #tpu.memory_space<hbm>>) dst(%arg10 : memref<64x16xf32, #tpu.memory_space<vmem>>)
    %iota3A = tpu.iota {dimensions = array<i32: 0>} : vector<16xi32>
    %add3A_17 = arith.constant 0 : i32
    %add3A_18 = vector.broadcast %add3A_17 : i32 to vector<16xi32>
    %add3A_19 = arith.addi %iota3A, %add3A_18 : vector<16xi32>
    %get3A = arith.constant 0 : i32
    %get3A_20 = arith.constant 0 : i32
    %get3A_21 = arith.index_cast %get3A : i32 to index
    %get3A_22 = arith.index_cast %get3A_20 : i32 to index
    %get3A_23 = arith.constant 0 : index
    %get3A_24 = tpu.vector_load %arg9[%get3A_21, %get3A_22, %get3A_23] {strides = array<i32>} : memref<2x8x64xi32, #tpu.memory_space<vmem>>, vector<16xi32>,
    %gather3A = tpu.vector_load_idx %arg10[%add3A_19, %get3A_24] : memref<64x16xf32, #tpu.memory_space<vmem>>[vector<16xi32>, vector<16xi32>], vector<16xf32>,
    %swap3A = arith.constant 0 : i32
    %swap3A_25 = arith.index_cast %swap3A : i32 to index
    %swap3A_26 = arith.constant 0 : index
    %swap3A_27 = tpu.vector_load %arg11[%swap3A_25, %swap3A_26] {strides = array<i32>} : memref<1x512xf32, #tpu.memory_space<vmem>>, vector<16xf32>,
    tpu.vector_store %arg11[%swap3A_25, %swap3A_26], %gather3A {strides = array<i32>} : memref<1x512xf32, #tpu.memory_space<vmem>>, vector<16xf32>,
    %iota3A_28 = tpu.iota {dimensions = array<i32: 0>} : vector<16xi32>
    %add3A_29 = arith.constant 16 : i32
    %add3A_30 = vector.broadcast %add3A_29 : i32 to vector<16xi32>
    %add3A_31 = arith.addi %iota3A_28, %add3A_30 : vector<16xi32>
    %get3A_32 = arith.constant 0 : i32
    %get3A_33 = arith.constant 0 : i32
    %get3A_34 = arith.index_cast %get3A_32 : i32 to index
    %get3A_35 = arith.index_cast %get3A_33 : i32 to index
    %get3A_36 = arith.constant 16 : index
    %get3A_37 = tpu.vector_load %arg9[%get3A_34, %get3A_35, %get3A_36] {strides = array<i32>} : memref<2x8x64xi32, #tpu.memory_space<vmem>>, vector<16xi32>,
    %gather3A_38 = tpu.vector_load_idx %arg10[%add3A_31, %get3A_37] : memref<64x16xf32, #tpu.memory_space<vmem>>[vector<16xi32>, vector<16xi32>], vector<16xf32>,
    %swap3A_39 = arith.constant 0 : i32
    %swap3A_40 = arith.index_cast %swap3A_39 : i32 to index
    %swap3A_41 = arith.constant 16 : index
    %swap3A_42 = tpu.vector_load %arg11[%swap3A_40, %swap3A_41] {strides = array<i32>} : memref<1x512xf32, #tpu.memory_space<vmem>>, vector<16xf32>,
    tpu.vector_store %arg11[%swap3A_40, %swap3A_41], %gather3A_38 {strides = array<i32>} : memref<1x512xf32, #tpu.memory_space<vmem>>, vector<16xf32>,
    %iota3A_43 = tpu.iota {dimensions = array<i32: 0>} : vector<16xi32>
    %add3A_44 = arith.constant 32 : i32
    %add3A_45 = vector.broadcast %add3A_44 : i32 to vector<16xi32>
    %add3A_46 = arith.addi %iota3A_43, %add3A_45 : vector<16xi32>
    %get3A_47 = arith.constant 0 : i32
    %get3A_48 = arith.constant 0 : i32
    %get3A_49 = arith.index_cast %get3A_47 : i32 to index
    %get3A_50 = arith.index_cast %get3A_48 : i32 to index
    %get3A_51 = arith.constant 32 : index
    %get3A_52 = tpu.vector_load %arg9[%get3A_49, %get3A_50, %get3A_51] {strides = array<i32>} : memref<2x8x64xi32, #tpu.memory_space<vmem>>, vector<16xi32>,
    %gather3A_53 = tpu.vector_load_idx %arg10[%add3A_46, %get3A_52] : memref<64x16xf32, #tpu.memory_space<vmem>>[vector<16xi32>, vector<16xi32>], vector<16xf32>,
    %swap3A_54 = arith.constant 0 : i32
    %swap3A_55 = arith.index_cast %swap3A_54 : i32 to index
    %swap3A_56 = arith.constant 32 : index
    %swap3A_57 = tpu.vector_load %arg11[%swap3A_55, %swap3A_56] {strides = array<i32>} : memref<1x512xf32, #tpu.memory_space<vmem>>, vector<16xf32>,
    tpu.vector_store %arg11[%swap3A_55, %swap3A_56], %gather3A_53 {strides = array<i32>} : memref<1x512xf32, #tpu.memory_space<vmem>>, vector<16xf32>,
    %iota3A_58 = tpu.iota {dimensions = array<i32: 0>} : vector<16xi32>
    %add3A_59 = arith.constant 48 : i32
    %add3A_60 = vector.broadcast %add3A_59 : i32 to vector<16xi32>
    %add3A_61 = arith.addi %iota3A_58, %add3A_60 : vector<16xi32>
    %get3A_62 = arith.constant 0 : i32
    %get3A_63 = arith.constant 0 : i32
    %get3A_64 = arith.index_cast %get3A_62 : i32 to index
    %get3A_65 = arith.index_cast %get3A_63 : i32 to index
    %get3A_66 = arith.constant 48 : index
    %get3A_67 = tpu.vector_load %arg9[%get3A_64, %get3A_65, %get3A_66] {strides = array<i32>} : memref<2x8x64xi32, #tpu.memory_space<vmem>>, vector<16xi32>,
    %gather3A_68 = tpu.vector_load_idx %arg10[%add3A_61, %get3A_67] : memref<64x16xf32, #tpu.memory_space<vmem>>[vector<16xi32>, vector<16xi32>], vector<16xf32>,
    %swap3A_69 = arith.constant 0 : i32
    %swap3A_70 = arith.index_cast %swap3A_69 : i32 to index
    %swap3A_71 = arith.constant 48 : index
    %swap3A_72 = tpu.vector_load %arg11[%swap3A_70, %swap3A_71] {strides = array<i32>} : memref<1x512xf32, #tpu.memory_space<vmem>>, vector<16xf32>,
    tpu.vector_store %arg11[%swap3A_70, %swap3A_71], %gather3A_68 {strides = array<i32>} : memref<1x512xf32, #tpu.memory_space<vmem>>, vector<16xf32>,
    %dma_start3A_73 = arith.constant 0 : i32
    %dma_start3A_74 = arith.constant 1 : i32
    %dma_start3A_75 = arith.constant 0 : i32
    %dma_start3A_76 = tpu.memref_slice %arg8[%dma_start3A_73, %dma_start3A_74, %dma_start3A_75] : memref<2x8x64xi32, #tpu.memory_space<vmem>> -> memref<1x1x64xi32, #tpu.memory_space<vmem>>
    %dma_start3A_77 = tpu.memref_squeeze %dma_start3A_76 : memref<1x1x64xi32, #tpu.memory_space<vmem>> -> memref<64xi32, #tpu.memory_space<vmem>>
    %dma_start3A_78 = arith.constant 0 : i32
    %dma_start3A_79 = arith.constant 0 : i32
    %dma_start3A_80 = tpu.memref_slice %arg4[%dma_start3A_78, %dma_start3A_79] : memref<62500x16xf32, #tpu.memory_space<hbm>> -> memref<62500x16xf32, #tpu.memory_space<hbm>>
    tpu.enqueue_indirect_dma source(%dma_start3A_80 : memref<62500x16xf32, #tpu.memory_space<hbm>>) target(%arg10 : memref<64x16xf32, #tpu.memory_space<vmem>>) offsets(%dma_start3A_77 : memref<64xi32, #tpu.memory_space<vmem>>) semaphore(%arg13 : memref<!tpu.dma_semaphore, #tpu.memory_space<semaphore_mem>>)
    %dma_wait3A_81 = arith.constant 0 : i32
    %dma_wait3A_82 = arith.constant 1 : i32
    %dma_wait3A_83 = arith.constant 0 : i32
    %dma_wait3A_84 = tpu.memref_slice %arg8[%dma_wait3A_81, %dma_wait3A_82, %dma_wait3A_83] : memref<2x8x64xi32, #tpu.memory_space<vmem>> -> memref<1x1x64xi32, #tpu.memory_space<vmem>>
    %dma_wait3A_85 = tpu.memref_squeeze %dma_wait3A_84 : memref<1x1x64xi32, #tpu.memory_space<vmem>> -> memref<64xi32, #tpu.memory_space<vmem>>
    %dma_wait3A_86 = arith.constant 0 : i32
    %dma_wait3A_87 = arith.constant 0 : i32
    %dma_wait3A_88 = tpu.memref_slice %arg4[%dma_wait3A_86, %dma_wait3A_87] : memref<62500x16xf32, #tpu.memory_space<hbm>> -> memref<62500x16xf32, #tpu.memory_space<hbm>>
    tpu.wait_indirect_dma semaphore(%arg13 : memref<!tpu.dma_semaphore, #tpu.memory_space<semaphore_mem>>) src(%dma_wait3A_88 : memref<62500x16xf32, #tpu.memory_space<hbm>>) dst(%arg10 : memref<64x16xf32, #tpu.memory_space<vmem>>)
    %iota3A_89 = tpu.iota {dimensions = array<i32: 0>} : vector<16xi32>
    %add3A_90 = arith.constant 0 : i32
    %add3A_91 = vector.broadcast %add3A_90 : i32 to vector<16xi32>
    %add3A_92 = arith.addi %iota3A_89, %add3A_91 : vector<16xi32>
    %get3A_93 = arith.constant 0 : i32
    %get3A_94 = arith.constant 1 : i32
    %get3A_95 = arith.index_cast %get3A_93 : i32 to index
    %get3A_96 = arith.index_cast %get3A_94 : i32 to index
    %get3A_97 = arith.constant 0 : index
    %get3A_98 = tpu.vector_load %arg9[%get3A_95, %get3A_96, %get3A_97] {strides = array<i32>} : memref<2x8x64xi32, #tpu.memory_space<vmem>>, vector<16xi32>,
    %gather3A_99 = tpu.vector_load_idx %arg10[%add3A_92, %get3A_98] : memref<64x16xf32, #tpu.memory_space<vmem>>[vector<16xi32>, vector<16xi32>], vector<16xf32>,
    %swap3A_100 = arith.constant 0 : i32
    %swap3A_101 = arith.index_cast %swap3A_100 : i32 to index
    %swap3A_102 = arith.constant 64 : index
    %swap3A_103 = tpu.vector_load %arg11[%swap3A_101, %swap3A_102] {strides = array<i32>} : memref<1x512xf32, #tpu.memory_space<vmem>>, vector<16xf32>,
    tpu.vector_store %arg11[%swap3A_101, %swap3A_102], %gather3A_99 {strides = array<i32>} : memref<1x512xf32, #tpu.memory_space<vmem>>, vector<16xf32>,
    %iota3A_104 = tpu.iota {dimensions = array<i32: 0>} : vector<16xi32>
    %add3A_105 = arith.constant 16 : i32
    %add3A_106 = vector.broadcast %add3A_105 : i32 to vector<16xi32>
    %add3A_107 = arith.addi %iota3A_104, %add3A_106 : vector<16xi32>
    %get3A_108 = arith.constant 0 : i32
    %get3A_109 = arith.constant 1 : i32
    %get3A_110 = arith.index_cast %get3A_108 : i32 to index
    %get3A_111 = arith.index_cast %get3A_109 : i32 to index
    %get3A_112 = arith.constant 16 : index
    %get3A_113 = tpu.vector_load %arg9[%get3A_110, %get3A_111, %get3A_112] {strides = array<i32>} : memref<2x8x64xi32, #tpu.memory_space<vmem>>, vector<16xi32>,
    %gather3A_114 = tpu.vector_load_idx %arg10[%add3A_107, %get3A_113] : memref<64x16xf32, #tpu.memory_space<vmem>>[vector<16xi32>, vector<16xi32>], vector<16xf32>,
    %swap3A_115 = arith.constant 0 : i32
    %swap3A_116 = arith.index_cast %swap3A_115 : i32 to index
    %swap3A_117 = arith.constant 80 : index
    %swap3A_118 = tpu.vector_load %arg11[%swap3A_116, %swap3A_117] {strides = array<i32>} : memref<1x512xf32, #tpu.memory_space<vmem>>, vector<16xf32>,
    tpu.vector_store %arg11[%swap3A_116, %swap3A_117], %gather3A_114 {strides = array<i32>} : memref<1x512xf32, #tpu.memory_space<vmem>>, vector<16xf32>,
    %iota3A_119 = tpu.iota {dimensions = array<i32: 0>} : vector<16xi32>
    %add3A_120 = arith.constant 32 : i32
    %add3A_121 = vector.broadcast %add3A_120 : i32 to vector<16xi32>
    %add3A_122 = arith.addi %iota3A_119, %add3A_121 : vector<16xi32>
    %get3A_123 = arith.constant 0 : i32
    %get3A_124 = arith.constant 1 : i32
    %get3A_125 = arith.index_cast %get3A_123 : i32 to index
    %get3A_126 = arith.index_cast %get3A_124 : i32 to index
    %get3A_127 = arith.constant 32 : index
    %get3A_128 = tpu.vector_load %arg9[%get3A_125, %get3A_126, %get3A_127] {strides = array<i32>} : memref<2x8x64xi32, #tpu.memory_space<vmem>>, vector<16xi32>,
    %gather3A_129 = tpu.vector_load_idx %arg10[%add3A_122, %get3A_128] : memref<64x16xf32, #tpu.memory_space<vmem>>[vector<16xi32>, vector<16xi32>], vector<16xf32>,
    %swap3A_130 = arith.constant 0 : i32
    %swap3A_131 = arith.index_cast %swap3A_130 : i32 to index
    %swap3A_132 = arith.constant 96 : index
    %swap3A_133 = tpu.vector_load %arg11[%swap3A_131, %swap3A_132] {strides = array<i32>} : memref<1x512xf32, #tpu.memory_space<vmem>>, vector<16xf32>,
    tpu.vector_store %arg11[%swap3A_131, %swap3A_132], %gather3A_129 {strides = array<i32>} : memref<1x512xf32, #tpu.memory_space<vmem>>, vector<16xf32>,
    %iota3A_134 = tpu.iota {dimensions = array<i32: 0>} : vector<16xi32>
    %add3A_135 = arith.constant 48 : i32
    %add3A_136 = vector.broadcast %add3A_135 : i32 to vector<16xi32>
    %add3A_137 = arith.addi %iota3A_134, %add3A_136 : vector<16xi32>
    %get3A_138 = arith.constant 0 : i32
    %get3A_139 = arith.constant 1 : i32
    %get3A_140 = arith.index_cast %get3A_138 : i32 to index
    %get3A_141 = arith.index_cast %get3A_139 : i32 to index
    %get3A_142 = arith.constant 48 : index
    %get3A_143 = tpu.vector_load %arg9[%get3A_140, %get3A_141, %get3A_142] {strides = array<i32>} : memref<2x8x64xi32, #tpu.memory_space<vmem>>, vector<16xi32>,
    %gather3A_144 = tpu.vector_load_idx %arg10[%add3A_137, %get3A_143] : memref<64x16xf32, #tpu.memory_space<vmem>>[vector<16xi32>, vector<16xi32>], vector<16xf32>,
    %swap3A_145 = arith.constant 0 : i32
    %swap3A_146 = arith.index_cast %swap3A_145 : i32 to index
    %swap3A_147 = arith.constant 112 : index
    %swap3A_148 = tpu.vector_load %arg11[%swap3A_146, %swap3A_147] {strides = array<i32>} : memref<1x512xf32, #tpu.memory_space<vmem>>, vector<16xf32>,
    tpu.vector_store %arg11[%swap3A_146, %swap3A_147], %gather3A_144 {strides = array<i32>} : memref<1x512xf32, #tpu.memory_space<vmem>>, vector<16xf32>,
    %dma_start3A_149 = arith.constant 0 : i32
    %dma_start3A_150 = arith.constant 2 : i32
    %dma_start3A_151 = arith.constant 0 : i32
    %dma_start3A_152 = tpu.memref_slice %arg8[%dma_start3A_149, %dma_start3A_150, %dma_start3A_151] : memref<2x8x64xi32, #tpu.memory_space<vmem>> -> memref<1x1x64xi32, #tpu.memory_space<vmem>>
    %dma_start3A_153 = tpu.memref_squeeze %dma_start3A_152 : memref<1x1x64xi32, #tpu.memory_space<vmem>> -> memref<64xi32, #tpu.memory_space<vmem>>
    %dma_start3A_154 = arith.constant 0 : i32
    %dma_start3A_155 = arith.constant 0 : i32
    %dma_start3A_156 = tpu.memref_slice %arg4[%dma_start3A_154, %dma_start3A_155] : memref<62500x16xf32, #tpu.memory_space<hbm>> -> memref<62500x16xf32, #tpu.memory_space<hbm>>
    tpu.enqueue_indirect_dma source(%dma_start3A_156 : memref<62500x16xf32, #tpu.memory_space<hbm>>) target(%arg10 : memref<64x16xf32, #tpu.memory_space<vmem>>) offsets(%dma_start3A_153 : memref<64xi32, #tpu.memory_space<vmem>>) semaphore(%arg13 : memref<!tpu.dma_semaphore, #tpu.memory_space<semaphore_mem>>)
    %dma_wait3A_157 = arith.constant 0 : i32
    %dma_wait3A_158 = arith.constant 2 : i32
    %dma_wait3A_159 = arith.constant 0 : i32
    %dma_wait3A_160 = tpu.memref_slice %arg8[%dma_wait3A_157, %dma_wait3A_158, %dma_wait3A_159] : memref<2x8x64xi32, #tpu.memory_space<vmem>> -> memref<1x1x64xi32, #tpu.memory_space<vmem>>
    %dma_wait3A_161 = tpu.memref_squeeze %dma_wait3A_160 : memref<1x1x64xi32, #tpu.memory_space<vmem>> -> memref<64xi32, #tpu.memory_space<vmem>>
    %dma_wait3A_162 = arith.constant 0 : i32
    %dma_wait3A_163 = arith.constant 0 : i32
    %dma_wait3A_164 = tpu.memref_slice %arg4[%dma_wait3A_162, %dma_wait3A_163] : memref<62500x16xf32, #tpu.memory_space<hbm>> -> memref<62500x16xf32, #tpu.memory_space<hbm>>
    tpu.wait_indirect_dma semaphore(%arg13 : memref<!tpu.dma_semaphore, #tpu.memory_space<semaphore_mem>>) src(%dma_wait3A_164 : memref<62500x16xf32, #tpu.memory_space<hbm>>) dst(%arg10 : memref<64x16xf32, #tpu.memory_space<vmem>>)
    %iota3A_165 = tpu.iota {dimensions = array<i32: 0>} : vector<16xi32>
    %add3A_166 = arith.constant 0 : i32
    %add3A_167 = vector.broadcast %add3A_166 : i32 to vector<16xi32>
    %add3A_168 = arith.addi %iota3A_165, %add3A_167 : vector<16xi32>
    %get3A_169 = arith.constant 0 : i32
    %get3A_170 = arith.constant 2 : i32
    %get3A_171 = arith.index_cast %get3A_169 : i32 to index
    %get3A_172 = arith.index_cast %get3A_170 : i32 to index
    %get3A_173 = arith.constant 0 : index
    %get3A_174 = tpu.vector_load %arg9[%get3A_171, %get3A_172, %get3A_173] {strides = array<i32>} : memref<2x8x64xi32, #tpu.memory_space<vmem>>, vector<16xi32>,
    %gather3A_175 = tpu.vector_load_idx %arg10[%add3A_168, %get3A_174] : memref<64x16xf32, #tpu.memory_space<vmem>>[vector<16xi32>, vector<16xi32>], vector<16xf32>,
    %swap3A_176 = arith.constant 0 : i32
    %swap3A_177 = arith.index_cast %swap3A_176 : i32 to index
    %swap3A_178 = arith.constant 128 : index
    %swap3A_179 = tpu.vector_load %arg11[%swap3A_177, %swap3A_178] {strides = array<i32>} : memref<1x512xf32, #tpu.memory_space<vmem>>, vector<16xf32>,
    tpu.vector_store %arg11[%swap3A_177, %swap3A_178], %gather3A_175 {strides = array<i32>} : memref<1x512xf32, #tpu.memory_space<vmem>>, vector<16xf32>,
    %iota3A_180 = tpu.iota {dimensions = array<i32: 0>} : vector<16xi32>
    %add3A_181 = arith.constant 16 : i32
    %add3A_182 = vector.broadcast %add3A_181 : i32 to vector<16xi32>
    %add3A_183 = arith.addi %iota3A_180, %add3A_182 : vector<16xi32>
    %get3A_184 = arith.constant 0 : i32
    %get3A_185 = arith.constant 2 : i32
    %get3A_186 = arith.index_cast %get3A_184 : i32 to index
    %get3A_187 = arith.index_cast %get3A_185 : i32 to index
    %get3A_188 = arith.constant 16 : index
    %get3A_189 = tpu.vector_load %arg9[%get3A_186, %get3A_187, %get3A_188] {strides = array<i32>} : memref<2x8x64xi32, #tpu.memory_space<vmem>>, vector<16xi32>,
    %gather3A_190 = tpu.vector_load_idx %arg10[%add3A_183, %get3A_189] : memref<64x16xf32, #tpu.memory_space<vmem>>[vector<16xi32>, vector<16xi32>], vector<16xf32>,
    %swap3A_191 = arith.constant 0 : i32
    %swap3A_192 = arith.index_cast %swap3A_191 : i32 to index
    %swap3A_193 = arith.constant 144 : index
    %swap3A_194 = tpu.vector_load %arg11[%swap3A_192, %swap3A_193] {strides = array<i32>} : memref<1x512xf32, #tpu.memory_space<vmem>>, vector<16xf32>,
    tpu.vector_store %arg11[%swap3A_192, %swap3A_193], %gather3A_190 {strides = array<i32>} : memref<1x512xf32, #tpu.memory_space<vmem>>, vector<16xf32>,
    %iota3A_195 = tpu.iota {dimensions = array<i32: 0>} : vector<16xi32>
    %add3A_196 = arith.constant 32 : i32
    %add3A_197 = vector.broadcast %add3A_196 : i32 to vector<16xi32>
    %add3A_198 = arith.addi %iota3A_195, %add3A_197 : vector<16xi32>
    %get3A_199 = arith.constant 0 : i32
    %get3A_200 = arith.constant 2 : i32
    %get3A_201 = arith.index_cast %get3A_199 : i32 to index
    %get3A_202 = arith.index_cast %get3A_200 : i32 to index
    %get3A_203 = arith.constant 32 : index
    %get3A_204 = tpu.vector_load %arg9[%get3A_201, %get3A_202, %get3A_203] {strides = array<i32>} : memref<2x8x64xi32, #tpu.memory_space<vmem>>, vector<16xi32>,
    %gather3A_205 = tpu.vector_load_idx %arg10[%add3A_198, %get3A_204] : memref<64x16xf32, #tpu.memory_space<vmem>>[vector<16xi32>, vector<16xi32>], vector<16xf32>,
    %swap3A_206 = arith.constant 0 : i32
    %swap3A_207 = arith.index_cast %swap3A_206 : i32 to index
    %swap3A_208 = arith.constant 160 : index
    %swap3A_209 = tpu.vector_load %arg11[%swap3A_207, %swap3A_208] {strides = array<i32>} : memref<1x512xf32, #tpu.memory_space<vmem>>, vector<16xf32>,
    tpu.vector_store %arg11[%swap3A_207, %swap3A_208], %gather3A_205 {strides = array<i32>} : memref<1x512xf32, #tpu.memory_space<vmem>>, vector<16xf32>,
    %iota3A_210 = tpu.iota {dimensions = array<i32: 0>} : vector<16xi32>
    %add3A_211 = arith.constant 48 : i32
    %add3A_212 = vector.broadcast %add3A_211 : i32 to vector<16xi32>
    %add3A_213 = arith.addi %iota3A_210, %add3A_212 : vector<16xi32>
    %get3A_214 = arith.constant 0 : i32
    %get3A_215 = arith.constant 2 : i32
    %get3A_216 = arith.index_cast %get3A_214 : i32 to index
    %get3A_217 = arith.index_cast %get3A_215 : i32 to index
    %get3A_218 = arith.constant 48 : index
    %get3A_219 = tpu.vector_load %arg9[%get3A_216, %get3A_217, %get3A_218] {strides = array<i32>} : memref<2x8x64xi32, #tpu.memory_space<vmem>>, vector<16xi32>,
    %gather3A_220 = tpu.vector_load_idx %arg10[%add3A_213, %get3A_219] : memref<64x16xf32, #tpu.memory_space<vmem>>[vector<16xi32>, vector<16xi32>], vector<16xf32>,
    %swap3A_221 = arith.constant 0 : i32
    %swap3A_222 = arith.index_cast %swap3A_221 : i32 to index
    %swap3A_223 = arith.constant 176 : index
    %swap3A_224 = tpu.vector_load %arg11[%swap3A_222, %swap3A_223] {strides = array<i32>} : memref<1x512xf32, #tpu.memory_space<vmem>>, vector<16xf32>,
    tpu.vector_store %arg11[%swap3A_222, %swap3A_223], %gather3A_220 {strides = array<i32>} : memref<1x512xf32, #tpu.memory_space<vmem>>, vector<16xf32>,
    %dma_start3A_225 = arith.constant 0 : i32
    %dma_start3A_226 = arith.constant 3 : i32
    %dma_start3A_227 = arith.constant 0 : i32
    %dma_start3A_228 = tpu.memref_slice %arg8[%dma_start3A_225, %dma_start3A_226, %dma_start3A_227] : memref<2x8x64xi32, #tpu.memory_space<vmem>> -> memref<1x1x64xi32, #tpu.memory_space<vmem>>
    %dma_start3A_229 = tpu.memref_squeeze %dma_start3A_228 : memref<1x1x64xi32, #tpu.memory_space<vmem>> -> memref<64xi32, #tpu.memory_space<vmem>>
    %dma_start3A_230 = arith.constant 0 : i32
    %dma_start3A_231 = arith.constant 0 : i32
    %dma_start3A_232 = tpu.memref_slice %arg4[%dma_start3A_230, %dma_start3A_231] : memref<62500x16xf32, #tpu.memory_space<hbm>> -> memref<62500x16xf32, #tpu.memory_space<hbm>>
    tpu.enqueue_indirect_dma source(%dma_start3A_232 : memref<62500x16xf32, #tpu.memory_space<hbm>>) target(%arg10 : memref<64x16xf32, #tpu.memory_space<vmem>>) offsets(%dma_start3A_229 : memref<64xi32, #tpu.memory_space<vmem>>) semaphore(%arg13 : memref<!tpu.dma_semaphore, #tpu.memory_space<semaphore_mem>>)
    %dma_wait3A_233 = arith.constant 0 : i32
    %dma_wait3A_234 = arith.constant 3 : i32
    %dma_wait3A_235 = arith.constant 0 : i32
    %dma_wait3A_236 = tpu.memref_slice %arg8[%dma_wait3A_233, %dma_wait3A_234, %dma_wait3A_235] : memref<2x8x64xi32, #tpu.memory_space<vmem>> -> memref<1x1x64xi32, #tpu.memory_space<vmem>>
    %dma_wait3A_237 = tpu.memref_squeeze %dma_wait3A_236 : memref<1x1x64xi32, #tpu.memory_space<vmem>> -> memref<64xi32, #tpu.memory_space<vmem>>
    %dma_wait3A_238 = arith.constant 0 : i32
    %dma_wait3A_239 = arith.constant 0 : i32
    %dma_wait3A_240 = tpu.memref_slice %arg4[%dma_wait3A_238, %dma_wait3A_239] : memref<62500x16xf32, #tpu.memory_space<hbm>> -> memref<62500x16xf32, #tpu.memory_space<hbm>>
    tpu.wait_indirect_dma semaphore(%arg13 : memref<!tpu.dma_semaphore, #tpu.memory_space<semaphore_mem>>) src(%dma_wait3A_240 : memref<62500x16xf32, #tpu.memory_space<hbm>>) dst(%arg10 : memref<64x16xf32, #tpu.memory_space<vmem>>)
    %iota3A_241 = tpu.iota {dimensions = array<i32: 0>} : vector<16xi32>
    %add3A_242 = arith.constant 0 : i32
    %add3A_243 = vector.broadcast %add3A_242 : i32 to vector<16xi32>
    %add3A_244 = arith.addi %iota3A_241, %add3A_243 : vector<16xi32>
    %get3A_245 = arith.constant 0 : i32
    %get3A_246 = arith.constant 3 : i32
    %get3A_247 = arith.index_cast %get3A_245 : i32 to index
    %get3A_248 = arith.index_cast %get3A_246 : i32 to index
    %get3A_249 = arith.constant 0 : index
    %get3A_250 = tpu.vector_load %arg9[%get3A_247, %get3A_248, %get3A_249] {strides = array<i32>} : memref<2x8x64xi32, #tpu.memory_space<vmem>>, vector<16xi32>,
    %gather3A_251 = tpu.vector_load_idx %arg10[%add3A_244, %get3A_250] : memref<64x16xf32, #tpu.memory_space<vmem>>[vector<16xi32>, vector<16xi32>], vector<16xf32>,
    %swap3A_252 = arith.constant 0 : i32
    %swap3A_253 = arith.index_cast %swap3A_252 : i32 to index
    %swap3A_254 = arith.constant 192 : index
    %swap3A_255 = tpu.vector_load %arg11[%swap3A_253, %swap3A_254] {strides = array<i32>} : memref<1x512xf32, #tpu.memory_space<vmem>>, vector<16xf32>,
    tpu.vector_store %arg11[%swap3A_253, %swap3A_254], %gather3A_251 {strides = array<i32>} : memref<1x512xf32, #tpu.memory_space<vmem>>, vector<16xf32>,
    %iota3A_256 = tpu.iota {dimensions = array<i32: 0>} : vector<16xi32>
    %add3A_257 = arith.constant 16 : i32
    %add3A_258 = vector.broadcast %add3A_257 : i32 to vector<16xi32>
    %add3A_259 = arith.addi %iota3A_256, %add3A_258 : vector<16xi32>
    %get3A_260 = arith.constant 0 : i32
    %get3A_261 = arith.constant 3 : i32
    %get3A_262 = arith.index_cast %get3A_260 : i32 to index
    %get3A_263 = arith.index_cast %get3A_261 : i32 to index
    %get3A_264 = arith.constant 16 : index
    %get3A_265 = tpu.vector_load %arg9[%get3A_262, %get3A_263, %get3A_264] {strides = array<i32>} : memref<2x8x64xi32, #tpu.memory_space<vmem>>, vector<16xi32>,
    %gather3A_266 = tpu.vector_load_idx %arg10[%add3A_259, %get3A_265] : memref<64x16xf32, #tpu.memory_space<vmem>>[vector<16xi32>, vector<16xi32>], vector<16xf32>,
    %swap3A_267 = arith.constant 0 : i32
    %swap3A_268 = arith.index_cast %swap3A_267 : i32 to index
    %swap3A_269 = arith.constant 208 : index
    %swap3A_270 = tpu.vector_load %arg11[%swap3A_268, %swap3A_269] {strides = array<i32>} : memref<1x512xf32, #tpu.memory_space<vmem>>, vector<16xf32>,
    tpu.vector_store %arg11[%swap3A_268, %swap3A_269], %gather3A_266 {strides = array<i32>} : memref<1x512xf32, #tpu.memory_space<vmem>>, vector<16xf32>,
    %iota3A_271 = tpu.iota {dimensions = array<i32: 0>} : vector<16xi32>
    %add3A_272 = arith.constant 32 : i32
    %add3A_273 = vector.broadcast %add3A_272 : i32 to vector<16xi32>
    %add3A_274 = arith.addi %iota3A_271, %add3A_273 : vector<16xi32>
    %get3A_275 = arith.constant 0 : i32
    %get3A_276 = arith.constant 3 : i32
    %get3A_277 = arith.index_cast %get3A_275 : i32 to index
    %get3A_278 = arith.index_cast %get3A_276 : i32 to index
    %get3A_279 = arith.constant 32 : index
    %get3A_280 = tpu.vector_load %arg9[%get3A_277, %get3A_278, %get3A_279] {strides = array<i32>} : memref<2x8x64xi32, #tpu.memory_space<vmem>>, vector<16xi32>,
    %gather3A_281 = tpu.vector_load_idx %arg10[%add3A_274, %get3A_280] : memref<64x16xf32, #tpu.memory_space<vmem>>[vector<16xi32>, vector<16xi32>], vector<16xf32>,
    %swap3A_282 = arith.constant 0 : i32
    %swap3A_283 = arith.index_cast %swap3A_282 : i32 to index
    %swap3A_284 = arith.constant 224 : index
    %swap3A_285 = tpu.vector_load %arg11[%swap3A_283, %swap3A_284] {strides = array<i32>} : memref<1x512xf32, #tpu.memory_space<vmem>>, vector<16xf32>,
    tpu.vector_store %arg11[%swap3A_283, %swap3A_284], %gather3A_281 {strides = array<i32>} : memref<1x512xf32, #tpu.memory_space<vmem>>, vector<16xf32>,
    %iota3A_286 = tpu.iota {dimensions = array<i32: 0>} : vector<16xi32>
    %add3A_287 = arith.constant 48 : i32
    %add3A_288 = vector.broadcast %add3A_287 : i32 to vector<16xi32>
    %add3A_289 = arith.addi %iota3A_286, %add3A_288 : vector<16xi32>
    %get3A_290 = arith.constant 0 : i32
    %get3A_291 = arith.constant 3 : i32
    %get3A_292 = arith.index_cast %get3A_290 : i32 to index
    %get3A_293 = arith.index_cast %get3A_291 : i32 to index
    %get3A_294 = arith.constant 48 : index
    %get3A_295 = tpu.vector_load %arg9[%get3A_292, %get3A_293, %get3A_294] {strides = array<i32>} : memref<2x8x64xi32, #tpu.memory_space<vmem>>, vector<16xi32>,
    %gather3A_296 = tpu.vector_load_idx %arg10[%add3A_289, %get3A_295] : memref<64x16xf32, #tpu.memory_space<vmem>>[vector<16xi32>, vector<16xi32>], vector<16xf32>,
    %swap3A_297 = arith.constant 0 : i32
    %swap3A_298 = arith.index_cast %swap3A_297 : i32 to index
    %swap3A_299 = arith.constant 240 : index
    %swap3A_300 = tpu.vector_load %arg11[%swap3A_298, %swap3A_299] {strides = array<i32>} : memref<1x512xf32, #tpu.memory_space<vmem>>, vector<16xf32>,
    tpu.vector_store %arg11[%swap3A_298, %swap3A_299], %gather3A_296 {strides = array<i32>} : memref<1x512xf32, #tpu.memory_space<vmem>>, vector<16xf32>,
    %dma_start3A_301 = arith.constant 0 : i32
    %dma_start3A_302 = arith.constant 4 : i32
    %dma_start3A_303 = arith.constant 0 : i32
    %dma_start3A_304 = tpu.memref_slice %arg8[%dma_start3A_301, %dma_start3A_302, %dma_start3A_303] : memref<2x8x64xi32, #tpu.memory_space<vmem>> -> memref<1x1x64xi32, #tpu.memory_space<vmem>>
    %dma_start3A_305 = tpu.memref_squeeze %dma_start3A_304 : memref<1x1x64xi32, #tpu.memory_space<vmem>> -> memref<64xi32, #tpu.memory_space<vmem>>
    %dma_start3A_306 = arith.constant 0 : i32
    %dma_start3A_307 = arith.constant 0 : i32
    %dma_start3A_308 = tpu.memref_slice %arg4[%dma_start3A_306, %dma_start3A_307] : memref<62500x16xf32, #tpu.memory_space<hbm>> -> memref<62500x16xf32, #tpu.memory_space<hbm>>
    tpu.enqueue_indirect_dma source(%dma_start3A_308 : memref<62500x16xf32, #tpu.memory_space<hbm>>) target(%arg10 : memref<64x16xf32, #tpu.memory_space<vmem>>) offsets(%dma_start3A_305 : memref<64xi32, #tpu.memory_space<vmem>>) semaphore(%arg13 : memref<!tpu.dma_semaphore, #tpu.memory_space<semaphore_mem>>)
    %dma_wait3A_309 = arith.constant 0 : i32
    %dma_wait3A_310 = arith.constant 4 : i32
    %dma_wait3A_311 = arith.constant 0 : i32
    %dma_wait3A_312 = tpu.memref_slice %arg8[%dma_wait3A_309, %dma_wait3A_310, %dma_wait3A_311] : memref<2x8x64xi32, #tpu.memory_space<vmem>> -> memref<1x1x64xi32, #tpu.memory_space<vmem>>
    %dma_wait3A_313 = tpu.memref_squeeze %dma_wait3A_312 : memref<1x1x64xi32, #tpu.memory_space<vmem>> -> memref<64xi32, #tpu.memory_space<vmem>>
    %dma_wait3A_314 = arith.constant 0 : i32
    %dma_wait3A_315 = arith.constant 0 : i32
    %dma_wait3A_316 = tpu.memref_slice %arg4[%dma_wait3A_314, %dma_wait3A_315] : memref<62500x16xf32, #tpu.memory_space<hbm>> -> memref<62500x16xf32, #tpu.memory_space<hbm>>
    tpu.wait_indirect_dma semaphore(%arg13 : memref<!tpu.dma_semaphore, #tpu.memory_space<semaphore_mem>>) src(%dma_wait3A_316 : memref<62500x16xf32, #tpu.memory_space<hbm>>) dst(%arg10 : memref<64x16xf32, #tpu.memory_space<vmem>>)
    %iota3A_317 = tpu.iota {dimensions = array<i32: 0>} : vector<16xi32>
    %add3A_318 = arith.constant 0 : i32
    %add3A_319 = vector.broadcast %add3A_318 : i32 to vector<16xi32>
    %add3A_320 = arith.addi %iota3A_317, %add3A_319 : vector<16xi32>
    %get3A_321 = arith.constant 0 : i32
    %get3A_322 = arith.constant 4 : i32
    %get3A_323 = arith.index_cast %get3A_321 : i32 to index
    %get3A_324 = arith.index_cast %get3A_322 : i32 to index
    %get3A_325 = arith.constant 0 : index
    %get3A_326 = tpu.vector_load %arg9[%get3A_323, %get3A_324, %get3A_325] {strides = array<i32>} : memref<2x8x64xi32, #tpu.memory_space<vmem>>, vector<16xi32>,
    %gather3A_327 = tpu.vector_load_idx %arg10[%add3A_320, %get3A_326] : memref<64x16xf32, #tpu.memory_space<vmem>>[vector<16xi32>, vector<16xi32>], vector<16xf32>,
    %swap3A_328 = arith.constant 0 : i32
    %swap3A_329 = arith.index_cast %swap3A_328 : i32 to index
    %swap3A_330 = arith.constant 256 : index
    %swap3A_331 = tpu.vector_load %arg11[%swap3A_329, %swap3A_330] {strides = array<i32>} : memref<1x512xf32, #tpu.memory_space<vmem>>, vector<16xf32>,
    tpu.vector_store %arg11[%swap3A_329, %swap3A_330], %gather3A_327 {strides = array<i32>} : memref<1x512xf32, #tpu.memory_space<vmem>>, vector<16xf32>,
    %iota3A_332 = tpu.iota {dimensions = array<i32: 0>} : vector<16xi32>
    %add3A_333 = arith.constant 16 : i32
    %add3A_334 = vector.broadcast %add3A_333 : i32 to vector<16xi32>
    %add3A_335 = arith.addi %iota3A_332, %add3A_334 : vector<16xi32>
    %get3A_336 = arith.constant 0 : i32
    %get3A_337 = arith.constant 4 : i32
    %get3A_338 = arith.index_cast %get3A_336 : i32 to index
    %get3A_339 = arith.index_cast %get3A_337 : i32 to index
    %get3A_340 = arith.constant 16 : index
    %get3A_341 = tpu.vector_load %arg9[%get3A_338, %get3A_339, %get3A_340] {strides = array<i32>} : memref<2x8x64xi32, #tpu.memory_space<vmem>>, vector<16xi32>,
    %gather3A_342 = tpu.vector_load_idx %arg10[%add3A_335, %get3A_341] : memref<64x16xf32, #tpu.memory_space<vmem>>[vector<16xi32>, vector<16xi32>], vector<16xf32>,
    %swap3A_343 = arith.constant 0 : i32
    %swap3A_344 = arith.index_cast %swap3A_343 : i32 to index
    %swap3A_345 = arith.constant 272 : index
    %swap3A_346 = tpu.vector_load %arg11[%swap3A_344, %swap3A_345] {strides = array<i32>} : memref<1x512xf32, #tpu.memory_space<vmem>>, vector<16xf32>,
    tpu.vector_store %arg11[%swap3A_344, %swap3A_345], %gather3A_342 {strides = array<i32>} : memref<1x512xf32, #tpu.memory_space<vmem>>, vector<16xf32>,
    %iota3A_347 = tpu.iota {dimensions = array<i32: 0>} : vector<16xi32>
    %add3A_348 = arith.constant 32 : i32
    %add3A_349 = vector.broadcast %add3A_348 : i32 to vector<16xi32>
    %add3A_350 = arith.addi %iota3A_347, %add3A_349 : vector<16xi32>
    %get3A_351 = arith.constant 0 : i32
    %get3A_352 = arith.constant 4 : i32
    %get3A_353 = arith.index_cast %get3A_351 : i32 to index
    %get3A_354 = arith.index_cast %get3A_352 : i32 to index
    %get3A_355 = arith.constant 32 : index
    %get3A_356 = tpu.vector_load %arg9[%get3A_353, %get3A_354, %get3A_355] {strides = array<i32>} : memref<2x8x64xi32, #tpu.memory_space<vmem>>, vector<16xi32>,
    %gather3A_357 = tpu.vector_load_idx %arg10[%add3A_350, %get3A_356] : memref<64x16xf32, #tpu.memory_space<vmem>>[vector<16xi32>, vector<16xi32>], vector<16xf32>,
    %swap3A_358 = arith.constant 0 : i32
    %swap3A_359 = arith.index_cast %swap3A_358 : i32 to index
    %swap3A_360 = arith.constant 288 : index
    %swap3A_361 = tpu.vector_load %arg11[%swap3A_359, %swap3A_360] {strides = array<i32>} : memref<1x512xf32, #tpu.memory_space<vmem>>, vector<16xf32>,
    tpu.vector_store %arg11[%swap3A_359, %swap3A_360], %gather3A_357 {strides = array<i32>} : memref<1x512xf32, #tpu.memory_space<vmem>>, vector<16xf32>,
    %iota3A_362 = tpu.iota {dimensions = array<i32: 0>} : vector<16xi32>
    %add3A_363 = arith.constant 48 : i32
    %add3A_364 = vector.broadcast %add3A_363 : i32 to vector<16xi32>
    %add3A_365 = arith.addi %iota3A_362, %add3A_364 : vector<16xi32>
    %get3A_366 = arith.constant 0 : i32
    %get3A_367 = arith.constant 4 : i32
    %get3A_368 = arith.index_cast %get3A_366 : i32 to index
    %get3A_369 = arith.index_cast %get3A_367 : i32 to index
    %get3A_370 = arith.constant 48 : index
    %get3A_371 = tpu.vector_load %arg9[%get3A_368, %get3A_369, %get3A_370] {strides = array<i32>} : memref<2x8x64xi32, #tpu.memory_space<vmem>>, vector<16xi32>,
    %gather3A_372 = tpu.vector_load_idx %arg10[%add3A_365, %get3A_371] : memref<64x16xf32, #tpu.memory_space<vmem>>[vector<16xi32>, vector<16xi32>], vector<16xf32>,
    %swap3A_373 = arith.constant 0 : i32
    %swap3A_374 = arith.index_cast %swap3A_373 : i32 to index
    %swap3A_375 = arith.constant 304 : index
    %swap3A_376 = tpu.vector_load %arg11[%swap3A_374, %swap3A_375] {strides = array<i32>} : memref<1x512xf32, #tpu.memory_space<vmem>>, vector<16xf32>,
    tpu.vector_store %arg11[%swap3A_374, %swap3A_375], %gather3A_372 {strides = array<i32>} : memref<1x512xf32, #tpu.memory_space<vmem>>, vector<16xf32>,
    %dma_start3A_377 = arith.constant 0 : i32
    %dma_start3A_378 = arith.constant 5 : i32
    %dma_start3A_379 = arith.constant 0 : i32
    %dma_start3A_380 = tpu.memref_slice %arg8[%dma_start3A_377, %dma_start3A_378, %dma_start3A_379] : memref<2x8x64xi32, #tpu.memory_space<vmem>> -> memref<1x1x64xi32, #tpu.memory_space<vmem>>
    %dma_start3A_381 = tpu.memref_squeeze %dma_start3A_380 : memref<1x1x64xi32, #tpu.memory_space<vmem>> -> memref<64xi32, #tpu.memory_space<vmem>>
    %dma_start3A_382 = arith.constant 0 : i32
    %dma_start3A_383 = arith.constant 0 : i32
    %dma_start3A_384 = tpu.memref_slice %arg4[%dma_start3A_382, %dma_start3A_383] : memref<62500x16xf32, #tpu.memory_space<hbm>> -> memref<62500x16xf32, #tpu.memory_space<hbm>>
    tpu.enqueue_indirect_dma source(%dma_start3A_384 : memref<62500x16xf32, #tpu.memory_space<hbm>>) target(%arg10 : memref<64x16xf32, #tpu.memory_space<vmem>>) offsets(%dma_start3A_381 : memref<64xi32, #tpu.memory_space<vmem>>) semaphore(%arg13 : memref<!tpu.dma_semaphore, #tpu.memory_space<semaphore_mem>>)
    %dma_wait3A_385 = arith.constant 0 : i32
    %dma_wait3A_386 = arith.constant 5 : i32
    %dma_wait3A_387 = arith.constant 0 : i32
    %dma_wait3A_388 = tpu.memref_slice %arg8[%dma_wait3A_385, %dma_wait3A_386, %dma_wait3A_387] : memref<2x8x64xi32, #tpu.memory_space<vmem>> -> memref<1x1x64xi32, #tpu.memory_space<vmem>>
    %dma_wait3A_389 = tpu.memref_squeeze %dma_wait3A_388 : memref<1x1x64xi32, #tpu.memory_space<vmem>> -> memref<64xi32, #tpu.memory_space<vmem>>
    %dma_wait3A_390 = arith.constant 0 : i32
    %dma_wait3A_391 = arith.constant 0 : i32
    %dma_wait3A_392 = tpu.memref_slice %arg4[%dma_wait3A_390, %dma_wait3A_391] : memref<62500x16xf32, #tpu.memory_space<hbm>> -> memref<62500x16xf32, #tpu.memory_space<hbm>>
    tpu.wait_indirect_dma semaphore(%arg13 : memref<!tpu.dma_semaphore, #tpu.memory_space<semaphore_mem>>) src(%dma_wait3A_392 : memref<62500x16xf32, #tpu.memory_space<hbm>>) dst(%arg10 : memref<64x16xf32, #tpu.memory_space<vmem>>)
    %iota3A_393 = tpu.iota {dimensions = array<i32: 0>} : vector<16xi32>
    %add3A_394 = arith.constant 0 : i32
    %add3A_395 = vector.broadcast %add3A_394 : i32 to vector<16xi32>
    %add3A_396 = arith.addi %iota3A_393, %add3A_395 : vector<16xi32>
    %get3A_397 = arith.constant 0 : i32
    %get3A_398 = arith.constant 5 : i32
    %get3A_399 = arith.index_cast %get3A_397 : i32 to index
    %get3A_400 = arith.index_cast %get3A_398 : i32 to index
    %get3A_401 = arith.constant 0 : index
    %get3A_402 = tpu.vector_load %arg9[%get3A_399, %get3A_400, %get3A_401] {strides = array<i32>} : memref<2x8x64xi32, #tpu.memory_space<vmem>>, vector<16xi32>,
    %gather3A_403 = tpu.vector_load_idx %arg10[%add3A_396, %get3A_402] : memref<64x16xf32, #tpu.memory_space<vmem>>[vector<16xi32>, vector<16xi32>], vector<16xf32>,
    %swap3A_404 = arith.constant 0 : i32
    %swap3A_405 = arith.index_cast %swap3A_404 : i32 to index
    %swap3A_406 = arith.constant 320 : index
    %swap3A_407 = tpu.vector_load %arg11[%swap3A_405, %swap3A_406] {strides = array<i32>} : memref<1x512xf32, #tpu.memory_space<vmem>>, vector<16xf32>,
    tpu.vector_store %arg11[%swap3A_405, %swap3A_406], %gather3A_403 {strides = array<i32>} : memref<1x512xf32, #tpu.memory_space<vmem>>, vector<16xf32>,
    %iota3A_408 = tpu.iota {dimensions = array<i32: 0>} : vector<16xi32>
    %add3A_409 = arith.constant 16 : i32
    %add3A_410 = vector.broadcast %add3A_409 : i32 to vector<16xi32>
    %add3A_411 = arith.addi %iota3A_408, %add3A_410 : vector<16xi32>
    %get3A_412 = arith.constant 0 : i32
    %get3A_413 = arith.constant 5 : i32
    %get3A_414 = arith.index_cast %get3A_412 : i32 to index
    %get3A_415 = arith.index_cast %get3A_413 : i32 to index
    %get3A_416 = arith.constant 16 : index
    %get3A_417 = tpu.vector_load %arg9[%get3A_414, %get3A_415, %get3A_416] {strides = array<i32>} : memref<2x8x64xi32, #tpu.memory_space<vmem>>, vector<16xi32>,
    %gather3A_418 = tpu.vector_load_idx %arg10[%add3A_411, %get3A_417] : memref<64x16xf32, #tpu.memory_space<vmem>>[vector<16xi32>, vector<16xi32>], vector<16xf32>,
    %swap3A_419 = arith.constant 0 : i32
    %swap3A_420 = arith.index_cast %swap3A_419 : i32 to index
    %swap3A_421 = arith.constant 336 : index
    %swap3A_422 = tpu.vector_load %arg11[%swap3A_420, %swap3A_421] {strides = array<i32>} : memref<1x512xf32, #tpu.memory_space<vmem>>, vector<16xf32>,
    tpu.vector_store %arg11[%swap3A_420, %swap3A_421], %gather3A_418 {strides = array<i32>} : memref<1x512xf32, #tpu.memory_space<vmem>>, vector<16xf32>,
    %iota3A_423 = tpu.iota {dimensions = array<i32: 0>} : vector<16xi32>
    %add3A_424 = arith.constant 32 : i32
    %add3A_425 = vector.broadcast %add3A_424 : i32 to vector<16xi32>
    %add3A_426 = arith.addi %iota3A_423, %add3A_425 : vector<16xi32>
    %get3A_427 = arith.constant 0 : i32
    %get3A_428 = arith.constant 5 : i32
    %get3A_429 = arith.index_cast %get3A_427 : i32 to index
    %get3A_430 = arith.index_cast %get3A_428 : i32 to index
    %get3A_431 = arith.constant 32 : index
    %get3A_432 = tpu.vector_load %arg9[%get3A_429, %get3A_430, %get3A_431] {strides = array<i32>} : memref<2x8x64xi32, #tpu.memory_space<vmem>>, vector<16xi32>,
    %gather3A_433 = tpu.vector_load_idx %arg10[%add3A_426, %get3A_432] : memref<64x16xf32, #tpu.memory_space<vmem>>[vector<16xi32>, vector<16xi32>], vector<16xf32>,
    %swap3A_434 = arith.constant 0 : i32
    %swap3A_435 = arith.index_cast %swap3A_434 : i32 to index
    %swap3A_436 = arith.constant 352 : index
    %swap3A_437 = tpu.vector_load %arg11[%swap3A_435, %swap3A_436] {strides = array<i32>} : memref<1x512xf32, #tpu.memory_space<vmem>>, vector<16xf32>,
    tpu.vector_store %arg11[%swap3A_435, %swap3A_436], %gather3A_433 {strides = array<i32>} : memref<1x512xf32, #tpu.memory_space<vmem>>, vector<16xf32>,
    %iota3A_438 = tpu.iota {dimensions = array<i32: 0>} : vector<16xi32>
    %add3A_439 = arith.constant 48 : i32
    %add3A_440 = vector.broadcast %add3A_439 : i32 to vector<16xi32>
    %add3A_441 = arith.addi %iota3A_438, %add3A_440 : vector<16xi32>
    %get3A_442 = arith.constant 0 : i32
    %get3A_443 = arith.constant 5 : i32
    %get3A_444 = arith.index_cast %get3A_442 : i32 to index
    %get3A_445 = arith.index_cast %get3A_443 : i32 to index
    %get3A_446 = arith.constant 48 : index
    %get3A_447 = tpu.vector_load %arg9[%get3A_444, %get3A_445, %get3A_446] {strides = array<i32>} : memref<2x8x64xi32, #tpu.memory_space<vmem>>, vector<16xi32>,
    %gather3A_448 = tpu.vector_load_idx %arg10[%add3A_441, %get3A_447] : memref<64x16xf32, #tpu.memory_space<vmem>>[vector<16xi32>, vector<16xi32>], vector<16xf32>,
    %swap3A_449 = arith.constant 0 : i32
    %swap3A_450 = arith.index_cast %swap3A_449 : i32 to index
    %swap3A_451 = arith.constant 368 : index
    %swap3A_452 = tpu.vector_load %arg11[%swap3A_450, %swap3A_451] {strides = array<i32>} : memref<1x512xf32, #tpu.memory_space<vmem>>, vector<16xf32>,
    tpu.vector_store %arg11[%swap3A_450, %swap3A_451], %gather3A_448 {strides = array<i32>} : memref<1x512xf32, #tpu.memory_space<vmem>>, vector<16xf32>,
    %dma_start3A_453 = arith.constant 0 : i32
    %dma_start3A_454 = arith.constant 6 : i32
    %dma_start3A_455 = arith.constant 0 : i32
    %dma_start3A_456 = tpu.memref_slice %arg8[%dma_start3A_453, %dma_start3A_454, %dma_start3A_455] : memref<2x8x64xi32, #tpu.memory_space<vmem>> -> memref<1x1x64xi32, #tpu.memory_space<vmem>>
    %dma_start3A_457 = tpu.memref_squeeze %dma_start3A_456 : memref<1x1x64xi32, #tpu.memory_space<vmem>> -> memref<64xi32, #tpu.memory_space<vmem>>
    %dma_start3A_458 = arith.constant 0 : i32
    %dma_start3A_459 = arith.constant 0 : i32
    %dma_start3A_460 = tpu.memref_slice %arg4[%dma_start3A_458, %dma_start3A_459] : memref<62500x16xf32, #tpu.memory_space<hbm>> -> memref<62500x16xf32, #tpu.memory_space<hbm>>
    tpu.enqueue_indirect_dma source(%dma_start3A_460 : memref<62500x16xf32, #tpu.memory_space<hbm>>) target(%arg10 : memref<64x16xf32, #tpu.memory_space<vmem>>) offsets(%dma_start3A_457 : memref<64xi32, #tpu.memory_space<vmem>>) semaphore(%arg13 : memref<!tpu.dma_semaphore, #tpu.memory_space<semaphore_mem>>)
    %dma_wait3A_461 = arith.constant 0 : i32
    %dma_wait3A_462 = arith.constant 6 : i32
    %dma_wait3A_463 = arith.constant 0 : i32
    %dma_wait3A_464 = tpu.memref_slice %arg8[%dma_wait3A_461, %dma_wait3A_462, %dma_wait3A_463] : memref<2x8x64xi32, #tpu.memory_space<vmem>> -> memref<1x1x64xi32, #tpu.memory_space<vmem>>
    %dma_wait3A_465 = tpu.memref_squeeze %dma_wait3A_464 : memref<1x1x64xi32, #tpu.memory_space<vmem>> -> memref<64xi32, #tpu.memory_space<vmem>>
    %dma_wait3A_466 = arith.constant 0 : i32
    %dma_wait3A_467 = arith.constant 0 : i32
    %dma_wait3A_468 = tpu.memref_slice %arg4[%dma_wait3A_466, %dma_wait3A_467] : memref<62500x16xf32, #tpu.memory_space<hbm>> -> memref<62500x16xf32, #tpu.memory_space<hbm>>
    tpu.wait_indirect_dma semaphore(%arg13 : memref<!tpu.dma_semaphore, #tpu.memory_space<semaphore_mem>>) src(%dma_wait3A_468 : memref<62500x16xf32, #tpu.memory_space<hbm>>) dst(%arg10 : memref<64x16xf32, #tpu.memory_space<vmem>>)
    %iota3A_469 = tpu.iota {dimensions = array<i32: 0>} : vector<16xi32>
    %add3A_470 = arith.constant 0 : i32
    %add3A_471 = vector.broadcast %add3A_470 : i32 to vector<16xi32>
    %add3A_472 = arith.addi %iota3A_469, %add3A_471 : vector<16xi32>
    %get3A_473 = arith.constant 0 : i32
    %get3A_474 = arith.constant 6 : i32
    %get3A_475 = arith.index_cast %get3A_473 : i32 to index
    %get3A_476 = arith.index_cast %get3A_474 : i32 to index
    %get3A_477 = arith.constant 0 : index
    %get3A_478 = tpu.vector_load %arg9[%get3A_475, %get3A_476, %get3A_477] {strides = array<i32>} : memref<2x8x64xi32, #tpu.memory_space<vmem>>, vector<16xi32>,
    %gather3A_479 = tpu.vector_load_idx %arg10[%add3A_472, %get3A_478] : memref<64x16xf32, #tpu.memory_space<vmem>>[vector<16xi32>, vector<16xi32>], vector<16xf32>,
    %swap3A_480 = arith.constant 0 : i32
    %swap3A_481 = arith.index_cast %swap3A_480 : i32 to index
    %swap3A_482 = arith.constant 384 : index
    %swap3A_483 = tpu.vector_load %arg11[%swap3A_481, %swap3A_482] {strides = array<i32>} : memref<1x512xf32, #tpu.memory_space<vmem>>, vector<16xf32>,
    tpu.vector_store %arg11[%swap3A_481, %swap3A_482], %gather3A_479 {strides = array<i32>} : memref<1x512xf32, #tpu.memory_space<vmem>>, vector<16xf32>,
    %iota3A_484 = tpu.iota {dimensions = array<i32: 0>} : vector<16xi32>
    %add3A_485 = arith.constant 16 : i32
    %add3A_486 = vector.broadcast %add3A_485 : i32 to vector<16xi32>
    %add3A_487 = arith.addi %iota3A_484, %add3A_486 : vector<16xi32>
    %get3A_488 = arith.constant 0 : i32
    %get3A_489 = arith.constant 6 : i32
    %get3A_490 = arith.index_cast %get3A_488 : i32 to index
    %get3A_491 = arith.index_cast %get3A_489 : i32 to index
    %get3A_492 = arith.constant 16 : index
    %get3A_493 = tpu.vector_load %arg9[%get3A_490, %get3A_491, %get3A_492] {strides = array<i32>} : memref<2x8x64xi32, #tpu.memory_space<vmem>>, vector<16xi32>,
    %gather3A_494 = tpu.vector_load_idx %arg10[%add3A_487, %get3A_493] : memref<64x16xf32, #tpu.memory_space<vmem>>[vector<16xi32>, vector<16xi32>], vector<16xf32>,
    %swap3A_495 = arith.constant 0 : i32
    %swap3A_496 = arith.index_cast %swap3A_495 : i32 to index
    %swap3A_497 = arith.constant 400 : index
    %swap3A_498 = tpu.vector_load %arg11[%swap3A_496, %swap3A_497] {strides = array<i32>} : memref<1x512xf32, #tpu.memory_space<vmem>>, vector<16xf32>,
    tpu.vector_store %arg11[%swap3A_496, %swap3A_497], %gather3A_494 {strides = array<i32>} : memref<1x512xf32, #tpu.memory_space<vmem>>, vector<16xf32>,
    %iota3A_499 = tpu.iota {dimensions = array<i32: 0>} : vector<16xi32>
    %add3A_500 = arith.constant 32 : i32
    %add3A_501 = vector.broadcast %add3A_500 : i32 to vector<16xi32>
    %add3A_502 = arith.addi %iota3A_499, %add3A_501 : vector<16xi32>
    %get3A_503 = arith.constant 0 : i32
    %get3A_504 = arith.constant 6 : i32
    %get3A_505 = arith.index_cast %get3A_503 : i32 to index
    %get3A_506 = arith.index_cast %get3A_504 : i32 to index
    %get3A_507 = arith.constant 32 : index
    %get3A_508 = tpu.vector_load %arg9[%get3A_505, %get3A_506, %get3A_507] {strides = array<i32>} : memref<2x8x64xi32, #tpu.memory_space<vmem>>, vector<16xi32>,
    %gather3A_509 = tpu.vector_load_idx %arg10[%add3A_502, %get3A_508] : memref<64x16xf32, #tpu.memory_space<vmem>>[vector<16xi32>, vector<16xi32>], vector<16xf32>,
    %swap3A_510 = arith.constant 0 : i32
    %swap3A_511 = arith.index_cast %swap3A_510 : i32 to index
    %swap3A_512 = arith.constant 416 : index
    %swap3A_513 = tpu.vector_load %arg11[%swap3A_511, %swap3A_512] {strides = array<i32>} : memref<1x512xf32, #tpu.memory_space<vmem>>, vector<16xf32>,
    tpu.vector_store %arg11[%swap3A_511, %swap3A_512], %gather3A_509 {strides = array<i32>} : memref<1x512xf32, #tpu.memory_space<vmem>>, vector<16xf32>,
    %iota3A_514 = tpu.iota {dimensions = array<i32: 0>} : vector<16xi32>
    %add3A_515 = arith.constant 48 : i32
    %add3A_516 = vector.broadcast %add3A_515 : i32 to vector<16xi32>
    %add3A_517 = arith.addi %iota3A_514, %add3A_516 : vector<16xi32>
    %get3A_518 = arith.constant 0 : i32
    %get3A_519 = arith.constant 6 : i32
    %get3A_520 = arith.index_cast %get3A_518 : i32 to index
    %get3A_521 = arith.index_cast %get3A_519 : i32 to index
    %get3A_522 = arith.constant 48 : index
    %get3A_523 = tpu.vector_load %arg9[%get3A_520, %get3A_521, %get3A_522] {strides = array<i32>} : memref<2x8x64xi32, #tpu.memory_space<vmem>>, vector<16xi32>,
    %gather3A_524 = tpu.vector_load_idx %arg10[%add3A_517, %get3A_523] : memref<64x16xf32, #tpu.memory_space<vmem>>[vector<16xi32>, vector<16xi32>], vector<16xf32>,
    %swap3A_525 = arith.constant 0 : i32
    %swap3A_526 = arith.index_cast %swap3A_525 : i32 to index
    %swap3A_527 = arith.constant 432 : index
    %swap3A_528 = tpu.vector_load %arg11[%swap3A_526, %swap3A_527] {strides = array<i32>} : memref<1x512xf32, #tpu.memory_space<vmem>>, vector<16xf32>,
    tpu.vector_store %arg11[%swap3A_526, %swap3A_527], %gather3A_524 {strides = array<i32>} : memref<1x512xf32, #tpu.memory_space<vmem>>, vector<16xf32>,
    %dma_start3A_529 = arith.constant 0 : i32
    %dma_start3A_530 = arith.constant 7 : i32
    %dma_start3A_531 = arith.constant 0 : i32
    %dma_start3A_532 = tpu.memref_slice %arg8[%dma_start3A_529, %dma_start3A_530, %dma_start3A_531] : memref<2x8x64xi32, #tpu.memory_space<vmem>> -> memref<1x1x64xi32, #tpu.memory_space<vmem>>
    %dma_start3A_533 = tpu.memref_squeeze %dma_start3A_532 : memref<1x1x64xi32, #tpu.memory_space<vmem>> -> memref<64xi32, #tpu.memory_space<vmem>>
    %dma_start3A_534 = arith.constant 0 : i32
    %dma_start3A_535 = arith.constant 0 : i32
    %dma_start3A_536 = tpu.memref_slice %arg4[%dma_start3A_534, %dma_start3A_535] : memref<62500x16xf32, #tpu.memory_space<hbm>> -> memref<62500x16xf32, #tpu.memory_space<hbm>>
    tpu.enqueue_indirect_dma source(%dma_start3A_536 : memref<62500x16xf32, #tpu.memory_space<hbm>>) target(%arg10 : memref<64x16xf32, #tpu.memory_space<vmem>>) offsets(%dma_start3A_533 : memref<64xi32, #tpu.memory_space<vmem>>) semaphore(%arg13 : memref<!tpu.dma_semaphore, #tpu.memory_space<semaphore_mem>>)
    %dma_wait3A_537 = arith.constant 0 : i32
    %dma_wait3A_538 = arith.constant 7 : i32
    %dma_wait3A_539 = arith.constant 0 : i32
    %dma_wait3A_540 = tpu.memref_slice %arg8[%dma_wait3A_537, %dma_wait3A_538, %dma_wait3A_539] : memref<2x8x64xi32, #tpu.memory_space<vmem>> -> memref<1x1x64xi32, #tpu.memory_space<vmem>>
    %dma_wait3A_541 = tpu.memref_squeeze %dma_wait3A_540 : memref<1x1x64xi32, #tpu.memory_space<vmem>> -> memref<64xi32, #tpu.memory_space<vmem>>
    %dma_wait3A_542 = arith.constant 0 : i32
    %dma_wait3A_543 = arith.constant 0 : i32
    %dma_wait3A_544 = tpu.memref_slice %arg4[%dma_wait3A_542, %dma_wait3A_543] : memref<62500x16xf32, #tpu.memory_space<hbm>> -> memref<62500x16xf32, #tpu.memory_space<hbm>>
    tpu.wait_indirect_dma semaphore(%arg13 : memref<!tpu.dma_semaphore, #tpu.memory_space<semaphore_mem>>) src(%dma_wait3A_544 : memref<62500x16xf32, #tpu.memory_space<hbm>>) dst(%arg10 : memref<64x16xf32, #tpu.memory_space<vmem>>)
    %iota3A_545 = tpu.iota {dimensions = array<i32: 0>} : vector<16xi32>
    %add3A_546 = arith.constant 0 : i32
    %add3A_547 = vector.broadcast %add3A_546 : i32 to vector<16xi32>
    %add3A_548 = arith.addi %iota3A_545, %add3A_547 : vector<16xi32>
    %get3A_549 = arith.constant 0 : i32
    %get3A_550 = arith.constant 7 : i32
    %get3A_551 = arith.index_cast %get3A_549 : i32 to index
    %get3A_552 = arith.index_cast %get3A_550 : i32 to index
    %get3A_553 = arith.constant 0 : index
    %get3A_554 = tpu.vector_load %arg9[%get3A_551, %get3A_552, %get3A_553] {strides = array<i32>} : memref<2x8x64xi32, #tpu.memory_space<vmem>>, vector<16xi32>,
    %gather3A_555 = tpu.vector_load_idx %arg10[%add3A_548, %get3A_554] : memref<64x16xf32, #tpu.memory_space<vmem>>[vector<16xi32>, vector<16xi32>], vector<16xf32>,
    %swap3A_556 = arith.constant 0 : i32
    %swap3A_557 = arith.index_cast %swap3A_556 : i32 to index
    %swap3A_558 = arith.constant 448 : index
    %swap3A_559 = tpu.vector_load %arg11[%swap3A_557, %swap3A_558] {strides = array<i32>} : memref<1x512xf32, #tpu.memory_space<vmem>>, vector<16xf32>,
    tpu.vector_store %arg11[%swap3A_557, %swap3A_558], %gather3A_555 {strides = array<i32>} : memref<1x512xf32, #tpu.memory_space<vmem>>, vector<16xf32>,
    %iota3A_560 = tpu.iota {dimensions = array<i32: 0>} : vector<16xi32>
    %add3A_561 = arith.constant 16 : i32
    %add3A_562 = vector.broadcast %add3A_561 : i32 to vector<16xi32>
    %add3A_563 = arith.addi %iota3A_560, %add3A_562 : vector<16xi32>
    %get3A_564 = arith.constant 0 : i32
    %get3A_565 = arith.constant 7 : i32
    %get3A_566 = arith.index_cast %get3A_564 : i32 to index
    %get3A_567 = arith.index_cast %get3A_565 : i32 to index
    %get3A_568 = arith.constant 16 : index
    %get3A_569 = tpu.vector_load %arg9[%get3A_566, %get3A_567, %get3A_568] {strides = array<i32>} : memref<2x8x64xi32, #tpu.memory_space<vmem>>, vector<16xi32>,
    %gather3A_570 = tpu.vector_load_idx %arg10[%add3A_563, %get3A_569] : memref<64x16xf32, #tpu.memory_space<vmem>>[vector<16xi32>, vector<16xi32>], vector<16xf32>,
    %swap3A_571 = arith.constant 0 : i32
    %swap3A_572 = arith.index_cast %swap3A_571 : i32 to index
    %swap3A_573 = arith.constant 464 : index
    %swap3A_574 = tpu.vector_load %arg11[%swap3A_572, %swap3A_573] {strides = array<i32>} : memref<1x512xf32, #tpu.memory_space<vmem>>, vector<16xf32>,
    tpu.vector_store %arg11[%swap3A_572, %swap3A_573], %gather3A_570 {strides = array<i32>} : memref<1x512xf32, #tpu.memory_space<vmem>>, vector<16xf32>,
    %iota3A_575 = tpu.iota {dimensions = array<i32: 0>} : vector<16xi32>
    %add3A_576 = arith.constant 32 : i32
    %add3A_577 = vector.broadcast %add3A_576 : i32 to vector<16xi32>
    %add3A_578 = arith.addi %iota3A_575, %add3A_577 : vector<16xi32>
    %get3A_579 = arith.constant 0 : i32
    %get3A_580 = arith.constant 7 : i32
    %get3A_581 = arith.index_cast %get3A_579 : i32 to index
    %get3A_582 = arith.index_cast %get3A_580 : i32 to index
    %get3A_583 = arith.constant 32 : index
    %get3A_584 = tpu.vector_load %arg9[%get3A_581, %get3A_582, %get3A_583] {strides = array<i32>} : memref<2x8x64xi32, #tpu.memory_space<vmem>>, vector<16xi32>,
    %gather3A_585 = tpu.vector_load_idx %arg10[%add3A_578, %get3A_584] : memref<64x16xf32, #tpu.memory_space<vmem>>[vector<16xi32>, vector<16xi32>], vector<16xf32>,
    %swap3A_586 = arith.constant 0 : i32
    %swap3A_587 = arith.index_cast %swap3A_586 : i32 to index
    %swap3A_588 = arith.constant 480 : index
    %swap3A_589 = tpu.vector_load %arg11[%swap3A_587, %swap3A_588] {strides = array<i32>} : memref<1x512xf32, #tpu.memory_space<vmem>>, vector<16xf32>,
    tpu.vector_store %arg11[%swap3A_587, %swap3A_588], %gather3A_585 {strides = array<i32>} : memref<1x512xf32, #tpu.memory_space<vmem>>, vector<16xf32>,
    %iota3A_590 = tpu.iota {dimensions = array<i32: 0>} : vector<16xi32>
    %add3A_591 = arith.constant 48 : i32
    %add3A_592 = vector.broadcast %add3A_591 : i32 to vector<16xi32>
    %add3A_593 = arith.addi %iota3A_590, %add3A_592 : vector<16xi32>
    %get3A_594 = arith.constant 0 : i32
    %get3A_595 = arith.constant 7 : i32
    %get3A_596 = arith.index_cast %get3A_594 : i32 to index
    %get3A_597 = arith.index_cast %get3A_595 : i32 to index
    %get3A_598 = arith.constant 48 : index
    %get3A_599 = tpu.vector_load %arg9[%get3A_596, %get3A_597, %get3A_598] {strides = array<i32>} : memref<2x8x64xi32, #tpu.memory_space<vmem>>, vector<16xi32>,
    %gather3A_600 = tpu.vector_load_idx %arg10[%add3A_593, %get3A_599] : memref<64x16xf32, #tpu.memory_space<vmem>>[vector<16xi32>, vector<16xi32>], vector<16xf32>,
    %swap3A_601 = arith.constant 0 : i32
    %swap3A_602 = arith.index_cast %swap3A_601 : i32 to index
    %swap3A_603 = arith.constant 496 : index
    %swap3A_604 = tpu.vector_load %arg11[%swap3A_602, %swap3A_603] {strides = array<i32>} : memref<1x512xf32, #tpu.memory_space<vmem>>, vector<16xf32>,
    tpu.vector_store %arg11[%swap3A_602, %swap3A_603], %gather3A_600 {strides = array<i32>} : memref<1x512xf32, #tpu.memory_space<vmem>>, vector<16xf32>,
    "tpu.region"() ({
      %run_scoped3A = tpu.sem_alloc : memref<!tpu.dma_semaphore, #tpu.memory_space<semaphore_mem>>
      %dma_start3A_1213 = arith.constant 0 : i32
      %dma_start3A_1214 = tpu.memref_slice %arg6[%dma_start3A_1213, %mul3A_2] : memref<1x16384xf32, #tpu.memory_space<hbm>> -> memref<1x512xf32, #tpu.memory_space<hbm>>
      %dma_start3A_1215 = arith.constant 0 : i32
      %dma_start3A_1216 = tpu.memref_slice %arg6[%dma_start3A_1215, %mul3A_2] : memref<1x16384xf32, #tpu.memory_space<hbm>> -> memref<1x512xf32, #tpu.memory_space<hbm>>
      tpu.enqueue_dma source(%arg11 : memref<1x512xf32, #tpu.memory_space<vmem>>) target(%dma_start3A_1216 : memref<1x512xf32, #tpu.memory_space<hbm>>) target_semaphore(%run_scoped3A : memref<!tpu.dma_semaphore, #tpu.memory_space<semaphore_mem>>)
      %dma_wait3A_1217 = arith.constant 0 : i32
      %dma_wait3A_1218 = tpu.memref_slice %arg6[%dma_wait3A_1217, %mul3A_2] : memref<1x16384xf32, #tpu.memory_space<hbm>> -> memref<1x512xf32, #tpu.memory_space<hbm>>
      %dma_wait3A_1219 = arith.constant 0 : i32
      %dma_wait3A_1220 = tpu.memref_slice %arg6[%dma_wait3A_1219, %mul3A_2] : memref<1x16384xf32, #tpu.memory_space<hbm>> -> memref<1x512xf32, #tpu.memory_space<hbm>>
      tpu.wait_dma2 semaphore(%run_scoped3A : memref<!tpu.dma_semaphore, #tpu.memory_space<semaphore_mem>>) src(%arg11 : memref<1x512xf32, #tpu.memory_space<vmem>>) dst(%dma_wait3A_1220 : memref<1x512xf32, #tpu.memory_space<hbm>>)
      tpu.yield
    }) : () -> ()
    %dma_start3A_605 = arith.constant 1 : i32
    %dma_start3A_606 = arith.constant 0 : i32
    %dma_start3A_607 = arith.constant 0 : i32
    %dma_start3A_608 = tpu.memref_slice %arg8[%dma_start3A_605, %dma_start3A_606, %dma_start3A_607] : memref<2x8x64xi32, #tpu.memory_space<vmem>> -> memref<1x1x64xi32, #tpu.memory_space<vmem>>
    %dma_start3A_609 = tpu.memref_squeeze %dma_start3A_608 : memref<1x1x64xi32, #tpu.memory_space<vmem>> -> memref<64xi32, #tpu.memory_space<vmem>>
    %dma_start3A_610 = arith.constant 0 : i32
    %dma_start3A_611 = arith.constant 0 : i32
    %dma_start3A_612 = tpu.memref_slice %arg5[%dma_start3A_610, %dma_start3A_611] : memref<62500x16xf32, #tpu.memory_space<hbm>> -> memref<62500x16xf32, #tpu.memory_space<hbm>>
    tpu.enqueue_indirect_dma source(%dma_start3A_612 : memref<62500x16xf32, #tpu.memory_space<hbm>>) target(%arg10 : memref<64x16xf32, #tpu.memory_space<vmem>>) offsets(%dma_start3A_609 : memref<64xi32, #tpu.memory_space<vmem>>) semaphore(%arg13 : memref<!tpu.dma_semaphore, #tpu.memory_space<semaphore_mem>>)
    %dma_wait3A_613 = arith.constant 1 : i32
    %dma_wait3A_614 = arith.constant 0 : i32
    %dma_wait3A_615 = arith.constant 0 : i32
    %dma_wait3A_616 = tpu.memref_slice %arg8[%dma_wait3A_613, %dma_wait3A_614, %dma_wait3A_615] : memref<2x8x64xi32, #tpu.memory_space<vmem>> -> memref<1x1x64xi32, #tpu.memory_space<vmem>>
    %dma_wait3A_617 = tpu.memref_squeeze %dma_wait3A_616 : memref<1x1x64xi32, #tpu.memory_space<vmem>> -> memref<64xi32, #tpu.memory_space<vmem>>
    %dma_wait3A_618 = arith.constant 0 : i32
    %dma_wait3A_619 = arith.constant 0 : i32
    %dma_wait3A_620 = tpu.memref_slice %arg5[%dma_wait3A_618, %dma_wait3A_619] : memref<62500x16xf32, #tpu.memory_space<hbm>> -> memref<62500x16xf32, #tpu.memory_space<hbm>>
    tpu.wait_indirect_dma semaphore(%arg13 : memref<!tpu.dma_semaphore, #tpu.memory_space<semaphore_mem>>) src(%dma_wait3A_620 : memref<62500x16xf32, #tpu.memory_space<hbm>>) dst(%arg10 : memref<64x16xf32, #tpu.memory_space<vmem>>)
    %iota3A_621 = tpu.iota {dimensions = array<i32: 0>} : vector<16xi32>
    %add3A_622 = arith.constant 0 : i32
    %add3A_623 = vector.broadcast %add3A_622 : i32 to vector<16xi32>
    %add3A_624 = arith.addi %iota3A_621, %add3A_623 : vector<16xi32>
    %get3A_625 = arith.constant 1 : i32
    %get3A_626 = arith.constant 0 : i32
    %get3A_627 = arith.index_cast %get3A_625 : i32 to index
    %get3A_628 = arith.index_cast %get3A_626 : i32 to index
    %get3A_629 = arith.constant 0 : index
    %get3A_630 = tpu.vector_load %arg9[%get3A_627, %get3A_628, %get3A_629] {strides = array<i32>} : memref<2x8x64xi32, #tpu.memory_space<vmem>>, vector<16xi32>,
    %gather3A_631 = tpu.vector_load_idx %arg10[%add3A_624, %get3A_630] : memref<64x16xf32, #tpu.memory_space<vmem>>[vector<16xi32>, vector<16xi32>], vector<16xf32>,
    %swap3A_632 = arith.constant 0 : i32
    %swap3A_633 = arith.index_cast %swap3A_632 : i32 to index
    %swap3A_634 = arith.constant 0 : index
    %swap3A_635 = tpu.vector_load %arg12[%swap3A_633, %swap3A_634] {strides = array<i32>} : memref<1x512xf32, #tpu.memory_space<vmem>>, vector<16xf32>,
    tpu.vector_store %arg12[%swap3A_633, %swap3A_634], %gather3A_631 {strides = array<i32>} : memref<1x512xf32, #tpu.memory_space<vmem>>, vector<16xf32>,
    %iota3A_636 = tpu.iota {dimensions = array<i32: 0>} : vector<16xi32>
    %add3A_637 = arith.constant 16 : i32
    %add3A_638 = vector.broadcast %add3A_637 : i32 to vector<16xi32>
    %add3A_639 = arith.addi %iota3A_636, %add3A_638 : vector<16xi32>
    %get3A_640 = arith.constant 1 : i32
    %get3A_641 = arith.constant 0 : i32
    %get3A_642 = arith.index_cast %get3A_640 : i32 to index
    %get3A_643 = arith.index_cast %get3A_641 : i32 to index
    %get3A_644 = arith.constant 16 : index
    %get3A_645 = tpu.vector_load %arg9[%get3A_642, %get3A_643, %get3A_644] {strides = array<i32>} : memref<2x8x64xi32, #tpu.memory_space<vmem>>, vector<16xi32>,
    %gather3A_646 = tpu.vector_load_idx %arg10[%add3A_639, %get3A_645] : memref<64x16xf32, #tpu.memory_space<vmem>>[vector<16xi32>, vector<16xi32>], vector<16xf32>,
    %swap3A_647 = arith.constant 0 : i32
    %swap3A_648 = arith.index_cast %swap3A_647 : i32 to index
    %swap3A_649 = arith.constant 16 : index
    %swap3A_650 = tpu.vector_load %arg12[%swap3A_648, %swap3A_649] {strides = array<i32>} : memref<1x512xf32, #tpu.memory_space<vmem>>, vector<16xf32>,
    tpu.vector_store %arg12[%swap3A_648, %swap3A_649], %gather3A_646 {strides = array<i32>} : memref<1x512xf32, #tpu.memory_space<vmem>>, vector<16xf32>,
    %iota3A_651 = tpu.iota {dimensions = array<i32: 0>} : vector<16xi32>
    %add3A_652 = arith.constant 32 : i32
    %add3A_653 = vector.broadcast %add3A_652 : i32 to vector<16xi32>
    %add3A_654 = arith.addi %iota3A_651, %add3A_653 : vector<16xi32>
    %get3A_655 = arith.constant 1 : i32
    %get3A_656 = arith.constant 0 : i32
    %get3A_657 = arith.index_cast %get3A_655 : i32 to index
    %get3A_658 = arith.index_cast %get3A_656 : i32 to index
    %get3A_659 = arith.constant 32 : index
    %get3A_660 = tpu.vector_load %arg9[%get3A_657, %get3A_658, %get3A_659] {strides = array<i32>} : memref<2x8x64xi32, #tpu.memory_space<vmem>>, vector<16xi32>,
    %gather3A_661 = tpu.vector_load_idx %arg10[%add3A_654, %get3A_660] : memref<64x16xf32, #tpu.memory_space<vmem>>[vector<16xi32>, vector<16xi32>], vector<16xf32>,
    %swap3A_662 = arith.constant 0 : i32
    %swap3A_663 = arith.index_cast %swap3A_662 : i32 to index
    %swap3A_664 = arith.constant 32 : index
    %swap3A_665 = tpu.vector_load %arg12[%swap3A_663, %swap3A_664] {strides = array<i32>} : memref<1x512xf32, #tpu.memory_space<vmem>>, vector<16xf32>,
    tpu.vector_store %arg12[%swap3A_663, %swap3A_664], %gather3A_661 {strides = array<i32>} : memref<1x512xf32, #tpu.memory_space<vmem>>, vector<16xf32>,
    %iota3A_666 = tpu.iota {dimensions = array<i32: 0>} : vector<16xi32>
    %add3A_667 = arith.constant 48 : i32
    %add3A_668 = vector.broadcast %add3A_667 : i32 to vector<16xi32>
    %add3A_669 = arith.addi %iota3A_666, %add3A_668 : vector<16xi32>
    %get3A_670 = arith.constant 1 : i32
    %get3A_671 = arith.constant 0 : i32
    %get3A_672 = arith.index_cast %get3A_670 : i32 to index
    %get3A_673 = arith.index_cast %get3A_671 : i32 to index
    %get3A_674 = arith.constant 48 : index
    %get3A_675 = tpu.vector_load %arg9[%get3A_672, %get3A_673, %get3A_674] {strides = array<i32>} : memref<2x8x64xi32, #tpu.memory_space<vmem>>, vector<16xi32>,
    %gather3A_676 = tpu.vector_load_idx %arg10[%add3A_669, %get3A_675] : memref<64x16xf32, #tpu.memory_space<vmem>>[vector<16xi32>, vector<16xi32>], vector<16xf32>,
    %swap3A_677 = arith.constant 0 : i32
    %swap3A_678 = arith.index_cast %swap3A_677 : i32 to index
    %swap3A_679 = arith.constant 48 : index
    %swap3A_680 = tpu.vector_load %arg12[%swap3A_678, %swap3A_679] {strides = array<i32>} : memref<1x512xf32, #tpu.memory_space<vmem>>, vector<16xf32>,
    tpu.vector_store %arg12[%swap3A_678, %swap3A_679], %gather3A_676 {strides = array<i32>} : memref<1x512xf32, #tpu.memory_space<vmem>>, vector<16xf32>,
    %dma_start3A_681 = arith.constant 1 : i32
    %dma_start3A_682 = arith.constant 1 : i32
    %dma_start3A_683 = arith.constant 0 : i32
    %dma_start3A_684 = tpu.memref_slice %arg8[%dma_start3A_681, %dma_start3A_682, %dma_start3A_683] : memref<2x8x64xi32, #tpu.memory_space<vmem>> -> memref<1x1x64xi32, #tpu.memory_space<vmem>>
    %dma_start3A_685 = tpu.memref_squeeze %dma_start3A_684 : memref<1x1x64xi32, #tpu.memory_space<vmem>> -> memref<64xi32, #tpu.memory_space<vmem>>
    %dma_start3A_686 = arith.constant 0 : i32
    %dma_start3A_687 = arith.constant 0 : i32
    %dma_start3A_688 = tpu.memref_slice %arg5[%dma_start3A_686, %dma_start3A_687] : memref<62500x16xf32, #tpu.memory_space<hbm>> -> memref<62500x16xf32, #tpu.memory_space<hbm>>
    tpu.enqueue_indirect_dma source(%dma_start3A_688 : memref<62500x16xf32, #tpu.memory_space<hbm>>) target(%arg10 : memref<64x16xf32, #tpu.memory_space<vmem>>) offsets(%dma_start3A_685 : memref<64xi32, #tpu.memory_space<vmem>>) semaphore(%arg13 : memref<!tpu.dma_semaphore, #tpu.memory_space<semaphore_mem>>)
    %dma_wait3A_689 = arith.constant 1 : i32
    %dma_wait3A_690 = arith.constant 1 : i32
    %dma_wait3A_691 = arith.constant 0 : i32
    %dma_wait3A_692 = tpu.memref_slice %arg8[%dma_wait3A_689, %dma_wait3A_690, %dma_wait3A_691] : memref<2x8x64xi32, #tpu.memory_space<vmem>> -> memref<1x1x64xi32, #tpu.memory_space<vmem>>
    %dma_wait3A_693 = tpu.memref_squeeze %dma_wait3A_692 : memref<1x1x64xi32, #tpu.memory_space<vmem>> -> memref<64xi32, #tpu.memory_space<vmem>>
    %dma_wait3A_694 = arith.constant 0 : i32
    %dma_wait3A_695 = arith.constant 0 : i32
    %dma_wait3A_696 = tpu.memref_slice %arg5[%dma_wait3A_694, %dma_wait3A_695] : memref<62500x16xf32, #tpu.memory_space<hbm>> -> memref<62500x16xf32, #tpu.memory_space<hbm>>
    tpu.wait_indirect_dma semaphore(%arg13 : memref<!tpu.dma_semaphore, #tpu.memory_space<semaphore_mem>>) src(%dma_wait3A_696 : memref<62500x16xf32, #tpu.memory_space<hbm>>) dst(%arg10 : memref<64x16xf32, #tpu.memory_space<vmem>>)
    %iota3A_697 = tpu.iota {dimensions = array<i32: 0>} : vector<16xi32>
    %add3A_698 = arith.constant 0 : i32
    %add3A_699 = vector.broadcast %add3A_698 : i32 to vector<16xi32>
    %add3A_700 = arith.addi %iota3A_697, %add3A_699 : vector<16xi32>
    %get3A_701 = arith.constant 1 : i32
    %get3A_702 = arith.constant 1 : i32
    %get3A_703 = arith.index_cast %get3A_701 : i32 to index
    %get3A_704 = arith.index_cast %get3A_702 : i32 to index
    %get3A_705 = arith.constant 0 : index
    %get3A_706 = tpu.vector_load %arg9[%get3A_703, %get3A_704, %get3A_705] {strides = array<i32>} : memref<2x8x64xi32, #tpu.memory_space<vmem>>, vector<16xi32>,
    %gather3A_707 = tpu.vector_load_idx %arg10[%add3A_700, %get3A_706] : memref<64x16xf32, #tpu.memory_space<vmem>>[vector<16xi32>, vector<16xi32>], vector<16xf32>,
    %swap3A_708 = arith.constant 0 : i32
    %swap3A_709 = arith.index_cast %swap3A_708 : i32 to index
    %swap3A_710 = arith.constant 64 : index
    %swap3A_711 = tpu.vector_load %arg12[%swap3A_709, %swap3A_710] {strides = array<i32>} : memref<1x512xf32, #tpu.memory_space<vmem>>, vector<16xf32>,
    tpu.vector_store %arg12[%swap3A_709, %swap3A_710], %gather3A_707 {strides = array<i32>} : memref<1x512xf32, #tpu.memory_space<vmem>>, vector<16xf32>,
    %iota3A_712 = tpu.iota {dimensions = array<i32: 0>} : vector<16xi32>
    %add3A_713 = arith.constant 16 : i32
    %add3A_714 = vector.broadcast %add3A_713 : i32 to vector<16xi32>
    %add3A_715 = arith.addi %iota3A_712, %add3A_714 : vector<16xi32>
    %get3A_716 = arith.constant 1 : i32
    %get3A_717 = arith.constant 1 : i32
    %get3A_718 = arith.index_cast %get3A_716 : i32 to index
    %get3A_719 = arith.index_cast %get3A_717 : i32 to index
    %get3A_720 = arith.constant 16 : index
    %get3A_721 = tpu.vector_load %arg9[%get3A_718, %get3A_719, %get3A_720] {strides = array<i32>} : memref<2x8x64xi32, #tpu.memory_space<vmem>>, vector<16xi32>,
    %gather3A_722 = tpu.vector_load_idx %arg10[%add3A_715, %get3A_721] : memref<64x16xf32, #tpu.memory_space<vmem>>[vector<16xi32>, vector<16xi32>], vector<16xf32>,
    %swap3A_723 = arith.constant 0 : i32
    %swap3A_724 = arith.index_cast %swap3A_723 : i32 to index
    %swap3A_725 = arith.constant 80 : index
    %swap3A_726 = tpu.vector_load %arg12[%swap3A_724, %swap3A_725] {strides = array<i32>} : memref<1x512xf32, #tpu.memory_space<vmem>>, vector<16xf32>,
    tpu.vector_store %arg12[%swap3A_724, %swap3A_725], %gather3A_722 {strides = array<i32>} : memref<1x512xf32, #tpu.memory_space<vmem>>, vector<16xf32>,
    %iota3A_727 = tpu.iota {dimensions = array<i32: 0>} : vector<16xi32>
    %add3A_728 = arith.constant 32 : i32
    %add3A_729 = vector.broadcast %add3A_728 : i32 to vector<16xi32>
    %add3A_730 = arith.addi %iota3A_727, %add3A_729 : vector<16xi32>
    %get3A_731 = arith.constant 1 : i32
    %get3A_732 = arith.constant 1 : i32
    %get3A_733 = arith.index_cast %get3A_731 : i32 to index
    %get3A_734 = arith.index_cast %get3A_732 : i32 to index
    %get3A_735 = arith.constant 32 : index
    %get3A_736 = tpu.vector_load %arg9[%get3A_733, %get3A_734, %get3A_735] {strides = array<i32>} : memref<2x8x64xi32, #tpu.memory_space<vmem>>, vector<16xi32>,
    %gather3A_737 = tpu.vector_load_idx %arg10[%add3A_730, %get3A_736] : memref<64x16xf32, #tpu.memory_space<vmem>>[vector<16xi32>, vector<16xi32>], vector<16xf32>,
    %swap3A_738 = arith.constant 0 : i32
    %swap3A_739 = arith.index_cast %swap3A_738 : i32 to index
    %swap3A_740 = arith.constant 96 : index
    %swap3A_741 = tpu.vector_load %arg12[%swap3A_739, %swap3A_740] {strides = array<i32>} : memref<1x512xf32, #tpu.memory_space<vmem>>, vector<16xf32>,
    tpu.vector_store %arg12[%swap3A_739, %swap3A_740], %gather3A_737 {strides = array<i32>} : memref<1x512xf32, #tpu.memory_space<vmem>>, vector<16xf32>,
    %iota3A_742 = tpu.iota {dimensions = array<i32: 0>} : vector<16xi32>
    %add3A_743 = arith.constant 48 : i32
    %add3A_744 = vector.broadcast %add3A_743 : i32 to vector<16xi32>
    %add3A_745 = arith.addi %iota3A_742, %add3A_744 : vector<16xi32>
    %get3A_746 = arith.constant 1 : i32
    %get3A_747 = arith.constant 1 : i32
    %get3A_748 = arith.index_cast %get3A_746 : i32 to index
    %get3A_749 = arith.index_cast %get3A_747 : i32 to index
    %get3A_750 = arith.constant 48 : index
    %get3A_751 = tpu.vector_load %arg9[%get3A_748, %get3A_749, %get3A_750] {strides = array<i32>} : memref<2x8x64xi32, #tpu.memory_space<vmem>>, vector<16xi32>,
    %gather3A_752 = tpu.vector_load_idx %arg10[%add3A_745, %get3A_751] : memref<64x16xf32, #tpu.memory_space<vmem>>[vector<16xi32>, vector<16xi32>], vector<16xf32>,
    %swap3A_753 = arith.constant 0 : i32
    %swap3A_754 = arith.index_cast %swap3A_753 : i32 to index
    %swap3A_755 = arith.constant 112 : index
    %swap3A_756 = tpu.vector_load %arg12[%swap3A_754, %swap3A_755] {strides = array<i32>} : memref<1x512xf32, #tpu.memory_space<vmem>>, vector<16xf32>,
    tpu.vector_store %arg12[%swap3A_754, %swap3A_755], %gather3A_752 {strides = array<i32>} : memref<1x512xf32, #tpu.memory_space<vmem>>, vector<16xf32>,
    %dma_start3A_757 = arith.constant 1 : i32
    %dma_start3A_758 = arith.constant 2 : i32
    %dma_start3A_759 = arith.constant 0 : i32
    %dma_start3A_760 = tpu.memref_slice %arg8[%dma_start3A_757, %dma_start3A_758, %dma_start3A_759] : memref<2x8x64xi32, #tpu.memory_space<vmem>> -> memref<1x1x64xi32, #tpu.memory_space<vmem>>
    %dma_start3A_761 = tpu.memref_squeeze %dma_start3A_760 : memref<1x1x64xi32, #tpu.memory_space<vmem>> -> memref<64xi32, #tpu.memory_space<vmem>>
    %dma_start3A_762 = arith.constant 0 : i32
    %dma_start3A_763 = arith.constant 0 : i32
    %dma_start3A_764 = tpu.memref_slice %arg5[%dma_start3A_762, %dma_start3A_763] : memref<62500x16xf32, #tpu.memory_space<hbm>> -> memref<62500x16xf32, #tpu.memory_space<hbm>>
    tpu.enqueue_indirect_dma source(%dma_start3A_764 : memref<62500x16xf32, #tpu.memory_space<hbm>>) target(%arg10 : memref<64x16xf32, #tpu.memory_space<vmem>>) offsets(%dma_start3A_761 : memref<64xi32, #tpu.memory_space<vmem>>) semaphore(%arg13 : memref<!tpu.dma_semaphore, #tpu.memory_space<semaphore_mem>>)
    %dma_wait3A_765 = arith.constant 1 : i32
    %dma_wait3A_766 = arith.constant 2 : i32
    %dma_wait3A_767 = arith.constant 0 : i32
    %dma_wait3A_768 = tpu.memref_slice %arg8[%dma_wait3A_765, %dma_wait3A_766, %dma_wait3A_767] : memref<2x8x64xi32, #tpu.memory_space<vmem>> -> memref<1x1x64xi32, #tpu.memory_space<vmem>>
    %dma_wait3A_769 = tpu.memref_squeeze %dma_wait3A_768 : memref<1x1x64xi32, #tpu.memory_space<vmem>> -> memref<64xi32, #tpu.memory_space<vmem>>
    %dma_wait3A_770 = arith.constant 0 : i32
    %dma_wait3A_771 = arith.constant 0 : i32
    %dma_wait3A_772 = tpu.memref_slice %arg5[%dma_wait3A_770, %dma_wait3A_771] : memref<62500x16xf32, #tpu.memory_space<hbm>> -> memref<62500x16xf32, #tpu.memory_space<hbm>>
    tpu.wait_indirect_dma semaphore(%arg13 : memref<!tpu.dma_semaphore, #tpu.memory_space<semaphore_mem>>) src(%dma_wait3A_772 : memref<62500x16xf32, #tpu.memory_space<hbm>>) dst(%arg10 : memref<64x16xf32, #tpu.memory_space<vmem>>)
    %iota3A_773 = tpu.iota {dimensions = array<i32: 0>} : vector<16xi32>
    %add3A_774 = arith.constant 0 : i32
    %add3A_775 = vector.broadcast %add3A_774 : i32 to vector<16xi32>
    %add3A_776 = arith.addi %iota3A_773, %add3A_775 : vector<16xi32>
    %get3A_777 = arith.constant 1 : i32
    %get3A_778 = arith.constant 2 : i32
    %get3A_779 = arith.index_cast %get3A_777 : i32 to index
    %get3A_780 = arith.index_cast %get3A_778 : i32 to index
    %get3A_781 = arith.constant 0 : index
    %get3A_782 = tpu.vector_load %arg9[%get3A_779, %get3A_780, %get3A_781] {strides = array<i32>} : memref<2x8x64xi32, #tpu.memory_space<vmem>>, vector<16xi32>,
    %gather3A_783 = tpu.vector_load_idx %arg10[%add3A_776, %get3A_782] : memref<64x16xf32, #tpu.memory_space<vmem>>[vector<16xi32>, vector<16xi32>], vector<16xf32>,
    %swap3A_784 = arith.constant 0 : i32
    %swap3A_785 = arith.index_cast %swap3A_784 : i32 to index
    %swap3A_786 = arith.constant 128 : index
    %swap3A_787 = tpu.vector_load %arg12[%swap3A_785, %swap3A_786] {strides = array<i32>} : memref<1x512xf32, #tpu.memory_space<vmem>>, vector<16xf32>,
    tpu.vector_store %arg12[%swap3A_785, %swap3A_786], %gather3A_783 {strides = array<i32>} : memref<1x512xf32, #tpu.memory_space<vmem>>, vector<16xf32>,
    %iota3A_788 = tpu.iota {dimensions = array<i32: 0>} : vector<16xi32>
    %add3A_789 = arith.constant 16 : i32
    %add3A_790 = vector.broadcast %add3A_789 : i32 to vector<16xi32>
    %add3A_791 = arith.addi %iota3A_788, %add3A_790 : vector<16xi32>
    %get3A_792 = arith.constant 1 : i32
    %get3A_793 = arith.constant 2 : i32
    %get3A_794 = arith.index_cast %get3A_792 : i32 to index
    %get3A_795 = arith.index_cast %get3A_793 : i32 to index
    %get3A_796 = arith.constant 16 : index
    %get3A_797 = tpu.vector_load %arg9[%get3A_794, %get3A_795, %get3A_796] {strides = array<i32>} : memref<2x8x64xi32, #tpu.memory_space<vmem>>, vector<16xi32>,
    %gather3A_798 = tpu.vector_load_idx %arg10[%add3A_791, %get3A_797] : memref<64x16xf32, #tpu.memory_space<vmem>>[vector<16xi32>, vector<16xi32>], vector<16xf32>,
    %swap3A_799 = arith.constant 0 : i32
    %swap3A_800 = arith.index_cast %swap3A_799 : i32 to index
    %swap3A_801 = arith.constant 144 : index
    %swap3A_802 = tpu.vector_load %arg12[%swap3A_800, %swap3A_801] {strides = array<i32>} : memref<1x512xf32, #tpu.memory_space<vmem>>, vector<16xf32>,
    tpu.vector_store %arg12[%swap3A_800, %swap3A_801], %gather3A_798 {strides = array<i32>} : memref<1x512xf32, #tpu.memory_space<vmem>>, vector<16xf32>,
    %iota3A_803 = tpu.iota {dimensions = array<i32: 0>} : vector<16xi32>
    %add3A_804 = arith.constant 32 : i32
    %add3A_805 = vector.broadcast %add3A_804 : i32 to vector<16xi32>
    %add3A_806 = arith.addi %iota3A_803, %add3A_805 : vector<16xi32>
    %get3A_807 = arith.constant 1 : i32
    %get3A_808 = arith.constant 2 : i32
    %get3A_809 = arith.index_cast %get3A_807 : i32 to index
    %get3A_810 = arith.index_cast %get3A_808 : i32 to index
    %get3A_811 = arith.constant 32 : index
    %get3A_812 = tpu.vector_load %arg9[%get3A_809, %get3A_810, %get3A_811] {strides = array<i32>} : memref<2x8x64xi32, #tpu.memory_space<vmem>>, vector<16xi32>,
    %gather3A_813 = tpu.vector_load_idx %arg10[%add3A_806, %get3A_812] : memref<64x16xf32, #tpu.memory_space<vmem>>[vector<16xi32>, vector<16xi32>], vector<16xf32>,
    %swap3A_814 = arith.constant 0 : i32
    %swap3A_815 = arith.index_cast %swap3A_814 : i32 to index
    %swap3A_816 = arith.constant 160 : index
    %swap3A_817 = tpu.vector_load %arg12[%swap3A_815, %swap3A_816] {strides = array<i32>} : memref<1x512xf32, #tpu.memory_space<vmem>>, vector<16xf32>,
    tpu.vector_store %arg12[%swap3A_815, %swap3A_816], %gather3A_813 {strides = array<i32>} : memref<1x512xf32, #tpu.memory_space<vmem>>, vector<16xf32>,
    %iota3A_818 = tpu.iota {dimensions = array<i32: 0>} : vector<16xi32>
    %add3A_819 = arith.constant 48 : i32
    %add3A_820 = vector.broadcast %add3A_819 : i32 to vector<16xi32>
    %add3A_821 = arith.addi %iota3A_818, %add3A_820 : vector<16xi32>
    %get3A_822 = arith.constant 1 : i32
    %get3A_823 = arith.constant 2 : i32
    %get3A_824 = arith.index_cast %get3A_822 : i32 to index
    %get3A_825 = arith.index_cast %get3A_823 : i32 to index
    %get3A_826 = arith.constant 48 : index
    %get3A_827 = tpu.vector_load %arg9[%get3A_824, %get3A_825, %get3A_826] {strides = array<i32>} : memref<2x8x64xi32, #tpu.memory_space<vmem>>, vector<16xi32>,
    %gather3A_828 = tpu.vector_load_idx %arg10[%add3A_821, %get3A_827] : memref<64x16xf32, #tpu.memory_space<vmem>>[vector<16xi32>, vector<16xi32>], vector<16xf32>,
    %swap3A_829 = arith.constant 0 : i32
    %swap3A_830 = arith.index_cast %swap3A_829 : i32 to index
    %swap3A_831 = arith.constant 176 : index
    %swap3A_832 = tpu.vector_load %arg12[%swap3A_830, %swap3A_831] {strides = array<i32>} : memref<1x512xf32, #tpu.memory_space<vmem>>, vector<16xf32>,
    tpu.vector_store %arg12[%swap3A_830, %swap3A_831], %gather3A_828 {strides = array<i32>} : memref<1x512xf32, #tpu.memory_space<vmem>>, vector<16xf32>,
    %dma_start3A_833 = arith.constant 1 : i32
    %dma_start3A_834 = arith.constant 3 : i32
    %dma_start3A_835 = arith.constant 0 : i32
    %dma_start3A_836 = tpu.memref_slice %arg8[%dma_start3A_833, %dma_start3A_834, %dma_start3A_835] : memref<2x8x64xi32, #tpu.memory_space<vmem>> -> memref<1x1x64xi32, #tpu.memory_space<vmem>>
    %dma_start3A_837 = tpu.memref_squeeze %dma_start3A_836 : memref<1x1x64xi32, #tpu.memory_space<vmem>> -> memref<64xi32, #tpu.memory_space<vmem>>
    %dma_start3A_838 = arith.constant 0 : i32
    %dma_start3A_839 = arith.constant 0 : i32
    %dma_start3A_840 = tpu.memref_slice %arg5[%dma_start3A_838, %dma_start3A_839] : memref<62500x16xf32, #tpu.memory_space<hbm>> -> memref<62500x16xf32, #tpu.memory_space<hbm>>
    tpu.enqueue_indirect_dma source(%dma_start3A_840 : memref<62500x16xf32, #tpu.memory_space<hbm>>) target(%arg10 : memref<64x16xf32, #tpu.memory_space<vmem>>) offsets(%dma_start3A_837 : memref<64xi32, #tpu.memory_space<vmem>>) semaphore(%arg13 : memref<!tpu.dma_semaphore, #tpu.memory_space<semaphore_mem>>)
    %dma_wait3A_841 = arith.constant 1 : i32
    %dma_wait3A_842 = arith.constant 3 : i32
    %dma_wait3A_843 = arith.constant 0 : i32
    %dma_wait3A_844 = tpu.memref_slice %arg8[%dma_wait3A_841, %dma_wait3A_842, %dma_wait3A_843] : memref<2x8x64xi32, #tpu.memory_space<vmem>> -> memref<1x1x64xi32, #tpu.memory_space<vmem>>
    %dma_wait3A_845 = tpu.memref_squeeze %dma_wait3A_844 : memref<1x1x64xi32, #tpu.memory_space<vmem>> -> memref<64xi32, #tpu.memory_space<vmem>>
    %dma_wait3A_846 = arith.constant 0 : i32
    %dma_wait3A_847 = arith.constant 0 : i32
    %dma_wait3A_848 = tpu.memref_slice %arg5[%dma_wait3A_846, %dma_wait3A_847] : memref<62500x16xf32, #tpu.memory_space<hbm>> -> memref<62500x16xf32, #tpu.memory_space<hbm>>
    tpu.wait_indirect_dma semaphore(%arg13 : memref<!tpu.dma_semaphore, #tpu.memory_space<semaphore_mem>>) src(%dma_wait3A_848 : memref<62500x16xf32, #tpu.memory_space<hbm>>) dst(%arg10 : memref<64x16xf32, #tpu.memory_space<vmem>>)
    %iota3A_849 = tpu.iota {dimensions = array<i32: 0>} : vector<16xi32>
    %add3A_850 = arith.constant 0 : i32
    %add3A_851 = vector.broadcast %add3A_850 : i32 to vector<16xi32>
    %add3A_852 = arith.addi %iota3A_849, %add3A_851 : vector<16xi32>
    %get3A_853 = arith.constant 1 : i32
    %get3A_854 = arith.constant 3 : i32
    %get3A_855 = arith.index_cast %get3A_853 : i32 to index
    %get3A_856 = arith.index_cast %get3A_854 : i32 to index
    %get3A_857 = arith.constant 0 : index
    %get3A_858 = tpu.vector_load %arg9[%get3A_855, %get3A_856, %get3A_857] {strides = array<i32>} : memref<2x8x64xi32, #tpu.memory_space<vmem>>, vector<16xi32>,
    %gather3A_859 = tpu.vector_load_idx %arg10[%add3A_852, %get3A_858] : memref<64x16xf32, #tpu.memory_space<vmem>>[vector<16xi32>, vector<16xi32>], vector<16xf32>,
    %swap3A_860 = arith.constant 0 : i32
    %swap3A_861 = arith.index_cast %swap3A_860 : i32 to index
    %swap3A_862 = arith.constant 192 : index
    %swap3A_863 = tpu.vector_load %arg12[%swap3A_861, %swap3A_862] {strides = array<i32>} : memref<1x512xf32, #tpu.memory_space<vmem>>, vector<16xf32>,
    tpu.vector_store %arg12[%swap3A_861, %swap3A_862], %gather3A_859 {strides = array<i32>} : memref<1x512xf32, #tpu.memory_space<vmem>>, vector<16xf32>,
    %iota3A_864 = tpu.iota {dimensions = array<i32: 0>} : vector<16xi32>
    %add3A_865 = arith.constant 16 : i32
    %add3A_866 = vector.broadcast %add3A_865 : i32 to vector<16xi32>
    %add3A_867 = arith.addi %iota3A_864, %add3A_866 : vector<16xi32>
    %get3A_868 = arith.constant 1 : i32
    %get3A_869 = arith.constant 3 : i32
    %get3A_870 = arith.index_cast %get3A_868 : i32 to index
    %get3A_871 = arith.index_cast %get3A_869 : i32 to index
    %get3A_872 = arith.constant 16 : index
    %get3A_873 = tpu.vector_load %arg9[%get3A_870, %get3A_871, %get3A_872] {strides = array<i32>} : memref<2x8x64xi32, #tpu.memory_space<vmem>>, vector<16xi32>,
    %gather3A_874 = tpu.vector_load_idx %arg10[%add3A_867, %get3A_873] : memref<64x16xf32, #tpu.memory_space<vmem>>[vector<16xi32>, vector<16xi32>], vector<16xf32>,
    %swap3A_875 = arith.constant 0 : i32
    %swap3A_876 = arith.index_cast %swap3A_875 : i32 to index
    %swap3A_877 = arith.constant 208 : index
    %swap3A_878 = tpu.vector_load %arg12[%swap3A_876, %swap3A_877] {strides = array<i32>} : memref<1x512xf32, #tpu.memory_space<vmem>>, vector<16xf32>,
    tpu.vector_store %arg12[%swap3A_876, %swap3A_877], %gather3A_874 {strides = array<i32>} : memref<1x512xf32, #tpu.memory_space<vmem>>, vector<16xf32>,
    %iota3A_879 = tpu.iota {dimensions = array<i32: 0>} : vector<16xi32>
    %add3A_880 = arith.constant 32 : i32
    %add3A_881 = vector.broadcast %add3A_880 : i32 to vector<16xi32>
    %add3A_882 = arith.addi %iota3A_879, %add3A_881 : vector<16xi32>
    %get3A_883 = arith.constant 1 : i32
    %get3A_884 = arith.constant 3 : i32
    %get3A_885 = arith.index_cast %get3A_883 : i32 to index
    %get3A_886 = arith.index_cast %get3A_884 : i32 to index
    %get3A_887 = arith.constant 32 : index
    %get3A_888 = tpu.vector_load %arg9[%get3A_885, %get3A_886, %get3A_887] {strides = array<i32>} : memref<2x8x64xi32, #tpu.memory_space<vmem>>, vector<16xi32>,
    %gather3A_889 = tpu.vector_load_idx %arg10[%add3A_882, %get3A_888] : memref<64x16xf32, #tpu.memory_space<vmem>>[vector<16xi32>, vector<16xi32>], vector<16xf32>,
    %swap3A_890 = arith.constant 0 : i32
    %swap3A_891 = arith.index_cast %swap3A_890 : i32 to index
    %swap3A_892 = arith.constant 224 : index
    %swap3A_893 = tpu.vector_load %arg12[%swap3A_891, %swap3A_892] {strides = array<i32>} : memref<1x512xf32, #tpu.memory_space<vmem>>, vector<16xf32>,
    tpu.vector_store %arg12[%swap3A_891, %swap3A_892], %gather3A_889 {strides = array<i32>} : memref<1x512xf32, #tpu.memory_space<vmem>>, vector<16xf32>,
    %iota3A_894 = tpu.iota {dimensions = array<i32: 0>} : vector<16xi32>
    %add3A_895 = arith.constant 48 : i32
    %add3A_896 = vector.broadcast %add3A_895 : i32 to vector<16xi32>
    %add3A_897 = arith.addi %iota3A_894, %add3A_896 : vector<16xi32>
    %get3A_898 = arith.constant 1 : i32
    %get3A_899 = arith.constant 3 : i32
    %get3A_900 = arith.index_cast %get3A_898 : i32 to index
    %get3A_901 = arith.index_cast %get3A_899 : i32 to index
    %get3A_902 = arith.constant 48 : index
    %get3A_903 = tpu.vector_load %arg9[%get3A_900, %get3A_901, %get3A_902] {strides = array<i32>} : memref<2x8x64xi32, #tpu.memory_space<vmem>>, vector<16xi32>,
    %gather3A_904 = tpu.vector_load_idx %arg10[%add3A_897, %get3A_903] : memref<64x16xf32, #tpu.memory_space<vmem>>[vector<16xi32>, vector<16xi32>], vector<16xf32>,
    %swap3A_905 = arith.constant 0 : i32
    %swap3A_906 = arith.index_cast %swap3A_905 : i32 to index
    %swap3A_907 = arith.constant 240 : index
    %swap3A_908 = tpu.vector_load %arg12[%swap3A_906, %swap3A_907] {strides = array<i32>} : memref<1x512xf32, #tpu.memory_space<vmem>>, vector<16xf32>,
    tpu.vector_store %arg12[%swap3A_906, %swap3A_907], %gather3A_904 {strides = array<i32>} : memref<1x512xf32, #tpu.memory_space<vmem>>, vector<16xf32>,
    %dma_start3A_909 = arith.constant 1 : i32
    %dma_start3A_910 = arith.constant 4 : i32
    %dma_start3A_911 = arith.constant 0 : i32
    %dma_start3A_912 = tpu.memref_slice %arg8[%dma_start3A_909, %dma_start3A_910, %dma_start3A_911] : memref<2x8x64xi32, #tpu.memory_space<vmem>> -> memref<1x1x64xi32, #tpu.memory_space<vmem>>
    %dma_start3A_913 = tpu.memref_squeeze %dma_start3A_912 : memref<1x1x64xi32, #tpu.memory_space<vmem>> -> memref<64xi32, #tpu.memory_space<vmem>>
    %dma_start3A_914 = arith.constant 0 : i32
    %dma_start3A_915 = arith.constant 0 : i32
    %dma_start3A_916 = tpu.memref_slice %arg5[%dma_start3A_914, %dma_start3A_915] : memref<62500x16xf32, #tpu.memory_space<hbm>> -> memref<62500x16xf32, #tpu.memory_space<hbm>>
    tpu.enqueue_indirect_dma source(%dma_start3A_916 : memref<62500x16xf32, #tpu.memory_space<hbm>>) target(%arg10 : memref<64x16xf32, #tpu.memory_space<vmem>>) offsets(%dma_start3A_913 : memref<64xi32, #tpu.memory_space<vmem>>) semaphore(%arg13 : memref<!tpu.dma_semaphore, #tpu.memory_space<semaphore_mem>>)
    %dma_wait3A_917 = arith.constant 1 : i32
    %dma_wait3A_918 = arith.constant 4 : i32
    %dma_wait3A_919 = arith.constant 0 : i32
    %dma_wait3A_920 = tpu.memref_slice %arg8[%dma_wait3A_917, %dma_wait3A_918, %dma_wait3A_919] : memref<2x8x64xi32, #tpu.memory_space<vmem>> -> memref<1x1x64xi32, #tpu.memory_space<vmem>>
    %dma_wait3A_921 = tpu.memref_squeeze %dma_wait3A_920 : memref<1x1x64xi32, #tpu.memory_space<vmem>> -> memref<64xi32, #tpu.memory_space<vmem>>
    %dma_wait3A_922 = arith.constant 0 : i32
    %dma_wait3A_923 = arith.constant 0 : i32
    %dma_wait3A_924 = tpu.memref_slice %arg5[%dma_wait3A_922, %dma_wait3A_923] : memref<62500x16xf32, #tpu.memory_space<hbm>> -> memref<62500x16xf32, #tpu.memory_space<hbm>>
    tpu.wait_indirect_dma semaphore(%arg13 : memref<!tpu.dma_semaphore, #tpu.memory_space<semaphore_mem>>) src(%dma_wait3A_924 : memref<62500x16xf32, #tpu.memory_space<hbm>>) dst(%arg10 : memref<64x16xf32, #tpu.memory_space<vmem>>)
    %iota3A_925 = tpu.iota {dimensions = array<i32: 0>} : vector<16xi32>
    %add3A_926 = arith.constant 0 : i32
    %add3A_927 = vector.broadcast %add3A_926 : i32 to vector<16xi32>
    %add3A_928 = arith.addi %iota3A_925, %add3A_927 : vector<16xi32>
    %get3A_929 = arith.constant 1 : i32
    %get3A_930 = arith.constant 4 : i32
    %get3A_931 = arith.index_cast %get3A_929 : i32 to index
    %get3A_932 = arith.index_cast %get3A_930 : i32 to index
    %get3A_933 = arith.constant 0 : index
    %get3A_934 = tpu.vector_load %arg9[%get3A_931, %get3A_932, %get3A_933] {strides = array<i32>} : memref<2x8x64xi32, #tpu.memory_space<vmem>>, vector<16xi32>,
    %gather3A_935 = tpu.vector_load_idx %arg10[%add3A_928, %get3A_934] : memref<64x16xf32, #tpu.memory_space<vmem>>[vector<16xi32>, vector<16xi32>], vector<16xf32>,
    %swap3A_936 = arith.constant 0 : i32
    %swap3A_937 = arith.index_cast %swap3A_936 : i32 to index
    %swap3A_938 = arith.constant 256 : index
    %swap3A_939 = tpu.vector_load %arg12[%swap3A_937, %swap3A_938] {strides = array<i32>} : memref<1x512xf32, #tpu.memory_space<vmem>>, vector<16xf32>,
    tpu.vector_store %arg12[%swap3A_937, %swap3A_938], %gather3A_935 {strides = array<i32>} : memref<1x512xf32, #tpu.memory_space<vmem>>, vector<16xf32>,
    %iota3A_940 = tpu.iota {dimensions = array<i32: 0>} : vector<16xi32>
    %add3A_941 = arith.constant 16 : i32
    %add3A_942 = vector.broadcast %add3A_941 : i32 to vector<16xi32>
    %add3A_943 = arith.addi %iota3A_940, %add3A_942 : vector<16xi32>
    %get3A_944 = arith.constant 1 : i32
    %get3A_945 = arith.constant 4 : i32
    %get3A_946 = arith.index_cast %get3A_944 : i32 to index
    %get3A_947 = arith.index_cast %get3A_945 : i32 to index
    %get3A_948 = arith.constant 16 : index
    %get3A_949 = tpu.vector_load %arg9[%get3A_946, %get3A_947, %get3A_948] {strides = array<i32>} : memref<2x8x64xi32, #tpu.memory_space<vmem>>, vector<16xi32>,
    %gather3A_950 = tpu.vector_load_idx %arg10[%add3A_943, %get3A_949] : memref<64x16xf32, #tpu.memory_space<vmem>>[vector<16xi32>, vector<16xi32>], vector<16xf32>,
    %swap3A_951 = arith.constant 0 : i32
    %swap3A_952 = arith.index_cast %swap3A_951 : i32 to index
    %swap3A_953 = arith.constant 272 : index
    %swap3A_954 = tpu.vector_load %arg12[%swap3A_952, %swap3A_953] {strides = array<i32>} : memref<1x512xf32, #tpu.memory_space<vmem>>, vector<16xf32>,
    tpu.vector_store %arg12[%swap3A_952, %swap3A_953], %gather3A_950 {strides = array<i32>} : memref<1x512xf32, #tpu.memory_space<vmem>>, vector<16xf32>,
    %iota3A_955 = tpu.iota {dimensions = array<i32: 0>} : vector<16xi32>
    %add3A_956 = arith.constant 32 : i32
    %add3A_957 = vector.broadcast %add3A_956 : i32 to vector<16xi32>
    %add3A_958 = arith.addi %iota3A_955, %add3A_957 : vector<16xi32>
    %get3A_959 = arith.constant 1 : i32
    %get3A_960 = arith.constant 4 : i32
    %get3A_961 = arith.index_cast %get3A_959 : i32 to index
    %get3A_962 = arith.index_cast %get3A_960 : i32 to index
    %get3A_963 = arith.constant 32 : index
    %get3A_964 = tpu.vector_load %arg9[%get3A_961, %get3A_962, %get3A_963] {strides = array<i32>} : memref<2x8x64xi32, #tpu.memory_space<vmem>>, vector<16xi32>,
    %gather3A_965 = tpu.vector_load_idx %arg10[%add3A_958, %get3A_964] : memref<64x16xf32, #tpu.memory_space<vmem>>[vector<16xi32>, vector<16xi32>], vector<16xf32>,
    %swap3A_966 = arith.constant 0 : i32
    %swap3A_967 = arith.index_cast %swap3A_966 : i32 to index
    %swap3A_968 = arith.constant 288 : index
    %swap3A_969 = tpu.vector_load %arg12[%swap3A_967, %swap3A_968] {strides = array<i32>} : memref<1x512xf32, #tpu.memory_space<vmem>>, vector<16xf32>,
    tpu.vector_store %arg12[%swap3A_967, %swap3A_968], %gather3A_965 {strides = array<i32>} : memref<1x512xf32, #tpu.memory_space<vmem>>, vector<16xf32>,
    %iota3A_970 = tpu.iota {dimensions = array<i32: 0>} : vector<16xi32>
    %add3A_971 = arith.constant 48 : i32
    %add3A_972 = vector.broadcast %add3A_971 : i32 to vector<16xi32>
    %add3A_973 = arith.addi %iota3A_970, %add3A_972 : vector<16xi32>
    %get3A_974 = arith.constant 1 : i32
    %get3A_975 = arith.constant 4 : i32
    %get3A_976 = arith.index_cast %get3A_974 : i32 to index
    %get3A_977 = arith.index_cast %get3A_975 : i32 to index
    %get3A_978 = arith.constant 48 : index
    %get3A_979 = tpu.vector_load %arg9[%get3A_976, %get3A_977, %get3A_978] {strides = array<i32>} : memref<2x8x64xi32, #tpu.memory_space<vmem>>, vector<16xi32>,
    %gather3A_980 = tpu.vector_load_idx %arg10[%add3A_973, %get3A_979] : memref<64x16xf32, #tpu.memory_space<vmem>>[vector<16xi32>, vector<16xi32>], vector<16xf32>,
    %swap3A_981 = arith.constant 0 : i32
    %swap3A_982 = arith.index_cast %swap3A_981 : i32 to index
    %swap3A_983 = arith.constant 304 : index
    %swap3A_984 = tpu.vector_load %arg12[%swap3A_982, %swap3A_983] {strides = array<i32>} : memref<1x512xf32, #tpu.memory_space<vmem>>, vector<16xf32>,
    tpu.vector_store %arg12[%swap3A_982, %swap3A_983], %gather3A_980 {strides = array<i32>} : memref<1x512xf32, #tpu.memory_space<vmem>>, vector<16xf32>,
    %dma_start3A_985 = arith.constant 1 : i32
    %dma_start3A_986 = arith.constant 5 : i32
    %dma_start3A_987 = arith.constant 0 : i32
    %dma_start3A_988 = tpu.memref_slice %arg8[%dma_start3A_985, %dma_start3A_986, %dma_start3A_987] : memref<2x8x64xi32, #tpu.memory_space<vmem>> -> memref<1x1x64xi32, #tpu.memory_space<vmem>>
    %dma_start3A_989 = tpu.memref_squeeze %dma_start3A_988 : memref<1x1x64xi32, #tpu.memory_space<vmem>> -> memref<64xi32, #tpu.memory_space<vmem>>
    %dma_start3A_990 = arith.constant 0 : i32
    %dma_start3A_991 = arith.constant 0 : i32
    %dma_start3A_992 = tpu.memref_slice %arg5[%dma_start3A_990, %dma_start3A_991] : memref<62500x16xf32, #tpu.memory_space<hbm>> -> memref<62500x16xf32, #tpu.memory_space<hbm>>
    tpu.enqueue_indirect_dma source(%dma_start3A_992 : memref<62500x16xf32, #tpu.memory_space<hbm>>) target(%arg10 : memref<64x16xf32, #tpu.memory_space<vmem>>) offsets(%dma_start3A_989 : memref<64xi32, #tpu.memory_space<vmem>>) semaphore(%arg13 : memref<!tpu.dma_semaphore, #tpu.memory_space<semaphore_mem>>)
    %dma_wait3A_993 = arith.constant 1 : i32
    %dma_wait3A_994 = arith.constant 5 : i32
    %dma_wait3A_995 = arith.constant 0 : i32
    %dma_wait3A_996 = tpu.memref_slice %arg8[%dma_wait3A_993, %dma_wait3A_994, %dma_wait3A_995] : memref<2x8x64xi32, #tpu.memory_space<vmem>> -> memref<1x1x64xi32, #tpu.memory_space<vmem>>
    %dma_wait3A_997 = tpu.memref_squeeze %dma_wait3A_996 : memref<1x1x64xi32, #tpu.memory_space<vmem>> -> memref<64xi32, #tpu.memory_space<vmem>>
    %dma_wait3A_998 = arith.constant 0 : i32
    %dma_wait3A_999 = arith.constant 0 : i32
    %dma_wait3A_1000 = tpu.memref_slice %arg5[%dma_wait3A_998, %dma_wait3A_999] : memref<62500x16xf32, #tpu.memory_space<hbm>> -> memref<62500x16xf32, #tpu.memory_space<hbm>>
    tpu.wait_indirect_dma semaphore(%arg13 : memref<!tpu.dma_semaphore, #tpu.memory_space<semaphore_mem>>) src(%dma_wait3A_1000 : memref<62500x16xf32, #tpu.memory_space<hbm>>) dst(%arg10 : memref<64x16xf32, #tpu.memory_space<vmem>>)
    %iota3A_1001 = tpu.iota {dimensions = array<i32: 0>} : vector<16xi32>
    %add3A_1002 = arith.constant 0 : i32
    %add3A_1003 = vector.broadcast %add3A_1002 : i32 to vector<16xi32>
    %add3A_1004 = arith.addi %iota3A_1001, %add3A_1003 : vector<16xi32>
    %get3A_1005 = arith.constant 1 : i32
    %get3A_1006 = arith.constant 5 : i32
    %get3A_1007 = arith.index_cast %get3A_1005 : i32 to index
    %get3A_1008 = arith.index_cast %get3A_1006 : i32 to index
    %get3A_1009 = arith.constant 0 : index
    %get3A_1010 = tpu.vector_load %arg9[%get3A_1007, %get3A_1008, %get3A_1009] {strides = array<i32>} : memref<2x8x64xi32, #tpu.memory_space<vmem>>, vector<16xi32>,
    %gather3A_1011 = tpu.vector_load_idx %arg10[%add3A_1004, %get3A_1010] : memref<64x16xf32, #tpu.memory_space<vmem>>[vector<16xi32>, vector<16xi32>], vector<16xf32>,
    %swap3A_1012 = arith.constant 0 : i32
    %swap3A_1013 = arith.index_cast %swap3A_1012 : i32 to index
    %swap3A_1014 = arith.constant 320 : index
    %swap3A_1015 = tpu.vector_load %arg12[%swap3A_1013, %swap3A_1014] {strides = array<i32>} : memref<1x512xf32, #tpu.memory_space<vmem>>, vector<16xf32>,
    tpu.vector_store %arg12[%swap3A_1013, %swap3A_1014], %gather3A_1011 {strides = array<i32>} : memref<1x512xf32, #tpu.memory_space<vmem>>, vector<16xf32>,
    %iota3A_1016 = tpu.iota {dimensions = array<i32: 0>} : vector<16xi32>
    %add3A_1017 = arith.constant 16 : i32
    %add3A_1018 = vector.broadcast %add3A_1017 : i32 to vector<16xi32>
    %add3A_1019 = arith.addi %iota3A_1016, %add3A_1018 : vector<16xi32>
    %get3A_1020 = arith.constant 1 : i32
    %get3A_1021 = arith.constant 5 : i32
    %get3A_1022 = arith.index_cast %get3A_1020 : i32 to index
    %get3A_1023 = arith.index_cast %get3A_1021 : i32 to index
    %get3A_1024 = arith.constant 16 : index
    %get3A_1025 = tpu.vector_load %arg9[%get3A_1022, %get3A_1023, %get3A_1024] {strides = array<i32>} : memref<2x8x64xi32, #tpu.memory_space<vmem>>, vector<16xi32>,
    %gather3A_1026 = tpu.vector_load_idx %arg10[%add3A_1019, %get3A_1025] : memref<64x16xf32, #tpu.memory_space<vmem>>[vector<16xi32>, vector<16xi32>], vector<16xf32>,
    %swap3A_1027 = arith.constant 0 : i32
    %swap3A_1028 = arith.index_cast %swap3A_1027 : i32 to index
    %swap3A_1029 = arith.constant 336 : index
    %swap3A_1030 = tpu.vector_load %arg12[%swap3A_1028, %swap3A_1029] {strides = array<i32>} : memref<1x512xf32, #tpu.memory_space<vmem>>, vector<16xf32>,
    tpu.vector_store %arg12[%swap3A_1028, %swap3A_1029], %gather3A_1026 {strides = array<i32>} : memref<1x512xf32, #tpu.memory_space<vmem>>, vector<16xf32>,
    %iota3A_1031 = tpu.iota {dimensions = array<i32: 0>} : vector<16xi32>
    %add3A_1032 = arith.constant 32 : i32
    %add3A_1033 = vector.broadcast %add3A_1032 : i32 to vector<16xi32>
    %add3A_1034 = arith.addi %iota3A_1031, %add3A_1033 : vector<16xi32>
    %get3A_1035 = arith.constant 1 : i32
    %get3A_1036 = arith.constant 5 : i32
    %get3A_1037 = arith.index_cast %get3A_1035 : i32 to index
    %get3A_1038 = arith.index_cast %get3A_1036 : i32 to index
    %get3A_1039 = arith.constant 32 : index
    %get3A_1040 = tpu.vector_load %arg9[%get3A_1037, %get3A_1038, %get3A_1039] {strides = array<i32>} : memref<2x8x64xi32, #tpu.memory_space<vmem>>, vector<16xi32>,
    %gather3A_1041 = tpu.vector_load_idx %arg10[%add3A_1034, %get3A_1040] : memref<64x16xf32, #tpu.memory_space<vmem>>[vector<16xi32>, vector<16xi32>], vector<16xf32>,
    %swap3A_1042 = arith.constant 0 : i32
    %swap3A_1043 = arith.index_cast %swap3A_1042 : i32 to index
    %swap3A_1044 = arith.constant 352 : index
    %swap3A_1045 = tpu.vector_load %arg12[%swap3A_1043, %swap3A_1044] {strides = array<i32>} : memref<1x512xf32, #tpu.memory_space<vmem>>, vector<16xf32>,
    tpu.vector_store %arg12[%swap3A_1043, %swap3A_1044], %gather3A_1041 {strides = array<i32>} : memref<1x512xf32, #tpu.memory_space<vmem>>, vector<16xf32>,
    %iota3A_1046 = tpu.iota {dimensions = array<i32: 0>} : vector<16xi32>
    %add3A_1047 = arith.constant 48 : i32
    %add3A_1048 = vector.broadcast %add3A_1047 : i32 to vector<16xi32>
    %add3A_1049 = arith.addi %iota3A_1046, %add3A_1048 : vector<16xi32>
    %get3A_1050 = arith.constant 1 : i32
    %get3A_1051 = arith.constant 5 : i32
    %get3A_1052 = arith.index_cast %get3A_1050 : i32 to index
    %get3A_1053 = arith.index_cast %get3A_1051 : i32 to index
    %get3A_1054 = arith.constant 48 : index
    %get3A_1055 = tpu.vector_load %arg9[%get3A_1052, %get3A_1053, %get3A_1054] {strides = array<i32>} : memref<2x8x64xi32, #tpu.memory_space<vmem>>, vector<16xi32>,
    %gather3A_1056 = tpu.vector_load_idx %arg10[%add3A_1049, %get3A_1055] : memref<64x16xf32, #tpu.memory_space<vmem>>[vector<16xi32>, vector<16xi32>], vector<16xf32>,
    %swap3A_1057 = arith.constant 0 : i32
    %swap3A_1058 = arith.index_cast %swap3A_1057 : i32 to index
    %swap3A_1059 = arith.constant 368 : index
    %swap3A_1060 = tpu.vector_load %arg12[%swap3A_1058, %swap3A_1059] {strides = array<i32>} : memref<1x512xf32, #tpu.memory_space<vmem>>, vector<16xf32>,
    tpu.vector_store %arg12[%swap3A_1058, %swap3A_1059], %gather3A_1056 {strides = array<i32>} : memref<1x512xf32, #tpu.memory_space<vmem>>, vector<16xf32>,
    %dma_start3A_1061 = arith.constant 1 : i32
    %dma_start3A_1062 = arith.constant 6 : i32
    %dma_start3A_1063 = arith.constant 0 : i32
    %dma_start3A_1064 = tpu.memref_slice %arg8[%dma_start3A_1061, %dma_start3A_1062, %dma_start3A_1063] : memref<2x8x64xi32, #tpu.memory_space<vmem>> -> memref<1x1x64xi32, #tpu.memory_space<vmem>>
    %dma_start3A_1065 = tpu.memref_squeeze %dma_start3A_1064 : memref<1x1x64xi32, #tpu.memory_space<vmem>> -> memref<64xi32, #tpu.memory_space<vmem>>
    %dma_start3A_1066 = arith.constant 0 : i32
    %dma_start3A_1067 = arith.constant 0 : i32
    %dma_start3A_1068 = tpu.memref_slice %arg5[%dma_start3A_1066, %dma_start3A_1067] : memref<62500x16xf32, #tpu.memory_space<hbm>> -> memref<62500x16xf32, #tpu.memory_space<hbm>>
    tpu.enqueue_indirect_dma source(%dma_start3A_1068 : memref<62500x16xf32, #tpu.memory_space<hbm>>) target(%arg10 : memref<64x16xf32, #tpu.memory_space<vmem>>) offsets(%dma_start3A_1065 : memref<64xi32, #tpu.memory_space<vmem>>) semaphore(%arg13 : memref<!tpu.dma_semaphore, #tpu.memory_space<semaphore_mem>>)
    %dma_wait3A_1069 = arith.constant 1 : i32
    %dma_wait3A_1070 = arith.constant 6 : i32
    %dma_wait3A_1071 = arith.constant 0 : i32
    %dma_wait3A_1072 = tpu.memref_slice %arg8[%dma_wait3A_1069, %dma_wait3A_1070, %dma_wait3A_1071] : memref<2x8x64xi32, #tpu.memory_space<vmem>> -> memref<1x1x64xi32, #tpu.memory_space<vmem>>
    %dma_wait3A_1073 = tpu.memref_squeeze %dma_wait3A_1072 : memref<1x1x64xi32, #tpu.memory_space<vmem>> -> memref<64xi32, #tpu.memory_space<vmem>>
    %dma_wait3A_1074 = arith.constant 0 : i32
    %dma_wait3A_1075 = arith.constant 0 : i32
    %dma_wait3A_1076 = tpu.memref_slice %arg5[%dma_wait3A_1074, %dma_wait3A_1075] : memref<62500x16xf32, #tpu.memory_space<hbm>> -> memref<62500x16xf32, #tpu.memory_space<hbm>>
    tpu.wait_indirect_dma semaphore(%arg13 : memref<!tpu.dma_semaphore, #tpu.memory_space<semaphore_mem>>) src(%dma_wait3A_1076 : memref<62500x16xf32, #tpu.memory_space<hbm>>) dst(%arg10 : memref<64x16xf32, #tpu.memory_space<vmem>>)
    %iota3A_1077 = tpu.iota {dimensions = array<i32: 0>} : vector<16xi32>
    %add3A_1078 = arith.constant 0 : i32
    %add3A_1079 = vector.broadcast %add3A_1078 : i32 to vector<16xi32>
    %add3A_1080 = arith.addi %iota3A_1077, %add3A_1079 : vector<16xi32>
    %get3A_1081 = arith.constant 1 : i32
    %get3A_1082 = arith.constant 6 : i32
    %get3A_1083 = arith.index_cast %get3A_1081 : i32 to index
    %get3A_1084 = arith.index_cast %get3A_1082 : i32 to index
    %get3A_1085 = arith.constant 0 : index
    %get3A_1086 = tpu.vector_load %arg9[%get3A_1083, %get3A_1084, %get3A_1085] {strides = array<i32>} : memref<2x8x64xi32, #tpu.memory_space<vmem>>, vector<16xi32>,
    %gather3A_1087 = tpu.vector_load_idx %arg10[%add3A_1080, %get3A_1086] : memref<64x16xf32, #tpu.memory_space<vmem>>[vector<16xi32>, vector<16xi32>], vector<16xf32>,
    %swap3A_1088 = arith.constant 0 : i32
    %swap3A_1089 = arith.index_cast %swap3A_1088 : i32 to index
    %swap3A_1090 = arith.constant 384 : index
    %swap3A_1091 = tpu.vector_load %arg12[%swap3A_1089, %swap3A_1090] {strides = array<i32>} : memref<1x512xf32, #tpu.memory_space<vmem>>, vector<16xf32>,
    tpu.vector_store %arg12[%swap3A_1089, %swap3A_1090], %gather3A_1087 {strides = array<i32>} : memref<1x512xf32, #tpu.memory_space<vmem>>, vector<16xf32>,
    %iota3A_1092 = tpu.iota {dimensions = array<i32: 0>} : vector<16xi32>
    %add3A_1093 = arith.constant 16 : i32
    %add3A_1094 = vector.broadcast %add3A_1093 : i32 to vector<16xi32>
    %add3A_1095 = arith.addi %iota3A_1092, %add3A_1094 : vector<16xi32>
    %get3A_1096 = arith.constant 1 : i32
    %get3A_1097 = arith.constant 6 : i32
    %get3A_1098 = arith.index_cast %get3A_1096 : i32 to index
    %get3A_1099 = arith.index_cast %get3A_1097 : i32 to index
    %get3A_1100 = arith.constant 16 : index
    %get3A_1101 = tpu.vector_load %arg9[%get3A_1098, %get3A_1099, %get3A_1100] {strides = array<i32>} : memref<2x8x64xi32, #tpu.memory_space<vmem>>, vector<16xi32>,
    %gather3A_1102 = tpu.vector_load_idx %arg10[%add3A_1095, %get3A_1101] : memref<64x16xf32, #tpu.memory_space<vmem>>[vector<16xi32>, vector<16xi32>], vector<16xf32>,
    %swap3A_1103 = arith.constant 0 : i32
    %swap3A_1104 = arith.index_cast %swap3A_1103 : i32 to index
    %swap3A_1105 = arith.constant 400 : index
    %swap3A_1106 = tpu.vector_load %arg12[%swap3A_1104, %swap3A_1105] {strides = array<i32>} : memref<1x512xf32, #tpu.memory_space<vmem>>, vector<16xf32>,
    tpu.vector_store %arg12[%swap3A_1104, %swap3A_1105], %gather3A_1102 {strides = array<i32>} : memref<1x512xf32, #tpu.memory_space<vmem>>, vector<16xf32>,
    %iota3A_1107 = tpu.iota {dimensions = array<i32: 0>} : vector<16xi32>
    %add3A_1108 = arith.constant 32 : i32
    %add3A_1109 = vector.broadcast %add3A_1108 : i32 to vector<16xi32>
    %add3A_1110 = arith.addi %iota3A_1107, %add3A_1109 : vector<16xi32>
    %get3A_1111 = arith.constant 1 : i32
    %get3A_1112 = arith.constant 6 : i32
    %get3A_1113 = arith.index_cast %get3A_1111 : i32 to index
    %get3A_1114 = arith.index_cast %get3A_1112 : i32 to index
    %get3A_1115 = arith.constant 32 : index
    %get3A_1116 = tpu.vector_load %arg9[%get3A_1113, %get3A_1114, %get3A_1115] {strides = array<i32>} : memref<2x8x64xi32, #tpu.memory_space<vmem>>, vector<16xi32>,
    %gather3A_1117 = tpu.vector_load_idx %arg10[%add3A_1110, %get3A_1116] : memref<64x16xf32, #tpu.memory_space<vmem>>[vector<16xi32>, vector<16xi32>], vector<16xf32>,
    %swap3A_1118 = arith.constant 0 : i32
    %swap3A_1119 = arith.index_cast %swap3A_1118 : i32 to index
    %swap3A_1120 = arith.constant 416 : index
    %swap3A_1121 = tpu.vector_load %arg12[%swap3A_1119, %swap3A_1120] {strides = array<i32>} : memref<1x512xf32, #tpu.memory_space<vmem>>, vector<16xf32>,
    tpu.vector_store %arg12[%swap3A_1119, %swap3A_1120], %gather3A_1117 {strides = array<i32>} : memref<1x512xf32, #tpu.memory_space<vmem>>, vector<16xf32>,
    %iota3A_1122 = tpu.iota {dimensions = array<i32: 0>} : vector<16xi32>
    %add3A_1123 = arith.constant 48 : i32
    %add3A_1124 = vector.broadcast %add3A_1123 : i32 to vector<16xi32>
    %add3A_1125 = arith.addi %iota3A_1122, %add3A_1124 : vector<16xi32>
    %get3A_1126 = arith.constant 1 : i32
    %get3A_1127 = arith.constant 6 : i32
    %get3A_1128 = arith.index_cast %get3A_1126 : i32 to index
    %get3A_1129 = arith.index_cast %get3A_1127 : i32 to index
    %get3A_1130 = arith.constant 48 : index
    %get3A_1131 = tpu.vector_load %arg9[%get3A_1128, %get3A_1129, %get3A_1130] {strides = array<i32>} : memref<2x8x64xi32, #tpu.memory_space<vmem>>, vector<16xi32>,
    %gather3A_1132 = tpu.vector_load_idx %arg10[%add3A_1125, %get3A_1131] : memref<64x16xf32, #tpu.memory_space<vmem>>[vector<16xi32>, vector<16xi32>], vector<16xf32>,
    %swap3A_1133 = arith.constant 0 : i32
    %swap3A_1134 = arith.index_cast %swap3A_1133 : i32 to index
    %swap3A_1135 = arith.constant 432 : index
    %swap3A_1136 = tpu.vector_load %arg12[%swap3A_1134, %swap3A_1135] {strides = array<i32>} : memref<1x512xf32, #tpu.memory_space<vmem>>, vector<16xf32>,
    tpu.vector_store %arg12[%swap3A_1134, %swap3A_1135], %gather3A_1132 {strides = array<i32>} : memref<1x512xf32, #tpu.memory_space<vmem>>, vector<16xf32>,
    %dma_start3A_1137 = arith.constant 1 : i32
    %dma_start3A_1138 = arith.constant 7 : i32
    %dma_start3A_1139 = arith.constant 0 : i32
    %dma_start3A_1140 = tpu.memref_slice %arg8[%dma_start3A_1137, %dma_start3A_1138, %dma_start3A_1139] : memref<2x8x64xi32, #tpu.memory_space<vmem>> -> memref<1x1x64xi32, #tpu.memory_space<vmem>>
    %dma_start3A_1141 = tpu.memref_squeeze %dma_start3A_1140 : memref<1x1x64xi32, #tpu.memory_space<vmem>> -> memref<64xi32, #tpu.memory_space<vmem>>
    %dma_start3A_1142 = arith.constant 0 : i32
    %dma_start3A_1143 = arith.constant 0 : i32
    %dma_start3A_1144 = tpu.memref_slice %arg5[%dma_start3A_1142, %dma_start3A_1143] : memref<62500x16xf32, #tpu.memory_space<hbm>> -> memref<62500x16xf32, #tpu.memory_space<hbm>>
    tpu.enqueue_indirect_dma source(%dma_start3A_1144 : memref<62500x16xf32, #tpu.memory_space<hbm>>) target(%arg10 : memref<64x16xf32, #tpu.memory_space<vmem>>) offsets(%dma_start3A_1141 : memref<64xi32, #tpu.memory_space<vmem>>) semaphore(%arg13 : memref<!tpu.dma_semaphore, #tpu.memory_space<semaphore_mem>>)
    %dma_wait3A_1145 = arith.constant 1 : i32
    %dma_wait3A_1146 = arith.constant 7 : i32
    %dma_wait3A_1147 = arith.constant 0 : i32
    %dma_wait3A_1148 = tpu.memref_slice %arg8[%dma_wait3A_1145, %dma_wait3A_1146, %dma_wait3A_1147] : memref<2x8x64xi32, #tpu.memory_space<vmem>> -> memref<1x1x64xi32, #tpu.memory_space<vmem>>
    %dma_wait3A_1149 = tpu.memref_squeeze %dma_wait3A_1148 : memref<1x1x64xi32, #tpu.memory_space<vmem>> -> memref<64xi32, #tpu.memory_space<vmem>>
    %dma_wait3A_1150 = arith.constant 0 : i32
    %dma_wait3A_1151 = arith.constant 0 : i32
    %dma_wait3A_1152 = tpu.memref_slice %arg5[%dma_wait3A_1150, %dma_wait3A_1151] : memref<62500x16xf32, #tpu.memory_space<hbm>> -> memref<62500x16xf32, #tpu.memory_space<hbm>>
    tpu.wait_indirect_dma semaphore(%arg13 : memref<!tpu.dma_semaphore, #tpu.memory_space<semaphore_mem>>) src(%dma_wait3A_1152 : memref<62500x16xf32, #tpu.memory_space<hbm>>) dst(%arg10 : memref<64x16xf32, #tpu.memory_space<vmem>>)
    %iota3A_1153 = tpu.iota {dimensions = array<i32: 0>} : vector<16xi32>
    %add3A_1154 = arith.constant 0 : i32
    %add3A_1155 = vector.broadcast %add3A_1154 : i32 to vector<16xi32>
    %add3A_1156 = arith.addi %iota3A_1153, %add3A_1155 : vector<16xi32>
    %get3A_1157 = arith.constant 1 : i32
    %get3A_1158 = arith.constant 7 : i32
    %get3A_1159 = arith.index_cast %get3A_1157 : i32 to index
    %get3A_1160 = arith.index_cast %get3A_1158 : i32 to index
    %get3A_1161 = arith.constant 0 : index
    %get3A_1162 = tpu.vector_load %arg9[%get3A_1159, %get3A_1160, %get3A_1161] {strides = array<i32>} : memref<2x8x64xi32, #tpu.memory_space<vmem>>, vector<16xi32>,
    %gather3A_1163 = tpu.vector_load_idx %arg10[%add3A_1156, %get3A_1162] : memref<64x16xf32, #tpu.memory_space<vmem>>[vector<16xi32>, vector<16xi32>], vector<16xf32>,
    %swap3A_1164 = arith.constant 0 : i32
    %swap3A_1165 = arith.index_cast %swap3A_1164 : i32 to index
    %swap3A_1166 = arith.constant 448 : index
    %swap3A_1167 = tpu.vector_load %arg12[%swap3A_1165, %swap3A_1166] {strides = array<i32>} : memref<1x512xf32, #tpu.memory_space<vmem>>, vector<16xf32>,
    tpu.vector_store %arg12[%swap3A_1165, %swap3A_1166], %gather3A_1163 {strides = array<i32>} : memref<1x512xf32, #tpu.memory_space<vmem>>, vector<16xf32>,
    %iota3A_1168 = tpu.iota {dimensions = array<i32: 0>} : vector<16xi32>
    %add3A_1169 = arith.constant 16 : i32
    %add3A_1170 = vector.broadcast %add3A_1169 : i32 to vector<16xi32>
    %add3A_1171 = arith.addi %iota3A_1168, %add3A_1170 : vector<16xi32>
    %get3A_1172 = arith.constant 1 : i32
    %get3A_1173 = arith.constant 7 : i32
    %get3A_1174 = arith.index_cast %get3A_1172 : i32 to index
    %get3A_1175 = arith.index_cast %get3A_1173 : i32 to index
    %get3A_1176 = arith.constant 16 : index
    %get3A_1177 = tpu.vector_load %arg9[%get3A_1174, %get3A_1175, %get3A_1176] {strides = array<i32>} : memref<2x8x64xi32, #tpu.memory_space<vmem>>, vector<16xi32>,
    %gather3A_1178 = tpu.vector_load_idx %arg10[%add3A_1171, %get3A_1177] : memref<64x16xf32, #tpu.memory_space<vmem>>[vector<16xi32>, vector<16xi32>], vector<16xf32>,
    %swap3A_1179 = arith.constant 0 : i32
    %swap3A_1180 = arith.index_cast %swap3A_1179 : i32 to index
    %swap3A_1181 = arith.constant 464 : index
    %swap3A_1182 = tpu.vector_load %arg12[%swap3A_1180, %swap3A_1181] {strides = array<i32>} : memref<1x512xf32, #tpu.memory_space<vmem>>, vector<16xf32>,
    tpu.vector_store %arg12[%swap3A_1180, %swap3A_1181], %gather3A_1178 {strides = array<i32>} : memref<1x512xf32, #tpu.memory_space<vmem>>, vector<16xf32>,
    %iota3A_1183 = tpu.iota {dimensions = array<i32: 0>} : vector<16xi32>
    %add3A_1184 = arith.constant 32 : i32
    %add3A_1185 = vector.broadcast %add3A_1184 : i32 to vector<16xi32>
    %add3A_1186 = arith.addi %iota3A_1183, %add3A_1185 : vector<16xi32>
    %get3A_1187 = arith.constant 1 : i32
    %get3A_1188 = arith.constant 7 : i32
    %get3A_1189 = arith.index_cast %get3A_1187 : i32 to index
    %get3A_1190 = arith.index_cast %get3A_1188 : i32 to index
    %get3A_1191 = arith.constant 32 : index
    %get3A_1192 = tpu.vector_load %arg9[%get3A_1189, %get3A_1190, %get3A_1191] {strides = array<i32>} : memref<2x8x64xi32, #tpu.memory_space<vmem>>, vector<16xi32>,
    %gather3A_1193 = tpu.vector_load_idx %arg10[%add3A_1186, %get3A_1192] : memref<64x16xf32, #tpu.memory_space<vmem>>[vector<16xi32>, vector<16xi32>], vector<16xf32>,
    %swap3A_1194 = arith.constant 0 : i32
    %swap3A_1195 = arith.index_cast %swap3A_1194 : i32 to index
    %swap3A_1196 = arith.constant 480 : index
    %swap3A_1197 = tpu.vector_load %arg12[%swap3A_1195, %swap3A_1196] {strides = array<i32>} : memref<1x512xf32, #tpu.memory_space<vmem>>, vector<16xf32>,
    tpu.vector_store %arg12[%swap3A_1195, %swap3A_1196], %gather3A_1193 {strides = array<i32>} : memref<1x512xf32, #tpu.memory_space<vmem>>, vector<16xf32>,
    %iota3A_1198 = tpu.iota {dimensions = array<i32: 0>} : vector<16xi32>
    %add3A_1199 = arith.constant 48 : i32
    %add3A_1200 = vector.broadcast %add3A_1199 : i32 to vector<16xi32>
    %add3A_1201 = arith.addi %iota3A_1198, %add3A_1200 : vector<16xi32>
    %get3A_1202 = arith.constant 1 : i32
    %get3A_1203 = arith.constant 7 : i32
    %get3A_1204 = arith.index_cast %get3A_1202 : i32 to index
    %get3A_1205 = arith.index_cast %get3A_1203 : i32 to index
    %get3A_1206 = arith.constant 48 : index
    %get3A_1207 = tpu.vector_load %arg9[%get3A_1204, %get3A_1205, %get3A_1206] {strides = array<i32>} : memref<2x8x64xi32, #tpu.memory_space<vmem>>, vector<16xi32>,
    %gather3A_1208 = tpu.vector_load_idx %arg10[%add3A_1201, %get3A_1207] : memref<64x16xf32, #tpu.memory_space<vmem>>[vector<16xi32>, vector<16xi32>], vector<16xf32>,
    %swap3A_1209 = arith.constant 0 : i32
    %swap3A_1210 = arith.index_cast %swap3A_1209 : i32 to index
    %swap3A_1211 = arith.constant 496 : index
    %swap3A_1212 = tpu.vector_load %arg12[%swap3A_1210, %swap3A_1211] {strides = array<i32>} : memref<1x512xf32, #tpu.memory_space<vmem>>, vector<16xf32>,
    tpu.vector_store %arg12[%swap3A_1210, %swap3A_1211], %gather3A_1208 {strides = array<i32>} : memref<1x512xf32, #tpu.memory_space<vmem>>, vector<16xf32>,
    "tpu.region"() ({
      %run_scoped3A = tpu.sem_alloc : memref<!tpu.dma_semaphore, #tpu.memory_space<semaphore_mem>>
      %dma_start3A_1213 = arith.constant 0 : i32
      %dma_start3A_1214 = tpu.memref_slice %arg7[%dma_start3A_1213, %mul3A_2] : memref<1x16384xf32, #tpu.memory_space<hbm>> -> memref<1x512xf32, #tpu.memory_space<hbm>>
      %dma_start3A_1215 = arith.constant 0 : i32
      %dma_start3A_1216 = tpu.memref_slice %arg7[%dma_start3A_1215, %mul3A_2] : memref<1x16384xf32, #tpu.memory_space<hbm>> -> memref<1x512xf32, #tpu.memory_space<hbm>>
      tpu.enqueue_dma source(%arg12 : memref<1x512xf32, #tpu.memory_space<vmem>>) target(%dma_start3A_1216 : memref<1x512xf32, #tpu.memory_space<hbm>>) target_semaphore(%run_scoped3A : memref<!tpu.dma_semaphore, #tpu.memory_space<semaphore_mem>>)
      %dma_wait3A_1217 = arith.constant 0 : i32
      %dma_wait3A_1218 = tpu.memref_slice %arg7[%dma_wait3A_1217, %mul3A_2] : memref<1x16384xf32, #tpu.memory_space<hbm>> -> memref<1x512xf32, #tpu.memory_space<hbm>>
      %dma_wait3A_1219 = arith.constant 0 : i32
      %dma_wait3A_1220 = tpu.memref_slice %arg7[%dma_wait3A_1219, %mul3A_2] : memref<1x16384xf32, #tpu.memory_space<hbm>> -> memref<1x512xf32, #tpu.memory_space<hbm>>
      tpu.wait_dma2 semaphore(%run_scoped3A : memref<!tpu.dma_semaphore, #tpu.memory_space<semaphore_mem>>) src(%arg12 : memref<1x512xf32, #tpu.memory_space<vmem>>) dst(%dma_wait3A_1220 : memref<1x512xf32, #tpu.memory_space<hbm>>)
      tpu.yield
    }) : () -> ()
    return
  }
}

module attributes {stable_mosaic.version = 14 : i64} {
  func.func @_projm_body(%arg0: i32, %arg1: memref<32x65536xf32, #tpu.memory_space<vmem>>, %arg2: memref<16x32xf32, #tpu.memory_space<vmem>>, %arg3: memref<16x512x128xf32, #tpu.memory_space<vmem>>) attributes {dimension_semantics = [#tpu.dimension_semantics<arbitrary>], iteration_bounds = array<i64: 16>, scalar_prefetch = 0 : i64, scratch_operands = 0 : i64, tpu.core_type = #tpu.core_type<tc>, window_params = [{transform_indices = @transform_0, window_bounds = array<i64: 32, 65536>}, {pipeline_mode = #tpu.pipeline_mode<synchronous>, transform_indices = @transform_1, window_bounds = array<i64: 16, 32>}, {transform_indices = @transform_2, window_bounds = array<i64: 16, 512, 128>}]} {
    %get3A = arith.constant 0 : index
    %get3A_0 = arith.constant 0 : index
    %get3A_1 = vector.load %arg2[%get3A, %get3A_0] : memref<16x32xf32, #tpu.memory_space<vmem>>, vector<16x32xf32>
    %get3A_2 = arith.constant 0 : index
    %get3A_3 = arith.constant 0 : index
    %get3A_4 = vector.load %arg1[%get3A_2, %get3A_3] : memref<32x65536xf32, #tpu.memory_space<vmem>>, vector<32x65536xf32>
    %dot_general3A = arith.constant dense<0.000000e+00> : vector<16x65536xf32>
    %dot_general3A_5 = tpu.matmul %get3A_1, %get3A_4, %dot_general3A {dimension_numbers = #tpu.dot_dimension_numbers<[1], [0], [0], [1], [0, 0, 1, 1], [], []>, transpose_lhs_hint = false} : vector<16x32xf32>, vector<32x65536xf32>, vector<16x65536xf32> -> vector<16x65536xf32>
    %reshape3A = vector.shape_cast %dot_general3A_5 : vector<16x65536xf32> to vector<16x512x128xf32>
    %swap3A = arith.constant 0 : index
    %swap3A_6 = arith.constant 0 : index
    %swap3A_7 = arith.constant 0 : index
    %swap3A_8 = vector.load %arg3[%swap3A, %swap3A_6, %swap3A_7] : memref<16x512x128xf32, #tpu.memory_space<vmem>>, vector<16x512x128xf32>
    tpu.vector_store %arg3[%swap3A, %swap3A_6, %swap3A_7], %reshape3A {strides = array<i32>} : memref<16x512x128xf32, #tpu.memory_space<vmem>>, vector<16x512x128xf32>,
    return
  }
  func.func @transform_0(%arg0: i32) -> (i32, i32) {
    %c0_i32 = arith.constant 0 : i32
    %c0_i32_0 = arith.constant 0 : i32
    return %c0_i32, %arg0 : i32, i32
  }
  func.func @transform_1(%arg0: i32) -> (i32, i32) {
    %c0_i32 = arith.constant 0 : i32
    %c0_i32_0 = arith.constant 0 : i32
    %c0_i32_1 = arith.constant 0 : i32
    return %c0_i32, %c0_i32_0 : i32, i32
  }
  func.func @transform_2(%arg0: i32) -> (i32, i32, i32) {
    %c0_i32 = arith.constant 0 : i32
    %c0_i32_0 = arith.constant 0 : i32
    %c0_i32_1 = arith.constant 0 : i32
    return %c0_i32, %arg0, %c0_i32_0 : i32, i32, i32
  }
}

module attributes {stable_mosaic.version = 14 : i64} {
  func.func @_proj_body(%arg0: i32, %arg1: memref<32x65536xf32, #tpu.memory_space<vmem>>, %arg2: memref<1x32xf32, #tpu.memory_space<vmem>>, %arg3: memref<65536xf32, #tpu.memory_space<vmem>>) attributes {dimension_semantics = [#tpu.dimension_semantics<arbitrary>], iteration_bounds = array<i64: 16>, scalar_prefetch = 0 : i64, scratch_operands = 0 : i64, tpu.core_type = #tpu.core_type<tc>, window_params = [{transform_indices = @transform_0, window_bounds = array<i64: 32, 65536>}, {pipeline_mode = #tpu.pipeline_mode<synchronous>, transform_indices = @transform_1, window_bounds = array<i64: 1, 32>}, {transform_indices = @transform_2, window_bounds = array<i64: 65536>}]} {
    %get3A = arith.constant 0 : index
    %get3A_0 = arith.constant 0 : index
    %get3A_1 = vector.load %arg2[%get3A, %get3A_0] : memref<1x32xf32, #tpu.memory_space<vmem>>, vector<1x32xf32>
    %get3A_2 = arith.constant 0 : index
    %get3A_3 = arith.constant 0 : index
    %get3A_4 = vector.load %arg1[%get3A_2, %get3A_3] : memref<32x65536xf32, #tpu.memory_space<vmem>>, vector<32x65536xf32>
    %dot_general3A = arith.constant dense<0.000000e+00> : vector<1x65536xf32>
    %dot_general3A_5 = tpu.matmul %get3A_1, %get3A_4, %dot_general3A {dimension_numbers = #tpu.dot_dimension_numbers<[1], [0], [0], [1], [0, 0, 1, 1], [], []>, transpose_lhs_hint = false} : vector<1x32xf32>, vector<32x65536xf32>, vector<1x65536xf32> -> vector<1x65536xf32>
    %reshape3A = vector.shape_cast %dot_general3A_5 : vector<1x65536xf32> to vector<65536xf32>
    %swap3A = arith.constant 0 : index
    %swap3A_6 = vector.load %arg3[%swap3A] : memref<65536xf32, #tpu.memory_space<vmem>>, vector<65536xf32>
    tpu.vector_store %arg3[%swap3A], %reshape3A {strides = array<i32>} : memref<65536xf32, #tpu.memory_space<vmem>>, vector<65536xf32>,
    return
  }
  func.func @transform_0(%arg0: i32) -> (i32, i32) {
    %c0_i32 = arith.constant 0 : i32
    %c0_i32_0 = arith.constant 0 : i32
    return %c0_i32, %arg0 : i32, i32
  }
  func.func @transform_1(%arg0: i32) -> (i32, i32) {
    %c0_i32 = arith.constant 0 : i32
    %c0_i32_0 = arith.constant 0 : i32
    %c0_i32_1 = arith.constant 0 : i32
    return %c0_i32, %c0_i32_0 : i32, i32
  }
  func.func @transform_2(%arg0: i32) -> i32 {
    %c0_i32 = arith.constant 0 : i32
    return %arg0 : i32
  }
}

module attributes {stable_mosaic.version = 14 : i64} {
  func.func @_tc_head_body(%arg0: i32, %arg1: memref<1x2048xf32, #tpu.memory_space<vmem>>, %arg2: memref<1x2048xf32, #tpu.memory_space<vmem>>, %arg3: memref<16x2048xf32, #tpu.memory_space<vmem>>, %arg4: memref<16x2048xf32, #tpu.memory_space<vmem>>, %arg5: memref<16x1xf32, #tpu.memory_space<vmem>>, %arg6: memref<8x16xf32, #tpu.memory_space<vmem>>, %arg7: memref<8x1xf32, #tpu.memory_space<vmem>>, %arg8: memref<4x8xf32, #tpu.memory_space<vmem>>, %arg9: memref<4x1xf32, #tpu.memory_space<vmem>>, %arg10: memref<1x4xf32, #tpu.memory_space<vmem>>, %arg11: memref<1x5xf32, #tpu.memory_space<vmem>>, %arg12: memref<1x2048xf32, #tpu.memory_space<vmem>>) attributes {dimension_semantics = [#tpu.dimension_semantics<arbitrary>], iteration_bounds = array<i64: 8>, scalar_prefetch = 0 : i64, scratch_operands = 0 : i64, tpu.core_type = #tpu.core_type<tc>, window_params = [{transform_indices = @transform_0, window_bounds = array<i64: 1, 2048>}, {transform_indices = @transform_1, window_bounds = array<i64: 1, 2048>}, {transform_indices = @transform_2, window_bounds = array<i64: 16, 2048>}, {transform_indices = @transform_3, window_bounds = array<i64: 16, 2048>}, {pipeline_mode = #tpu.pipeline_mode<synchronous>, transform_indices = @transform_4, window_bounds = array<i64: 16, 1>}, {pipeline_mode = #tpu.pipeline_mode<synchronous>, transform_indices = @transform_5, window_bounds = array<i64: 8, 16>}, {pipeline_mode = #tpu.pipeline_mode<synchronous>, transform_indices = @transform_6, window_bounds = array<i64: 8, 1>}, {pipeline_mode = #tpu.pipeline_mode<synchronous>, transform_indices = @transform_7, window_bounds = array<i64: 4, 8>}, {pipeline_mode = #tpu.pipeline_mode<synchronous>, transform_indices = @transform_8, window_bounds = array<i64: 4, 1>}, {pipeline_mode = #tpu.pipeline_mode<synchronous>, transform_indices = @transform_9, window_bounds = array<i64: 1, 4>}, {pipeline_mode = #tpu.pipeline_mode<synchronous>, transform_indices = @transform_10, window_bounds = array<i64: 1, 5>}, {transform_indices = @transform_11, window_bounds = array<i64: 1, 2048>}]} {
    %get3A = arith.constant 0 : index
    %get3A_0 = arith.constant 0 : index
    %get3A_1 = vector.load %arg1[%get3A, %get3A_0] : memref<1x2048xf32, #tpu.memory_space<vmem>>, vector<1x2048xf32>
    %get3A_2 = arith.constant 0 : index
    %get3A_3 = arith.constant 2 : index
    %get3A_4 = vector.load %arg11[%get3A_2, %get3A_3] : memref<1x5xf32, #tpu.memory_space<vmem>>, vector<1x1xf32>
    %get3A_5 = vector.extract %get3A_4[0, 0] : f32 from vector<1x1xf32>
    %add3A = vector.broadcast %get3A_5 : f32 to vector<1x2048xf32>
    %add3A_6 = arith.addf %get3A_1, %add3A : vector<1x2048xf32>
    %get3A_7 = arith.constant 0 : index
    %get3A_8 = arith.constant 0 : index
    %get3A_9 = vector.load %arg2[%get3A_7, %get3A_8] : memref<1x2048xf32, #tpu.memory_space<vmem>>, vector<1x2048xf32>
    %get3A_10 = arith.constant 0 : index
    %get3A_11 = arith.constant 3 : index
    %get3A_12 = vector.load %arg11[%get3A_10, %get3A_11] : memref<1x5xf32, #tpu.memory_space<vmem>>, vector<1x1xf32>
    %get3A_13 = vector.extract %get3A_12[0, 0] : f32 from vector<1x1xf32>
    %add3A_14 = vector.broadcast %get3A_13 : f32 to vector<1x2048xf32>
    %add3A_15 = arith.addf %get3A_9, %add3A_14 : vector<1x2048xf32>
    %mul3A = arith.mulf %add3A_6, %add3A_15 : vector<1x2048xf32>
    %get3A_16 = arith.constant 0 : index
    %get3A_17 = arith.constant 0 : index
    %get3A_18 = vector.load %arg3[%get3A_16, %get3A_17] : memref<16x2048xf32, #tpu.memory_space<vmem>>, vector<16x2048xf32>
    %get3A_19 = arith.constant 0 : index
    %get3A_20 = arith.constant 0 : index
    %get3A_21 = vector.load %arg4[%get3A_19, %get3A_20] : memref<16x2048xf32, #tpu.memory_space<vmem>>, vector<16x2048xf32>
    %add3A_22 = arith.addf %get3A_18, %get3A_21 : vector<16x2048xf32>
    %get3A_23 = arith.constant 0 : index
    %get3A_24 = arith.constant 0 : index
    %get3A_25 = vector.load %arg5[%get3A_23, %get3A_24] : memref<16x1xf32, #tpu.memory_space<vmem>>, vector<16x1xf32>
    %add3A_26 = vector.broadcast %get3A_25 : vector<16x1xf32> to vector<16x2048xf32>
    %add3A_27 = arith.addf %add3A_22, %add3A_26 : vector<16x2048xf32>
    %max3A = arith.constant 0.000000e+00 : f32
    %max3A_28 = vector.broadcast %max3A : f32 to vector<16x2048xf32>
    %max3A_29 = arith.maximumf %add3A_27, %max3A_28 : vector<16x2048xf32>
    %get3A_30 = arith.constant 0 : index
    %get3A_31 = arith.constant 0 : index
    %get3A_32 = vector.load %arg6[%get3A_30, %get3A_31] : memref<8x16xf32, #tpu.memory_space<vmem>>, vector<8x16xf32>
    %dot_general3A = arith.constant dense<0.000000e+00> : vector<8x2048xf32>
    %dot_general3A_33 = tpu.matmul %get3A_32, %max3A_29, %dot_general3A {dimension_numbers = #tpu.dot_dimension_numbers<[1], [0], [0], [1], [0, 0, 1, 1], [], []>, transpose_lhs_hint = false} : vector<8x16xf32>, vector<16x2048xf32>, vector<8x2048xf32> -> vector<8x2048xf32>
    %get3A_34 = arith.constant 0 : index
    %get3A_35 = arith.constant 0 : index
    %get3A_36 = vector.load %arg7[%get3A_34, %get3A_35] : memref<8x1xf32, #tpu.memory_space<vmem>>, vector<8x1xf32>
    %add3A_37 = vector.broadcast %get3A_36 : vector<8x1xf32> to vector<8x2048xf32>
    %add3A_38 = arith.addf %dot_general3A_33, %add3A_37 : vector<8x2048xf32>
    %max3A_39 = arith.constant 0.000000e+00 : f32
    %max3A_40 = vector.broadcast %max3A_39 : f32 to vector<8x2048xf32>
    %max3A_41 = arith.maximumf %add3A_38, %max3A_40 : vector<8x2048xf32>
    %get3A_42 = arith.constant 0 : index
    %get3A_43 = arith.constant 0 : index
    %get3A_44 = vector.load %arg8[%get3A_42, %get3A_43] : memref<4x8xf32, #tpu.memory_space<vmem>>, vector<4x8xf32>
    %dot_general3A_45 = arith.constant dense<0.000000e+00> : vector<4x2048xf32>
    %dot_general3A_46 = tpu.matmul %get3A_44, %max3A_41, %dot_general3A_45 {dimension_numbers = #tpu.dot_dimension_numbers<[1], [0], [0], [1], [0, 0, 1, 1], [], []>, transpose_lhs_hint = false} : vector<4x8xf32>, vector<8x2048xf32>, vector<4x2048xf32> -> vector<4x2048xf32>
    %get3A_47 = arith.constant 0 : index
    %get3A_48 = arith.constant 0 : index
    %get3A_49 = vector.load %arg9[%get3A_47, %get3A_48] : memref<4x1xf32, #tpu.memory_space<vmem>>, vector<4x1xf32>
    %add3A_50 = vector.broadcast %get3A_49 : vector<4x1xf32> to vector<4x2048xf32>
    %add3A_51 = arith.addf %dot_general3A_46, %add3A_50 : vector<4x2048xf32>
    %max3A_52 = arith.constant 0.000000e+00 : f32
    %max3A_53 = vector.broadcast %max3A_52 : f32 to vector<4x2048xf32>
    %max3A_54 = arith.maximumf %add3A_51, %max3A_53 : vector<4x2048xf32>
    %get3A_55 = arith.constant 0 : index
    %get3A_56 = arith.constant 0 : index
    %get3A_57 = vector.load %arg10[%get3A_55, %get3A_56] : memref<1x4xf32, #tpu.memory_space<vmem>>, vector<1x4xf32>
    %dot_general3A_58 = arith.constant dense<0.000000e+00> : vector<1x2048xf32>
    %dot_general3A_59 = tpu.matmul %get3A_57, %max3A_54, %dot_general3A_58 {dimension_numbers = #tpu.dot_dimension_numbers<[1], [0], [0], [1], [0, 0, 1, 1], [], []>, transpose_lhs_hint = false} : vector<1x4xf32>, vector<4x2048xf32>, vector<1x2048xf32> -> vector<1x2048xf32>
    %get3A_60 = arith.constant 0 : index
    %get3A_61 = arith.constant 0 : index
    %get3A_62 = vector.load %arg11[%get3A_60, %get3A_61] : memref<1x5xf32, #tpu.memory_space<vmem>>, vector<1x1xf32>
    %get3A_63 = vector.extract %get3A_62[0, 0] : f32 from vector<1x1xf32>
    %mul3A_64 = vector.broadcast %get3A_63 : f32 to vector<1x2048xf32>
    %mul3A_65 = arith.mulf %mul3A, %mul3A_64 : vector<1x2048xf32>
    %get3A_66 = arith.constant 0 : index
    %get3A_67 = arith.constant 1 : index
    %get3A_68 = vector.load %arg11[%get3A_66, %get3A_67] : memref<1x5xf32, #tpu.memory_space<vmem>>, vector<1x1xf32>
    %get3A_69 = vector.extract %get3A_68[0, 0] : f32 from vector<1x1xf32>
    %mul3A_70 = vector.broadcast %get3A_69 : f32 to vector<1x2048xf32>
    %mul3A_71 = arith.mulf %dot_general3A_59, %mul3A_70 : vector<1x2048xf32>
    %add3A_72 = arith.addf %mul3A_65, %mul3A_71 : vector<1x2048xf32>
    %get3A_73 = arith.constant 0 : index
    %get3A_74 = arith.constant 4 : index
    %get3A_75 = vector.load %arg11[%get3A_73, %get3A_74] : memref<1x5xf32, #tpu.memory_space<vmem>>, vector<1x1xf32>
    %get3A_76 = vector.extract %get3A_75[0, 0] : f32 from vector<1x1xf32>
    %add3A_77 = vector.broadcast %get3A_76 : f32 to vector<1x2048xf32>
    %add3A_78 = arith.addf %add3A_72, %add3A_77 : vector<1x2048xf32>
    %logistic3A = arith.negf %add3A_78 : vector<1x2048xf32>
    %logistic3A_79 = math.exp %logistic3A : vector<1x2048xf32>
    %logistic3A_80 = arith.constant 1.000000e+00 : f32
    %logistic3A_81 = vector.broadcast %logistic3A_80 : f32 to vector<1x2048xf32>
    %logistic3A_82 = arith.addf %logistic3A_81, %logistic3A_79 : vector<1x2048xf32>
    %logistic3A_83 = arith.divf %logistic3A_81, %logistic3A_82 : vector<1x2048xf32>
    %swap3A = arith.constant 0 : index
    %swap3A_84 = arith.constant 0 : index
    %swap3A_85 = vector.load %arg12[%swap3A, %swap3A_84] : memref<1x2048xf32, #tpu.memory_space<vmem>>, vector<1x2048xf32>
    tpu.vector_store %arg12[%swap3A, %swap3A_84], %logistic3A_83 {strides = array<i32>} : memref<1x2048xf32, #tpu.memory_space<vmem>>, vector<1x2048xf32>,
    return
  }
  func.func @transform_0(%arg0: i32) -> (i32, i32) {
    %c0_i32 = arith.constant 0 : i32
    %c0_i32_0 = arith.constant 0 : i32
    return %c0_i32, %arg0 : i32, i32
  }
  func.func @transform_1(%arg0: i32) -> (i32, i32) {
    %c0_i32 = arith.constant 0 : i32
    %c0_i32_0 = arith.constant 0 : i32
    return %c0_i32, %arg0 : i32, i32
  }
  func.func @transform_2(%arg0: i32) -> (i32, i32) {
    %c0_i32 = arith.constant 0 : i32
    %c0_i32_0 = arith.constant 0 : i32
    return %c0_i32, %arg0 : i32, i32
  }
  func.func @transform_3(%arg0: i32) -> (i32, i32) {
    %c0_i32 = arith.constant 0 : i32
    %c0_i32_0 = arith.constant 0 : i32
    return %c0_i32, %arg0 : i32, i32
  }
  func.func @transform_4(%arg0: i32) -> (i32, i32) {
    %c0_i32 = arith.constant 0 : i32
    %c0_i32_0 = arith.constant 0 : i32
    %c0_i32_1 = arith.constant 0 : i32
    return %c0_i32, %c0_i32_0 : i32, i32
  }
  func.func @transform_5(%arg0: i32) -> (i32, i32) {
    %c0_i32 = arith.constant 0 : i32
    %c0_i32_0 = arith.constant 0 : i32
    %c0_i32_1 = arith.constant 0 : i32
    return %c0_i32, %c0_i32_0 : i32, i32
  }
  func.func @transform_6(%arg0: i32) -> (i32, i32) {
    %c0_i32 = arith.constant 0 : i32
    %c0_i32_0 = arith.constant 0 : i32
    %c0_i32_1 = arith.constant 0 : i32
    return %c0_i32, %c0_i32_0 : i32, i32
  }
  func.func @transform_7(%arg0: i32) -> (i32, i32) {
    %c0_i32 = arith.constant 0 : i32
    %c0_i32_0 = arith.constant 0 : i32
    %c0_i32_1 = arith.constant 0 : i32
    return %c0_i32, %c0_i32_0 : i32, i32
  }
  func.func @transform_8(%arg0: i32) -> (i32, i32) {
    %c0_i32 = arith.constant 0 : i32
    %c0_i32_0 = arith.constant 0 : i32
    %c0_i32_1 = arith.constant 0 : i32
    return %c0_i32, %c0_i32_0 : i32, i32
  }
  func.func @transform_9(%arg0: i32) -> (i32, i32) {
    %c0_i32 = arith.constant 0 : i32
    %c0_i32_0 = arith.constant 0 : i32
    %c0_i32_1 = arith.constant 0 : i32
    return %c0_i32, %c0_i32_0 : i32, i32
  }
  func.func @transform_10(%arg0: i32) -> (i32, i32) {
    %c0_i32 = arith.constant 0 : i32
    %c0_i32_0 = arith.constant 0 : i32
    %c0_i32_1 = arith.constant 0 : i32
    return %c0_i32, %c0_i32_0 : i32, i32
  }
  func.func @transform_11(%arg0: i32) -> (i32, i32) {
    %c0_i32 = arith.constant 0 : i32
    %c0_i32_0 = arith.constant 0 : i32
    return %c0_i32, %arg0 : i32, i32
  }
}

</mosaic_0001>

<sc_bundles>
// kernel: kernel.10.cloned.1.call-start
scs
__scs_entry_jumppad:
0x0: {  	(pc) =	sbr.rel $0x88, $3  }
0x1: {  	(tag) =	ssettag $0x0;
	lr =	simm.s32 $0x1  }
0x2: {  	[smem:$0x3F8D] =	sst lr;
	_ =	strace $0xD0000000  }
0x3: {  	_ = 	snop  }
0x4: {  	_ = 	snop  }
0x5: {  	_ = 	snop  }
0x6: {  	_ = 	snop  }
0x7: {  	_ = 	snop  }
__scs_overlays_trampoline_lowered:
0x8: {  	[smem:$0x3F9C] =	sst s0  }
0x9: {  	[smem:$0x3F9D] =	sst s1  }
0xa: {  	[smem:$0x3F9E] =	sst s2  }
0xb: {  	[smem:$0x3F9F] =	sst s3  }
0xc: {  	[smem:$0x3FA0] =	sst s4  }
0xd: {  	[smem:$0x3FA1] =	sst s5  }
0xe: {  	[smem:$0x3FA2] =	sst s6  }
0xf: {  	[smem:$0x3FA3] =	sst s7  }
0x10: {  	[smem:$0x3FA4] =	sst s8  }
0x11: {  	[smem:$0x3FA5] =	sst s9;
	s0 =	simm.s32 @!p0 $0x0  }
0x12: {  	s1 =	sld [smem:$0x3F8B];
	s0 =	simm.s32 @p0 $0x1  }
0x13: {  	[smem:$0x3FA6] =	sst s0;
	s0 =	simm.s32 @!p1 $0x0  }
0x14: {  	s2 =	sld [smem:$0x3F8A];
	s0 =	simm.s32 @p1 $0x1  }
0x15: {  	[smem:$0x3FA7] =	sst s0;
	s0 =	simm.s32 @!p2 $0x0  }
0x16: {  	s3 =	sld [smem:$0x3FDB];
	s0 =	simm.s32 @p2 $0x1  }
0x17: {  	s4 =	simm.s32 $0x1BF5;
	[smem:$0x3FA9] =	sst s0  }
0x18: {  	s0 =	sld [smem:$0x3F8C];
	_ =	swait.ge [sflag:s4], $0x0  }
0x19: {  	s7 =	sld [smem:$0x3F8D]  }
0x1a: {  	s8 =	sadd.s32 $0xFFFFE003, lr  }
0x1b: {  	s9 =	sadd.s32 $0xFFFFFEF7, lr;
	s5 =	simm.s32 $0xFFFFFFFF;
	p2 =	slt.u32 s8, $0xFFFFF086  }
0x1c: {  	p1 =	slt.u32 s9, $0xF7A;
	s5 =	simm.s32 @!p2 $0x0  }
0x1d: {  	s5 =	simm.s32 @p1 $0x1;
	p0 =	seq.s32 s7, s2  }
0x1e: {  	s7 =	smul.u32 @!p0 $0xF7A, s2;
	p2 =	seq.s32 @!p0 s5, $0x0  }
0x1f: {  	s9 =	smul.u32 $0xF7A, s1;
	s8 =	simm.s32 @!p0 $0x1BF5;
	p2 =	por !p2, p0  }
0x20: {  	[sflag:s8] =	ssyncset.s32 @!p0 $0xFFFFF086;
	s6 =	sadd.s32 @!p0 s3, s7;
	s7 =	simm.s32 @!p0 $0x108  }
0x21: {  	s3 =	sadd.s32 s3, s9;
	s6 =	sadd.s32 @!p0 $0x88, s6;
	s7 =	simm.s32 @p2 $0x1082  }
0x22: {  	[simem:s7], [sflag:s8] =	dma.local @!p0 [hbm:s6], $0xF7A  }
0x23: {  	s9 =	sor.u32 $0xD0000000, s2;
	s6 =	simm.s32 $0x108;
	_ =	swait.ge @!p0 [sflag:s8], $0x0  }
0x24: {  	s3 =	sadd.s32 $0x88, s3;
	s6 =	simm.s32 @!p1 $0x1082;
	[sflag:s4] =	ssyncset.s32 $0xFFFFF086  }
0x25: {  	[simem:s6], [sflag:s4] =	dma.local [hbm:s3], $0xF7A  }
0x26: {  	[smem:$0x3F8D] =	sst s1;
	(tag) =	ssettag s2;
	_ =	strace s9  }
0x27: {  	s1 =	sld [smem:$0x3F9D]  }
0x28: {  	s2 =	sld [smem:$0x3F9E]  }
0x29: {  	s4 =	sld [smem:$0x3FA0]  }
0x2a: {  	p0 =	seq.s32 s5, $0x0;
	s5 =	sld [smem:$0x3FA1]  }
0x2b: {  	s6 =	sld [smem:$0x3FA2]  }
0x2c: {  	s7 =	sld [smem:$0x3FA3]  }
0x2d: {  	s3 =	simm.s32 $0x108;
	s8 =	sld [smem:$0x3FA4]  }
0x2e: {  	s3 =	simm.s32 @!p0 $0x1082;
	s9 =	sld [smem:$0x3FA5]  }
0x2f: {  	lr =	sadd.s32 s0, s3;
	s0 =	sld [smem:$0x3F9C]  }
0x30: {  	s3 =	sld [smem:$0x3F9F]  }
0x31: {  	[smem:$0x3FA8] =	sst s10  }
0x32: {  	s10 =	sld [smem:$0x3FA6];
	_ =	sdelay $0x3  }
0x33: {  	p0 =	seq.s32 s10, $0x1;
	s10 =	sld [smem:$0x3FA8];
	_ =	sdelay $0x3  }
0x34: {  	[smem:$0x3FA8] =	sst s10  }
0x35: {  	s10 =	sld [smem:$0x3FA7];
	_ =	sdelay $0x3  }
0x36: {  	p1 =	seq.s32 s10, $0x1;
	s10 =	sld [smem:$0x3FA8];
	_ =	sdelay $0x3  }
0x37: {  	[smem:$0x3FA8] =	sst s10  }
0x38: {  	s10 =	sld [smem:$0x3FA9]  }
0x39: {  	_ = 	snop;
	(pc) =	sbr.ind lr, $3  }
0x3a: {  	_ = 	snop  }
0x3b: {  	_ = 	snop  }
0x3c: {  	p2 =	seq.s32 s10, $0x1;
	s10 =	sld [smem:$0x3FA8]  }
0x3d: {  	_ =	shalt  }
0x3e: {  	_ =	shalt  }
0x3f: {  	_ =	shalt  }
0x40: {  	_ =	shalt  }
0x41: {  	_ =	shalt  }
0x42: {  	_ =	shalt  }
0x43: {  	_ =	shalt  }
0x44: {  	_ =	shalt  }
0x45: {  	_ =	shalt  }
0x46: {  	_ =	shalt  }
0x47: {  	_ =	shalt  }
0x48: {  	_ =	shalt  }
0x49: {  	_ =	shalt  }
0x4a: {  	_ =	shalt  }
0x4b: {  	_ =	shalt  }
0x4c: {  	_ =	shalt  }
0x4d: {  	_ =	shalt  }
0x4e: {  	_ =	shalt  }
0x4f: {  	_ =	shalt  }
0x50: {  	_ =	shalt  }
0x51: {  	_ =	shalt  }
0x52: {  	_ =	shalt  }
0x53: {  	_ =	shalt  }
0x54: {  	_ =	shalt  }
0x55: {  	_ =	shalt  }
0x56: {  	_ =	shalt  }
0x57: {  	_ =	shalt  }
0x58: {  	_ =	shalt  }
0x59: {  	_ =	shalt  }
0x5a: {  	_ =	shalt  }
0x5b: {  	_ =	shalt  }
0x5c: {  	_ =	shalt  }
0x5d: {  	_ =	shalt  }
0x5e: {  	_ =	shalt  }
0x5f: {  	_ =	shalt  }
0x60: {  	_ =	shalt  }
0x61: {  	_ =	shalt  }
0x62: {  	_ =	shalt  }
0x63: {  	_ =	shalt  }
0x64: {  	_ =	shalt  }
0x65: {  	_ =	shalt  }
0x66: {  	_ =	shalt  }
0x67: {  	_ =	shalt  }
0x68: {  	_ =	shalt  }
0x69: {  	_ =	shalt  }
0x6a: {  	_ =	shalt  }
0x6b: {  	_ =	shalt  }
0x6c: {  	_ =	shalt  }
0x6d: {  	_ =	shalt  }
0x6e: {  	_ =	shalt  }
0x6f: {  	_ =	shalt  }
0x70: {  	_ =	shalt  }
0x71: {  	_ =	shalt  }
0x72: {  	_ =	shalt  }
0x73: {  	_ =	shalt  }
0x74: {  	_ =	shalt  }
0x75: {  	_ =	shalt  }
0x76: {  	_ =	shalt  }
0x77: {  	_ =	shalt  }
0x78: {  	_ =	shalt  }
0x79: {  	_ =	shalt  }
0x7a: {  	_ =	shalt  }
0x7b: {  	_ =	shalt  }
0x7c: {  	_ =	shalt  }
0x7d: {  	_ =	shalt  }
0x7e: {  	_ =	shalt  }
0x7f: {  	_ =	shalt  }
0x80: {  	_ =	shalt  }
0x81: {  	_ =	shalt  }
0x82: {  	_ =	shalt  }
0x83: {  	_ =	shalt  }
0x84: {  	_ =	shalt  }
0x85: {  	_ =	shalt  }
0x86: {  	_ =	shalt  }
0x87: {  	_ =	shalt  }
.Lfunc_end0:
.L_simem_size_0:
called_computation_lowered:
.L_overlay_start_0:
0x88: {  	s2 =	sld [smem:$0x3FD9]  }
0x89: {  	s3 =	sld [smem:$0x3FFE];
	_ =	sdelay $0x1  }
0x8a: {  	s1 =	srdreg.scid  }
0x8b: {  	s0 =	sand.u32 $0x1, s1  }
0x8c: {  	s17 =	sshll.u32 s0, $0xA;
	s2 =	sadd.s32 s3, s2  }
0x8d: {  	s2 =	sadd.s32 s2, s17  }
0x8e: {  	[smem:$0x3FB4] =	sst s2  }
0x8f: {  	_ = 	snop  }
0x90: {  	(tm) =	ssettm $0x1  }
0x91: {  	s18 =	sld [smem:$0x3FFB];
	_ =	sdelay $0x3  }
0x92: {  	_ =	strace s18  }
0x93: {  	s2 =	sld [smem:$0x3FFC];
	_ =	sdelay $0x3  }
0x94: {  	_ =	strace s2  }
0x95: {  	s2 =	sld [smem:$0x3FFD];
	_ =	sdelay $0x3  }
0x96: {  	_ =	strace s2  }
0x97: {  	_ =	strace $0x8FFFFFFF  }
0x98: {  	s19 =	sld [smem:$0x3FDB];
	_ =	sdelay $0x1  }
0x99: {  	s20 =	simm.s32 $_scs_section_size  }
0x9a: {  	s4 =	simm.s32 $_size__tile_overlayer_lowered;
	s5 =	simm.s32 $_tile_overlayer_lowered  }
0x9b: {  	s6 =	simm.s32 $0x1BFF;
	s21 =	sshll.u32 s5, $0x1;
	s3 =	sadd.s32 s20, s19  }
0x9c: {  	s22 =	simm.s32 $0x0;
	s4 =	sshll.u32 s4, $0x1;
	s5 =	sadd.s32 s21, s3  }
0x9d: {  	[timem:s22], [sflag:s6] =	dma.local [hbm:s5], s4  }
0x9e: {  	_ =	swait.ge [sflag:s6], s4  }
0x9f: {  	s4 =	ssub.s32 $0x0, s4;
	[sflag:s6] =	ssyncset.done $0x0  }
0xa0: {  	[sflag:s6] =	ssyncadd.s32 s4;
	_ =	sdelay $0x1  }
0xa1: {  	s23 =	simm.s32 $0x1B8B  }
0xa2: {  	_ =	swait.ge [sflag:s23], $0x1  }
0xa3: {  	[sflag:s23] =	ssyncset.done $0x0  }
0xa4: {  	[sflag:s23] =	ssyncadd.s32 $0xFFFFFFFF  }
0xa5: {  	s4 =	sld [smem:$0x0]  }
0xa6: {  	s5 =	sand.u32 $0xFFFFFFFE, s1  }
0xa7: {  	p0 =	sne.s32 s1, s5  }
0xa8: {  	s5 =	sshll.u32 @p0 s5, $0xE  }
0xa9: {  	s5 =	sadd.s32 @p0 $0x11B8D, s5;
	s6 =	sshll.u32 @p0 s4, $0x11  }
0xaa: {  	s5 =	sor.u32 @p0 s6, s5  }
0xab: {  	[sflag:s5] =	ssyncadd.remote.s32 @p0 $0x1;
	_ =	sdelay $0x1  }
0xac: {  	s5 =	simm.s32 @p0 $0x1B8D  }
0xad: {  	_ =	swait.eq @p0 [sflag:s5], $0x1  }
0xae: {  	[sflag:s5] =	ssyncadd.s32 @p0 $0xFFFFFFFF  }
0xaf: {  	s6 =	sshll.u32 @!p0 s1, $0xE  }
0xb0: {  	s6 =	sor.u32 @!p0 $0x4000, s6;
	s5 =	simm.s32 @!p0 $0x1B8D  }
0xb1: {  	s4 =	sshll.u32 @!p0 s4, $0x11;
	s6 =	sadd.s32 @!p0 $0x11B8D, s6;
	_ =	swait.eq @!p0 [sflag:s5], $0x1  }
0xb2: {  	s4 =	sor.u32 @!p0 s4, s6;
	[sflag:s5] =	ssyncadd.s32 @!p0 $0xFFFFFFFF  }
0xb3: {  	s25 =	simm.s32 $0x1B8E;
	s24 =	sld [smem:$0x3FFE];
	[sflag:s4] =	ssyncadd.remote.s32 @!p0 $0x1  }
0xb4: {  	s26 =	simm.s32 $execute0_lowered;
	[smem:$0x3FD2] =	sst s25  }
0xb5: {  	s5 =	sshll.u32 s26, $0x1;
	_ =	strace $0x80000049;
	[dreg:$0x1] =	wrdreg $0xFFFFFFFF  }
0xb6: {  	s28 =	simm.s32 $_size_execute0_lowered;
	s3 =	sadd.s32 s3, s5;
	[dreg:$0x0] =	wrdreg $0x0  }
0xb7: {  	s5 =	sshll.u32 s28, $0x1;
	[dreg:$0x2] =	wrdreg s3  }
0xb8: {  	[dreg:$0x3] =	wrdreg s5  }
0xb9: {  	[dreg:$0x4] =	wrdreg $0xC0  }
0xba: {  	_ =	task [dreg:s22], $0x5FFFF  }
0xbb: {  	[dreg:$0x1] =	wrdreg $0xFFFFFFFF  }
0xbc: {  	[dreg:$0x0] =	wrdreg $0x60  }
0xbd: {  	[dreg:$0x2] =	wrdreg s24  }
0xbe: {  	[dreg:$0x3] =	wrdreg $0x9  }
0xbf: {  	_ =	task.clear_ibuf [dreg:s22], $0x4FFFF;
	_ =	strace $0x90000049  }
0xc0: {  	s29 =	simm.s32 $0x9;
	_ =	strace $0x8000004B  }
0xc1: {  	_ =	swait.ge [sflag:s29], $0x1  }
0xc2: {  	[sflag:s29] =	ssyncadd.s32 $0xFFFFFFFF  }
0xc3: {  	_ =	strace $0x9000004B  }
0xc4: {  	_ =	sfence  }
0xc5: {  	s30 =	sld [smem:$0x0];
	_ =	sdelay $0x2  }
0xc6: {  	s31 =	sshll.u32 s1, $0xD;
	s1 =	sshrl.u32 s1, $0x2  }
0xc7: {  	s4 =	sand.u32 $0x4000, s31;
	s1 =	sadd.s32 s1, s30  }
0xc8: {  	s0 =	sor.u32 s4, s0;
	s1 =	sshll.u32 s1, $0x11  }
0xc9: {  	s0 =	sor.u32 s1, s0  }
0xca: {  	s0 =	sadd.s32 $0x8F2B, s0  }
0xcb: {  	[sflag:s0] =	ssyncadd.remote.s32 $0x1  }
0xcc: {  	_ =	sfence.sel $0xFFFF  }
0xcd: {  	[dreg:$0x0] =	wrdreg $0xFFFFFFFF;
	(pc) =	sbr.abs _section_cstart, $3  }
0xce: {  	[dreg:$0x1] =	wrdreg $0xFFFFFFFF  }
0xcf: {  	_ =	task.clear_ibuf [dreg:s22], $0x2FFFF;
	_ =	strace $0x9FFFFFFF  }
0xd0: {  	(tm) =	ssettm $0x7FFFFFFF  }
0xd1: {  	_ =	shalt  }
tec
execute0_lowered:
.L_overlay_start_1:
0x0: {  	(tag) =	ssettag $0x1  }
0x1: {  	s0 =	rddreg [dreg:$0x0]  }
0x2: {  	s1 =	srdreg.scid;
	s3 =	stileid.u32;
	s2 =	simm.s32 $0x0  }
0x3: {  	s8 =	simm.s32 $0x2;
	s10 =	simm.s32 $0x40;
	s11 =	simm.s32 $0x2200  }
0x4: {  	s12 =	simm.s32 $0x200;
	s13 =	simm.s32 $0x2600;
	s15 =	simm.s32 $0x2A00  }
0x5: {  	s17 =	simm.s32 $0x2E00;
	s19 =	simm.s32 $0x3200;
	s21 =	simm.s32 $0x3600  }
0x6: {  	s23 =	simm.s32 $0x3A00;
	s25 =	simm.s32 $0x3E00;
	s28 =	simm.s32 $0x4200  }
0x7: {  	s30 =	simm.s32 $0x4600;
	s9 =	simm.s32 $0x4E00;
	s16 =	simm.s32 $0x5200  }
0x8: {  	s20 =	simm.s32 $0x5600;
	s24 =	simm.s32 $0x5A00;
	s29 =	simm.s32 $0x5E00  }
0x9: {  	s31 =	simm.s32 $0x1;
	s18 =	simm.s32 $0x6200;
	s22 =	simm.s32 $0x0  }
0xa: {  	s1 =	sand.u32 $0x1, s1;
	s3 =	sshll.u32 s3, $0x1;
	[smem:$0x7FF] =	sst s2  }
0xb: {  	s3 =	sor.u32 s1, s3;
	_ =	strace $0x8000004A;
	s1 =	ssub.s32 $0x2, s1  }
0xc: {  	v0 =	vlaneseq.u32;
	s4 =	sshll.u32 s3, $0xA;
	s5 =	sshll.u32 s3, $0x6;
	s6 =	sshrl.u32 s1, $0x1  }
0xd: {  	v0 =	vmul.u32 $0x10, v0;
	s3 =	sadd.s32 $0x206000, s0;
	s4 =	sadd.s32 s4, s0;
	s0 =	sadd.s32 s5, s0  }
0xe: {  	s1 =	ssub.s32 s1, s6;
	s4 =	sadd.s32 $0x1FE000, s4;
	s5 =	sadd.s32 $0x4000, s0  }
0xf: {  	v1 =	vor.u32 $0x100, v0;
	v2 =	vor.u32 $0x200, v0;
	v3 =	vor.u32 $0x300, v0;
	s6 =	sadd.s32 $0x3EE800, s0;
	s7 =	smax.u32 s1, $0x1;
	s0 =	simm.s32 $0x4A00  }
.LBB2_1:
0x10: {  	[tilespmem:s2], [sflag:$0x2] =	stream.linear.gather [hbm4b:s4+s2], $0x2000, $0x38;
	[tilespmem:$0x8200] =	vst v63  }
0x11: {  	_ =	swait.ge [sflag:s8], $0x2000  }
0x12: {  	[sflag:s8] =	ssyncset.done $0x0  }
0x13: {  	s1 =	simm.s32 $0x2000;
	[sflag:s8] =	ssyncadd.s32 $0xFFFFE000  }
0x14: {  	[tilespmem:s1], [sflag:$0x2] =	stream.linear.gather [hbm4b:s5+s2], $0x200, $0x38;
	[tilespmem:$0x8200] =	vst v63  }
0x15: {  	_ =	swait.ge [sflag:s8], $0x200  }
0x16: {  	[sflag:s8] =	ssyncset.done $0x0  }
0x17: {  	[sflag:s8] =	ssyncadd.s32 $0xFFFFFE00  }
0x18: {  	[tilespmem:s11], [sflag:$0x1] =	stream.indirect.gather [hbm4b:s3+s10], $0x10, s2, s10, $0xb8;
	[tilespmem:$0x8200] =	vst v63  }
0x19: {  	_ = 	snop  }
0x1a: {  	[tilespmem:s13], [sflag:$0x1] =	stream.indirect.gather [hbm4b:s3+s10], $0x10, s12, s10, $0xb8;
	[tilespmem:$0x8200] =	vst v63  }
0x1b: {  	s14 =	simm.s32 $0x400  }
0x1c: {  	[tilespmem:s15], [sflag:$0x1] =	stream.indirect.gather [hbm4b:s3+s10], $0x10, s14, s10, $0xb8;
	[tilespmem:$0x8200] =	vst v63  }
0x1d: {  	s26 =	simm.s32 $0x600  }
0x1e: {  	[tilespmem:s17], [sflag:$0x1] =	stream.indirect.gather [hbm4b:s3+s10], $0x10, s26, s10, $0xb8;
	[tilespmem:$0x8200] =	vst v63  }
0x1f: {  	s14 =	simm.s32 $0x800  }
0x20: {  	[tilespmem:s19], [sflag:$0x1] =	stream.indirect.gather [hbm4b:s3+s10], $0x10, s14, s10, $0xb8;
	[tilespmem:$0x8200] =	vst v63  }
0x21: {  	s26 =	simm.s32 $0xA00  }
0x22: {  	[tilespmem:s21], [sflag:$0x1] =	stream.indirect.gather [hbm4b:s3+s10], $0x10, s26, s10, $0xb8;
	[tilespmem:$0x8200] =	vst v63  }
0x23: {  	s14 =	simm.s32 $0xC00  }
0x24: {  	[tilespmem:s23], [sflag:$0x1] =	stream.indirect.gather [hbm4b:s3+s10], $0x10, s14, s10, $0xb8;
	[tilespmem:$0x8200] =	vst v63  }
0x25: {  	s26 =	simm.s32 $0xE00  }
0x26: {  	[tilespmem:s25], [sflag:$0x1] =	stream.indirect.gather [hbm4b:s3+s10], $0x10, s26, s10, $0xb8;
	[tilespmem:$0x8200] =	vst v63  }
0x27: {  	s14 =	simm.s32 $0x1000  }
0x28: {  	[tilespmem:s28], [sflag:$0x1] =	stream.indirect.gather [hbm4b:s3+s10], $0x10, s14, s10, $0xb8;
	[tilespmem:$0x8200] =	vst v63  }
0x29: {  	s26 =	simm.s32 $0x1200  }
0x2a: {  	[tilespmem:s30], [sflag:$0x1] =	stream.indirect.gather [hbm4b:s3+s10], $0x10, s26, s10, $0xb8;
	[tilespmem:$0x8200] =	vst v63  }
0x2b: {  	s14 =	simm.s32 $0x1400  }
0x2c: {  	[tilespmem:s0], [sflag:$0x1] =	stream.indirect.gather [hbm4b:s3+s10], $0x10, s14, s10, $0xb8;
	[tilespmem:$0x8200] =	vst v63  }
0x2d: {  	s26 =	simm.s32 $0x1600  }
0x2e: {  	[tilespmem:s9], [sflag:$0x1] =	stream.indirect.gather [hbm4b:s3+s10], $0x10, s26, s10, $0xb8;
	[tilespmem:$0x8200] =	vst v63  }
0x2f: {  	s14 =	simm.s32 $0x1800  }
0x30: {  	[tilespmem:s16], [sflag:$0x1] =	stream.indirect.gather [hbm4b:s3+s10], $0x10, s14, s10, $0xb8;
	[tilespmem:$0x8200] =	vst v63  }
0x31: {  	s26 =	simm.s32 $0x1A00  }
0x32: {  	[tilespmem:s20], [sflag:$0x1] =	stream.indirect.gather [hbm4b:s3+s10], $0x10, s26, s10, $0xb8;
	[tilespmem:$0x8200] =	vst v63  }
0x33: {  	s14 =	simm.s32 $0x1C00  }
0x34: {  	[tilespmem:s24], [sflag:$0x1] =	stream.indirect.gather [hbm4b:s3+s10], $0x10, s14, s10, $0xb8;
	[tilespmem:$0x8200] =	vst v63  }
0x35: {  	s26 =	simm.s32 $0x1E00  }
0x36: {  	[tilespmem:s29], [sflag:$0x1] =	stream.indirect.gather [hbm4b:s3+s10], $0x10, s26, s10, $0xb8;
	[tilespmem:$0x8200] =	vst v63  }
0x37: {  	_ =	swait.ge [sflag:s31], $0x400  }
0x38: {  	[sflag:s31] =	ssyncset.done $0x0  }
0x39: {  	[sflag:s31] =	ssyncadd.s32 $0xFFFFFC00  }
0x3a: {  	_ =	swait.ge [sflag:s31], $0x400  }
0x3b: {  	[sflag:s31] =	ssyncset.done $0x0  }
0x3c: {  	[sflag:s31] =	ssyncadd.s32 $0xFFFFFC00  }
0x3d: {  	_ =	swait.ge [sflag:s31], $0x400  }
0x3e: {  	[sflag:s31] =	ssyncset.done $0x0  }
0x3f: {  	[sflag:s31] =	ssyncadd.s32 $0xFFFFFC00  }
0x40: {  	_ =	swait.ge [sflag:s31], $0x400  }
0x41: {  	[sflag:s31] =	ssyncset.done $0x0  }
0x42: {  	[sflag:s31] =	ssyncadd.s32 $0xFFFFFC00  }
0x43: {  	_ =	swait.ge [sflag:s31], $0x400  }
0x44: {  	[sflag:s31] =	ssyncset.done $0x0  }
0x45: {  	[sflag:s31] =	ssyncadd.s32 $0xFFFFFC00  }
0x46: {  	_ =	swait.ge [sflag:s31], $0x400  }
0x47: {  	[sflag:s31] =	ssyncset.done $0x0  }
0x48: {  	[sflag:s31] =	ssyncadd.s32 $0xFFFFFC00  }
0x49: {  	_ =	swait.ge [sflag:s31], $0x400  }
0x4a: {  	[sflag:s31] =	ssyncset.done $0x0  }
0x4b: {  	[sflag:s31] =	ssyncadd.s32 $0xFFFFFC00  }
0x4c: {  	_ =	swait.ge [sflag:s31], $0x400  }
0x4d: {  	[sflag:s31] =	ssyncset.done $0x0  }
0x4e: {  	[sflag:s31] =	ssyncadd.s32 $0xFFFFFC00  }
0x4f: {  	_ =	swait.ge [sflag:s31], $0x400  }
0x50: {  	[sflag:s31] =	ssyncset.done $0x0  }
0x51: {  	[sflag:s31] =	ssyncadd.s32 $0xFFFFFC00  }
0x52: {  	_ =	swait.ge [sflag:s31], $0x400  }
0x53: {  	[sflag:s31] =	ssyncset.done $0x0  }
0x54: {  	[sflag:s31] =	ssyncadd.s32 $0xFFFFFC00  }
0x55: {  	_ =	swait.ge [sflag:s31], $0x400  }
0x56: {  	[sflag:s31] =	ssyncset.done $0x0  }
0x57: {  	[sflag:s31] =	ssyncadd.s32 $0xFFFFFC00  }
0x58: {  	_ =	swait.ge [sflag:s31], $0x400  }
0x59: {  	[sflag:s31] =	ssyncset.done $0x0  }
0x5a: {  	[sflag:s31] =	ssyncadd.s32 $0xFFFFFC00  }
0x5b: {  	_ =	swait.ge [sflag:s31], $0x400  }
0x5c: {  	[sflag:s31] =	ssyncset.done $0x0  }
0x5d: {  	[sflag:s31] =	ssyncadd.s32 $0xFFFFFC00  }
0x5e: {  	_ =	swait.ge [sflag:s31], $0x400  }
0x5f: {  	[sflag:s31] =	ssyncset.done $0x0  }
0x60: {  	[sflag:s31] =	ssyncadd.s32 $0xFFFFFC00  }
0x61: {  	_ =	swait.ge [sflag:s31], $0x400  }
0x62: {  	[sflag:s31] =	ssyncset.done $0x0  }
0x63: {  	[sflag:s31] =	ssyncadd.s32 $0xFFFFFC00  }
0x64: {  	_ =	swait.ge [sflag:s31], $0x400  }
0x65: {  	[sflag:s31] =	ssyncset.done $0x0  }
0x66: {  	s1 =	simm.s32 $0x0;
	s26 =	simm.s32 $0x6220;
	[sflag:s31] =	ssyncadd.s32 $0xFFFFFC00  }
.LBB2_2:
0x67: {  	v4 =	vld [tilespmem:$0x2000];
	_ =	sdelay $0x4  }
0x68: {  	s14 =	sshll.u32 s1, $0xA;
	v5 =	vand.u32 $0xFFFFFFF8, v4  }
0x69: {  	v4 =	vand.u32 $0x7, v4;
	v5 =	vadd.s32 s14, v5  }
0x6a: {  	v4 =	vor.u32 v4, v5  }
0x6b: {  	v4 =	vadd.s32 v0, v4;
	_ =	sdelay $0x4  }
0x6c: {  	v4 =	vld.idx.msk [tilespmem:v4+s11+$0x0], $0xffff;
	_ =	sdelay $0x4  }
0x6d: {  	[tilespmem:s26+$0xFFFFFFE0] =	vst v4  }
0x6e: {  	v4 =	vld [tilespmem:$0x2010];
	_ =	sdelay $0x4  }
0x6f: {  	v5 =	vand.u32 $0xFFFFFFF8, v4  }
0x70: {  	v4 =	vand.u32 $0x7, v4;
	v5 =	vadd.s32 s14, v5  }
0x71: {  	v4 =	vor.u32 v4, v5  }
0x72: {  	v4 =	vadd.s32 v1, v4;
	_ =	sdelay $0x4  }
0x73: {  	v4 =	vld.idx.msk [tilespmem:v4+s11+$0x0], $0xffff;
	_ =	sdelay $0x4  }
0x74: {  	[tilespmem:s26+$0xFFFFFFF0] =	vst v4  }
0x75: {  	v4 =	vld [tilespmem:$0x2020];
	_ =	sdelay $0x4  }
0x76: {  	v5 =	vand.u32 $0xFFFFFFF8, v4  }
0x77: {  	v4 =	vand.u32 $0x7, v4;
	v5 =	vadd.s32 s14, v5  }
0x78: {  	v4 =	vor.u32 v4, v5  }
0x79: {  	v4 =	vadd.s32 v2, v4;
	_ =	sdelay $0x4  }
0x7a: {  	v4 =	vld.idx.msk [tilespmem:v4+s11+$0x0], $0xffff;
	_ =	sdelay $0x4  }
0x7b: {  	[tilespmem:s26+$0x0] =	vst v4  }
0x7c: {  	v4 =	vld [tilespmem:$0x2030];
	_ =	sdelay $0x4  }
0x7d: {  	v5 =	vand.u32 $0xFFFFFFF8, v4  }
0x7e: {  	v4 =	vand.u32 $0x7, v4;
	v5 =	vadd.s32 s14, v5  }
0x7f: {  	v4 =	vor.u32 v4, v5  }
0x80: {  	v4 =	vadd.s32 v3, v4;
	_ =	sdelay $0x4  }
0x81: {  	p0 =	sne.s32 s1, $0xF;
	v4 =	vld.idx.msk [tilespmem:v4+s11+$0x0], $0xffff  }
.Ltmp0:
0x82: {  	_ = 	snop;
	(pc) =	sbr.rel @p0 .LBB2_2-.Ltmp0, $2  }
0x83: {  	_ =	sdelay $0x2  }
0x84: {  	s1 =	sadd.s32 $0x1, s1;
	[tilespmem:s26+$0x10] =	vst v4;
	s26 =	sadd.s32 $0x200, s26  }
0x85: {  	[tilespmem:s11], [sflag:$0x1] =	stream.indirect.gather [hbm4b:s3+s10], $0x10, s10, s10, $0xb8;
	[tilespmem:$0x8200] =	vst v63  }
0x86: {  	s1 =	simm.s32 $0x240  }
0x87: {  	[tilespmem:s13], [sflag:$0x1] =	stream.indirect.gather [hbm4b:s3+s10], $0x10, s1, s10, $0xb8;
	[tilespmem:$0x8200] =	vst v63  }
0x88: {  	s14 =	simm.s32 $0x440  }
0x89: {  	[tilespmem:s15], [sflag:$0x1] =	stream.indirect.gather [hbm4b:s3+s10], $0x10, s14, s10, $0xb8;
	[tilespmem:$0x8200] =	vst v63  }
0x8a: {  	s26 =	simm.s32 $0x640  }
0x8b: {  	[tilespmem:s17], [sflag:$0x1] =	stream.indirect.gather [hbm4b:s3+s10], $0x10, s26, s10, $0xb8;
	[tilespmem:$0x8200] =	vst v63  }
0x8c: {  	s14 =	simm.s32 $0x840  }
0x8d: {  	[tilespmem:s19], [sflag:$0x1] =	stream.indirect.gather [hbm4b:s3+s10], $0x10, s14, s10, $0xb8;
	[tilespmem:$0x8200] =	vst v63  }
0x8e: {  	s26 =	simm.s32 $0xA40  }
0x8f: {  	[tilespmem:s21], [sflag:$0x1] =	stream.indirect.gather [hbm4b:s3+s10], $0x10, s26, s10, $0xb8;
	[tilespmem:$0x8200] =	vst v63  }
0x90: {  	s14 =	simm.s32 $0xC40  }
0x91: {  	[tilespmem:s23], [sflag:$0x1] =	stream.indirect.gather [hbm4b:s3+s10], $0x10, s14, s10, $0xb8;
	[tilespmem:$0x8200] =	vst v63  }
0x92: {  	s26 =	simm.s32 $0xE40  }
0x93: {  	[tilespmem:s25], [sflag:$0x1] =	stream.indirect.gather [hbm4b:s3+s10], $0x10, s26, s10, $0xb8;
	[tilespmem:$0x8200] =	vst v63  }
0x94: {  	s14 =	simm.s32 $0x1040  }
0x95: {  	[tilespmem:s28], [sflag:$0x1] =	stream.indirect.gather [hbm4b:s3+s10], $0x10, s14, s10, $0xb8;
	[tilespmem:$0x8200] =	vst v63  }
0x96: {  	s26 =	simm.s32 $0x1240  }
0x97: {  	[tilespmem:s30], [sflag:$0x1] =	stream.indirect.gather [hbm4b:s3+s10], $0x10, s26, s10, $0xb8;
	[tilespmem:$0x8200] =	vst v63  }
0x98: {  	s14 =	simm.s32 $0x1440  }
0x99: {  	[tilespmem:s0], [sflag:$0x1] =	stream.indirect.gather [hbm4b:s3+s10], $0x10, s14, s10, $0xb8;
	[tilespmem:$0x8200] =	vst v63  }
0x9a: {  	s26 =	simm.s32 $0x1640  }
0x9b: {  	[tilespmem:s9], [sflag:$0x1] =	stream.indirect.gather [hbm4b:s3+s10], $0x10, s26, s10, $0xb8;
	[tilespmem:$0x8200] =	vst v63  }
0x9c: {  	s14 =	simm.s32 $0x1840  }
0x9d: {  	[tilespmem:s16], [sflag:$0x1] =	stream.indirect.gather [hbm4b:s3+s10], $0x10, s14, s10, $0xb8;
	[tilespmem:$0x8200] =	vst v63  }
0x9e: {  	s26 =	simm.s32 $0x1A40  }
0x9f: {  	[tilespmem:s20], [sflag:$0x1] =	stream.indirect.gather [hbm4b:s3+s10], $0x10, s26, s10, $0xb8;
	[tilespmem:$0x8200] =	vst v63  }
0xa0: {  	s14 =	simm.s32 $0x1C40  }
0xa1: {  	[tilespmem:s24], [sflag:$0x1] =	stream.indirect.gather [hbm4b:s3+s10], $0x10, s14, s10, $0xb8;
	[tilespmem:$0x8200] =	vst v63  }
0xa2: {  	s26 =	simm.s32 $0x1E40  }
0xa3: {  	[tilespmem:s29], [sflag:$0x1] =	stream.indirect.gather [hbm4b:s3+s10], $0x10, s26, s10, $0xb8;
	[tilespmem:$0x8200] =	vst v63  }
0xa4: {  	_ =	swait.ge [sflag:s31], $0x400  }
0xa5: {  	[sflag:s31] =	ssyncset.done $0x0  }
0xa6: {  	[sflag:s31] =	ssyncadd.s32 $0xFFFFFC00  }
0xa7: {  	_ =	swait.ge [sflag:s31], $0x400  }
0xa8: {  	[sflag:s31] =	ssyncset.done $0x0  }
0xa9: {  	[sflag:s31] =	ssyncadd.s32 $0xFFFFFC00  }
0xaa: {  	_ =	swait.ge [sflag:s31], $0x400  }
0xab: {  	[sflag:s31] =	ssyncset.done $0x0  }
0xac: {  	[sflag:s31] =	ssyncadd.s32 $0xFFFFFC00  }
0xad: {  	_ =	swait.ge [sflag:s31], $0x400  }
0xae: {  	[sflag:s31] =	ssyncset.done $0x0  }
0xaf: {  	[sflag:s31] =	ssyncadd.s32 $0xFFFFFC00  }
0xb0: {  	_ =	swait.ge [sflag:s31], $0x400  }
0xb1: {  	[sflag:s31] =	ssyncset.done $0x0  }
0xb2: {  	[sflag:s31] =	ssyncadd.s32 $0xFFFFFC00  }
0xb3: {  	_ =	swait.ge [sflag:s31], $0x400  }
0xb4: {  	[sflag:s31] =	ssyncset.done $0x0  }
0xb5: {  	[sflag:s31] =	ssyncadd.s32 $0xFFFFFC00  }
0xb6: {  	_ =	swait.ge [sflag:s31], $0x400  }
0xb7: {  	[sflag:s31] =	ssyncset.done $0x0  }
0xb8: {  	[sflag:s31] =	ssyncadd.s32 $0xFFFFFC00  }
0xb9: {  	_ =	swait.ge [sflag:s31], $0x400  }
0xba: {  	[sflag:s31] =	ssyncset.done $0x0  }
0xbb: {  	[sflag:s31] =	ssyncadd.s32 $0xFFFFFC00  }
0xbc: {  	_ =	swait.ge [sflag:s31], $0x400  }
0xbd: {  	[sflag:s31] =	ssyncset.done $0x0  }
0xbe: {  	[sflag:s31] =	ssyncadd.s32 $0xFFFFFC00  }
0xbf: {  	_ =	swait.ge [sflag:s31], $0x400  }
0xc0: {  	[sflag:s31] =	ssyncset.done $0x0  }
0xc1: {  	[sflag:s31] =	ssyncadd.s32 $0xFFFFFC00  }
0xc2: {  	_ =	swait.ge [sflag:s31], $0x400  }
0xc3: {  	[sflag:s31] =	ssyncset.done $0x0  }
0xc4: {  	[sflag:s31] =	ssyncadd.s32 $0xFFFFFC00  }
0xc5: {  	_ =	swait.ge [sflag:s31], $0x400  }
0xc6: {  	[sflag:s31] =	ssyncset.done $0x0  }
0xc7: {  	[sflag:s31] =	ssyncadd.s32 $0xFFFFFC00  }
0xc8: {  	_ =	swait.ge [sflag:s31], $0x400  }
0xc9: {  	[sflag:s31] =	ssyncset.done $0x0  }
0xca: {  	[sflag:s31] =	ssyncadd.s32 $0xFFFFFC00  }
0xcb: {  	_ =	swait.ge [sflag:s31], $0x400  }
0xcc: {  	[sflag:s31] =	ssyncset.done $0x0  }
0xcd: {  	[sflag:s31] =	ssyncadd.s32 $0xFFFFFC00  }
0xce: {  	_ =	swait.ge [sflag:s31], $0x400  }
0xcf: {  	[sflag:s31] =	ssyncset.done $0x0  }
0xd0: {  	[sflag:s31] =	ssyncadd.s32 $0xFFFFFC00  }
0xd1: {  	_ =	swait.ge [sflag:s31], $0x400  }
0xd2: {  	[sflag:s31] =	ssyncset.done $0x0  }
0xd3: {  	s1 =	simm.s32 $0x6270;
	s26 =	simm.s32 $0x0;
	[sflag:s31] =	ssyncadd.s32 $0xFFFFFC00  }
.LBB2_4:
0xd4: {  	v4 =	vld [tilespmem:$0x2040];
	_ =	sdelay $0x4  }
0xd5: {  	s14 =	sshll.u32 s26, $0xA;
	v5 =	vand.u32 $0xFFFFFFF8, v4  }
0xd6: {  	v4 =	vand.u32 $0x7, v4;
	v5 =	vadd.s32 s14, v5  }
0xd7: {  	v4 =	vor.u32 v4, v5  }
0xd8: {  	v4 =	vadd.s32 v0, v4;
	_ =	sdelay $0x4  }
0xd9: {  	v4 =	vld.idx.msk [tilespmem:v4+s11+$0x0], $0xffff;
	_ =	sdelay $0x4  }
0xda: {  	[tilespmem:s1+$0xFFFFFFD0] =	vst v4  }
0xdb: {  	v4 =	vld [tilespmem:$0x2050];
	_ =	sdelay $0x4  }
0xdc: {  	v5 =	vand.u32 $0xFFFFFFF8, v4  }
0xdd: {  	v4 =	vand.u32 $0x7, v4;
	v5 =	vadd.s32 s14, v5  }
0xde: {  	v4 =	vor.u32 v4, v5  }
0xdf: {  	v4 =	vadd.s32 v1, v4;
	_ =	sdelay $0x4  }
0xe0: {  	v4 =	vld.idx.msk [tilespmem:v4+s11+$0x0], $0xffff;
	_ =	sdelay $0x4  }
0xe1: {  	[tilespmem:s1+$0xFFFFFFE0] =	vst v4  }
0xe2: {  	v4 =	vld [tilespmem:$0x2060];
	_ =	sdelay $0x4  }
0xe3: {  	v5 =	vand.u32 $0xFFFFFFF8, v4  }
0xe4: {  	v4 =	vand.u32 $0x7, v4;
	v5 =	vadd.s32 s14, v5  }
0xe5: {  	v4 =	vor.u32 v4, v5  }
0xe6: {  	v4 =	vadd.s32 v2, v4;
	_ =	sdelay $0x4  }
0xe7: {  	v4 =	vld.idx.msk [tilespmem:v4+s11+$0x0], $0xffff;
	_ =	sdelay $0x4  }
0xe8: {  	[tilespmem:s1+$0xFFFFFFF0] =	vst v4  }
0xe9: {  	v4 =	vld [tilespmem:$0x2070];
	_ =	sdelay $0x4  }
0xea: {  	v5 =	vand.u32 $0xFFFFFFF8, v4  }
0xeb: {  	v4 =	vand.u32 $0x7, v4;
	v5 =	vadd.s32 s14, v5  }
0xec: {  	v4 =	vor.u32 v4, v5  }
0xed: {  	v4 =	vadd.s32 v3, v4;
	_ =	sdelay $0x4  }
0xee: {  	p0 =	sne.s32 s26, $0xF;
	v4 =	vld.idx.msk [tilespmem:v4+s11+$0x0], $0xffff  }
.Ltmp1:
0xef: {  	_ = 	snop;
	(pc) =	sbr.rel @p0 .LBB2_4-.Ltmp1, $2  }
0xf0: {  	_ =	sdelay $0x2  }
0xf1: {  	s26 =	sadd.s32 $0x1, s26;
	[tilespmem:s1+$0x0] =	vst v4;
	s1 =	sadd.s32 $0x200, s1  }
0xf2: {  	s1 =	simm.s32 $0x80  }
0xf3: {  	[tilespmem:s11], [sflag:$0x1] =	stream.indirect.gather [hbm4b:s3+s10], $0x10, s1, s10, $0xb8;
	[tilespmem:$0x8200] =	vst v63  }
0xf4: {  	s26 =	simm.s32 $0x280  }
0xf5: {  	[tilespmem:s13], [sflag:$0x1] =	stream.indirect.gather [hbm4b:s3+s10], $0x10, s26, s10, $0xb8;
	[tilespmem:$0x8200] =	vst v63  }
0xf6: {  	s14 =	simm.s32 $0x480  }
0xf7: {  	[tilespmem:s15], [sflag:$0x1] =	stream.indirect.gather [hbm4b:s3+s10], $0x10, s14, s10, $0xb8;
	[tilespmem:$0x8200] =	vst v63  }
0xf8: {  	s26 =	simm.s32 $0x680  }
0xf9: {  	[tilespmem:s17], [sflag:$0x1] =	stream.indirect.gather [hbm4b:s3+s10], $0x10, s26, s10, $0xb8;
	[tilespmem:$0x8200] =	vst v63  }
0xfa: {  	s14 =	simm.s32 $0x880  }
0xfb: {  	[tilespmem:s19], [sflag:$0x1] =	stream.indirect.gather [hbm4b:s3+s10], $0x10, s14, s10, $0xb8;
	[tilespmem:$0x8200] =	vst v63  }
0xfc: {  	s26 =	simm.s32 $0xA80  }
0xfd: {  	[tilespmem:s21], [sflag:$0x1] =	stream.indirect.gather [hbm4b:s3+s10], $0x10, s26, s10, $0xb8;
	[tilespmem:$0x8200] =	vst v63  }
0xfe: {  	s14 =	simm.s32 $0xC80  }
0xff: {  	[tilespmem:s23], [sflag:$0x1] =	stream.indirect.gather [hbm4b:s3+s10], $0x10, s14, s10, $0xb8;
	[tilespmem:$0x8200] =	vst v63  }
0x100: {  	s26 =	simm.s32 $0xE80  }
0x101: {  	[tilespmem:s25], [sflag:$0x1] =	stream.indirect.gather [hbm4b:s3+s10], $0x10, s26, s10, $0xb8;
	[tilespmem:$0x8200] =	vst v63  }
0x102: {  	s14 =	simm.s32 $0x1080  }
0x103: {  	[tilespmem:s28], [sflag:$0x1] =	stream.indirect.gather [hbm4b:s3+s10], $0x10, s14, s10, $0xb8;
	[tilespmem:$0x8200] =	vst v63  }
0x104: {  	s26 =	simm.s32 $0x1280  }
0x105: {  	[tilespmem:s30], [sflag:$0x1] =	stream.indirect.gather [hbm4b:s3+s10], $0x10, s26, s10, $0xb8;
	[tilespmem:$0x8200] =	vst v63  }
0x106: {  	s14 =	simm.s32 $0x1480  }
0x107: {  	[tilespmem:s0], [sflag:$0x1] =	stream.indirect.gather [hbm4b:s3+s10], $0x10, s14, s10, $0xb8;
	[tilespmem:$0x8200] =	vst v63  }
0x108: {  	s26 =	simm.s32 $0x1680  }
0x109: {  	[tilespmem:s9], [sflag:$0x1] =	stream.indirect.gather [hbm4b:s3+s10], $0x10, s26, s10, $0xb8;
	[tilespmem:$0x8200] =	vst v63  }
0x10a: {  	s14 =	simm.s32 $0x1880  }
0x10b: {  	[tilespmem:s16], [sflag:$0x1] =	stream.indirect.gather [hbm4b:s3+s10], $0x10, s14, s10, $0xb8;
	[tilespmem:$0x8200] =	vst v63  }
0x10c: {  	s26 =	simm.s32 $0x1A80  }
0x10d: {  	[tilespmem:s20], [sflag:$0x1] =	stream.indirect.gather [hbm4b:s3+s10], $0x10, s26, s10, $0xb8;
	[tilespmem:$0x8200] =	vst v63  }
0x10e: {  	s14 =	simm.s32 $0x1C80  }
0x10f: {  	[tilespmem:s24], [sflag:$0x1] =	stream.indirect.gather [hbm4b:s3+s10], $0x10, s14, s10, $0xb8;
	[tilespmem:$0x8200] =	vst v63  }
0x110: {  	s26 =	simm.s32 $0x1E80  }
0x111: {  	[tilespmem:s29], [sflag:$0x1] =	stream.indirect.gather [hbm4b:s3+s10], $0x10, s26, s10, $0xb8;
	[tilespmem:$0x8200] =	vst v63  }
0x112: {  	_ =	swait.ge [sflag:s31], $0x400  }
0x113: {  	[sflag:s31] =	ssyncset.done $0x0  }
0x114: {  	[sflag:s31] =	ssyncadd.s32 $0xFFFFFC00  }
0x115: {  	_ =	swait.ge [sflag:s31], $0x400  }
0x116: {  	[sflag:s31] =	ssyncset.done $0x0  }
0x117: {  	[sflag:s31] =	ssyncadd.s32 $0xFFFFFC00  }
0x118: {  	_ =	swait.ge [sflag:s31], $0x400  }
0x119: {  	[sflag:s31] =	ssyncset.done $0x0  }
0x11a: {  	[sflag:s31] =	ssyncadd.s32 $0xFFFFFC00  }
0x11b: {  	_ =	swait.ge [sflag:s31], $0x400  }
0x11c: {  	[sflag:s31] =	ssyncset.done $0x0  }
0x11d: {  	[sflag:s31] =	ssyncadd.s32 $0xFFFFFC00  }
0x11e: {  	_ =	swait.ge [sflag:s31], $0x400  }
0x11f: {  	[sflag:s31] =	ssyncset.done $0x0  }
0x120: {  	[sflag:s31] =	ssyncadd.s32 $0xFFFFFC00  }
0x121: {  	_ =	swait.ge [sflag:s31], $0x400  }
0x122: {  	[sflag:s31] =	ssyncset.done $0x0  }
0x123: {  	[sflag:s31] =	ssyncadd.s32 $0xFFFFFC00  }
0x124: {  	_ =	swait.ge [sflag:s31], $0x400  }
0x125: {  	[sflag:s31] =	ssyncset.done $0x0  }
0x126: {  	[sflag:s31] =	ssyncadd.s32 $0xFFFFFC00  }
0x127: {  	_ =	swait.ge [sflag:s31], $0x400  }
0x128: {  	[sflag:s31] =	ssyncset.done $0x0  }
0x129: {  	[sflag:s31] =	ssyncadd.s32 $0xFFFFFC00  }
0x12a: {  	_ =	swait.ge [sflag:s31], $0x400  }
0x12b: {  	[sflag:s31] =	ssyncset.done $0x0  }
0x12c: {  	[sflag:s31] =	ssyncadd.s32 $0xFFFFFC00  }
0x12d: {  	_ =	swait.ge [sflag:s31], $0x400  }
0x12e: {  	[sflag:s31] =	ssyncset.done $0x0  }
0x12f: {  	[sflag:s31] =	ssyncadd.s32 $0xFFFFFC00  }
0x130: {  	_ =	swait.ge [sflag:s31], $0x400  }
0x131: {  	[sflag:s31] =	ssyncset.done $0x0  }
0x132: {  	[sflag:s31] =	ssyncadd.s32 $0xFFFFFC00  }
0x133: {  	_ =	swait.ge [sflag:s31], $0x400  }
0x134: {  	[sflag:s31] =	ssyncset.done $0x0  }
0x135: {  	[sflag:s31] =	ssyncadd.s32 $0xFFFFFC00  }
0x136: {  	_ =	swait.ge [sflag:s31], $0x400  }
0x137: {  	[sflag:s31] =	ssyncset.done $0x0  }
0x138: {  	[sflag:s31] =	ssyncadd.s32 $0xFFFFFC00  }
0x139: {  	_ =	swait.ge [sflag:s31], $0x400  }
0x13a: {  	[sflag:s31] =	ssyncset.done $0x0  }
0x13b: {  	[sflag:s31] =	ssyncadd.s32 $0xFFFFFC00  }
0x13c: {  	_ =	swait.ge [sflag:s31], $0x400  }
0x13d: {  	[sflag:s31] =	ssyncset.done $0x0  }
0x13e: {  	[sflag:s31] =	ssyncadd.s32 $0xFFFFFC00  }
0x13f: {  	_ =	swait.ge [sflag:s31], $0x400  }
0x140: {  	[sflag:s31] =	ssyncset.done $0x0  }
0x141: {  	s1 =	simm.s32 $0x62B0;
	s26 =	simm.s32 $0x0;
	[sflag:s31] =	ssyncadd.s32 $0xFFFFFC00  }
.LBB2_6:
0x142: {  	v4 =	vld [tilespmem:$0x2080];
	_ =	sdelay $0x4  }
0x143: {  	s14 =	sshll.u32 s26, $0xA;
	v5 =	vand.u32 $0xFFFFFFF8, v4  }
0x144: {  	v4 =	vand.u32 $0x7, v4;
	v5 =	vadd.s32 s14, v5  }
0x145: {  	v4 =	vor.u32 v4, v5  }
0x146: {  	v4 =	vadd.s32 v0, v4;
	_ =	sdelay $0x4  }
0x147: {  	v4 =	vld.idx.msk [tilespmem:v4+s11+$0x0], $0xffff;
	_ =	sdelay $0x4  }
0x148: {  	[tilespmem:s1+$0xFFFFFFD0] =	vst v4  }
0x149: {  	v4 =	vld [tilespmem:$0x2090];
	_ =	sdelay $0x4  }
0x14a: {  	v5 =	vand.u32 $0xFFFFFFF8, v4  }
0x14b: {  	v4 =	vand.u32 $0x7, v4;
	v5 =	vadd.s32 s14, v5  }
0x14c: {  	v4 =	vor.u32 v4, v5  }
0x14d: {  	v4 =	vadd.s32 v1, v4;
	_ =	sdelay $0x4  }
0x14e: {  	v4 =	vld.idx.msk [tilespmem:v4+s11+$0x0], $0xffff;
	_ =	sdelay $0x4  }
0x14f: {  	[tilespmem:s1+$0xFFFFFFE0] =	vst v4  }
0x150: {  	v4 =	vld [tilespmem:$0x20A0];
	_ =	sdelay $0x4  }
0x151: {  	v5 =	vand.u32 $0xFFFFFFF8, v4  }
0x152: {  	v4 =	vand.u32 $0x7, v4;
	v5 =	vadd.s32 s14, v5  }
0x153: {  	v4 =	vor.u32 v4, v5  }
0x154: {  	v4 =	vadd.s32 v2, v4;
	_ =	sdelay $0x4  }
0x155: {  	v4 =	vld.idx.msk [tilespmem:v4+s11+$0x0], $0xffff;
	_ =	sdelay $0x4  }
0x156: {  	[tilespmem:s1+$0xFFFFFFF0] =	vst v4  }
0x157: {  	v4 =	vld [tilespmem:$0x20B0];
	_ =	sdelay $0x4  }
0x158: {  	v5 =	vand.u32 $0xFFFFFFF8, v4  }
0x159: {  	v4 =	vand.u32 $0x7, v4;
	v5 =	vadd.s32 s14, v5  }
0x15a: {  	v4 =	vor.u32 v4, v5  }
0x15b: {  	v4 =	vadd.s32 v3, v4;
	_ =	sdelay $0x4  }
0x15c: {  	p0 =	sne.s32 s26, $0xF;
	v4 =	vld.idx.msk [tilespmem:v4+s11+$0x0], $0xffff  }
.Ltmp2:
0x15d: {  	_ = 	snop;
	(pc) =	sbr.rel @p0 .LBB2_6-.Ltmp2, $2  }
0x15e: {  	_ =	sdelay $0x2  }
0x15f: {  	s26 =	sadd.s32 $0x1, s26;
	[tilespmem:s1+$0x0] =	vst v4;
	s1 =	sadd.s32 $0x200, s1  }
0x160: {  	s1 =	simm.s32 $0xC0  }
0x161: {  	[tilespmem:s11], [sflag:$0x1] =	stream.indirect.gather [hbm4b:s3+s10], $0x10, s1, s10, $0xb8;
	[tilespmem:$0x8200] =	vst v63  }
0x162: {  	s26 =	simm.s32 $0x2C0  }
0x163: {  	[tilespmem:s13], [sflag:$0x1] =	stream.indirect.gather [hbm4b:s3+s10], $0x10, s26, s10, $0xb8;
	[tilespmem:$0x8200] =	vst v63  }
0x164: {  	s14 =	simm.s32 $0x4C0  }
0x165: {  	[tilespmem:s15], [sflag:$0x1] =	stream.indirect.gather [hbm4b:s3+s10], $0x10, s14, s10, $0xb8;
	[tilespmem:$0x8200] =	vst v63  }
0x166: {  	s26 =	simm.s32 $0x6C0  }
0x167: {  	[tilespmem:s17], [sflag:$0x1] =	stream.indirect.gather [hbm4b:s3+s10], $0x10, s26, s10, $0xb8;
	[tilespmem:$0x8200] =	vst v63  }
0x168: {  	s14 =	simm.s32 $0x8C0  }
0x169: {  	[tilespmem:s19], [sflag:$0x1] =	stream.indirect.gather [hbm4b:s3+s10], $0x10, s14, s10, $0xb8;
	[tilespmem:$0x8200] =	vst v63  }
0x16a: {  	s26 =	simm.s32 $0xAC0  }
0x16b: {  	[tilespmem:s21], [sflag:$0x1] =	stream.indirect.gather [hbm4b:s3+s10], $0x10, s26, s10, $0xb8;
	[tilespmem:$0x8200] =	vst v63  }
0x16c: {  	s14 =	simm.s32 $0xCC0  }
0x16d: {  	[tilespmem:s23], [sflag:$0x1] =	stream.indirect.gather [hbm4b:s3+s10], $0x10, s14, s10, $0xb8;
	[tilespmem:$0x8200] =	vst v63  }
0x16e: {  	s26 =	simm.s32 $0xEC0  }
0x16f: {  	[tilespmem:s25], [sflag:$0x1] =	stream.indirect.gather [hbm4b:s3+s10], $0x10, s26, s10, $0xb8;
	[tilespmem:$0x8200] =	vst v63  }
0x170: {  	s14 =	simm.s32 $0x10C0  }
0x171: {  	[tilespmem:s28], [sflag:$0x1] =	stream.indirect.gather [hbm4b:s3+s10], $0x10, s14, s10, $0xb8;
	[tilespmem:$0x8200] =	vst v63  }
0x172: {  	s26 =	simm.s32 $0x12C0  }
0x173: {  	[tilespmem:s30], [sflag:$0x1] =	stream.indirect.gather [hbm4b:s3+s10], $0x10, s26, s10, $0xb8;
	[tilespmem:$0x8200] =	vst v63  }
0x174: {  	s14 =	simm.s32 $0x14C0  }
0x175: {  	[tilespmem:s0], [sflag:$0x1] =	stream.indirect.gather [hbm4b:s3+s10], $0x10, s14, s10, $0xb8;
	[tilespmem:$0x8200] =	vst v63  }
0x176: {  	s26 =	simm.s32 $0x16C0  }
0x177: {  	[tilespmem:s9], [sflag:$0x1] =	stream.indirect.gather [hbm4b:s3+s10], $0x10, s26, s10, $0xb8;
	[tilespmem:$0x8200] =	vst v63  }
0x178: {  	s14 =	simm.s32 $0x18C0  }
0x179: {  	[tilespmem:s16], [sflag:$0x1] =	stream.indirect.gather [hbm4b:s3+s10], $0x10, s14, s10, $0xb8;
	[tilespmem:$0x8200] =	vst v63  }
0x17a: {  	s26 =	simm.s32 $0x1AC0  }
0x17b: {  	[tilespmem:s20], [sflag:$0x1] =	stream.indirect.gather [hbm4b:s3+s10], $0x10, s26, s10, $0xb8;
	[tilespmem:$0x8200] =	vst v63  }
0x17c: {  	s14 =	simm.s32 $0x1CC0  }
0x17d: {  	[tilespmem:s24], [sflag:$0x1] =	stream.indirect.gather [hbm4b:s3+s10], $0x10, s14, s10, $0xb8;
	[tilespmem:$0x8200] =	vst v63  }
0x17e: {  	s26 =	simm.s32 $0x1EC0  }
0x17f: {  	[tilespmem:s29], [sflag:$0x1] =	stream.indirect.gather [hbm4b:s3+s10], $0x10, s26, s10, $0xb8;
	[tilespmem:$0x8200] =	vst v63  }
0x180: {  	_ =	swait.ge [sflag:s31], $0x400  }
0x181: {  	[sflag:s31] =	ssyncset.done $0x0  }
0x182: {  	[sflag:s31] =	ssyncadd.s32 $0xFFFFFC00  }
0x183: {  	_ =	swait.ge [sflag:s31], $0x400  }
0x184: {  	[sflag:s31] =	ssyncset.done $0x0  }
0x185: {  	[sflag:s31] =	ssyncadd.s32 $0xFFFFFC00  }
0x186: {  	_ =	swait.ge [sflag:s31], $0x400  }
0x187: {  	[sflag:s31] =	ssyncset.done $0x0  }
0x188: {  	[sflag:s31] =	ssyncadd.s32 $0xFFFFFC00  }
0x189: {  	_ =	swait.ge [sflag:s31], $0x400  }
0x18a: {  	[sflag:s31] =	ssyncset.done $0x0  }
0x18b: {  	[sflag:s31] =	ssyncadd.s32 $0xFFFFFC00  }
0x18c: {  	_ =	swait.ge [sflag:s31], $0x400  }
0x18d: {  	[sflag:s31] =	ssyncset.done $0x0  }
0x18e: {  	[sflag:s31] =	ssyncadd.s32 $0xFFFFFC00  }
0x18f: {  	_ =	swait.ge [sflag:s31], $0x400  }
0x190: {  	[sflag:s31] =	ssyncset.done $0x0  }
0x191: {  	[sflag:s31] =	ssyncadd.s32 $0xFFFFFC00  }
0x192: {  	_ =	swait.ge [sflag:s31], $0x400  }
0x193: {  	[sflag:s31] =	ssyncset.done $0x0  }
0x194: {  	[sflag:s31] =	ssyncadd.s32 $0xFFFFFC00  }
0x195: {  	_ =	swait.ge [sflag:s31], $0x400  }
0x196: {  	[sflag:s31] =	ssyncset.done $0x0  }
0x197: {  	[sflag:s31] =	ssyncadd.s32 $0xFFFFFC00  }
0x198: {  	_ =	swait.ge [sflag:s31], $0x400  }
0x199: {  	[sflag:s31] =	ssyncset.done $0x0  }
0x19a: {  	[sflag:s31] =	ssyncadd.s32 $0xFFFFFC00  }
0x19b: {  	_ =	swait.ge [sflag:s31], $0x400  }
0x19c: {  	[sflag:s31] =	ssyncset.done $0x0  }
0x19d: {  	[sflag:s31] =	ssyncadd.s32 $0xFFFFFC00  }
0x19e: {  	_ =	swait.ge [sflag:s31], $0x400  }
0x19f: {  	[sflag:s31] =	ssyncset.done $0x0  }
0x1a0: {  	[sflag:s31] =	ssyncadd.s32 $0xFFFFFC00  }
0x1a1: {  	_ =	swait.ge [sflag:s31], $0x400  }
0x1a2: {  	[sflag:s31] =	ssyncset.done $0x0  }
0x1a3: {  	[sflag:s31] =	ssyncadd.s32 $0xFFFFFC00  }
0x1a4: {  	_ =	swait.ge [sflag:s31], $0x400  }
0x1a5: {  	[sflag:s31] =	ssyncset.done $0x0  }
0x1a6: {  	[sflag:s31] =	ssyncadd.s32 $0xFFFFFC00  }
0x1a7: {  	_ =	swait.ge [sflag:s31], $0x400  }
0x1a8: {  	[sflag:s31] =	ssyncset.done $0x0  }
0x1a9: {  	[sflag:s31] =	ssyncadd.s32 $0xFFFFFC00  }
0x1aa: {  	_ =	swait.ge [sflag:s31], $0x400  }
0x1ab: {  	[sflag:s31] =	ssyncset.done $0x0  }
0x1ac: {  	[sflag:s31] =	ssyncadd.s32 $0xFFFFFC00  }
0x1ad: {  	_ =	swait.ge [sflag:s31], $0x400  }
0x1ae: {  	[sflag:s31] =	ssyncset.done $0x0  }
0x1af: {  	s1 =	simm.s32 $0x62F0;
	s26 =	simm.s32 $0x0;
	[sflag:s31] =	ssyncadd.s32 $0xFFFFFC00  }
.LBB2_8:
0x1b0: {  	v4 =	vld [tilespmem:$0x20C0];
	_ =	sdelay $0x4  }
0x1b1: {  	s14 =	sshll.u32 s26, $0xA;
	v5 =	vand.u32 $0xFFFFFFF8, v4  }
0x1b2: {  	v4 =	vand.u32 $0x7, v4;
	v5 =	vadd.s32 s14, v5  }
0x1b3: {  	v4 =	vor.u32 v4, v5  }
0x1b4: {  	v4 =	vadd.s32 v0, v4;
	_ =	sdelay $0x4  }
0x1b5: {  	v4 =	vld.idx.msk [tilespmem:v4+s11+$0x0], $0xffff;
	_ =	sdelay $0x4  }
0x1b6: {  	[tilespmem:s1+$0xFFFFFFD0] =	vst v4  }
0x1b7: {  	v4 =	vld [tilespmem:$0x20D0];
	_ =	sdelay $0x4  }
0x1b8: {  	v5 =	vand.u32 $0xFFFFFFF8, v4  }
0x1b9: {  	v4 =	vand.u32 $0x7, v4;
	v5 =	vadd.s32 s14, v5  }
0x1ba: {  	v4 =	vor.u32 v4, v5  }
0x1bb: {  	v4 =	vadd.s32 v1, v4;
	_ =	sdelay $0x4  }
0x1bc: {  	v4 =	vld.idx.msk [tilespmem:v4+s11+$0x0], $0xffff;
	_ =	sdelay $0x4  }
0x1bd: {  	[tilespmem:s1+$0xFFFFFFE0] =	vst v4  }
0x1be: {  	v4 =	vld [tilespmem:$0x20E0];
	_ =	sdelay $0x4  }
0x1bf: {  	v5 =	vand.u32 $0xFFFFFFF8, v4  }
0x1c0: {  	v4 =	vand.u32 $0x7, v4;
	v5 =	vadd.s32 s14, v5  }
0x1c1: {  	v4 =	vor.u32 v4, v5  }
0x1c2: {  	v4 =	vadd.s32 v2, v4;
	_ =	sdelay $0x4  }
0x1c3: {  	v4 =	vld.idx.msk [tilespmem:v4+s11+$0x0], $0xffff;
	_ =	sdelay $0x4  }
0x1c4: {  	[tilespmem:s1+$0xFFFFFFF0] =	vst v4  }
0x1c5: {  	v4 =	vld [tilespmem:$0x20F0];
	_ =	sdelay $0x4  }
0x1c6: {  	v5 =	vand.u32 $0xFFFFFFF8, v4  }
0x1c7: {  	v4 =	vand.u32 $0x7, v4;
	v5 =	vadd.s32 s14, v5  }
0x1c8: {  	v4 =	vor.u32 v4, v5  }
0x1c9: {  	v4 =	vadd.s32 v3, v4;
	_ =	sdelay $0x4  }
0x1ca: {  	p0 =	sne.s32 s26, $0xF;
	v4 =	vld.idx.msk [tilespmem:v4+s11+$0x0], $0xffff  }
.Ltmp3:
0x1cb: {  	_ = 	snop;
	(pc) =	sbr.rel @p0 .LBB2_8-.Ltmp3, $2  }
0x1cc: {  	_ =	sdelay $0x2  }
0x1cd: {  	s26 =	sadd.s32 $0x1, s26;
	[tilespmem:s1+$0x0] =	vst v4;
	s1 =	sadd.s32 $0x200, s1  }
0x1ce: {  	s1 =	simm.s32 $0x100  }
0x1cf: {  	[tilespmem:s11], [sflag:$0x1] =	stream.indirect.gather [hbm4b:s3+s10], $0x10, s1, s10, $0xb8;
	[tilespmem:$0x8200] =	vst v63  }
0x1d0: {  	s26 =	simm.s32 $0x300  }
0x1d1: {  	[tilespmem:s13], [sflag:$0x1] =	stream.indirect.gather [hbm4b:s3+s10], $0x10, s26, s10, $0xb8;
	[tilespmem:$0x8200] =	vst v63  }
0x1d2: {  	s14 =	simm.s32 $0x500  }
0x1d3: {  	[tilespmem:s15], [sflag:$0x1] =	stream.indirect.gather [hbm4b:s3+s10], $0x10, s14, s10, $0xb8;
	[tilespmem:$0x8200] =	vst v63  }
0x1d4: {  	s26 =	simm.s32 $0x700  }
0x1d5: {  	[tilespmem:s17], [sflag:$0x1] =	stream.indirect.gather [hbm4b:s3+s10], $0x10, s26, s10, $0xb8;
	[tilespmem:$0x8200] =	vst v63  }
0x1d6: {  	s14 =	simm.s32 $0x900  }
0x1d7: {  	[tilespmem:s19], [sflag:$0x1] =	stream.indirect.gather [hbm4b:s3+s10], $0x10, s14, s10, $0xb8;
	[tilespmem:$0x8200] =	vst v63  }
0x1d8: {  	s26 =	simm.s32 $0xB00  }
0x1d9: {  	[tilespmem:s21], [sflag:$0x1] =	stream.indirect.gather [hbm4b:s3+s10], $0x10, s26, s10, $0xb8;
	[tilespmem:$0x8200] =	vst v63  }
0x1da: {  	s14 =	simm.s32 $0xD00  }
0x1db: {  	[tilespmem:s23], [sflag:$0x1] =	stream.indirect.gather [hbm4b:s3+s10], $0x10, s14, s10, $0xb8;
	[tilespmem:$0x8200] =	vst v63  }
0x1dc: {  	s26 =	simm.s32 $0xF00  }
0x1dd: {  	[tilespmem:s25], [sflag:$0x1] =	stream.indirect.gather [hbm4b:s3+s10], $0x10, s26, s10, $0xb8;
	[tilespmem:$0x8200] =	vst v63  }
0x1de: {  	s14 =	simm.s32 $0x1100  }
0x1df: {  	[tilespmem:s28], [sflag:$0x1] =	stream.indirect.gather [hbm4b:s3+s10], $0x10, s14, s10, $0xb8;
	[tilespmem:$0x8200] =	vst v63  }
0x1e0: {  	s26 =	simm.s32 $0x1300  }
0x1e1: {  	[tilespmem:s30], [sflag:$0x1] =	stream.indirect.gather [hbm4b:s3+s10], $0x10, s26, s10, $0xb8;
	[tilespmem:$0x8200] =	vst v63  }
0x1e2: {  	s14 =	simm.s32 $0x1500  }
0x1e3: {  	[tilespmem:s0], [sflag:$0x1] =	stream.indirect.gather [hbm4b:s3+s10], $0x10, s14, s10, $0xb8;
	[tilespmem:$0x8200] =	vst v63  }
0x1e4: {  	s26 =	simm.s32 $0x1700  }
0x1e5: {  	[tilespmem:s9], [sflag:$0x1] =	stream.indirect.gather [hbm4b:s3+s10], $0x10, s26, s10, $0xb8;
	[tilespmem:$0x8200] =	vst v63  }
0x1e6: {  	s14 =	simm.s32 $0x1900  }
0x1e7: {  	[tilespmem:s16], [sflag:$0x1] =	stream.indirect.gather [hbm4b:s3+s10], $0x10, s14, s10, $0xb8;
	[tilespmem:$0x8200] =	vst v63  }
0x1e8: {  	s26 =	simm.s32 $0x1B00  }
0x1e9: {  	[tilespmem:s20], [sflag:$0x1] =	stream.indirect.gather [hbm4b:s3+s10], $0x10, s26, s10, $0xb8;
	[tilespmem:$0x8200] =	vst v63  }
0x1ea: {  	s14 =	simm.s32 $0x1D00  }
0x1eb: {  	[tilespmem:s24], [sflag:$0x1] =	stream.indirect.gather [hbm4b:s3+s10], $0x10, s14, s10, $0xb8;
	[tilespmem:$0x8200] =	vst v63  }
0x1ec: {  	s26 =	simm.s32 $0x1F00  }
0x1ed: {  	[tilespmem:s29], [sflag:$0x1] =	stream.indirect.gather [hbm4b:s3+s10], $0x10, s26, s10, $0xb8;
	[tilespmem:$0x8200] =	vst v63  }
0x1ee: {  	_ =	swait.ge [sflag:s31], $0x400  }
0x1ef: {  	[sflag:s31] =	ssyncset.done $0x0  }
0x1f0: {  	[sflag:s31] =	ssyncadd.s32 $0xFFFFFC00  }
0x1f1: {  	_ =	swait.ge [sflag:s31], $0x400  }
0x1f2: {  	[sflag:s31] =	ssyncset.done $0x0  }
0x1f3: {  	[sflag:s31] =	ssyncadd.s32 $0xFFFFFC00  }
0x1f4: {  	_ =	swait.ge [sflag:s31], $0x400  }
0x1f5: {  	[sflag:s31] =	ssyncset.done $0x0  }
0x1f6: {  	[sflag:s31] =	ssyncadd.s32 $0xFFFFFC00  }
0x1f7: {  	_ =	swait.ge [sflag:s31], $0x400  }
0x1f8: {  	[sflag:s31] =	ssyncset.done $0x0  }
0x1f9: {  	[sflag:s31] =	ssyncadd.s32 $0xFFFFFC00  }
0x1fa: {  	_ =	swait.ge [sflag:s31], $0x400  }
0x1fb: {  	[sflag:s31] =	ssyncset.done $0x0  }
0x1fc: {  	[sflag:s31] =	ssyncadd.s32 $0xFFFFFC00  }
0x1fd: {  	_ =	swait.ge [sflag:s31], $0x400  }
0x1fe: {  	[sflag:s31] =	ssyncset.done $0x0  }
0x1ff: {  	[sflag:s31] =	ssyncadd.s32 $0xFFFFFC00  }
0x200: {  	_ =	swait.ge [sflag:s31], $0x400  }
0x201: {  	[sflag:s31] =	ssyncset.done $0x0  }
0x202: {  	[sflag:s31] =	ssyncadd.s32 $0xFFFFFC00  }
0x203: {  	_ =	swait.ge [sflag:s31], $0x400  }
0x204: {  	[sflag:s31] =	ssyncset.done $0x0  }
0x205: {  	[sflag:s31] =	ssyncadd.s32 $0xFFFFFC00  }
0x206: {  	_ =	swait.ge [sflag:s31], $0x400  }
0x207: {  	[sflag:s31] =	ssyncset.done $0x0  }
0x208: {  	[sflag:s31] =	ssyncadd.s32 $0xFFFFFC00  }
0x209: {  	_ =	swait.ge [sflag:s31], $0x400  }
0x20a: {  	[sflag:s31] =	ssyncset.done $0x0  }
0x20b: {  	[sflag:s31] =	ssyncadd.s32 $0xFFFFFC00  }
0x20c: {  	_ =	swait.ge [sflag:s31], $0x400  }
0x20d: {  	[sflag:s31] =	ssyncset.done $0x0  }
0x20e: {  	[sflag:s31] =	ssyncadd.s32 $0xFFFFFC00  }
0x20f: {  	_ =	swait.ge [sflag:s31], $0x400  }
0x210: {  	[sflag:s31] =	ssyncset.done $0x0  }
0x211: {  	[sflag:s31] =	ssyncadd.s32 $0xFFFFFC00  }
0x212: {  	_ =	swait.ge [sflag:s31], $0x400  }
0x213: {  	[sflag:s31] =	ssyncset.done $0x0  }
0x214: {  	[sflag:s31] =	ssyncadd.s32 $0xFFFFFC00  }
0x215: {  	_ =	swait.ge [sflag:s31], $0x400  }
0x216: {  	[sflag:s31] =	ssyncset.done $0x0  }
0x217: {  	[sflag:s31] =	ssyncadd.s32 $0xFFFFFC00  }
0x218: {  	_ =	swait.ge [sflag:s31], $0x400  }
0x219: {  	[sflag:s31] =	ssyncset.done $0x0  }
0x21a: {  	[sflag:s31] =	ssyncadd.s32 $0xFFFFFC00  }
0x21b: {  	_ =	swait.ge [sflag:s31], $0x400  }
0x21c: {  	[sflag:s31] =	ssyncset.done $0x0  }
0x21d: {  	s1 =	simm.s32 $0x6330;
	s26 =	simm.s32 $0x0;
	[sflag:s31] =	ssyncadd.s32 $0xFFFFFC00  }
.LBB2_10:
0x21e: {  	v4 =	vld [tilespmem:$0x2100];
	_ =	sdelay $0x4  }
0x21f: {  	s14 =	sshll.u32 s26, $0xA;
	v5 =	vand.u32 $0xFFFFFFF8, v4  }
0x220: {  	v4 =	vand.u32 $0x7, v4;
	v5 =	vadd.s32 s14, v5  }
0x221: {  	v4 =	vor.u32 v4, v5  }
0x222: {  	v4 =	vadd.s32 v0, v4;
	_ =	sdelay $0x4  }
0x223: {  	v4 =	vld.idx.msk [tilespmem:v4+s11+$0x0], $0xffff;
	_ =	sdelay $0x4  }
0x224: {  	[tilespmem:s1+$0xFFFFFFD0] =	vst v4  }
0x225: {  	v4 =	vld [tilespmem:$0x2110];
	_ =	sdelay $0x4  }
0x226: {  	v5 =	vand.u32 $0xFFFFFFF8, v4  }
0x227: {  	v4 =	vand.u32 $0x7, v4;
	v5 =	vadd.s32 s14, v5  }
0x228: {  	v4 =	vor.u32 v4, v5  }
0x229: {  	v4 =	vadd.s32 v1, v4;
	_ =	sdelay $0x4  }
0x22a: {  	v4 =	vld.idx.msk [tilespmem:v4+s11+$0x0], $0xffff;
	_ =	sdelay $0x4  }
0x22b: {  	[tilespmem:s1+$0xFFFFFFE0] =	vst v4  }
0x22c: {  	v4 =	vld [tilespmem:$0x2120];
	_ =	sdelay $0x4  }
0x22d: {  	v5 =	vand.u32 $0xFFFFFFF8, v4  }
0x22e: {  	v4 =	vand.u32 $0x7, v4;
	v5 =	vadd.s32 s14, v5  }
0x22f: {  	v4 =	vor.u32 v4, v5  }
0x230: {  	v4 =	vadd.s32 v2, v4;
	_ =	sdelay $0x4  }
0x231: {  	v4 =	vld.idx.msk [tilespmem:v4+s11+$0x0], $0xffff;
	_ =	sdelay $0x4  }
0x232: {  	[tilespmem:s1+$0xFFFFFFF0] =	vst v4  }
0x233: {  	v4 =	vld [tilespmem:$0x2130];
	_ =	sdelay $0x4  }
0x234: {  	v5 =	vand.u32 $0xFFFFFFF8, v4  }
0x235: {  	v4 =	vand.u32 $0x7, v4;
	v5 =	vadd.s32 s14, v5  }
0x236: {  	v4 =	vor.u32 v4, v5  }
0x237: {  	v4 =	vadd.s32 v3, v4;
	_ =	sdelay $0x4  }
0x238: {  	p0 =	sne.s32 s26, $0xF;
	v4 =	vld.idx.msk [tilespmem:v4+s11+$0x0], $0xffff  }
.Ltmp4:
0x239: {  	_ = 	snop;
	(pc) =	sbr.rel @p0 .LBB2_10-.Ltmp4, $2  }
0x23a: {  	_ =	sdelay $0x2  }
0x23b: {  	s26 =	sadd.s32 $0x1, s26;
	[tilespmem:s1+$0x0] =	vst v4;
	s1 =	sadd.s32 $0x200, s1  }
0x23c: {  	s1 =	simm.s32 $0x140  }
0x23d: {  	[tilespmem:s11], [sflag:$0x1] =	stream.indirect.gather [hbm4b:s3+s10], $0x10, s1, s10, $0xb8;
	[tilespmem:$0x8200] =	vst v63  }
0x23e: {  	s26 =	simm.s32 $0x340  }
0x23f: {  	[tilespmem:s13], [sflag:$0x1] =	stream.indirect.gather [hbm4b:s3+s10], $0x10, s26, s10, $0xb8;
	[tilespmem:$0x8200] =	vst v63  }
0x240: {  	s14 =	simm.s32 $0x540  }
0x241: {  	[tilespmem:s15], [sflag:$0x1] =	stream.indirect.gather [hbm4b:s3+s10], $0x10, s14, s10, $0xb8;
	[tilespmem:$0x8200] =	vst v63  }
0x242: {  	s26 =	simm.s32 $0x740  }
0x243: {  	[tilespmem:s17], [sflag:$0x1] =	stream.indirect.gather [hbm4b:s3+s10], $0x10, s26, s10, $0xb8;
	[tilespmem:$0x8200] =	vst v63  }
0x244: {  	s14 =	simm.s32 $0x940  }
0x245: {  	[tilespmem:s19], [sflag:$0x1] =	stream.indirect.gather [hbm4b:s3+s10], $0x10, s14, s10, $0xb8;
	[tilespmem:$0x8200] =	vst v63  }
0x246: {  	s26 =	simm.s32 $0xB40  }
0x247: {  	[tilespmem:s21], [sflag:$0x1] =	stream.indirect.gather [hbm4b:s3+s10], $0x10, s26, s10, $0xb8;
	[tilespmem:$0x8200] =	vst v63  }
0x248: {  	s14 =	simm.s32 $0xD40  }
0x249: {  	[tilespmem:s23], [sflag:$0x1] =	stream.indirect.gather [hbm4b:s3+s10], $0x10, s14, s10, $0xb8;
	[tilespmem:$0x8200] =	vst v63  }
0x24a: {  	s26 =	simm.s32 $0xF40  }
0x24b: {  	[tilespmem:s25], [sflag:$0x1] =	stream.indirect.gather [hbm4b:s3+s10], $0x10, s26, s10, $0xb8;
	[tilespmem:$0x8200] =	vst v63  }
0x24c: {  	s14 =	simm.s32 $0x1140  }
0x24d: {  	[tilespmem:s28], [sflag:$0x1] =	stream.indirect.gather [hbm4b:s3+s10], $0x10, s14, s10, $0xb8;
	[tilespmem:$0x8200] =	vst v63  }
0x24e: {  	s26 =	simm.s32 $0x1340  }
0x24f: {  	[tilespmem:s30], [sflag:$0x1] =	stream.indirect.gather [hbm4b:s3+s10], $0x10, s26, s10, $0xb8;
	[tilespmem:$0x8200] =	vst v63  }
0x250: {  	s14 =	simm.s32 $0x1540  }
0x251: {  	[tilespmem:s0], [sflag:$0x1] =	stream.indirect.gather [hbm4b:s3+s10], $0x10, s14, s10, $0xb8;
	[tilespmem:$0x8200] =	vst v63  }
0x252: {  	s26 =	simm.s32 $0x1740  }
0x253: {  	[tilespmem:s9], [sflag:$0x1] =	stream.indirect.gather [hbm4b:s3+s10], $0x10, s26, s10, $0xb8;
	[tilespmem:$0x8200] =	vst v63  }
0x254: {  	s14 =	simm.s32 $0x1940  }
0x255: {  	[tilespmem:s16], [sflag:$0x1] =	stream.indirect.gather [hbm4b:s3+s10], $0x10, s14, s10, $0xb8;
	[tilespmem:$0x8200] =	vst v63  }
0x256: {  	s26 =	simm.s32 $0x1B40  }
0x257: {  	[tilespmem:s20], [sflag:$0x1] =	stream.indirect.gather [hbm4b:s3+s10], $0x10, s26, s10, $0xb8;
	[tilespmem:$0x8200] =	vst v63  }
0x258: {  	s14 =	simm.s32 $0x1D40  }
0x259: {  	[tilespmem:s24], [sflag:$0x1] =	stream.indirect.gather [hbm4b:s3+s10], $0x10, s14, s10, $0xb8;
	[tilespmem:$0x8200] =	vst v63  }
0x25a: {  	s26 =	simm.s32 $0x1F40  }
0x25b: {  	[tilespmem:s29], [sflag:$0x1] =	stream.indirect.gather [hbm4b:s3+s10], $0x10, s26, s10, $0xb8;
	[tilespmem:$0x8200] =	vst v63  }
0x25c: {  	_ =	swait.ge [sflag:s31], $0x400  }
0x25d: {  	[sflag:s31] =	ssyncset.done $0x0  }
0x25e: {  	[sflag:s31] =	ssyncadd.s32 $0xFFFFFC00  }
0x25f: {  	_ =	swait.ge [sflag:s31], $0x400  }
0x260: {  	[sflag:s31] =	ssyncset.done $0x0  }
0x261: {  	[sflag:s31] =	ssyncadd.s32 $0xFFFFFC00  }
0x262: {  	_ =	swait.ge [sflag:s31], $0x400  }
0x263: {  	[sflag:s31] =	ssyncset.done $0x0  }
0x264: {  	[sflag:s31] =	ssyncadd.s32 $0xFFFFFC00  }
0x265: {  	_ =	swait.ge [sflag:s31], $0x400  }
0x266: {  	[sflag:s31] =	ssyncset.done $0x0  }
0x267: {  	[sflag:s31] =	ssyncadd.s32 $0xFFFFFC00  }
0x268: {  	_ =	swait.ge [sflag:s31], $0x400  }
0x269: {  	[sflag:s31] =	ssyncset.done $0x0  }
0x26a: {  	[sflag:s31] =	ssyncadd.s32 $0xFFFFFC00  }
0x26b: {  	_ =	swait.ge [sflag:s31], $0x400  }
0x26c: {  	[sflag:s31] =	ssyncset.done $0x0  }
0x26d: {  	[sflag:s31] =	ssyncadd.s32 $0xFFFFFC00  }
0x26e: {  	_ =	swait.ge [sflag:s31], $0x400  }
0x26f: {  	[sflag:s31] =	ssyncset.done $0x0  }
0x270: {  	[sflag:s31] =	ssyncadd.s32 $0xFFFFFC00  }
0x271: {  	_ =	swait.ge [sflag:s31], $0x400  }
0x272: {  	[sflag:s31] =	ssyncset.done $0x0  }
0x273: {  	[sflag:s31] =	ssyncadd.s32 $0xFFFFFC00  }
0x274: {  	_ =	swait.ge [sflag:s31], $0x400  }
0x275: {  	[sflag:s31] =	ssyncset.done $0x0  }
0x276: {  	[sflag:s31] =	ssyncadd.s32 $0xFFFFFC00  }
0x277: {  	_ =	swait.ge [sflag:s31], $0x400  }
0x278: {  	[sflag:s31] =	ssyncset.done $0x0  }
0x279: {  	[sflag:s31] =	ssyncadd.s32 $0xFFFFFC00  }
0x27a: {  	_ =	swait.ge [sflag:s31], $0x400  }
0x27b: {  	[sflag:s31] =	ssyncset.done $0x0  }
0x27c: {  	[sflag:s31] =	ssyncadd.s32 $0xFFFFFC00  }
0x27d: {  	_ =	swait.ge [sflag:s31], $0x400  }
0x27e: {  	[sflag:s31] =	ssyncset.done $0x0  }
0x27f: {  	[sflag:s31] =	ssyncadd.s32 $0xFFFFFC00  }
0x280: {  	_ =	swait.ge [sflag:s31], $0x400  }
0x281: {  	[sflag:s31] =	ssyncset.done $0x0  }
0x282: {  	[sflag:s31] =	ssyncadd.s32 $0xFFFFFC00  }
0x283: {  	_ =	swait.ge [sflag:s31], $0x400  }
0x284: {  	[sflag:s31] =	ssyncset.done $0x0  }
0x285: {  	[sflag:s31] =	ssyncadd.s32 $0xFFFFFC00  }
0x286: {  	_ =	swait.ge [sflag:s31], $0x400  }
0x287: {  	[sflag:s31] =	ssyncset.done $0x0  }
0x288: {  	[sflag:s31] =	ssyncadd.s32 $0xFFFFFC00  }
0x289: {  	_ =	swait.ge [sflag:s31], $0x400  }
0x28a: {  	[sflag:s31] =	ssyncset.done $0x0  }
0x28b: {  	s1 =	simm.s32 $0x6370;
	s26 =	simm.s32 $0x0;
	[sflag:s31] =	ssyncadd.s32 $0xFFFFFC00  }
.LBB2_12:
0x28c: {  	v4 =	vld [tilespmem:$0x2140];
	_ =	sdelay $0x4  }
0x28d: {  	s14 =	sshll.u32 s26, $0xA;
	v5 =	vand.u32 $0xFFFFFFF8, v4  }
0x28e: {  	v4 =	vand.u32 $0x7, v4;
	v5 =	vadd.s32 s14, v5  }
0x28f: {  	v4 =	vor.u32 v4, v5  }
0x290: {  	v4 =	vadd.s32 v0, v4;
	_ =	sdelay $0x4  }
0x291: {  	v4 =	vld.idx.msk [tilespmem:v4+s11+$0x0], $0xffff;
	_ =	sdelay $0x4  }
0x292: {  	[tilespmem:s1+$0xFFFFFFD0] =	vst v4  }
0x293: {  	v4 =	vld [tilespmem:$0x2150];
	_ =	sdelay $0x4  }
0x294: {  	v5 =	vand.u32 $0xFFFFFFF8, v4  }
0x295: {  	v4 =	vand.u32 $0x7, v4;
	v5 =	vadd.s32 s14, v5  }
0x296: {  	v4 =	vor.u32 v4, v5  }
0x297: {  	v4 =	vadd.s32 v1, v4;
	_ =	sdelay $0x4  }
0x298: {  	v4 =	vld.idx.msk [tilespmem:v4+s11+$0x0], $0xffff;
	_ =	sdelay $0x4  }
0x299: {  	[tilespmem:s1+$0xFFFFFFE0] =	vst v4  }
0x29a: {  	v4 =	vld [tilespmem:$0x2160];
	_ =	sdelay $0x4  }
0x29b: {  	v5 =	vand.u32 $0xFFFFFFF8, v4  }
0x29c: {  	v4 =	vand.u32 $0x7, v4;
	v5 =	vadd.s32 s14, v5  }
0x29d: {  	v4 =	vor.u32 v4, v5  }
0x29e: {  	v4 =	vadd.s32 v2, v4;
	_ =	sdelay $0x4  }
0x29f: {  	v4 =	vld.idx.msk [tilespmem:v4+s11+$0x0], $0xffff;
	_ =	sdelay $0x4  }
0x2a0: {  	[tilespmem:s1+$0xFFFFFFF0] =	vst v4  }
0x2a1: {  	v4 =	vld [tilespmem:$0x2170];
	_ =	sdelay $0x4  }
0x2a2: {  	v5 =	vand.u32 $0xFFFFFFF8, v4  }
0x2a3: {  	v4 =	vand.u32 $0x7, v4;
	v5 =	vadd.s32 s14, v5  }
0x2a4: {  	v4 =	vor.u32 v4, v5  }
0x2a5: {  	v4 =	vadd.s32 v3, v4;
	_ =	sdelay $0x4  }
0x2a6: {  	p0 =	sne.s32 s26, $0xF;
	v4 =	vld.idx.msk [tilespmem:v4+s11+$0x0], $0xffff  }
.Ltmp5:
0x2a7: {  	_ = 	snop;
	(pc) =	sbr.rel @p0 .LBB2_12-.Ltmp5, $2  }
0x2a8: {  	_ =	sdelay $0x2  }
0x2a9: {  	s26 =	sadd.s32 $0x1, s26;
	[tilespmem:s1+$0x0] =	vst v4;
	s1 =	sadd.s32 $0x200, s1  }
0x2aa: {  	s1 =	simm.s32 $0x180  }
0x2ab: {  	[tilespmem:s11], [sflag:$0x1] =	stream.indirect.gather [hbm4b:s3+s10], $0x10, s1, s10, $0xb8;
	[tilespmem:$0x8200] =	vst v63  }
0x2ac: {  	s26 =	simm.s32 $0x380  }
0x2ad: {  	[tilespmem:s13], [sflag:$0x1] =	stream.indirect.gather [hbm4b:s3+s10], $0x10, s26, s10, $0xb8;
	[tilespmem:$0x8200] =	vst v63  }
0x2ae: {  	s14 =	simm.s32 $0x580  }
0x2af: {  	[tilespmem:s15], [sflag:$0x1] =	stream.indirect.gather [hbm4b:s3+s10], $0x10, s14, s10, $0xb8;
	[tilespmem:$0x8200] =	vst v63  }
0x2b0: {  	s26 =	simm.s32 $0x780  }
0x2b1: {  	[tilespmem:s17], [sflag:$0x1] =	stream.indirect.gather [hbm4b:s3+s10], $0x10, s26, s10, $0xb8;
	[tilespmem:$0x8200] =	vst v63  }
0x2b2: {  	s14 =	simm.s32 $0x980  }
0x2b3: {  	[tilespmem:s19], [sflag:$0x1] =	stream.indirect.gather [hbm4b:s3+s10], $0x10, s14, s10, $0xb8;
	[tilespmem:$0x8200] =	vst v63  }
0x2b4: {  	s26 =	simm.s32 $0xB80  }
0x2b5: {  	[tilespmem:s21], [sflag:$0x1] =	stream.indirect.gather [hbm4b:s3+s10], $0x10, s26, s10, $0xb8;
	[tilespmem:$0x8200] =	vst v63  }
0x2b6: {  	s14 =	simm.s32 $0xD80  }
0x2b7: {  	[tilespmem:s23], [sflag:$0x1] =	stream.indirect.gather [hbm4b:s3+s10], $0x10, s14, s10, $0xb8;
	[tilespmem:$0x8200] =	vst v63  }
0x2b8: {  	s26 =	simm.s32 $0xF80  }
0x2b9: {  	[tilespmem:s25], [sflag:$0x1] =	stream.indirect.gather [hbm4b:s3+s10], $0x10, s26, s10, $0xb8;
	[tilespmem:$0x8200] =	vst v63  }
0x2ba: {  	s14 =	simm.s32 $0x1180  }
0x2bb: {  	[tilespmem:s28], [sflag:$0x1] =	stream.indirect.gather [hbm4b:s3+s10], $0x10, s14, s10, $0xb8;
	[tilespmem:$0x8200] =	vst v63  }
0x2bc: {  	s26 =	simm.s32 $0x1380  }
0x2bd: {  	[tilespmem:s30], [sflag:$0x1] =	stream.indirect.gather [hbm4b:s3+s10], $0x10, s26, s10, $0xb8;
	[tilespmem:$0x8200] =	vst v63  }
0x2be: {  	s14 =	simm.s32 $0x1580  }
0x2bf: {  	[tilespmem:s0], [sflag:$0x1] =	stream.indirect.gather [hbm4b:s3+s10], $0x10, s14, s10, $0xb8;
	[tilespmem:$0x8200] =	vst v63  }
0x2c0: {  	s26 =	simm.s32 $0x1780  }
0x2c1: {  	[tilespmem:s9], [sflag:$0x1] =	stream.indirect.gather [hbm4b:s3+s10], $0x10, s26, s10, $0xb8;
	[tilespmem:$0x8200] =	vst v63  }
0x2c2: {  	s14 =	simm.s32 $0x1980  }
0x2c3: {  	[tilespmem:s16], [sflag:$0x1] =	stream.indirect.gather [hbm4b:s3+s10], $0x10, s14, s10, $0xb8;
	[tilespmem:$0x8200] =	vst v63  }
0x2c4: {  	s26 =	simm.s32 $0x1B80  }
0x2c5: {  	[tilespmem:s20], [sflag:$0x1] =	stream.indirect.gather [hbm4b:s3+s10], $0x10, s26, s10, $0xb8;
	[tilespmem:$0x8200] =	vst v63  }
0x2c6: {  	s14 =	simm.s32 $0x1D80  }
0x2c7: {  	[tilespmem:s24], [sflag:$0x1] =	stream.indirect.gather [hbm4b:s3+s10], $0x10, s14, s10, $0xb8;
	[tilespmem:$0x8200] =	vst v63  }
0x2c8: {  	s26 =	simm.s32 $0x1F80  }
0x2c9: {  	[tilespmem:s29], [sflag:$0x1] =	stream.indirect.gather [hbm4b:s3+s10], $0x10, s26, s10, $0xb8;
	[tilespmem:$0x8200] =	vst v63  }
0x2ca: {  	_ =	swait.ge [sflag:s31], $0x400  }
0x2cb: {  	[sflag:s31] =	ssyncset.done $0x0  }
0x2cc: {  	[sflag:s31] =	ssyncadd.s32 $0xFFFFFC00  }
0x2cd: {  	_ =	swait.ge [sflag:s31], $0x400  }
0x2ce: {  	[sflag:s31] =	ssyncset.done $0x0  }
0x2cf: {  	[sflag:s31] =	ssyncadd.s32 $0xFFFFFC00  }
0x2d0: {  	_ =	swait.ge [sflag:s31], $0x400  }
0x2d1: {  	[sflag:s31] =	ssyncset.done $0x0  }
0x2d2: {  	[sflag:s31] =	ssyncadd.s32 $0xFFFFFC00  }
0x2d3: {  	_ =	swait.ge [sflag:s31], $0x400  }
0x2d4: {  	[sflag:s31] =	ssyncset.done $0x0  }
0x2d5: {  	[sflag:s31] =	ssyncadd.s32 $0xFFFFFC00  }
0x2d6: {  	_ =	swait.ge [sflag:s31], $0x400  }
0x2d7: {  	[sflag:s31] =	ssyncset.done $0x0  }
0x2d8: {  	[sflag:s31] =	ssyncadd.s32 $0xFFFFFC00  }
0x2d9: {  	_ =	swait.ge [sflag:s31], $0x400  }
0x2da: {  	[sflag:s31] =	ssyncset.done $0x0  }
0x2db: {  	[sflag:s31] =	ssyncadd.s32 $0xFFFFFC00  }
0x2dc: {  	_ =	swait.ge [sflag:s31], $0x400  }
0x2dd: {  	[sflag:s31] =	ssyncset.done $0x0  }
0x2de: {  	[sflag:s31] =	ssyncadd.s32 $0xFFFFFC00  }
0x2df: {  	_ =	swait.ge [sflag:s31], $0x400  }
0x2e0: {  	[sflag:s31] =	ssyncset.done $0x0  }
0x2e1: {  	[sflag:s31] =	ssyncadd.s32 $0xFFFFFC00  }
0x2e2: {  	_ =	swait.ge [sflag:s31], $0x400  }
0x2e3: {  	[sflag:s31] =	ssyncset.done $0x0  }
0x2e4: {  	[sflag:s31] =	ssyncadd.s32 $0xFFFFFC00  }
0x2e5: {  	_ =	swait.ge [sflag:s31], $0x400  }
0x2e6: {  	[sflag:s31] =	ssyncset.done $0x0  }
0x2e7: {  	[sflag:s31] =	ssyncadd.s32 $0xFFFFFC00  }
0x2e8: {  	_ =	swait.ge [sflag:s31], $0x400  }
0x2e9: {  	[sflag:s31] =	ssyncset.done $0x0  }
0x2ea: {  	[sflag:s31] =	ssyncadd.s32 $0xFFFFFC00  }
0x2eb: {  	_ =	swait.ge [sflag:s31], $0x400  }
0x2ec: {  	[sflag:s31] =	ssyncset.done $0x0  }
0x2ed: {  	[sflag:s31] =	ssyncadd.s32 $0xFFFFFC00  }
0x2ee: {  	_ =	swait.ge [sflag:s31], $0x400  }
0x2ef: {  	[sflag:s31] =	ssyncset.done $0x0  }
0x2f0: {  	[sflag:s31] =	ssyncadd.s32 $0xFFFFFC00  }
0x2f1: {  	_ =	swait.ge [sflag:s31], $0x400  }
0x2f2: {  	[sflag:s31] =	ssyncset.done $0x0  }
0x2f3: {  	[sflag:s31] =	ssyncadd.s32 $0xFFFFFC00  }
0x2f4: {  	_ =	swait.ge [sflag:s31], $0x400  }
0x2f5: {  	[sflag:s31] =	ssyncset.done $0x0  }
0x2f6: {  	[sflag:s31] =	ssyncadd.s32 $0xFFFFFC00  }
0x2f7: {  	_ =	swait.ge [sflag:s31], $0x400  }
0x2f8: {  	[sflag:s31] =	ssyncset.done $0x0  }
0x2f9: {  	s1 =	simm.s32 $0x63B0;
	s26 =	simm.s32 $0x0;
	[sflag:s31] =	ssyncadd.s32 $0xFFFFFC00  }
.LBB2_14:
0x2fa: {  	v4 =	vld [tilespmem:$0x2180];
	_ =	sdelay $0x4  }
0x2fb: {  	s14 =	sshll.u32 s26, $0xA;
	v5 =	vand.u32 $0xFFFFFFF8, v4  }
0x2fc: {  	v4 =	vand.u32 $0x7, v4;
	v5 =	vadd.s32 s14, v5  }
0x2fd: {  	v4 =	vor.u32 v4, v5  }
0x2fe: {  	v4 =	vadd.s32 v0, v4;
	_ =	sdelay $0x4  }
0x2ff: {  	v4 =	vld.idx.msk [tilespmem:v4+s11+$0x0], $0xffff;
	_ =	sdelay $0x4  }
0x300: {  	[tilespmem:s1+$0xFFFFFFD0] =	vst v4  }
0x301: {  	v4 =	vld [tilespmem:$0x2190];
	_ =	sdelay $0x4  }
0x302: {  	v5 =	vand.u32 $0xFFFFFFF8, v4  }
0x303: {  	v4 =	vand.u32 $0x7, v4;
	v5 =	vadd.s32 s14, v5  }
0x304: {  	v4 =	vor.u32 v4, v5  }
0x305: {  	v4 =	vadd.s32 v1, v4;
	_ =	sdelay $0x4  }
0x306: {  	v4 =	vld.idx.msk [tilespmem:v4+s11+$0x0], $0xffff;
	_ =	sdelay $0x4  }
0x307: {  	[tilespmem:s1+$0xFFFFFFE0] =	vst v4  }
0x308: {  	v4 =	vld [tilespmem:$0x21A0];
	_ =	sdelay $0x4  }
0x309: {  	v5 =	vand.u32 $0xFFFFFFF8, v4  }
0x30a: {  	v4 =	vand.u32 $0x7, v4;
	v5 =	vadd.s32 s14, v5  }
0x30b: {  	v4 =	vor.u32 v4, v5  }
0x30c: {  	v4 =	vadd.s32 v2, v4;
	_ =	sdelay $0x4  }
0x30d: {  	v4 =	vld.idx.msk [tilespmem:v4+s11+$0x0], $0xffff;
	_ =	sdelay $0x4  }
0x30e: {  	[tilespmem:s1+$0xFFFFFFF0] =	vst v4  }
0x30f: {  	v4 =	vld [tilespmem:$0x21B0];
	_ =	sdelay $0x4  }
0x310: {  	v5 =	vand.u32 $0xFFFFFFF8, v4  }
0x311: {  	v4 =	vand.u32 $0x7, v4;
	v5 =	vadd.s32 s14, v5  }
0x312: {  	v4 =	vor.u32 v4, v5  }
0x313: {  	v4 =	vadd.s32 v3, v4;
	_ =	sdelay $0x4  }
0x314: {  	p0 =	sne.s32 s26, $0xF;
	v4 =	vld.idx.msk [tilespmem:v4+s11+$0x0], $0xffff  }
.Ltmp6:
0x315: {  	_ = 	snop;
	(pc) =	sbr.rel @p0 .LBB2_14-.Ltmp6, $2  }
0x316: {  	_ =	sdelay $0x2  }
0x317: {  	s26 =	sadd.s32 $0x1, s26;
	[tilespmem:s1+$0x0] =	vst v4;
	s1 =	sadd.s32 $0x200, s1  }
0x318: {  	s1 =	simm.s32 $0x1C0  }
0x319: {  	[tilespmem:s11], [sflag:$0x1] =	stream.indirect.gather [hbm4b:s3+s10], $0x10, s1, s10, $0xb8;
	[tilespmem:$0x8200] =	vst v63  }
0x31a: {  	s26 =	simm.s32 $0x3C0  }
0x31b: {  	[tilespmem:s13], [sflag:$0x1] =	stream.indirect.gather [hbm4b:s3+s10], $0x10, s26, s10, $0xb8;
	[tilespmem:$0x8200] =	vst v63  }
0x31c: {  	s14 =	simm.s32 $0x5C0  }
0x31d: {  	[tilespmem:s15], [sflag:$0x1] =	stream.indirect.gather [hbm4b:s3+s10], $0x10, s14, s10, $0xb8;
	[tilespmem:$0x8200] =	vst v63  }
0x31e: {  	s26 =	simm.s32 $0x7C0  }
0x31f: {  	[tilespmem:s17], [sflag:$0x1] =	stream.indirect.gather [hbm4b:s3+s10], $0x10, s26, s10, $0xb8;
	[tilespmem:$0x8200] =	vst v63  }
0x320: {  	s14 =	simm.s32 $0x9C0  }
0x321: {  	[tilespmem:s19], [sflag:$0x1] =	stream.indirect.gather [hbm4b:s3+s10], $0x10, s14, s10, $0xb8;
	[tilespmem:$0x8200] =	vst v63  }
0x322: {  	s26 =	simm.s32 $0xBC0  }
0x323: {  	[tilespmem:s21], [sflag:$0x1] =	stream.indirect.gather [hbm4b:s3+s10], $0x10, s26, s10, $0xb8;
	[tilespmem:$0x8200] =	vst v63  }
0x324: {  	s14 =	simm.s32 $0xDC0  }
0x325: {  	[tilespmem:s23], [sflag:$0x1] =	stream.indirect.gather [hbm4b:s3+s10], $0x10, s14, s10, $0xb8;
	[tilespmem:$0x8200] =	vst v63  }
0x326: {  	s26 =	simm.s32 $0xFC0  }
0x327: {  	[tilespmem:s25], [sflag:$0x1] =	stream.indirect.gather [hbm4b:s3+s10], $0x10, s26, s10, $0xb8;
	[tilespmem:$0x8200] =	vst v63  }
0x328: {  	s14 =	simm.s32 $0x11C0  }
0x329: {  	[tilespmem:s28], [sflag:$0x1] =	stream.indirect.gather [hbm4b:s3+s10], $0x10, s14, s10, $0xb8;
	[tilespmem:$0x8200] =	vst v63  }
0x32a: {  	s26 =	simm.s32 $0x13C0  }
0x32b: {  	[tilespmem:s30], [sflag:$0x1] =	stream.indirect.gather [hbm4b:s3+s10], $0x10, s26, s10, $0xb8;
	[tilespmem:$0x8200] =	vst v63  }
0x32c: {  	s14 =	simm.s32 $0x15C0  }
0x32d: {  	[tilespmem:s0], [sflag:$0x1] =	stream.indirect.gather [hbm4b:s3+s10], $0x10, s14, s10, $0xb8;
	[tilespmem:$0x8200] =	vst v63  }
0x32e: {  	s26 =	simm.s32 $0x17C0  }
0x32f: {  	[tilespmem:s9], [sflag:$0x1] =	stream.indirect.gather [hbm4b:s3+s10], $0x10, s26, s10, $0xb8;
	[tilespmem:$0x8200] =	vst v63  }
0x330: {  	s14 =	simm.s32 $0x19C0  }
0x331: {  	[tilespmem:s16], [sflag:$0x1] =	stream.indirect.gather [hbm4b:s3+s10], $0x10, s14, s10, $0xb8;
	[tilespmem:$0x8200] =	vst v63  }
0x332: {  	s26 =	simm.s32 $0x1BC0  }
0x333: {  	[tilespmem:s20], [sflag:$0x1] =	stream.indirect.gather [hbm4b:s3+s10], $0x10, s26, s10, $0xb8;
	[tilespmem:$0x8200] =	vst v63  }
0x334: {  	s14 =	simm.s32 $0x1DC0  }
0x335: {  	[tilespmem:s24], [sflag:$0x1] =	stream.indirect.gather [hbm4b:s3+s10], $0x10, s14, s10, $0xb8;
	[tilespmem:$0x8200] =	vst v63  }
0x336: {  	s26 =	simm.s32 $0x1FC0  }
0x337: {  	[tilespmem:s29], [sflag:$0x1] =	stream.indirect.gather [hbm4b:s3+s10], $0x10, s26, s10, $0xb8;
	[tilespmem:$0x8200] =	vst v63  }
0x338: {  	_ =	swait.ge [sflag:s31], $0x400  }
0x339: {  	[sflag:s31] =	ssyncset.done $0x0  }
0x33a: {  	[sflag:s31] =	ssyncadd.s32 $0xFFFFFC00  }
0x33b: {  	_ =	swait.ge [sflag:s31], $0x400  }
0x33c: {  	[sflag:s31] =	ssyncset.done $0x0  }
0x33d: {  	[sflag:s31] =	ssyncadd.s32 $0xFFFFFC00  }
0x33e: {  	_ =	swait.ge [sflag:s31], $0x400  }
0x33f: {  	[sflag:s31] =	ssyncset.done $0x0  }
0x340: {  	[sflag:s31] =	ssyncadd.s32 $0xFFFFFC00  }
0x341: {  	_ =	swait.ge [sflag:s31], $0x400  }
0x342: {  	[sflag:s31] =	ssyncset.done $0x0  }
0x343: {  	[sflag:s31] =	ssyncadd.s32 $0xFFFFFC00  }
0x344: {  	_ =	swait.ge [sflag:s31], $0x400  }
0x345: {  	[sflag:s31] =	ssyncset.done $0x0  }
0x346: {  	[sflag:s31] =	ssyncadd.s32 $0xFFFFFC00  }
0x347: {  	_ =	swait.ge [sflag:s31], $0x400  }
0x348: {  	[sflag:s31] =	ssyncset.done $0x0  }
0x349: {  	[sflag:s31] =	ssyncadd.s32 $0xFFFFFC00  }
0x34a: {  	_ =	swait.ge [sflag:s31], $0x400  }
0x34b: {  	[sflag:s31] =	ssyncset.done $0x0  }
0x34c: {  	[sflag:s31] =	ssyncadd.s32 $0xFFFFFC00  }
0x34d: {  	_ =	swait.ge [sflag:s31], $0x400  }
0x34e: {  	[sflag:s31] =	ssyncset.done $0x0  }
0x34f: {  	[sflag:s31] =	ssyncadd.s32 $0xFFFFFC00  }
0x350: {  	_ =	swait.ge [sflag:s31], $0x400  }
0x351: {  	[sflag:s31] =	ssyncset.done $0x0  }
0x352: {  	[sflag:s31] =	ssyncadd.s32 $0xFFFFFC00  }
0x353: {  	_ =	swait.ge [sflag:s31], $0x400  }
0x354: {  	[sflag:s31] =	ssyncset.done $0x0  }
0x355: {  	[sflag:s31] =	ssyncadd.s32 $0xFFFFFC00  }
0x356: {  	_ =	swait.ge [sflag:s31], $0x400  }
0x357: {  	[sflag:s31] =	ssyncset.done $0x0  }
0x358: {  	[sflag:s31] =	ssyncadd.s32 $0xFFFFFC00  }
0x359: {  	_ =	swait.ge [sflag:s31], $0x400  }
0x35a: {  	[sflag:s31] =	ssyncset.done $0x0  }
0x35b: {  	[sflag:s31] =	ssyncadd.s32 $0xFFFFFC00  }
0x35c: {  	_ =	swait.ge [sflag:s31], $0x400  }
0x35d: {  	[sflag:s31] =	ssyncset.done $0x0  }
0x35e: {  	[sflag:s31] =	ssyncadd.s32 $0xFFFFFC00  }
0x35f: {  	_ =	swait.ge [sflag:s31], $0x400  }
0x360: {  	[sflag:s31] =	ssyncset.done $0x0  }
0x361: {  	[sflag:s31] =	ssyncadd.s32 $0xFFFFFC00  }
0x362: {  	_ =	swait.ge [sflag:s31], $0x400  }
0x363: {  	[sflag:s31] =	ssyncset.done $0x0  }
0x364: {  	[sflag:s31] =	ssyncadd.s32 $0xFFFFFC00  }
0x365: {  	_ =	swait.ge [sflag:s31], $0x400  }
0x366: {  	[sflag:s31] =	ssyncset.done $0x0  }
0x367: {  	s1 =	simm.s32 $0x63F0;
	s26 =	simm.s32 $0x0;
	[sflag:s31] =	ssyncadd.s32 $0xFFFFFC00  }
.LBB2_16:
0x368: {  	v4 =	vld [tilespmem:$0x21C0];
	_ =	sdelay $0x4  }
0x369: {  	s14 =	sshll.u32 s26, $0xA;
	v5 =	vand.u32 $0xFFFFFFF8, v4  }
0x36a: {  	v4 =	vand.u32 $0x7, v4;
	v5 =	vadd.s32 s14, v5  }
0x36b: {  	v4 =	vor.u32 v4, v5  }
0x36c: {  	v4 =	vadd.s32 v0, v4;
	_ =	sdelay $0x4  }
0x36d: {  	v4 =	vld.idx.msk [tilespmem:v4+s11+$0x0], $0xffff;
	_ =	sdelay $0x4  }
0x36e: {  	[tilespmem:s1+$0xFFFFFFD0] =	vst v4  }
0x36f: {  	v4 =	vld [tilespmem:$0x21D0];
	_ =	sdelay $0x4  }
0x370: {  	v5 =	vand.u32 $0xFFFFFFF8, v4  }
0x371: {  	v4 =	vand.u32 $0x7, v4;
	v5 =	vadd.s32 s14, v5  }
0x372: {  	v4 =	vor.u32 v4, v5  }
0x373: {  	v4 =	vadd.s32 v1, v4;
	_ =	sdelay $0x4  }
0x374: {  	v4 =	vld.idx.msk [tilespmem:v4+s11+$0x0], $0xffff;
	_ =	sdelay $0x4  }
0x375: {  	[tilespmem:s1+$0xFFFFFFE0] =	vst v4  }
0x376: {  	v4 =	vld [tilespmem:$0x21E0];
	_ =	sdelay $0x4  }
0x377: {  	v5 =	vand.u32 $0xFFFFFFF8, v4  }
0x378: {  	v4 =	vand.u32 $0x7, v4;
	v5 =	vadd.s32 s14, v5  }
0x379: {  	v4 =	vor.u32 v4, v5  }
0x37a: {  	v4 =	vadd.s32 v2, v4;
	_ =	sdelay $0x4  }
0x37b: {  	v4 =	vld.idx.msk [tilespmem:v4+s11+$0x0], $0xffff;
	_ =	sdelay $0x4  }
0x37c: {  	[tilespmem:s1+$0xFFFFFFF0] =	vst v4  }
0x37d: {  	v4 =	vld [tilespmem:$0x21F0];
	_ =	sdelay $0x4  }
0x37e: {  	v5 =	vand.u32 $0xFFFFFFF8, v4  }
0x37f: {  	v4 =	vand.u32 $0x7, v4;
	v5 =	vadd.s32 s14, v5  }
0x380: {  	v4 =	vor.u32 v4, v5  }
0x381: {  	v4 =	vadd.s32 v3, v4;
	_ =	sdelay $0x4  }
0x382: {  	p0 =	sne.s32 s26, $0xF;
	v4 =	vld.idx.msk [tilespmem:v4+s11+$0x0], $0xffff  }
.Ltmp7:
0x383: {  	_ = 	snop;
	(pc) =	sbr.rel @p0 .LBB2_16-.Ltmp7, $2  }
0x384: {  	_ =	sdelay $0x2  }
0x385: {  	s26 =	sadd.s32 $0x1, s26;
	[tilespmem:s1+$0x0] =	vst v4;
	s1 =	sadd.s32 $0x200, s1  }
0x386: {  	s22 =	sadd.s32 $0x1, s22  }
0x387: {  	p0 =	sne.s32 s22, s7  }
.Ltmp8:
0x388: {  	s1 =	simm.s32 $0x4000;
	(pc) =	sbr.rel @p0 .LBB2_1-.Ltmp8, $4  }
0x389: {  	[hbm4b:s6+s12] =	stream.strided.scatter [tilespmem:s18], [sflag:$0x2], $0x2000, s1, s12, $0x38;
	[tilespmem:$0x8200] =	vst v63  }
0x38a: {  	_ =	swait.ge [sflag:s8], $0x2000  }
0x38b: {  	[sflag:s8] =	ssyncset.done $0x0  }
0x38c: {  	[sflag:s8] =	ssyncadd.s32 $0xFFFFE000  }
0x38d: {  	_ =	sfence.sel $0x180000  }
0x38e: {  	[bflag:$0x0] =	sbarrier.arrive $0xFFFF  }
0x38f: {  	_ =	strace $0x9000004A  }
0x390: {  	s0 =	stileid.u32;
	[bflag:$0x2] =	sbarrier.arrive $0xFFFF  }
0x391: {  	p0 =	sne.s32 s0, $0x0;
	s0 =	rddreg [dreg:$0x1]  }
0x392: {  	s0 =	sadd.s32 @!p0 $0x100000, s0  }
0x393: {  	[sflag:s0] =	ssyncadd.tile.s32 @!p0 $0x1;
	_ =	shalt  }
.Lfunc_end2:
_tile_overlayer_lowered:
.L_overlay_start_2:
0x394: {  	(tag) =	ssettag $0x2  }
0x395: {  	s0 =	rddreg [dreg:$0x0];
	s2 =	stileid.u32  }
0x396: {  	s1 =	rddreg [dreg:$0x1];
	p0 =	sne.s32 s2, $0x0  }
0x397: {  	s3 =	rddreg [dreg:$0x2];
	[bflag:$0x3] =	sbarrier.arrive $0xFFFF;
	s2 =	simm.s32 @!p0 $0x1C02  }
0x398: {  	[timem:s3], [sflag:s2] =	dma.local @!p0 [hbm:s0], s1  }
0x399: {  	s0 =	simm.s32 @!p0 $0x2  }
0x39a: {  	_ =	swait.ge @!p0 [sflag:s0], s1  }
0x39b: {  	s1 =	ssub.s32 @!p0 $0x0, s1;
	[sflag:s0] =	ssyncset.done @!p0 $0x0  }
0x39c: {  	[sflag:s0] =	ssyncadd.s32 @!p0 s1  }
0x39d: {  	[bflag:$0x3] =	sbarrier.arrive $0xFFFF  }
0x39e: {  	_ =	shalt  }

// kernel: kernel.13.cloned.1.call-start
scs
__scs_entry_jumppad:
0x0: {  	(pc) =	sbr.rel $0x88, $3  }
0x1: {  	(tag) =	ssettag $0x0;
	lr =	simm.s32 $0x1  }
0x2: {  	[smem:$0x3F8D] =	sst lr;
	_ =	strace $0xD0000000  }
0x3: {  	_ = 	snop  }
0x4: {  	_ = 	snop  }
0x5: {  	_ = 	snop  }
0x6: {  	_ = 	snop  }
0x7: {  	_ = 	snop  }
__scs_overlays_trampoline_lowered:
0x8: {  	[smem:$0x3F9C] =	sst s0  }
0x9: {  	[smem:$0x3F9D] =	sst s1  }
0xa: {  	[smem:$0x3F9E] =	sst s2  }
0xb: {  	[smem:$0x3F9F] =	sst s3  }
0xc: {  	[smem:$0x3FA0] =	sst s4  }
0xd: {  	[smem:$0x3FA1] =	sst s5  }
0xe: {  	[smem:$0x3FA2] =	sst s6  }
0xf: {  	[smem:$0x3FA3] =	sst s7  }
0x10: {  	[smem:$0x3FA4] =	sst s8  }
0x11: {  	[smem:$0x3FA5] =	sst s9;
	s0 =	simm.s32 @!p0 $0x0  }
0x12: {  	s1 =	sld [smem:$0x3F8B];
	s0 =	simm.s32 @p0 $0x1  }
0x13: {  	[smem:$0x3FA6] =	sst s0;
	s0 =	simm.s32 @!p1 $0x0  }
0x14: {  	s2 =	sld [smem:$0x3F8A];
	s0 =	simm.s32 @p1 $0x1  }
0x15: {  	[smem:$0x3FA7] =	sst s0;
	s0 =	simm.s32 @!p2 $0x0  }
0x16: {  	s3 =	sld [smem:$0x3FDB];
	s0 =	simm.s32 @p2 $0x1  }
0x17: {  	s4 =	simm.s32 $0x1BF5;
	[smem:$0x3FA9] =	sst s0  }
0x18: {  	s0 =	sld [smem:$0x3F8C];
	_ =	swait.ge [sflag:s4], $0x0  }
0x19: {  	s7 =	sld [smem:$0x3F8D]  }
0x1a: {  	s8 =	sadd.s32 $0xFFFFE003, lr  }
0x1b: {  	s9 =	sadd.s32 $0xFFFFFEF7, lr;
	s5 =	simm.s32 $0xFFFFFFFF;
	p2 =	slt.u32 s8, $0xFFFFF086  }
0x1c: {  	p1 =	slt.u32 s9, $0xF7A;
	s5 =	simm.s32 @!p2 $0x0  }
0x1d: {  	s5 =	simm.s32 @p1 $0x1;
	p0 =	seq.s32 s7, s2  }
0x1e: {  	s7 =	smul.u32 @!p0 $0xF7A, s2;
	p2 =	seq.s32 @!p0 s5, $0x0  }
0x1f: {  	s9 =	smul.u32 $0xF7A, s1;
	s8 =	simm.s32 @!p0 $0x1BF5;
	p2 =	por !p2, p0  }
0x20: {  	[sflag:s8] =	ssyncset.s32 @!p0 $0xFFFFF086;
	s6 =	sadd.s32 @!p0 s3, s7;
	s7 =	simm.s32 @!p0 $0x108  }
0x21: {  	s3 =	sadd.s32 s3, s9;
	s6 =	sadd.s32 @!p0 $0x88, s6;
	s7 =	simm.s32 @p2 $0x1082  }
0x22: {  	[simem:s7], [sflag:s8] =	dma.local @!p0 [hbm:s6], $0xF7A  }
0x23: {  	s9 =	sor.u32 $0xD0000000, s2;
	s6 =	simm.s32 $0x108;
	_ =	swait.ge @!p0 [sflag:s8], $0x0  }
0x24: {  	s3 =	sadd.s32 $0x88, s3;
	s6 =	simm.s32 @!p1 $0x1082;
	[sflag:s4] =	ssyncset.s32 $0xFFFFF086  }
0x25: {  	[simem:s6], [sflag:s4] =	dma.local [hbm:s3], $0xF7A  }
0x26: {  	[smem:$0x3F8D] =	sst s1;
	(tag) =	ssettag s2;
	_ =	strace s9  }
0x27: {  	s1 =	sld [smem:$0x3F9D]  }
0x28: {  	s2 =	sld [smem:$0x3F9E]  }
0x29: {  	s4 =	sld [smem:$0x3FA0]  }
0x2a: {  	p0 =	seq.s32 s5, $0x0;
	s5 =	sld [smem:$0x3FA1]  }
0x2b: {  	s6 =	sld [smem:$0x3FA2]  }
0x2c: {  	s7 =	sld [smem:$0x3FA3]  }
0x2d: {  	s3 =	simm.s32 $0x108;
	s8 =	sld [smem:$0x3FA4]  }
0x2e: {  	s3 =	simm.s32 @!p0 $0x1082;
	s9 =	sld [smem:$0x3FA5]  }
0x2f: {  	lr =	sadd.s32 s0, s3;
	s0 =	sld [smem:$0x3F9C]  }
0x30: {  	s3 =	sld [smem:$0x3F9F]  }
0x31: {  	[smem:$0x3FA8] =	sst s10  }
0x32: {  	s10 =	sld [smem:$0x3FA6];
	_ =	sdelay $0x3  }
0x33: {  	p0 =	seq.s32 s10, $0x1;
	s10 =	sld [smem:$0x3FA8];
	_ =	sdelay $0x3  }
0x34: {  	[smem:$0x3FA8] =	sst s10  }
0x35: {  	s10 =	sld [smem:$0x3FA7];
	_ =	sdelay $0x3  }
0x36: {  	p1 =	seq.s32 s10, $0x1;
	s10 =	sld [smem:$0x3FA8];
	_ =	sdelay $0x3  }
0x37: {  	[smem:$0x3FA8] =	sst s10  }
0x38: {  	s10 =	sld [smem:$0x3FA9]  }
0x39: {  	_ = 	snop;
	(pc) =	sbr.ind lr, $3  }
0x3a: {  	_ = 	snop  }
0x3b: {  	_ = 	snop  }
0x3c: {  	p2 =	seq.s32 s10, $0x1;
	s10 =	sld [smem:$0x3FA8]  }
0x3d: {  	_ =	shalt  }
0x3e: {  	_ =	shalt  }
0x3f: {  	_ =	shalt  }
0x40: {  	_ =	shalt  }
0x41: {  	_ =	shalt  }
0x42: {  	_ =	shalt  }
0x43: {  	_ =	shalt  }
0x44: {  	_ =	shalt  }
0x45: {  	_ =	shalt  }
0x46: {  	_ =	shalt  }
0x47: {  	_ =	shalt  }
0x48: {  	_ =	shalt  }
0x49: {  	_ =	shalt  }
0x4a: {  	_ =	shalt  }
0x4b: {  	_ =	shalt  }
0x4c: {  	_ =	shalt  }
0x4d: {  	_ =	shalt  }
0x4e: {  	_ =	shalt  }
0x4f: {  	_ =	shalt  }
0x50: {  	_ =	shalt  }
0x51: {  	_ =	shalt  }
0x52: {  	_ =	shalt  }
0x53: {  	_ =	shalt  }
0x54: {  	_ =	shalt  }
0x55: {  	_ =	shalt  }
0x56: {  	_ =	shalt  }
0x57: {  	_ =	shalt  }
0x58: {  	_ =	shalt  }
0x59: {  	_ =	shalt  }
0x5a: {  	_ =	shalt  }
0x5b: {  	_ =	shalt  }
0x5c: {  	_ =	shalt  }
0x5d: {  	_ =	shalt  }
0x5e: {  	_ =	shalt  }
0x5f: {  	_ =	shalt  }
0x60: {  	_ =	shalt  }
0x61: {  	_ =	shalt  }
0x62: {  	_ =	shalt  }
0x63: {  	_ =	shalt  }
0x64: {  	_ =	shalt  }
0x65: {  	_ =	shalt  }
0x66: {  	_ =	shalt  }
0x67: {  	_ =	shalt  }
0x68: {  	_ =	shalt  }
0x69: {  	_ =	shalt  }
0x6a: {  	_ =	shalt  }
0x6b: {  	_ =	shalt  }
0x6c: {  	_ =	shalt  }
0x6d: {  	_ =	shalt  }
0x6e: {  	_ =	shalt  }
0x6f: {  	_ =	shalt  }
0x70: {  	_ =	shalt  }
0x71: {  	_ =	shalt  }
0x72: {  	_ =	shalt  }
0x73: {  	_ =	shalt  }
0x74: {  	_ =	shalt  }
0x75: {  	_ =	shalt  }
0x76: {  	_ =	shalt  }
0x77: {  	_ =	shalt  }
0x78: {  	_ =	shalt  }
0x79: {  	_ =	shalt  }
0x7a: {  	_ =	shalt  }
0x7b: {  	_ =	shalt  }
0x7c: {  	_ =	shalt  }
0x7d: {  	_ =	shalt  }
0x7e: {  	_ =	shalt  }
0x7f: {  	_ =	shalt  }
0x80: {  	_ =	shalt  }
0x81: {  	_ =	shalt  }
0x82: {  	_ =	shalt  }
0x83: {  	_ =	shalt  }
0x84: {  	_ =	shalt  }
0x85: {  	_ =	shalt  }
0x86: {  	_ =	shalt  }
0x87: {  	_ =	shalt  }
.Lfunc_end0:
.L_simem_size_0:
called_computation.1_lowered:
.L_overlay_start_0:
0x88: {  	s2 =	sld [smem:$0x3FD9]  }
0x89: {  	s3 =	sld [smem:$0x3FFE];
	_ =	sdelay $0x1  }
0x8a: {  	s1 =	srdreg.scid  }
0x8b: {  	s0 =	sand.u32 $0x1, s1  }
0x8c: {  	s17 =	sshll.u32 s0, $0xA;
	s2 =	sadd.s32 s3, s2  }
0x8d: {  	s2 =	sadd.s32 s2, s17  }
0x8e: {  	[smem:$0x3FB4] =	sst s2  }
0x8f: {  	_ = 	snop  }
0x90: {  	s2 =	sld [smem:$0x3FD0];
	(tm) =	ssettm $0x1  }
0x91: {  	s18 =	sld [smem:$0x3FFB];
	_ =	sdelay $0x3  }
0x92: {  	_ =	strace s18  }
0x93: {  	s3 =	sld [smem:$0x3FFC];
	_ =	sdelay $0x3  }
0x94: {  	_ =	strace s3  }
0x95: {  	s3 =	sld [smem:$0x3FFD];
	_ =	sdelay $0x3  }
0x96: {  	_ =	strace s3  }
0x97: {  	_ =	strace $0x8FFFFFFF  }
0x98: {  	s19 =	sld [smem:$0x3FDB];
	_ =	sdelay $0x1  }
0x99: {  	s4 =	simm.s32 $_scs_section_size  }
0x9a: {  	s5 =	simm.s32 $_size__tile_overlayer_lowered;
	s6 =	simm.s32 $_tile_overlayer_lowered  }
0x9b: {  	s22 =	simm.s32 $0x1BFF;
	s21 =	sshll.u32 s6, $0x1;
	s3 =	sadd.s32 s4, s19  }
0x9c: {  	s7 =	simm.s32 $0x0;
	s20 =	sshll.u32 s5, $0x1;
	s5 =	sadd.s32 s21, s3  }
0x9d: {  	[timem:s7], [sflag:s22] =	dma.local [hbm:s5], s20  }
0x9e: {  	_ =	swait.ge [sflag:s22], s20  }
0x9f: {  	s4 =	ssub.s32 $0x0, s20;
	[sflag:s22] =	ssyncset.done $0x0  }
0xa0: {  	[sflag:s22] =	ssyncadd.s32 s4;
	_ =	sdelay $0x1  }
0xa1: {  	s23 =	simm.s32 $0x1B8B  }
0xa2: {  	_ =	swait.ge [sflag:s23], $0x1  }
0xa3: {  	[sflag:s23] =	ssyncset.done $0x0  }
0xa4: {  	s25 =	simm.s32 $0x1B8E;
	s24 =	sld [smem:$0x3FFE];
	[sflag:s23] =	ssyncadd.s32 $0xFFFFFFFF  }
0xa5: {  	s26 =	simm.s32 $execute0_lowered;
	[smem:$0x3FD2] =	sst s25  }
0xa6: {  	s5 =	sshll.u32 s26, $0x1;
	_ =	strace $0x80000046;
	[dreg:$0x1] =	wrdreg $0xFFFFFFFF  }
0xa7: {  	s28 =	simm.s32 $_size_execute0_lowered;
	s3 =	sadd.s32 s3, s5;
	[dreg:$0x0] =	wrdreg $0x0  }
0xa8: {  	s5 =	sshll.u32 s28, $0x1;
	[dreg:$0x2] =	wrdreg s3  }
0xa9: {  	[dreg:$0x3] =	wrdreg s5  }
0xaa: {  	[dreg:$0x4] =	wrdreg $0xC0  }
0xab: {  	_ =	task [dreg:s7], $0x5FFFF  }
0xac: {  	[dreg:$0x1] =	wrdreg $0xFFFFFFFF  }
0xad: {  	[dreg:$0x0] =	wrdreg $0x60  }
0xae: {  	[dreg:$0x2] =	wrdreg s24  }
0xaf: {  	[dreg:$0x3] =	wrdreg s2  }
0xb0: {  	[dreg:$0x4] =	wrdreg $0xA  }
0xb1: {  	_ =	task.clear_ibuf [dreg:s7], $0x5FFFF;
	_ =	strace $0x90000046  }
0xb2: {  	s29 =	simm.s32 $0xA;
	_ =	strace $0x80000048  }
0xb3: {  	_ =	swait.ge [sflag:s29], $0x1  }
0xb4: {  	[sflag:s29] =	ssyncadd.s32 $0xFFFFFFFF  }
0xb5: {  	_ =	strace $0x90000048  }
0xb6: {  	_ =	sfence  }
0xb7: {  	s30 =	sld [smem:$0x0];
	_ =	sdelay $0x2  }
0xb8: {  	s31 =	sshll.u32 s1, $0xD;
	s1 =	sshrl.u32 s1, $0x2  }
0xb9: {  	s3 =	sand.u32 $0x4000, s31;
	s1 =	sadd.s32 s1, s30  }
0xba: {  	s0 =	sor.u32 s3, s0;
	s1 =	sshll.u32 s1, $0x11  }
0xbb: {  	s0 =	sor.u32 s1, s0  }
0xbc: {  	s0 =	sadd.s32 $0x8F2B, s0  }
0xbd: {  	[sflag:s0] =	ssyncadd.remote.s32 $0x1  }
0xbe: {  	_ =	sfence.sel $0xFFFF  }
0xbf: {  	[dreg:$0x0] =	wrdreg $0xFFFFFFFF;
	(pc) =	sbr.abs _section_cstart, $3  }
0xc0: {  	[dreg:$0x1] =	wrdreg $0xFFFFFFFF  }
0xc1: {  	_ =	task.clear_ibuf [dreg:s7], $0x2FFFF;
	_ =	strace $0x9FFFFFFF  }
0xc2: {  	(tm) =	ssettm $0x7FFFFFFF  }
0xc3: {  	_ =	shalt  }
tec
execute0_lowered:
.L_overlay_start_1:
0x0: {  	(tag) =	ssettag $0x1  }
0x1: {  	s0 =	rddreg [dreg:$0x0]  }
0x2: {  	s1 =	rddreg [dreg:$0x1]  }
0x3: {  	s3 =	srdreg.scid;
	s4 =	stileid.u32;
	s2 =	simm.s32 $0x0  }
0x4: {  	s10 =	simm.s32 $0x40;
	s11 =	simm.s32 $0x2200;
	s12 =	simm.s32 $0x200  }
0x5: {  	s13 =	simm.s32 $0x2600;
	s15 =	simm.s32 $0x2A00;
	s17 =	simm.s32 $0x2E00  }
0x6: {  	s19 =	simm.s32 $0x3200;
	s21 =	simm.s32 $0x3600;
	s23 =	simm.s32 $0x3A00  }
0x7: {  	s25 =	simm.s32 $0x3E00;
	s28 =	simm.s32 $0x4200;
	s30 =	simm.s32 $0x4600  }
0x8: {  	s9 =	simm.s32 $0x4E00;
	s16 =	simm.s32 $0x5200;
	s20 =	simm.s32 $0x5600  }
0x9: {  	s24 =	simm.s32 $0x5A00;
	s29 =	simm.s32 $0x5E00;
	s31 =	simm.s32 $0x1  }
0xa: {  	s18 =	simm.s32 $0x6200;
	s3 =	sand.u32 $0x1, s3;
	s4 =	sshll.u32 s4, $0x1  }
0xb: {  	s22 =	simm.s32 $0x0;
	[smem:$0x7FF] =	sst s2;
	s4 =	sor.u32 s3, s4  }
0xc: {  	_ =	strace $0x80000047;
	s6 =	ssub.s32 $0x2, s3;
	s3 =	sadd.s32 $0xD800, s0  }
0xd: {  	v0 =	vlaneseq.u32;
	s5 =	sshll.u32 s4, $0xA;
	s7 =	sshll.u32 s4, $0x6;
	s26 =	sshrl.u32 s6, $0x1  }
0xe: {  	v0 =	vmul.u32 $0x10, v0;
	s5 =	sadd.s32 s5, s0;
	s0 =	sadd.s32 s7, s0;
	s8 =	ssub.s32 s6, s26  }
0xf: {  	s4 =	sadd.s32 $0x5800, s5;
	s5 =	sadd.s32 s1, s7;
	s6 =	sadd.s32 $0x1F6000, s0  }
0x10: {  	v1 =	vor.u32 $0x100, v0;
	v2 =	vor.u32 $0x200, v0;
	v3 =	vor.u32 $0x300, v0;
	s7 =	smax.u32 s8, $0x1;
	s8 =	simm.s32 $0x2;
	s0 =	simm.s32 $0x4A00  }
.LBB2_1:
0x11: {  	[tilespmem:s2], [sflag:$0x2] =	stream.linear.gather [hbm4b:s4+s2], $0x2000, $0x38;
	[tilespmem:$0x8200] =	vst v63  }
0x12: {  	_ =	swait.ge [sflag:s8], $0x2000  }
0x13: {  	[sflag:s8] =	ssyncset.done $0x0  }
0x14: {  	s1 =	simm.s32 $0x2000;
	[sflag:s8] =	ssyncadd.s32 $0xFFFFE000  }
0x15: {  	[tilespmem:s1], [sflag:$0x2] =	stream.linear.gather [hbm4b:s5+s2], $0x200, $0x38;
	[tilespmem:$0x8200] =	vst v63  }
0x16: {  	_ =	swait.ge [sflag:s8], $0x200  }
0x17: {  	[sflag:s8] =	ssyncset.done $0x0  }
0x18: {  	[sflag:s8] =	ssyncadd.s32 $0xFFFFFE00  }
0x19: {  	[tilespmem:s11], [sflag:$0x1] =	stream.indirect.gather [hbm4b:s3+s10], $0x10, s2, s10, $0xb8;
	[tilespmem:$0x8200] =	vst v63  }
0x1a: {  	_ = 	snop  }
0x1b: {  	[tilespmem:s13], [sflag:$0x1] =	stream.indirect.gather [hbm4b:s3+s10], $0x10, s12, s10, $0xb8;
	[tilespmem:$0x8200] =	vst v63  }
0x1c: {  	s14 =	simm.s32 $0x400  }
0x1d: {  	[tilespmem:s15], [sflag:$0x1] =	stream.indirect.gather [hbm4b:s3+s10], $0x10, s14, s10, $0xb8;
	[tilespmem:$0x8200] =	vst v63  }
0x1e: {  	s26 =	simm.s32 $0x600  }
0x1f: {  	[tilespmem:s17], [sflag:$0x1] =	stream.indirect.gather [hbm4b:s3+s10], $0x10, s26, s10, $0xb8;
	[tilespmem:$0x8200] =	vst v63  }
0x20: {  	s14 =	simm.s32 $0x800  }
0x21: {  	[tilespmem:s19], [sflag:$0x1] =	stream.indirect.gather [hbm4b:s3+s10], $0x10, s14, s10, $0xb8;
	[tilespmem:$0x8200] =	vst v63  }
0x22: {  	s26 =	simm.s32 $0xA00  }
0x23: {  	[tilespmem:s21], [sflag:$0x1] =	stream.indirect.gather [hbm4b:s3+s10], $0x10, s26, s10, $0xb8;
	[tilespmem:$0x8200] =	vst v63  }
0x24: {  	s14 =	simm.s32 $0xC00  }
0x25: {  	[tilespmem:s23], [sflag:$0x1] =	stream.indirect.gather [hbm4b:s3+s10], $0x10, s14, s10, $0xb8;
	[tilespmem:$0x8200] =	vst v63  }
0x26: {  	s26 =	simm.s32 $0xE00  }
0x27: {  	[tilespmem:s25], [sflag:$0x1] =	stream.indirect.gather [hbm4b:s3+s10], $0x10, s26, s10, $0xb8;
	[tilespmem:$0x8200] =	vst v63  }
0x28: {  	s14 =	simm.s32 $0x1000  }
0x29: {  	[tilespmem:s28], [sflag:$0x1] =	stream.indirect.gather [hbm4b:s3+s10], $0x10, s14, s10, $0xb8;
	[tilespmem:$0x8200] =	vst v63  }
0x2a: {  	s26 =	simm.s32 $0x1200  }
0x2b: {  	[tilespmem:s30], [sflag:$0x1] =	stream.indirect.gather [hbm4b:s3+s10], $0x10, s26, s10, $0xb8;
	[tilespmem:$0x8200] =	vst v63  }
0x2c: {  	s14 =	simm.s32 $0x1400  }
0x2d: {  	[tilespmem:s0], [sflag:$0x1] =	stream.indirect.gather [hbm4b:s3+s10], $0x10, s14, s10, $0xb8;
	[tilespmem:$0x8200] =	vst v63  }
0x2e: {  	s26 =	simm.s32 $0x1600  }
0x2f: {  	[tilespmem:s9], [sflag:$0x1] =	stream.indirect.gather [hbm4b:s3+s10], $0x10, s26, s10, $0xb8;
	[tilespmem:$0x8200] =	vst v63  }
0x30: {  	s14 =	simm.s32 $0x1800  }
0x31: {  	[tilespmem:s16], [sflag:$0x1] =	stream.indirect.gather [hbm4b:s3+s10], $0x10, s14, s10, $0xb8;
	[tilespmem:$0x8200] =	vst v63  }
0x32: {  	s26 =	simm.s32 $0x1A00  }
0x33: {  	[tilespmem:s20], [sflag:$0x1] =	stream.indirect.gather [hbm4b:s3+s10], $0x10, s26, s10, $0xb8;
	[tilespmem:$0x8200] =	vst v63  }
0x34: {  	s14 =	simm.s32 $0x1C00  }
0x35: {  	[tilespmem:s24], [sflag:$0x1] =	stream.indirect.gather [hbm4b:s3+s10], $0x10, s14, s10, $0xb8;
	[tilespmem:$0x8200] =	vst v63  }
0x36: {  	s26 =	simm.s32 $0x1E00  }
0x37: {  	[tilespmem:s29], [sflag:$0x1] =	stream.indirect.gather [hbm4b:s3+s10], $0x10, s26, s10, $0xb8;
	[tilespmem:$0x8200] =	vst v63  }
0x38: {  	_ =	swait.ge [sflag:s31], $0x400  }
0x39: {  	[sflag:s31] =	ssyncset.done $0x0  }
0x3a: {  	[sflag:s31] =	ssyncadd.s32 $0xFFFFFC00  }
0x3b: {  	_ =	swait.ge [sflag:s31], $0x400  }
0x3c: {  	[sflag:s31] =	ssyncset.done $0x0  }
0x3d: {  	[sflag:s31] =	ssyncadd.s32 $0xFFFFFC00  }
0x3e: {  	_ =	swait.ge [sflag:s31], $0x400  }
0x3f: {  	[sflag:s31] =	ssyncset.done $0x0  }
0x40: {  	[sflag:s31] =	ssyncadd.s32 $0xFFFFFC00  }
0x41: {  	_ =	swait.ge [sflag:s31], $0x400  }
0x42: {  	[sflag:s31] =	ssyncset.done $0x0  }
0x43: {  	[sflag:s31] =	ssyncadd.s32 $0xFFFFFC00  }
0x44: {  	_ =	swait.ge [sflag:s31], $0x400  }
0x45: {  	[sflag:s31] =	ssyncset.done $0x0  }
0x46: {  	[sflag:s31] =	ssyncadd.s32 $0xFFFFFC00  }
0x47: {  	_ =	swait.ge [sflag:s31], $0x400  }
0x48: {  	[sflag:s31] =	ssyncset.done $0x0  }
0x49: {  	[sflag:s31] =	ssyncadd.s32 $0xFFFFFC00  }
0x4a: {  	_ =	swait.ge [sflag:s31], $0x400  }
0x4b: {  	[sflag:s31] =	ssyncset.done $0x0  }
0x4c: {  	[sflag:s31] =	ssyncadd.s32 $0xFFFFFC00  }
0x4d: {  	_ =	swait.ge [sflag:s31], $0x400  }
0x4e: {  	[sflag:s31] =	ssyncset.done $0x0  }
0x4f: {  	[sflag:s31] =	ssyncadd.s32 $0xFFFFFC00  }
0x50: {  	_ =	swait.ge [sflag:s31], $0x400  }
0x51: {  	[sflag:s31] =	ssyncset.done $0x0  }
0x52: {  	[sflag:s31] =	ssyncadd.s32 $0xFFFFFC00  }
0x53: {  	_ =	swait.ge [sflag:s31], $0x400  }
0x54: {  	[sflag:s31] =	ssyncset.done $0x0  }
0x55: {  	[sflag:s31] =	ssyncadd.s32 $0xFFFFFC00  }
0x56: {  	_ =	swait.ge [sflag:s31], $0x400  }
0x57: {  	[sflag:s31] =	ssyncset.done $0x0  }
0x58: {  	[sflag:s31] =	ssyncadd.s32 $0xFFFFFC00  }
0x59: {  	_ =	swait.ge [sflag:s31], $0x400  }
0x5a: {  	[sflag:s31] =	ssyncset.done $0x0  }
0x5b: {  	[sflag:s31] =	ssyncadd.s32 $0xFFFFFC00  }
0x5c: {  	_ =	swait.ge [sflag:s31], $0x400  }
0x5d: {  	[sflag:s31] =	ssyncset.done $0x0  }
0x5e: {  	[sflag:s31] =	ssyncadd.s32 $0xFFFFFC00  }
0x5f: {  	_ =	swait.ge [sflag:s31], $0x400  }
0x60: {  	[sflag:s31] =	ssyncset.done $0x0  }
0x61: {  	[sflag:s31] =	ssyncadd.s32 $0xFFFFFC00  }
0x62: {  	_ =	swait.ge [sflag:s31], $0x400  }
0x63: {  	[sflag:s31] =	ssyncset.done $0x0  }
0x64: {  	[sflag:s31] =	ssyncadd.s32 $0xFFFFFC00  }
0x65: {  	_ =	swait.ge [sflag:s31], $0x400  }
0x66: {  	[sflag:s31] =	ssyncset.done $0x0  }
0x67: {  	s1 =	simm.s32 $0x0;
	s26 =	simm.s32 $0x6220;
	[sflag:s31] =	ssyncadd.s32 $0xFFFFFC00  }
.LBB2_2:
0x68: {  	v4 =	vld [tilespmem:$0x2000];
	_ =	sdelay $0x4  }
0x69: {  	s14 =	sshll.u32 s1, $0xA;
	v5 =	vand.u32 $0xFFFFFFF8, v4  }
0x6a: {  	v4 =	vand.u32 $0x7, v4;
	v5 =	vadd.s32 s14, v5  }
0x6b: {  	v4 =	vor.u32 v4, v5  }
0x6c: {  	v4 =	vadd.s32 v0, v4;
	_ =	sdelay $0x4  }
0x6d: {  	v4 =	vld.idx.msk [tilespmem:v4+s11+$0x0], $0xffff;
	_ =	sdelay $0x4  }
0x6e: {  	[tilespmem:s26+$0xFFFFFFE0] =	vst v4  }
0x6f: {  	v4 =	vld [tilespmem:$0x2010];
	_ =	sdelay $0x4  }
0x70: {  	v5 =	vand.u32 $0xFFFFFFF8, v4  }
0x71: {  	v4 =	vand.u32 $0x7, v4;
	v5 =	vadd.s32 s14, v5  }
0x72: {  	v4 =	vor.u32 v4, v5  }
0x73: {  	v4 =	vadd.s32 v1, v4;
	_ =	sdelay $0x4  }
0x74: {  	v4 =	vld.idx.msk [tilespmem:v4+s11+$0x0], $0xffff;
	_ =	sdelay $0x4  }
0x75: {  	[tilespmem:s26+$0xFFFFFFF0] =	vst v4  }
0x76: {  	v4 =	vld [tilespmem:$0x2020];
	_ =	sdelay $0x4  }
0x77: {  	v5 =	vand.u32 $0xFFFFFFF8, v4  }
0x78: {  	v4 =	vand.u32 $0x7, v4;
	v5 =	vadd.s32 s14, v5  }
0x79: {  	v4 =	vor.u32 v4, v5  }
0x7a: {  	v4 =	vadd.s32 v2, v4;
	_ =	sdelay $0x4  }
0x7b: {  	v4 =	vld.idx.msk [tilespmem:v4+s11+$0x0], $0xffff;
	_ =	sdelay $0x4  }
0x7c: {  	[tilespmem:s26+$0x0] =	vst v4  }
0x7d: {  	v4 =	vld [tilespmem:$0x2030];
	_ =	sdelay $0x4  }
0x7e: {  	v5 =	vand.u32 $0xFFFFFFF8, v4  }
0x7f: {  	v4 =	vand.u32 $0x7, v4;
	v5 =	vadd.s32 s14, v5  }
0x80: {  	v4 =	vor.u32 v4, v5  }
0x81: {  	v4 =	vadd.s32 v3, v4;
	_ =	sdelay $0x4  }
0x82: {  	p0 =	sne.s32 s1, $0xF;
	v4 =	vld.idx.msk [tilespmem:v4+s11+$0x0], $0xffff  }
.Ltmp0:
0x83: {  	_ = 	snop;
	(pc) =	sbr.rel @p0 .LBB2_2-.Ltmp0, $2  }
0x84: {  	_ =	sdelay $0x2  }
0x85: {  	s1 =	sadd.s32 $0x1, s1;
	[tilespmem:s26+$0x10] =	vst v4;
	s26 =	sadd.s32 $0x200, s26  }
0x86: {  	[tilespmem:s11], [sflag:$0x1] =	stream.indirect.gather [hbm4b:s3+s10], $0x10, s10, s10, $0xb8;
	[tilespmem:$0x8200] =	vst v63  }
0x87: {  	s1 =	simm.s32 $0x240  }
0x88: {  	[tilespmem:s13], [sflag:$0x1] =	stream.indirect.gather [hbm4b:s3+s10], $0x10, s1, s10, $0xb8;
	[tilespmem:$0x8200] =	vst v63  }
0x89: {  	s14 =	simm.s32 $0x440  }
0x8a: {  	[tilespmem:s15], [sflag:$0x1] =	stream.indirect.gather [hbm4b:s3+s10], $0x10, s14, s10, $0xb8;
	[tilespmem:$0x8200] =	vst v63  }
0x8b: {  	s26 =	simm.s32 $0x640  }
0x8c: {  	[tilespmem:s17], [sflag:$0x1] =	stream.indirect.gather [hbm4b:s3+s10], $0x10, s26, s10, $0xb8;
	[tilespmem:$0x8200] =	vst v63  }
0x8d: {  	s14 =	simm.s32 $0x840  }
0x8e: {  	[tilespmem:s19], [sflag:$0x1] =	stream.indirect.gather [hbm4b:s3+s10], $0x10, s14, s10, $0xb8;
	[tilespmem:$0x8200] =	vst v63  }
0x8f: {  	s26 =	simm.s32 $0xA40  }
0x90: {  	[tilespmem:s21], [sflag:$0x1] =	stream.indirect.gather [hbm4b:s3+s10], $0x10, s26, s10, $0xb8;
	[tilespmem:$0x8200] =	vst v63  }
0x91: {  	s14 =	simm.s32 $0xC40  }
0x92: {  	[tilespmem:s23], [sflag:$0x1] =	stream.indirect.gather [hbm4b:s3+s10], $0x10, s14, s10, $0xb8;
	[tilespmem:$0x8200] =	vst v63  }
0x93: {  	s26 =	simm.s32 $0xE40  }
0x94: {  	[tilespmem:s25], [sflag:$0x1] =	stream.indirect.gather [hbm4b:s3+s10], $0x10, s26, s10, $0xb8;
	[tilespmem:$0x8200] =	vst v63  }
0x95: {  	s14 =	simm.s32 $0x1040  }
0x96: {  	[tilespmem:s28], [sflag:$0x1] =	stream.indirect.gather [hbm4b:s3+s10], $0x10, s14, s10, $0xb8;
	[tilespmem:$0x8200] =	vst v63  }
0x97: {  	s26 =	simm.s32 $0x1240  }
0x98: {  	[tilespmem:s30], [sflag:$0x1] =	stream.indirect.gather [hbm4b:s3+s10], $0x10, s26, s10, $0xb8;
	[tilespmem:$0x8200] =	vst v63  }
0x99: {  	s14 =	simm.s32 $0x1440  }
0x9a: {  	[tilespmem:s0], [sflag:$0x1] =	stream.indirect.gather [hbm4b:s3+s10], $0x10, s14, s10, $0xb8;
	[tilespmem:$0x8200] =	vst v63  }
0x9b: {  	s26 =	simm.s32 $0x1640  }
0x9c: {  	[tilespmem:s9], [sflag:$0x1] =	stream.indirect.gather [hbm4b:s3+s10], $0x10, s26, s10, $0xb8;
	[tilespmem:$0x8200] =	vst v63  }
0x9d: {  	s14 =	simm.s32 $0x1840  }
0x9e: {  	[tilespmem:s16], [sflag:$0x1] =	stream.indirect.gather [hbm4b:s3+s10], $0x10, s14, s10, $0xb8;
	[tilespmem:$0x8200] =	vst v63  }
0x9f: {  	s26 =	simm.s32 $0x1A40  }
0xa0: {  	[tilespmem:s20], [sflag:$0x1] =	stream.indirect.gather [hbm4b:s3+s10], $0x10, s26, s10, $0xb8;
	[tilespmem:$0x8200] =	vst v63  }
0xa1: {  	s14 =	simm.s32 $0x1C40  }
0xa2: {  	[tilespmem:s24], [sflag:$0x1] =	stream.indirect.gather [hbm4b:s3+s10], $0x10, s14, s10, $0xb8;
	[tilespmem:$0x8200] =	vst v63  }
0xa3: {  	s26 =	simm.s32 $0x1E40  }
0xa4: {  	[tilespmem:s29], [sflag:$0x1] =	stream.indirect.gather [hbm4b:s3+s10], $0x10, s26, s10, $0xb8;
	[tilespmem:$0x8200] =	vst v63  }
0xa5: {  	_ =	swait.ge [sflag:s31], $0x400  }
0xa6: {  	[sflag:s31] =	ssyncset.done $0x0  }
0xa7: {  	[sflag:s31] =	ssyncadd.s32 $0xFFFFFC00  }
0xa8: {  	_ =	swait.ge [sflag:s31], $0x400  }
0xa9: {  	[sflag:s31] =	ssyncset.done $0x0  }
0xaa: {  	[sflag:s31] =	ssyncadd.s32 $0xFFFFFC00  }
0xab: {  	_ =	swait.ge [sflag:s31], $0x400  }
0xac: {  	[sflag:s31] =	ssyncset.done $0x0  }
0xad: {  	[sflag:s31] =	ssyncadd.s32 $0xFFFFFC00  }
0xae: {  	_ =	swait.ge [sflag:s31], $0x400  }
0xaf: {  	[sflag:s31] =	ssyncset.done $0x0  }
0xb0: {  	[sflag:s31] =	ssyncadd.s32 $0xFFFFFC00  }
0xb1: {  	_ =	swait.ge [sflag:s31], $0x400  }
0xb2: {  	[sflag:s31] =	ssyncset.done $0x0  }
0xb3: {  	[sflag:s31] =	ssyncadd.s32 $0xFFFFFC00  }
0xb4: {  	_ =	swait.ge [sflag:s31], $0x400  }
0xb5: {  	[sflag:s31] =	ssyncset.done $0x0  }
0xb6: {  	[sflag:s31] =	ssyncadd.s32 $0xFFFFFC00  }
0xb7: {  	_ =	swait.ge [sflag:s31], $0x400  }
0xb8: {  	[sflag:s31] =	ssyncset.done $0x0  }
0xb9: {  	[sflag:s31] =	ssyncadd.s32 $0xFFFFFC00  }
0xba: {  	_ =	swait.ge [sflag:s31], $0x400  }
0xbb: {  	[sflag:s31] =	ssyncset.done $0x0  }
0xbc: {  	[sflag:s31] =	ssyncadd.s32 $0xFFFFFC00  }
0xbd: {  	_ =	swait.ge [sflag:s31], $0x400  }
0xbe: {  	[sflag:s31] =	ssyncset.done $0x0  }
0xbf: {  	[sflag:s31] =	ssyncadd.s32 $0xFFFFFC00  }
0xc0: {  	_ =	swait.ge [sflag:s31], $0x400  }
0xc1: {  	[sflag:s31] =	ssyncset.done $0x0  }
0xc2: {  	[sflag:s31] =	ssyncadd.s32 $0xFFFFFC00  }
0xc3: {  	_ =	swait.ge [sflag:s31], $0x400  }
0xc4: {  	[sflag:s31] =	ssyncset.done $0x0  }
0xc5: {  	[sflag:s31] =	ssyncadd.s32 $0xFFFFFC00  }
0xc6: {  	_ =	swait.ge [sflag:s31], $0x400  }
0xc7: {  	[sflag:s31] =	ssyncset.done $0x0  }
0xc8: {  	[sflag:s31] =	ssyncadd.s32 $0xFFFFFC00  }
0xc9: {  	_ =	swait.ge [sflag:s31], $0x400  }
0xca: {  	[sflag:s31] =	ssyncset.done $0x0  }
0xcb: {  	[sflag:s31] =	ssyncadd.s32 $0xFFFFFC00  }
0xcc: {  	_ =	swait.ge [sflag:s31], $0x400  }
0xcd: {  	[sflag:s31] =	ssyncset.done $0x0  }
0xce: {  	[sflag:s31] =	ssyncadd.s32 $0xFFFFFC00  }
0xcf: {  	_ =	swait.ge [sflag:s31], $0x400  }
0xd0: {  	[sflag:s31] =	ssyncset.done $0x0  }
0xd1: {  	[sflag:s31] =	ssyncadd.s32 $0xFFFFFC00  }
0xd2: {  	_ =	swait.ge [sflag:s31], $0x400  }
0xd3: {  	[sflag:s31] =	ssyncset.done $0x0  }
0xd4: {  	s1 =	simm.s32 $0x6270;
	s26 =	simm.s32 $0x0;
	[sflag:s31] =	ssyncadd.s32 $0xFFFFFC00  }
.LBB2_4:
0xd5: {  	v4 =	vld [tilespmem:$0x2040];
	_ =	sdelay $0x4  }
0xd6: {  	s14 =	sshll.u32 s26, $0xA;
	v5 =	vand.u32 $0xFFFFFFF8, v4  }
0xd7: {  	v4 =	vand.u32 $0x7, v4;
	v5 =	vadd.s32 s14, v5  }
0xd8: {  	v4 =	vor.u32 v4, v5  }
0xd9: {  	v4 =	vadd.s32 v0, v4;
	_ =	sdelay $0x4  }
0xda: {  	v4 =	vld.idx.msk [tilespmem:v4+s11+$0x0], $0xffff;
	_ =	sdelay $0x4  }
0xdb: {  	[tilespmem:s1+$0xFFFFFFD0] =	vst v4  }
0xdc: {  	v4 =	vld [tilespmem:$0x2050];
	_ =	sdelay $0x4  }
0xdd: {  	v5 =	vand.u32 $0xFFFFFFF8, v4  }
0xde: {  	v4 =	vand.u32 $0x7, v4;
	v5 =	vadd.s32 s14, v5  }
0xdf: {  	v4 =	vor.u32 v4, v5  }
0xe0: {  	v4 =	vadd.s32 v1, v4;
	_ =	sdelay $0x4  }
0xe1: {  	v4 =	vld.idx.msk [tilespmem:v4+s11+$0x0], $0xffff;
	_ =	sdelay $0x4  }
0xe2: {  	[tilespmem:s1+$0xFFFFFFE0] =	vst v4  }
0xe3: {  	v4 =	vld [tilespmem:$0x2060];
	_ =	sdelay $0x4  }
0xe4: {  	v5 =	vand.u32 $0xFFFFFFF8, v4  }
0xe5: {  	v4 =	vand.u32 $0x7, v4;
	v5 =	vadd.s32 s14, v5  }
0xe6: {  	v4 =	vor.u32 v4, v5  }
0xe7: {  	v4 =	vadd.s32 v2, v4;
	_ =	sdelay $0x4  }
0xe8: {  	v4 =	vld.idx.msk [tilespmem:v4+s11+$0x0], $0xffff;
	_ =	sdelay $0x4  }
0xe9: {  	[tilespmem:s1+$0xFFFFFFF0] =	vst v4  }
0xea: {  	v4 =	vld [tilespmem:$0x2070];
	_ =	sdelay $0x4  }
0xeb: {  	v5 =	vand.u32 $0xFFFFFFF8, v4  }
0xec: {  	v4 =	vand.u32 $0x7, v4;
	v5 =	vadd.s32 s14, v5  }
0xed: {  	v4 =	vor.u32 v4, v5  }
0xee: {  	v4 =	vadd.s32 v3, v4;
	_ =	sdelay $0x4  }
0xef: {  	p0 =	sne.s32 s26, $0xF;
	v4 =	vld.idx.msk [tilespmem:v4+s11+$0x0], $0xffff  }
.Ltmp1:
0xf0: {  	_ = 	snop;
	(pc) =	sbr.rel @p0 .LBB2_4-.Ltmp1, $2  }
0xf1: {  	_ =	sdelay $0x2  }
0xf2: {  	s26 =	sadd.s32 $0x1, s26;
	[tilespmem:s1+$0x0] =	vst v4;
	s1 =	sadd.s32 $0x200, s1  }
0xf3: {  	s1 =	simm.s32 $0x80  }
0xf4: {  	[tilespmem:s11], [sflag:$0x1] =	stream.indirect.gather [hbm4b:s3+s10], $0x10, s1, s10, $0xb8;
	[tilespmem:$0x8200] =	vst v63  }
0xf5: {  	s26 =	simm.s32 $0x280  }
0xf6: {  	[tilespmem:s13], [sflag:$0x1] =	stream.indirect.gather [hbm4b:s3+s10], $0x10, s26, s10, $0xb8;
	[tilespmem:$0x8200] =	vst v63  }
0xf7: {  	s14 =	simm.s32 $0x480  }
0xf8: {  	[tilespmem:s15], [sflag:$0x1] =	stream.indirect.gather [hbm4b:s3+s10], $0x10, s14, s10, $0xb8;
	[tilespmem:$0x8200] =	vst v63  }
0xf9: {  	s26 =	simm.s32 $0x680  }
0xfa: {  	[tilespmem:s17], [sflag:$0x1] =	stream.indirect.gather [hbm4b:s3+s10], $0x10, s26, s10, $0xb8;
	[tilespmem:$0x8200] =	vst v63  }
0xfb: {  	s14 =	simm.s32 $0x880  }
0xfc: {  	[tilespmem:s19], [sflag:$0x1] =	stream.indirect.gather [hbm4b:s3+s10], $0x10, s14, s10, $0xb8;
	[tilespmem:$0x8200] =	vst v63  }
0xfd: {  	s26 =	simm.s32 $0xA80  }
0xfe: {  	[tilespmem:s21], [sflag:$0x1] =	stream.indirect.gather [hbm4b:s3+s10], $0x10, s26, s10, $0xb8;
	[tilespmem:$0x8200] =	vst v63  }
0xff: {  	s14 =	simm.s32 $0xC80  }
0x100: {  	[tilespmem:s23], [sflag:$0x1] =	stream.indirect.gather [hbm4b:s3+s10], $0x10, s14, s10, $0xb8;
	[tilespmem:$0x8200] =	vst v63  }
0x101: {  	s26 =	simm.s32 $0xE80  }
0x102: {  	[tilespmem:s25], [sflag:$0x1] =	stream.indirect.gather [hbm4b:s3+s10], $0x10, s26, s10, $0xb8;
	[tilespmem:$0x8200] =	vst v63  }
0x103: {  	s14 =	simm.s32 $0x1080  }
0x104: {  	[tilespmem:s28], [sflag:$0x1] =	stream.indirect.gather [hbm4b:s3+s10], $0x10, s14, s10, $0xb8;
	[tilespmem:$0x8200] =	vst v63  }
0x105: {  	s26 =	simm.s32 $0x1280  }
0x106: {  	[tilespmem:s30], [sflag:$0x1] =	stream.indirect.gather [hbm4b:s3+s10], $0x10, s26, s10, $0xb8;
	[tilespmem:$0x8200] =	vst v63  }
0x107: {  	s14 =	simm.s32 $0x1480  }
0x108: {  	[tilespmem:s0], [sflag:$0x1] =	stream.indirect.gather [hbm4b:s3+s10], $0x10, s14, s10, $0xb8;
	[tilespmem:$0x8200] =	vst v63  }
0x109: {  	s26 =	simm.s32 $0x1680  }
0x10a: {  	[tilespmem:s9], [sflag:$0x1] =	stream.indirect.gather [hbm4b:s3+s10], $0x10, s26, s10, $0xb8;
	[tilespmem:$0x8200] =	vst v63  }
0x10b: {  	s14 =	simm.s32 $0x1880  }
0x10c: {  	[tilespmem:s16], [sflag:$0x1] =	stream.indirect.gather [hbm4b:s3+s10], $0x10, s14, s10, $0xb8;
	[tilespmem:$0x8200] =	vst v63  }
0x10d: {  	s26 =	simm.s32 $0x1A80  }
0x10e: {  	[tilespmem:s20], [sflag:$0x1] =	stream.indirect.gather [hbm4b:s3+s10], $0x10, s26, s10, $0xb8;
	[tilespmem:$0x8200] =	vst v63  }
0x10f: {  	s14 =	simm.s32 $0x1C80  }
0x110: {  	[tilespmem:s24], [sflag:$0x1] =	stream.indirect.gather [hbm4b:s3+s10], $0x10, s14, s10, $0xb8;
	[tilespmem:$0x8200] =	vst v63  }
0x111: {  	s26 =	simm.s32 $0x1E80  }
0x112: {  	[tilespmem:s29], [sflag:$0x1] =	stream.indirect.gather [hbm4b:s3+s10], $0x10, s26, s10, $0xb8;
	[tilespmem:$0x8200] =	vst v63  }
0x113: {  	_ =	swait.ge [sflag:s31], $0x400  }
0x114: {  	[sflag:s31] =	ssyncset.done $0x0  }
0x115: {  	[sflag:s31] =	ssyncadd.s32 $0xFFFFFC00  }
0x116: {  	_ =	swait.ge [sflag:s31], $0x400  }
0x117: {  	[sflag:s31] =	ssyncset.done $0x0  }
0x118: {  	[sflag:s31] =	ssyncadd.s32 $0xFFFFFC00  }
0x119: {  	_ =	swait.ge [sflag:s31], $0x400  }
0x11a: {  	[sflag:s31] =	ssyncset.done $0x0  }
0x11b: {  	[sflag:s31] =	ssyncadd.s32 $0xFFFFFC00  }
0x11c: {  	_ =	swait.ge [sflag:s31], $0x400  }
0x11d: {  	[sflag:s31] =	ssyncset.done $0x0  }
0x11e: {  	[sflag:s31] =	ssyncadd.s32 $0xFFFFFC00  }
0x11f: {  	_ =	swait.ge [sflag:s31], $0x400  }
0x120: {  	[sflag:s31] =	ssyncset.done $0x0  }
0x121: {  	[sflag:s31] =	ssyncadd.s32 $0xFFFFFC00  }
0x122: {  	_ =	swait.ge [sflag:s31], $0x400  }
0x123: {  	[sflag:s31] =	ssyncset.done $0x0  }
0x124: {  	[sflag:s31] =	ssyncadd.s32 $0xFFFFFC00  }
0x125: {  	_ =	swait.ge [sflag:s31], $0x400  }
0x126: {  	[sflag:s31] =	ssyncset.done $0x0  }
0x127: {  	[sflag:s31] =	ssyncadd.s32 $0xFFFFFC00  }
0x128: {  	_ =	swait.ge [sflag:s31], $0x400  }
0x129: {  	[sflag:s31] =	ssyncset.done $0x0  }
0x12a: {  	[sflag:s31] =	ssyncadd.s32 $0xFFFFFC00  }
0x12b: {  	_ =	swait.ge [sflag:s31], $0x400  }
0x12c: {  	[sflag:s31] =	ssyncset.done $0x0  }
0x12d: {  	[sflag:s31] =	ssyncadd.s32 $0xFFFFFC00  }
0x12e: {  	_ =	swait.ge [sflag:s31], $0x400  }
0x12f: {  	[sflag:s31] =	ssyncset.done $0x0  }
0x130: {  	[sflag:s31] =	ssyncadd.s32 $0xFFFFFC00  }
0x131: {  	_ =	swait.ge [sflag:s31], $0x400  }
0x132: {  	[sflag:s31] =	ssyncset.done $0x0  }
0x133: {  	[sflag:s31] =	ssyncadd.s32 $0xFFFFFC00  }
0x134: {  	_ =	swait.ge [sflag:s31], $0x400  }
0x135: {  	[sflag:s31] =	ssyncset.done $0x0  }
0x136: {  	[sflag:s31] =	ssyncadd.s32 $0xFFFFFC00  }
0x137: {  	_ =	swait.ge [sflag:s31], $0x400  }
0x138: {  	[sflag:s31] =	ssyncset.done $0x0  }
0x139: {  	[sflag:s31] =	ssyncadd.s32 $0xFFFFFC00  }
0x13a: {  	_ =	swait.ge [sflag:s31], $0x400  }
0x13b: {  	[sflag:s31] =	ssyncset.done $0x0  }
0x13c: {  	[sflag:s31] =	ssyncadd.s32 $0xFFFFFC00  }
0x13d: {  	_ =	swait.ge [sflag:s31], $0x400  }
0x13e: {  	[sflag:s31] =	ssyncset.done $0x0  }
0x13f: {  	[sflag:s31] =	ssyncadd.s32 $0xFFFFFC00  }
0x140: {  	_ =	swait.ge [sflag:s31], $0x400  }
0x141: {  	[sflag:s31] =	ssyncset.done $0x0  }
0x142: {  	s1 =	simm.s32 $0x62B0;
	s26 =	simm.s32 $0x0;
	[sflag:s31] =	ssyncadd.s32 $0xFFFFFC00  }
.LBB2_6:
0x143: {  	v4 =	vld [tilespmem:$0x2080];
	_ =	sdelay $0x4  }
0x144: {  	s14 =	sshll.u32 s26, $0xA;
	v5 =	vand.u32 $0xFFFFFFF8, v4  }
0x145: {  	v4 =	vand.u32 $0x7, v4;
	v5 =	vadd.s32 s14, v5  }
0x146: {  	v4 =	vor.u32 v4, v5  }
0x147: {  	v4 =	vadd.s32 v0, v4;
	_ =	sdelay $0x4  }
0x148: {  	v4 =	vld.idx.msk [tilespmem:v4+s11+$0x0], $0xffff;
	_ =	sdelay $0x4  }
0x149: {  	[tilespmem:s1+$0xFFFFFFD0] =	vst v4  }
0x14a: {  	v4 =	vld [tilespmem:$0x2090];
	_ =	sdelay $0x4  }
0x14b: {  	v5 =	vand.u32 $0xFFFFFFF8, v4  }
0x14c: {  	v4 =	vand.u32 $0x7, v4;
	v5 =	vadd.s32 s14, v5  }
0x14d: {  	v4 =	vor.u32 v4, v5  }
0x14e: {  	v4 =	vadd.s32 v1, v4;
	_ =	sdelay $0x4  }
0x14f: {  	v4 =	vld.idx.msk [tilespmem:v4+s11+$0x0], $0xffff;
	_ =	sdelay $0x4  }
0x150: {  	[tilespmem:s1+$0xFFFFFFE0] =	vst v4  }
0x151: {  	v4 =	vld [tilespmem:$0x20A0];
	_ =	sdelay $0x4  }
0x152: {  	v5 =	vand.u32 $0xFFFFFFF8, v4  }
0x153: {  	v4 =	vand.u32 $0x7, v4;
	v5 =	vadd.s32 s14, v5  }
0x154: {  	v4 =	vor.u32 v4, v5  }
0x155: {  	v4 =	vadd.s32 v2, v4;
	_ =	sdelay $0x4  }
0x156: {  	v4 =	vld.idx.msk [tilespmem:v4+s11+$0x0], $0xffff;
	_ =	sdelay $0x4  }
0x157: {  	[tilespmem:s1+$0xFFFFFFF0] =	vst v4  }
0x158: {  	v4 =	vld [tilespmem:$0x20B0];
	_ =	sdelay $0x4  }
0x159: {  	v5 =	vand.u32 $0xFFFFFFF8, v4  }
0x15a: {  	v4 =	vand.u32 $0x7, v4;
	v5 =	vadd.s32 s14, v5  }
0x15b: {  	v4 =	vor.u32 v4, v5  }
0x15c: {  	v4 =	vadd.s32 v3, v4;
	_ =	sdelay $0x4  }
0x15d: {  	p0 =	sne.s32 s26, $0xF;
	v4 =	vld.idx.msk [tilespmem:v4+s11+$0x0], $0xffff  }
.Ltmp2:
0x15e: {  	_ = 	snop;
	(pc) =	sbr.rel @p0 .LBB2_6-.Ltmp2, $2  }
0x15f: {  	_ =	sdelay $0x2  }
0x160: {  	s26 =	sadd.s32 $0x1, s26;
	[tilespmem:s1+$0x0] =	vst v4;
	s1 =	sadd.s32 $0x200, s1  }
0x161: {  	s1 =	simm.s32 $0xC0  }
0x162: {  	[tilespmem:s11], [sflag:$0x1] =	stream.indirect.gather [hbm4b:s3+s10], $0x10, s1, s10, $0xb8;
	[tilespmem:$0x8200] =	vst v63  }
0x163: {  	s26 =	simm.s32 $0x2C0  }
0x164: {  	[tilespmem:s13], [sflag:$0x1] =	stream.indirect.gather [hbm4b:s3+s10], $0x10, s26, s10, $0xb8;
	[tilespmem:$0x8200] =	vst v63  }
0x165: {  	s14 =	simm.s32 $0x4C0  }
0x166: {  	[tilespmem:s15], [sflag:$0x1] =	stream.indirect.gather [hbm4b:s3+s10], $0x10, s14, s10, $0xb8;
	[tilespmem:$0x8200] =	vst v63  }
0x167: {  	s26 =	simm.s32 $0x6C0  }
0x168: {  	[tilespmem:s17], [sflag:$0x1] =	stream.indirect.gather [hbm4b:s3+s10], $0x10, s26, s10, $0xb8;
	[tilespmem:$0x8200] =	vst v63  }
0x169: {  	s14 =	simm.s32 $0x8C0  }
0x16a: {  	[tilespmem:s19], [sflag:$0x1] =	stream.indirect.gather [hbm4b:s3+s10], $0x10, s14, s10, $0xb8;
	[tilespmem:$0x8200] =	vst v63  }
0x16b: {  	s26 =	simm.s32 $0xAC0  }
0x16c: {  	[tilespmem:s21], [sflag:$0x1] =	stream.indirect.gather [hbm4b:s3+s10], $0x10, s26, s10, $0xb8;
	[tilespmem:$0x8200] =	vst v63  }
0x16d: {  	s14 =	simm.s32 $0xCC0  }
0x16e: {  	[tilespmem:s23], [sflag:$0x1] =	stream.indirect.gather [hbm4b:s3+s10], $0x10, s14, s10, $0xb8;
	[tilespmem:$0x8200] =	vst v63  }
0x16f: {  	s26 =	simm.s32 $0xEC0  }
0x170: {  	[tilespmem:s25], [sflag:$0x1] =	stream.indirect.gather [hbm4b:s3+s10], $0x10, s26, s10, $0xb8;
	[tilespmem:$0x8200] =	vst v63  }
0x171: {  	s14 =	simm.s32 $0x10C0  }
0x172: {  	[tilespmem:s28], [sflag:$0x1] =	stream.indirect.gather [hbm4b:s3+s10], $0x10, s14, s10, $0xb8;
	[tilespmem:$0x8200] =	vst v63  }
0x173: {  	s26 =	simm.s32 $0x12C0  }
0x174: {  	[tilespmem:s30], [sflag:$0x1] =	stream.indirect.gather [hbm4b:s3+s10], $0x10, s26, s10, $0xb8;
	[tilespmem:$0x8200] =	vst v63  }
0x175: {  	s14 =	simm.s32 $0x14C0  }
0x176: {  	[tilespmem:s0], [sflag:$0x1] =	stream.indirect.gather [hbm4b:s3+s10], $0x10, s14, s10, $0xb8;
	[tilespmem:$0x8200] =	vst v63  }
0x177: {  	s26 =	simm.s32 $0x16C0  }
0x178: {  	[tilespmem:s9], [sflag:$0x1] =	stream.indirect.gather [hbm4b:s3+s10], $0x10, s26, s10, $0xb8;
	[tilespmem:$0x8200] =	vst v63  }
0x179: {  	s14 =	simm.s32 $0x18C0  }
0x17a: {  	[tilespmem:s16], [sflag:$0x1] =	stream.indirect.gather [hbm4b:s3+s10], $0x10, s14, s10, $0xb8;
	[tilespmem:$0x8200] =	vst v63  }
0x17b: {  	s26 =	simm.s32 $0x1AC0  }
0x17c: {  	[tilespmem:s20], [sflag:$0x1] =	stream.indirect.gather [hbm4b:s3+s10], $0x10, s26, s10, $0xb8;
	[tilespmem:$0x8200] =	vst v63  }
0x17d: {  	s14 =	simm.s32 $0x1CC0  }
0x17e: {  	[tilespmem:s24], [sflag:$0x1] =	stream.indirect.gather [hbm4b:s3+s10], $0x10, s14, s10, $0xb8;
	[tilespmem:$0x8200] =	vst v63  }
0x17f: {  	s26 =	simm.s32 $0x1EC0  }
0x180: {  	[tilespmem:s29], [sflag:$0x1] =	stream.indirect.gather [hbm4b:s3+s10], $0x10, s26, s10, $0xb8;
	[tilespmem:$0x8200] =	vst v63  }
0x181: {  	_ =	swait.ge [sflag:s31], $0x400  }
0x182: {  	[sflag:s31] =	ssyncset.done $0x0  }
0x183: {  	[sflag:s31] =	ssyncadd.s32 $0xFFFFFC00  }
0x184: {  	_ =	swait.ge [sflag:s31], $0x400  }
0x185: {  	[sflag:s31] =	ssyncset.done $0x0  }
0x186: {  	[sflag:s31] =	ssyncadd.s32 $0xFFFFFC00  }
0x187: {  	_ =	swait.ge [sflag:s31], $0x400  }
0x188: {  	[sflag:s31] =	ssyncset.done $0x0  }
0x189: {  	[sflag:s31] =	ssyncadd.s32 $0xFFFFFC00  }
0x18a: {  	_ =	swait.ge [sflag:s31], $0x400  }
0x18b: {  	[sflag:s31] =	ssyncset.done $0x0  }
0x18c: {  	[sflag:s31] =	ssyncadd.s32 $0xFFFFFC00  }
0x18d: {  	_ =	swait.ge [sflag:s31], $0x400  }
0x18e: {  	[sflag:s31] =	ssyncset.done $0x0  }
0x18f: {  	[sflag:s31] =	ssyncadd.s32 $0xFFFFFC00  }
0x190: {  	_ =	swait.ge [sflag:s31], $0x400  }
0x191: {  	[sflag:s31] =	ssyncset.done $0x0  }
0x192: {  	[sflag:s31] =	ssyncadd.s32 $0xFFFFFC00  }
0x193: {  	_ =	swait.ge [sflag:s31], $0x400  }
0x194: {  	[sflag:s31] =	ssyncset.done $0x0  }
0x195: {  	[sflag:s31] =	ssyncadd.s32 $0xFFFFFC00  }
0x196: {  	_ =	swait.ge [sflag:s31], $0x400  }
0x197: {  	[sflag:s31] =	ssyncset.done $0x0  }
0x198: {  	[sflag:s31] =	ssyncadd.s32 $0xFFFFFC00  }
0x199: {  	_ =	swait.ge [sflag:s31], $0x400  }
0x19a: {  	[sflag:s31] =	ssyncset.done $0x0  }
0x19b: {  	[sflag:s31] =	ssyncadd.s32 $0xFFFFFC00  }
0x19c: {  	_ =	swait.ge [sflag:s31], $0x400  }
0x19d: {  	[sflag:s31] =	ssyncset.done $0x0  }
0x19e: {  	[sflag:s31] =	ssyncadd.s32 $0xFFFFFC00  }
0x19f: {  	_ =	swait.ge [sflag:s31], $0x400  }
0x1a0: {  	[sflag:s31] =	ssyncset.done $0x0  }
0x1a1: {  	[sflag:s31] =	ssyncadd.s32 $0xFFFFFC00  }
0x1a2: {  	_ =	swait.ge [sflag:s31], $0x400  }
0x1a3: {  	[sflag:s31] =	ssyncset.done $0x0  }
0x1a4: {  	[sflag:s31] =	ssyncadd.s32 $0xFFFFFC00  }
0x1a5: {  	_ =	swait.ge [sflag:s31], $0x400  }
0x1a6: {  	[sflag:s31] =	ssyncset.done $0x0  }
0x1a7: {  	[sflag:s31] =	ssyncadd.s32 $0xFFFFFC00  }
0x1a8: {  	_ =	swait.ge [sflag:s31], $0x400  }
0x1a9: {  	[sflag:s31] =	ssyncset.done $0x0  }
0x1aa: {  	[sflag:s31] =	ssyncadd.s32 $0xFFFFFC00  }
0x1ab: {  	_ =	swait.ge [sflag:s31], $0x400  }
0x1ac: {  	[sflag:s31] =	ssyncset.done $0x0  }
0x1ad: {  	[sflag:s31] =	ssyncadd.s32 $0xFFFFFC00  }
0x1ae: {  	_ =	swait.ge [sflag:s31], $0x400  }
0x1af: {  	[sflag:s31] =	ssyncset.done $0x0  }
0x1b0: {  	s1 =	simm.s32 $0x62F0;
	s26 =	simm.s32 $0x0;
	[sflag:s31] =	ssyncadd.s32 $0xFFFFFC00  }
.LBB2_8:
0x1b1: {  	v4 =	vld [tilespmem:$0x20C0];
	_ =	sdelay $0x4  }
0x1b2: {  	s14 =	sshll.u32 s26, $0xA;
	v5 =	vand.u32 $0xFFFFFFF8, v4  }
0x1b3: {  	v4 =	vand.u32 $0x7, v4;
	v5 =	vadd.s32 s14, v5  }
0x1b4: {  	v4 =	vor.u32 v4, v5  }
0x1b5: {  	v4 =	vadd.s32 v0, v4;
	_ =	sdelay $0x4  }
0x1b6: {  	v4 =	vld.idx.msk [tilespmem:v4+s11+$0x0], $0xffff;
	_ =	sdelay $0x4  }
0x1b7: {  	[tilespmem:s1+$0xFFFFFFD0] =	vst v4  }
0x1b8: {  	v4 =	vld [tilespmem:$0x20D0];
	_ =	sdelay $0x4  }
0x1b9: {  	v5 =	vand.u32 $0xFFFFFFF8, v4  }
0x1ba: {  	v4 =	vand.u32 $0x7, v4;
	v5 =	vadd.s32 s14, v5  }
0x1bb: {  	v4 =	vor.u32 v4, v5  }
0x1bc: {  	v4 =	vadd.s32 v1, v4;
	_ =	sdelay $0x4  }
0x1bd: {  	v4 =	vld.idx.msk [tilespmem:v4+s11+$0x0], $0xffff;
	_ =	sdelay $0x4  }
0x1be: {  	[tilespmem:s1+$0xFFFFFFE0] =	vst v4  }
0x1bf: {  	v4 =	vld [tilespmem:$0x20E0];
	_ =	sdelay $0x4  }
0x1c0: {  	v5 =	vand.u32 $0xFFFFFFF8, v4  }
0x1c1: {  	v4 =	vand.u32 $0x7, v4;
	v5 =	vadd.s32 s14, v5  }
0x1c2: {  	v4 =	vor.u32 v4, v5  }
0x1c3: {  	v4 =	vadd.s32 v2, v4;
	_ =	sdelay $0x4  }
0x1c4: {  	v4 =	vld.idx.msk [tilespmem:v4+s11+$0x0], $0xffff;
	_ =	sdelay $0x4  }
0x1c5: {  	[tilespmem:s1+$0xFFFFFFF0] =	vst v4  }
0x1c6: {  	v4 =	vld [tilespmem:$0x20F0];
	_ =	sdelay $0x4  }
0x1c7: {  	v5 =	vand.u32 $0xFFFFFFF8, v4  }
0x1c8: {  	v4 =	vand.u32 $0x7, v4;
	v5 =	vadd.s32 s14, v5  }
0x1c9: {  	v4 =	vor.u32 v4, v5  }
0x1ca: {  	v4 =	vadd.s32 v3, v4;
	_ =	sdelay $0x4  }
0x1cb: {  	p0 =	sne.s32 s26, $0xF;
	v4 =	vld.idx.msk [tilespmem:v4+s11+$0x0], $0xffff  }
.Ltmp3:
0x1cc: {  	_ = 	snop;
	(pc) =	sbr.rel @p0 .LBB2_8-.Ltmp3, $2  }
0x1cd: {  	_ =	sdelay $0x2  }
0x1ce: {  	s26 =	sadd.s32 $0x1, s26;
	[tilespmem:s1+$0x0] =	vst v4;
	s1 =	sadd.s32 $0x200, s1  }
0x1cf: {  	s1 =	simm.s32 $0x100  }
0x1d0: {  	[tilespmem:s11], [sflag:$0x1] =	stream.indirect.gather [hbm4b:s3+s10], $0x10, s1, s10, $0xb8;
	[tilespmem:$0x8200] =	vst v63  }
0x1d1: {  	s26 =	simm.s32 $0x300  }
0x1d2: {  	[tilespmem:s13], [sflag:$0x1] =	stream.indirect.gather [hbm4b:s3+s10], $0x10, s26, s10, $0xb8;
	[tilespmem:$0x8200] =	vst v63  }
0x1d3: {  	s14 =	simm.s32 $0x500  }
0x1d4: {  	[tilespmem:s15], [sflag:$0x1] =	stream.indirect.gather [hbm4b:s3+s10], $0x10, s14, s10, $0xb8;
	[tilespmem:$0x8200] =	vst v63  }
0x1d5: {  	s26 =	simm.s32 $0x700  }
0x1d6: {  	[tilespmem:s17], [sflag:$0x1] =	stream.indirect.gather [hbm4b:s3+s10], $0x10, s26, s10, $0xb8;
	[tilespmem:$0x8200] =	vst v63  }
0x1d7: {  	s14 =	simm.s32 $0x900  }
0x1d8: {  	[tilespmem:s19], [sflag:$0x1] =	stream.indirect.gather [hbm4b:s3+s10], $0x10, s14, s10, $0xb8;
	[tilespmem:$0x8200] =	vst v63  }
0x1d9: {  	s26 =	simm.s32 $0xB00  }
0x1da: {  	[tilespmem:s21], [sflag:$0x1] =	stream.indirect.gather [hbm4b:s3+s10], $0x10, s26, s10, $0xb8;
	[tilespmem:$0x8200] =	vst v63  }
0x1db: {  	s14 =	simm.s32 $0xD00  }
0x1dc: {  	[tilespmem:s23], [sflag:$0x1] =	stream.indirect.gather [hbm4b:s3+s10], $0x10, s14, s10, $0xb8;
	[tilespmem:$0x8200] =	vst v63  }
0x1dd: {  	s26 =	simm.s32 $0xF00  }
0x1de: {  	[tilespmem:s25], [sflag:$0x1] =	stream.indirect.gather [hbm4b:s3+s10], $0x10, s26, s10, $0xb8;
	[tilespmem:$0x8200] =	vst v63  }
0x1df: {  	s14 =	simm.s32 $0x1100  }
0x1e0: {  	[tilespmem:s28], [sflag:$0x1] =	stream.indirect.gather [hbm4b:s3+s10], $0x10, s14, s10, $0xb8;
	[tilespmem:$0x8200] =	vst v63  }
0x1e1: {  	s26 =	simm.s32 $0x1300  }
0x1e2: {  	[tilespmem:s30], [sflag:$0x1] =	stream.indirect.gather [hbm4b:s3+s10], $0x10, s26, s10, $0xb8;
	[tilespmem:$0x8200] =	vst v63  }
0x1e3: {  	s14 =	simm.s32 $0x1500  }
0x1e4: {  	[tilespmem:s0], [sflag:$0x1] =	stream.indirect.gather [hbm4b:s3+s10], $0x10, s14, s10, $0xb8;
	[tilespmem:$0x8200] =	vst v63  }
0x1e5: {  	s26 =	simm.s32 $0x1700  }
0x1e6: {  	[tilespmem:s9], [sflag:$0x1] =	stream.indirect.gather [hbm4b:s3+s10], $0x10, s26, s10, $0xb8;
	[tilespmem:$0x8200] =	vst v63  }
0x1e7: {  	s14 =	simm.s32 $0x1900  }
0x1e8: {  	[tilespmem:s16], [sflag:$0x1] =	stream.indirect.gather [hbm4b:s3+s10], $0x10, s14, s10, $0xb8;
	[tilespmem:$0x8200] =	vst v63  }
0x1e9: {  	s26 =	simm.s32 $0x1B00  }
0x1ea: {  	[tilespmem:s20], [sflag:$0x1] =	stream.indirect.gather [hbm4b:s3+s10], $0x10, s26, s10, $0xb8;
	[tilespmem:$0x8200] =	vst v63  }
0x1eb: {  	s14 =	simm.s32 $0x1D00  }
0x1ec: {  	[tilespmem:s24], [sflag:$0x1] =	stream.indirect.gather [hbm4b:s3+s10], $0x10, s14, s10, $0xb8;
	[tilespmem:$0x8200] =	vst v63  }
0x1ed: {  	s26 =	simm.s32 $0x1F00  }
0x1ee: {  	[tilespmem:s29], [sflag:$0x1] =	stream.indirect.gather [hbm4b:s3+s10], $0x10, s26, s10, $0xb8;
	[tilespmem:$0x8200] =	vst v63  }
0x1ef: {  	_ =	swait.ge [sflag:s31], $0x400  }
0x1f0: {  	[sflag:s31] =	ssyncset.done $0x0  }
0x1f1: {  	[sflag:s31] =	ssyncadd.s32 $0xFFFFFC00  }
0x1f2: {  	_ =	swait.ge [sflag:s31], $0x400  }
0x1f3: {  	[sflag:s31] =	ssyncset.done $0x0  }
0x1f4: {  	[sflag:s31] =	ssyncadd.s32 $0xFFFFFC00  }
0x1f5: {  	_ =	swait.ge [sflag:s31], $0x400  }
0x1f6: {  	[sflag:s31] =	ssyncset.done $0x0  }
0x1f7: {  	[sflag:s31] =	ssyncadd.s32 $0xFFFFFC00  }
0x1f8: {  	_ =	swait.ge [sflag:s31], $0x400  }
0x1f9: {  	[sflag:s31] =	ssyncset.done $0x0  }
0x1fa: {  	[sflag:s31] =	ssyncadd.s32 $0xFFFFFC00  }
0x1fb: {  	_ =	swait.ge [sflag:s31], $0x400  }
0x1fc: {  	[sflag:s31] =	ssyncset.done $0x0  }
0x1fd: {  	[sflag:s31] =	ssyncadd.s32 $0xFFFFFC00  }
0x1fe: {  	_ =	swait.ge [sflag:s31], $0x400  }
0x1ff: {  	[sflag:s31] =	ssyncset.done $0x0  }
0x200: {  	[sflag:s31] =	ssyncadd.s32 $0xFFFFFC00  }
0x201: {  	_ =	swait.ge [sflag:s31], $0x400  }
0x202: {  	[sflag:s31] =	ssyncset.done $0x0  }
0x203: {  	[sflag:s31] =	ssyncadd.s32 $0xFFFFFC00  }
0x204: {  	_ =	swait.ge [sflag:s31], $0x400  }
0x205: {  	[sflag:s31] =	ssyncset.done $0x0  }
0x206: {  	[sflag:s31] =	ssyncadd.s32 $0xFFFFFC00  }
0x207: {  	_ =	swait.ge [sflag:s31], $0x400  }
0x208: {  	[sflag:s31] =	ssyncset.done $0x0  }
0x209: {  	[sflag:s31] =	ssyncadd.s32 $0xFFFFFC00  }
0x20a: {  	_ =	swait.ge [sflag:s31], $0x400  }
0x20b: {  	[sflag:s31] =	ssyncset.done $0x0  }
0x20c: {  	[sflag:s31] =	ssyncadd.s32 $0xFFFFFC00  }
0x20d: {  	_ =	swait.ge [sflag:s31], $0x400  }
0x20e: {  	[sflag:s31] =	ssyncset.done $0x0  }
0x20f: {  	[sflag:s31] =	ssyncadd.s32 $0xFFFFFC00  }
0x210: {  	_ =	swait.ge [sflag:s31], $0x400  }
0x211: {  	[sflag:s31] =	ssyncset.done $0x0  }
0x212: {  	[sflag:s31] =	ssyncadd.s32 $0xFFFFFC00  }
0x213: {  	_ =	swait.ge [sflag:s31], $0x400  }
0x214: {  	[sflag:s31] =	ssyncset.done $0x0  }
0x215: {  	[sflag:s31] =	ssyncadd.s32 $0xFFFFFC00  }
0x216: {  	_ =	swait.ge [sflag:s31], $0x400  }
0x217: {  	[sflag:s31] =	ssyncset.done $0x0  }
0x218: {  	[sflag:s31] =	ssyncadd.s32 $0xFFFFFC00  }
0x219: {  	_ =	swait.ge [sflag:s31], $0x400  }
0x21a: {  	[sflag:s31] =	ssyncset.done $0x0  }
0x21b: {  	[sflag:s31] =	ssyncadd.s32 $0xFFFFFC00  }
0x21c: {  	_ =	swait.ge [sflag:s31], $0x400  }
0x21d: {  	[sflag:s31] =	ssyncset.done $0x0  }
0x21e: {  	s1 =	simm.s32 $0x6330;
	s26 =	simm.s32 $0x0;
	[sflag:s31] =	ssyncadd.s32 $0xFFFFFC00  }
.LBB2_10:
0x21f: {  	v4 =	vld [tilespmem:$0x2100];
	_ =	sdelay $0x4  }
0x220: {  	s14 =	sshll.u32 s26, $0xA;
	v5 =	vand.u32 $0xFFFFFFF8, v4  }
0x221: {  	v4 =	vand.u32 $0x7, v4;
	v5 =	vadd.s32 s14, v5  }
0x222: {  	v4 =	vor.u32 v4, v5  }
0x223: {  	v4 =	vadd.s32 v0, v4;
	_ =	sdelay $0x4  }
0x224: {  	v4 =	vld.idx.msk [tilespmem:v4+s11+$0x0], $0xffff;
	_ =	sdelay $0x4  }
0x225: {  	[tilespmem:s1+$0xFFFFFFD0] =	vst v4  }
0x226: {  	v4 =	vld [tilespmem:$0x2110];
	_ =	sdelay $0x4  }
0x227: {  	v5 =	vand.u32 $0xFFFFFFF8, v4  }
0x228: {  	v4 =	vand.u32 $0x7, v4;
	v5 =	vadd.s32 s14, v5  }
0x229: {  	v4 =	vor.u32 v4, v5  }
0x22a: {  	v4 =	vadd.s32 v1, v4;
	_ =	sdelay $0x4  }
0x22b: {  	v4 =	vld.idx.msk [tilespmem:v4+s11+$0x0], $0xffff;
	_ =	sdelay $0x4  }
0x22c: {  	[tilespmem:s1+$0xFFFFFFE0] =	vst v4  }
0x22d: {  	v4 =	vld [tilespmem:$0x2120];
	_ =	sdelay $0x4  }
0x22e: {  	v5 =	vand.u32 $0xFFFFFFF8, v4  }
0x22f: {  	v4 =	vand.u32 $0x7, v4;
	v5 =	vadd.s32 s14, v5  }
0x230: {  	v4 =	vor.u32 v4, v5  }
0x231: {  	v4 =	vadd.s32 v2, v4;
	_ =	sdelay $0x4  }
0x232: {  	v4 =	vld.idx.msk [tilespmem:v4+s11+$0x0], $0xffff;
	_ =	sdelay $0x4  }
0x233: {  	[tilespmem:s1+$0xFFFFFFF0] =	vst v4  }
0x234: {  	v4 =	vld [tilespmem:$0x2130];
	_ =	sdelay $0x4  }
0x235: {  	v5 =	vand.u32 $0xFFFFFFF8, v4  }
0x236: {  	v4 =	vand.u32 $0x7, v4;
	v5 =	vadd.s32 s14, v5  }
0x237: {  	v4 =	vor.u32 v4, v5  }
0x238: {  	v4 =	vadd.s32 v3, v4;
	_ =	sdelay $0x4  }
0x239: {  	p0 =	sne.s32 s26, $0xF;
	v4 =	vld.idx.msk [tilespmem:v4+s11+$0x0], $0xffff  }
.Ltmp4:
0x23a: {  	_ = 	snop;
	(pc) =	sbr.rel @p0 .LBB2_10-.Ltmp4, $2  }
0x23b: {  	_ =	sdelay $0x2  }
0x23c: {  	s26 =	sadd.s32 $0x1, s26;
	[tilespmem:s1+$0x0] =	vst v4;
	s1 =	sadd.s32 $0x200, s1  }
0x23d: {  	s1 =	simm.s32 $0x140  }
0x23e: {  	[tilespmem:s11], [sflag:$0x1] =	stream.indirect.gather [hbm4b:s3+s10], $0x10, s1, s10, $0xb8;
	[tilespmem:$0x8200] =	vst v63  }
0x23f: {  	s26 =	simm.s32 $0x340  }
0x240: {  	[tilespmem:s13], [sflag:$0x1] =	stream.indirect.gather [hbm4b:s3+s10], $0x10, s26, s10, $0xb8;
	[tilespmem:$0x8200] =	vst v63  }
0x241: {  	s14 =	simm.s32 $0x540  }
0x242: {  	[tilespmem:s15], [sflag:$0x1] =	stream.indirect.gather [hbm4b:s3+s10], $0x10, s14, s10, $0xb8;
	[tilespmem:$0x8200] =	vst v63  }
0x243: {  	s26 =	simm.s32 $0x740  }
0x244: {  	[tilespmem:s17], [sflag:$0x1] =	stream.indirect.gather [hbm4b:s3+s10], $0x10, s26, s10, $0xb8;
	[tilespmem:$0x8200] =	vst v63  }
0x245: {  	s14 =	simm.s32 $0x940  }
0x246: {  	[tilespmem:s19], [sflag:$0x1] =	stream.indirect.gather [hbm4b:s3+s10], $0x10, s14, s10, $0xb8;
	[tilespmem:$0x8200] =	vst v63  }
0x247: {  	s26 =	simm.s32 $0xB40  }
0x248: {  	[tilespmem:s21], [sflag:$0x1] =	stream.indirect.gather [hbm4b:s3+s10], $0x10, s26, s10, $0xb8;
	[tilespmem:$0x8200] =	vst v63  }
0x249: {  	s14 =	simm.s32 $0xD40  }
0x24a: {  	[tilespmem:s23], [sflag:$0x1] =	stream.indirect.gather [hbm4b:s3+s10], $0x10, s14, s10, $0xb8;
	[tilespmem:$0x8200] =	vst v63  }
0x24b: {  	s26 =	simm.s32 $0xF40  }
0x24c: {  	[tilespmem:s25], [sflag:$0x1] =	stream.indirect.gather [hbm4b:s3+s10], $0x10, s26, s10, $0xb8;
	[tilespmem:$0x8200] =	vst v63  }
0x24d: {  	s14 =	simm.s32 $0x1140  }
0x24e: {  	[tilespmem:s28], [sflag:$0x1] =	stream.indirect.gather [hbm4b:s3+s10], $0x10, s14, s10, $0xb8;
	[tilespmem:$0x8200] =	vst v63  }
0x24f: {  	s26 =	simm.s32 $0x1340  }
0x250: {  	[tilespmem:s30], [sflag:$0x1] =	stream.indirect.gather [hbm4b:s3+s10], $0x10, s26, s10, $0xb8;
	[tilespmem:$0x8200] =	vst v63  }
0x251: {  	s14 =	simm.s32 $0x1540  }
0x252: {  	[tilespmem:s0], [sflag:$0x1] =	stream.indirect.gather [hbm4b:s3+s10], $0x10, s14, s10, $0xb8;
	[tilespmem:$0x8200] =	vst v63  }
0x253: {  	s26 =	simm.s32 $0x1740  }
0x254: {  	[tilespmem:s9], [sflag:$0x1] =	stream.indirect.gather [hbm4b:s3+s10], $0x10, s26, s10, $0xb8;
	[tilespmem:$0x8200] =	vst v63  }
0x255: {  	s14 =	simm.s32 $0x1940  }
0x256: {  	[tilespmem:s16], [sflag:$0x1] =	stream.indirect.gather [hbm4b:s3+s10], $0x10, s14, s10, $0xb8;
	[tilespmem:$0x8200] =	vst v63  }
0x257: {  	s26 =	simm.s32 $0x1B40  }
0x258: {  	[tilespmem:s20], [sflag:$0x1] =	stream.indirect.gather [hbm4b:s3+s10], $0x10, s26, s10, $0xb8;
	[tilespmem:$0x8200] =	vst v63  }
0x259: {  	s14 =	simm.s32 $0x1D40  }
0x25a: {  	[tilespmem:s24], [sflag:$0x1] =	stream.indirect.gather [hbm4b:s3+s10], $0x10, s14, s10, $0xb8;
	[tilespmem:$0x8200] =	vst v63  }
0x25b: {  	s26 =	simm.s32 $0x1F40  }
0x25c: {  	[tilespmem:s29], [sflag:$0x1] =	stream.indirect.gather [hbm4b:s3+s10], $0x10, s26, s10, $0xb8;
	[tilespmem:$0x8200] =	vst v63  }
0x25d: {  	_ =	swait.ge [sflag:s31], $0x400  }
0x25e: {  	[sflag:s31] =	ssyncset.done $0x0  }
0x25f: {  	[sflag:s31] =	ssyncadd.s32 $0xFFFFFC00  }
0x260: {  	_ =	swait.ge [sflag:s31], $0x400  }
0x261: {  	[sflag:s31] =	ssyncset.done $0x0  }
0x262: {  	[sflag:s31] =	ssyncadd.s32 $0xFFFFFC00  }
0x263: {  	_ =	swait.ge [sflag:s31], $0x400  }
0x264: {  	[sflag:s31] =	ssyncset.done $0x0  }
0x265: {  	[sflag:s31] =	ssyncadd.s32 $0xFFFFFC00  }
0x266: {  	_ =	swait.ge [sflag:s31], $0x400  }
0x267: {  	[sflag:s31] =	ssyncset.done $0x0  }
0x268: {  	[sflag:s31] =	ssyncadd.s32 $0xFFFFFC00  }
0x269: {  	_ =	swait.ge [sflag:s31], $0x400  }
0x26a: {  	[sflag:s31] =	ssyncset.done $0x0  }
0x26b: {  	[sflag:s31] =	ssyncadd.s32 $0xFFFFFC00  }
0x26c: {  	_ =	swait.ge [sflag:s31], $0x400  }
0x26d: {  	[sflag:s31] =	ssyncset.done $0x0  }
0x26e: {  	[sflag:s31] =	ssyncadd.s32 $0xFFFFFC00  }
0x26f: {  	_ =	swait.ge [sflag:s31], $0x400  }
0x270: {  	[sflag:s31] =	ssyncset.done $0x0  }
0x271: {  	[sflag:s31] =	ssyncadd.s32 $0xFFFFFC00  }
0x272: {  	_ =	swait.ge [sflag:s31], $0x400  }
0x273: {  	[sflag:s31] =	ssyncset.done $0x0  }
0x274: {  	[sflag:s31] =	ssyncadd.s32 $0xFFFFFC00  }
0x275: {  	_ =	swait.ge [sflag:s31], $0x400  }
0x276: {  	[sflag:s31] =	ssyncset.done $0x0  }
0x277: {  	[sflag:s31] =	ssyncadd.s32 $0xFFFFFC00  }
0x278: {  	_ =	swait.ge [sflag:s31], $0x400  }
0x279: {  	[sflag:s31] =	ssyncset.done $0x0  }
0x27a: {  	[sflag:s31] =	ssyncadd.s32 $0xFFFFFC00  }
0x27b: {  	_ =	swait.ge [sflag:s31], $0x400  }
0x27c: {  	[sflag:s31] =	ssyncset.done $0x0  }
0x27d: {  	[sflag:s31] =	ssyncadd.s32 $0xFFFFFC00  }
0x27e: {  	_ =	swait.ge [sflag:s31], $0x400  }
0x27f: {  	[sflag:s31] =	ssyncset.done $0x0  }
0x280: {  	[sflag:s31] =	ssyncadd.s32 $0xFFFFFC00  }
0x281: {  	_ =	swait.ge [sflag:s31], $0x400  }
0x282: {  	[sflag:s31] =	ssyncset.done $0x0  }
0x283: {  	[sflag:s31] =	ssyncadd.s32 $0xFFFFFC00  }
0x284: {  	_ =	swait.ge [sflag:s31], $0x400  }
0x285: {  	[sflag:s31] =	ssyncset.done $0x0  }
0x286: {  	[sflag:s31] =	ssyncadd.s32 $0xFFFFFC00  }
0x287: {  	_ =	swait.ge [sflag:s31], $0x400  }
0x288: {  	[sflag:s31] =	ssyncset.done $0x0  }
0x289: {  	[sflag:s31] =	ssyncadd.s32 $0xFFFFFC00  }
0x28a: {  	_ =	swait.ge [sflag:s31], $0x400  }
0x28b: {  	[sflag:s31] =	ssyncset.done $0x0  }
0x28c: {  	s1 =	simm.s32 $0x6370;
	s26 =	simm.s32 $0x0;
	[sflag:s31] =	ssyncadd.s32 $0xFFFFFC00  }
.LBB2_12:
0x28d: {  	v4 =	vld [tilespmem:$0x2140];
	_ =	sdelay $0x4  }
0x28e: {  	s14 =	sshll.u32 s26, $0xA;
	v5 =	vand.u32 $0xFFFFFFF8, v4  }
0x28f: {  	v4 =	vand.u32 $0x7, v4;
	v5 =	vadd.s32 s14, v5  }
0x290: {  	v4 =	vor.u32 v4, v5  }
0x291: {  	v4 =	vadd.s32 v0, v4;
	_ =	sdelay $0x4  }
0x292: {  	v4 =	vld.idx.msk [tilespmem:v4+s11+$0x0], $0xffff;
	_ =	sdelay $0x4  }
0x293: {  	[tilespmem:s1+$0xFFFFFFD0] =	vst v4  }
0x294: {  	v4 =	vld [tilespmem:$0x2150];
	_ =	sdelay $0x4  }
0x295: {  	v5 =	vand.u32 $0xFFFFFFF8, v4  }
0x296: {  	v4 =	vand.u32 $0x7, v4;
	v5 =	vadd.s32 s14, v5  }
0x297: {  	v4 =	vor.u32 v4, v5  }
0x298: {  	v4 =	vadd.s32 v1, v4;
	_ =	sdelay $0x4  }
0x299: {  	v4 =	vld.idx.msk [tilespmem:v4+s11+$0x0], $0xffff;
	_ =	sdelay $0x4  }
0x29a: {  	[tilespmem:s1+$0xFFFFFFE0] =	vst v4  }
0x29b: {  	v4 =	vld [tilespmem:$0x2160];
	_ =	sdelay $0x4  }
0x29c: {  	v5 =	vand.u32 $0xFFFFFFF8, v4  }
0x29d: {  	v4 =	vand.u32 $0x7, v4;
	v5 =	vadd.s32 s14, v5  }
0x29e: {  	v4 =	vor.u32 v4, v5  }
0x29f: {  	v4 =	vadd.s32 v2, v4;
	_ =	sdelay $0x4  }
0x2a0: {  	v4 =	vld.idx.msk [tilespmem:v4+s11+$0x0], $0xffff;
	_ =	sdelay $0x4  }
0x2a1: {  	[tilespmem:s1+$0xFFFFFFF0] =	vst v4  }
0x2a2: {  	v4 =	vld [tilespmem:$0x2170];
	_ =	sdelay $0x4  }
0x2a3: {  	v5 =	vand.u32 $0xFFFFFFF8, v4  }
0x2a4: {  	v4 =	vand.u32 $0x7, v4;
	v5 =	vadd.s32 s14, v5  }
0x2a5: {  	v4 =	vor.u32 v4, v5  }
0x2a6: {  	v4 =	vadd.s32 v3, v4;
	_ =	sdelay $0x4  }
0x2a7: {  	p0 =	sne.s32 s26, $0xF;
	v4 =	vld.idx.msk [tilespmem:v4+s11+$0x0], $0xffff  }
.Ltmp5:
0x2a8: {  	_ = 	snop;
	(pc) =	sbr.rel @p0 .LBB2_12-.Ltmp5, $2  }
0x2a9: {  	_ =	sdelay $0x2  }
0x2aa: {  	s26 =	sadd.s32 $0x1, s26;
	[tilespmem:s1+$0x0] =	vst v4;
	s1 =	sadd.s32 $0x200, s1  }
0x2ab: {  	s1 =	simm.s32 $0x180  }
0x2ac: {  	[tilespmem:s11], [sflag:$0x1] =	stream.indirect.gather [hbm4b:s3+s10], $0x10, s1, s10, $0xb8;
	[tilespmem:$0x8200] =	vst v63  }
0x2ad: {  	s26 =	simm.s32 $0x380  }
0x2ae: {  	[tilespmem:s13], [sflag:$0x1] =	stream.indirect.gather [hbm4b:s3+s10], $0x10, s26, s10, $0xb8;
	[tilespmem:$0x8200] =	vst v63  }
0x2af: {  	s14 =	simm.s32 $0x580  }
0x2b0: {  	[tilespmem:s15], [sflag:$0x1] =	stream.indirect.gather [hbm4b:s3+s10], $0x10, s14, s10, $0xb8;
	[tilespmem:$0x8200] =	vst v63  }
0x2b1: {  	s26 =	simm.s32 $0x780  }
0x2b2: {  	[tilespmem:s17], [sflag:$0x1] =	stream.indirect.gather [hbm4b:s3+s10], $0x10, s26, s10, $0xb8;
	[tilespmem:$0x8200] =	vst v63  }
0x2b3: {  	s14 =	simm.s32 $0x980  }
0x2b4: {  	[tilespmem:s19], [sflag:$0x1] =	stream.indirect.gather [hbm4b:s3+s10], $0x10, s14, s10, $0xb8;
	[tilespmem:$0x8200] =	vst v63  }
0x2b5: {  	s26 =	simm.s32 $0xB80  }
0x2b6: {  	[tilespmem:s21], [sflag:$0x1] =	stream.indirect.gather [hbm4b:s3+s10], $0x10, s26, s10, $0xb8;
	[tilespmem:$0x8200] =	vst v63  }
0x2b7: {  	s14 =	simm.s32 $0xD80  }
0x2b8: {  	[tilespmem:s23], [sflag:$0x1] =	stream.indirect.gather [hbm4b:s3+s10], $0x10, s14, s10, $0xb8;
	[tilespmem:$0x8200] =	vst v63  }
0x2b9: {  	s26 =	simm.s32 $0xF80  }
0x2ba: {  	[tilespmem:s25], [sflag:$0x1] =	stream.indirect.gather [hbm4b:s3+s10], $0x10, s26, s10, $0xb8;
	[tilespmem:$0x8200] =	vst v63  }
0x2bb: {  	s14 =	simm.s32 $0x1180  }
0x2bc: {  	[tilespmem:s28], [sflag:$0x1] =	stream.indirect.gather [hbm4b:s3+s10], $0x10, s14, s10, $0xb8;
	[tilespmem:$0x8200] =	vst v63  }
0x2bd: {  	s26 =	simm.s32 $0x1380  }
0x2be: {  	[tilespmem:s30], [sflag:$0x1] =	stream.indirect.gather [hbm4b:s3+s10], $0x10, s26, s10, $0xb8;
	[tilespmem:$0x8200] =	vst v63  }
0x2bf: {  	s14 =	simm.s32 $0x1580  }
0x2c0: {  	[tilespmem:s0], [sflag:$0x1] =	stream.indirect.gather [hbm4b:s3+s10], $0x10, s14, s10, $0xb8;
	[tilespmem:$0x8200] =	vst v63  }
0x2c1: {  	s26 =	simm.s32 $0x1780  }
0x2c2: {  	[tilespmem:s9], [sflag:$0x1] =	stream.indirect.gather [hbm4b:s3+s10], $0x10, s26, s10, $0xb8;
	[tilespmem:$0x8200] =	vst v63  }
0x2c3: {  	s14 =	simm.s32 $0x1980  }
0x2c4: {  	[tilespmem:s16], [sflag:$0x1] =	stream.indirect.gather [hbm4b:s3+s10], $0x10, s14, s10, $0xb8;
	[tilespmem:$0x8200] =	vst v63  }
0x2c5: {  	s26 =	simm.s32 $0x1B80  }
0x2c6: {  	[tilespmem:s20], [sflag:$0x1] =	stream.indirect.gather [hbm4b:s3+s10], $0x10, s26, s10, $0xb8;
	[tilespmem:$0x8200] =	vst v63  }
0x2c7: {  	s14 =	simm.s32 $0x1D80  }
0x2c8: {  	[tilespmem:s24], [sflag:$0x1] =	stream.indirect.gather [hbm4b:s3+s10], $0x10, s14, s10, $0xb8;
	[tilespmem:$0x8200] =	vst v63  }
0x2c9: {  	s26 =	simm.s32 $0x1F80  }
0x2ca: {  	[tilespmem:s29], [sflag:$0x1] =	stream.indirect.gather [hbm4b:s3+s10], $0x10, s26, s10, $0xb8;
	[tilespmem:$0x8200] =	vst v63  }
0x2cb: {  	_ =	swait.ge [sflag:s31], $0x400  }
0x2cc: {  	[sflag:s31] =	ssyncset.done $0x0  }
0x2cd: {  	[sflag:s31] =	ssyncadd.s32 $0xFFFFFC00  }
0x2ce: {  	_ =	swait.ge [sflag:s31], $0x400  }
0x2cf: {  	[sflag:s31] =	ssyncset.done $0x0  }
0x2d0: {  	[sflag:s31] =	ssyncadd.s32 $0xFFFFFC00  }
0x2d1: {  	_ =	swait.ge [sflag:s31], $0x400  }
0x2d2: {  	[sflag:s31] =	ssyncset.done $0x0  }
0x2d3: {  	[sflag:s31] =	ssyncadd.s32 $0xFFFFFC00  }
0x2d4: {  	_ =	swait.ge [sflag:s31], $0x400  }
0x2d5: {  	[sflag:s31] =	ssyncset.done $0x0  }
0x2d6: {  	[sflag:s31] =	ssyncadd.s32 $0xFFFFFC00  }
0x2d7: {  	_ =	swait.ge [sflag:s31], $0x400  }
0x2d8: {  	[sflag:s31] =	ssyncset.done $0x0  }
0x2d9: {  	[sflag:s31] =	ssyncadd.s32 $0xFFFFFC00  }
0x2da: {  	_ =	swait.ge [sflag:s31], $0x400  }
0x2db: {  	[sflag:s31] =	ssyncset.done $0x0  }
0x2dc: {  	[sflag:s31] =	ssyncadd.s32 $0xFFFFFC00  }
0x2dd: {  	_ =	swait.ge [sflag:s31], $0x400  }
0x2de: {  	[sflag:s31] =	ssyncset.done $0x0  }
0x2df: {  	[sflag:s31] =	ssyncadd.s32 $0xFFFFFC00  }
0x2e0: {  	_ =	swait.ge [sflag:s31], $0x400  }
0x2e1: {  	[sflag:s31] =	ssyncset.done $0x0  }
0x2e2: {  	[sflag:s31] =	ssyncadd.s32 $0xFFFFFC00  }
0x2e3: {  	_ =	swait.ge [sflag:s31], $0x400  }
0x2e4: {  	[sflag:s31] =	ssyncset.done $0x0  }
0x2e5: {  	[sflag:s31] =	ssyncadd.s32 $0xFFFFFC00  }
0x2e6: {  	_ =	swait.ge [sflag:s31], $0x400  }
0x2e7: {  	[sflag:s31] =	ssyncset.done $0x0  }
0x2e8: {  	[sflag:s31] =	ssyncadd.s32 $0xFFFFFC00  }
0x2e9: {  	_ =	swait.ge [sflag:s31], $0x400  }
0x2ea: {  	[sflag:s31] =	ssyncset.done $0x0  }
0x2eb: {  	[sflag:s31] =	ssyncadd.s32 $0xFFFFFC00  }
0x2ec: {  	_ =	swait.ge [sflag:s31], $0x400  }
0x2ed: {  	[sflag:s31] =	ssyncset.done $0x0  }
0x2ee: {  	[sflag:s31] =	ssyncadd.s32 $0xFFFFFC00  }
0x2ef: {  	_ =	swait.ge [sflag:s31], $0x400  }
0x2f0: {  	[sflag:s31] =	ssyncset.done $0x0  }
0x2f1: {  	[sflag:s31] =	ssyncadd.s32 $0xFFFFFC00  }
0x2f2: {  	_ =	swait.ge [sflag:s31], $0x400  }
0x2f3: {  	[sflag:s31] =	ssyncset.done $0x0  }
0x2f4: {  	[sflag:s31] =	ssyncadd.s32 $0xFFFFFC00  }
0x2f5: {  	_ =	swait.ge [sflag:s31], $0x400  }
0x2f6: {  	[sflag:s31] =	ssyncset.done $0x0  }
0x2f7: {  	[sflag:s31] =	ssyncadd.s32 $0xFFFFFC00  }
0x2f8: {  	_ =	swait.ge [sflag:s31], $0x400  }
0x2f9: {  	[sflag:s31] =	ssyncset.done $0x0  }
0x2fa: {  	s1 =	simm.s32 $0x63B0;
	s26 =	simm.s32 $0x0;
	[sflag:s31] =	ssyncadd.s32 $0xFFFFFC00  }
.LBB2_14:
0x2fb: {  	v4 =	vld [tilespmem:$0x2180];
	_ =	sdelay $0x4  }
0x2fc: {  	s14 =	sshll.u32 s26, $0xA;
	v5 =	vand.u32 $0xFFFFFFF8, v4  }
0x2fd: {  	v4 =	vand.u32 $0x7, v4;
	v5 =	vadd.s32 s14, v5  }
0x2fe: {  	v4 =	vor.u32 v4, v5  }
0x2ff: {  	v4 =	vadd.s32 v0, v4;
	_ =	sdelay $0x4  }
0x300: {  	v4 =	vld.idx.msk [tilespmem:v4+s11+$0x0], $0xffff;
	_ =	sdelay $0x4  }
0x301: {  	[tilespmem:s1+$0xFFFFFFD0] =	vst v4  }
0x302: {  	v4 =	vld [tilespmem:$0x2190];
	_ =	sdelay $0x4  }
0x303: {  	v5 =	vand.u32 $0xFFFFFFF8, v4  }
0x304: {  	v4 =	vand.u32 $0x7, v4;
	v5 =	vadd.s32 s14, v5  }
0x305: {  	v4 =	vor.u32 v4, v5  }
0x306: {  	v4 =	vadd.s32 v1, v4;
	_ =	sdelay $0x4  }
0x307: {  	v4 =	vld.idx.msk [tilespmem:v4+s11+$0x0], $0xffff;
	_ =	sdelay $0x4  }
0x308: {  	[tilespmem:s1+$0xFFFFFFE0] =	vst v4  }
0x309: {  	v4 =	vld [tilespmem:$0x21A0];
	_ =	sdelay $0x4  }
0x30a: {  	v5 =	vand.u32 $0xFFFFFFF8, v4  }
0x30b: {  	v4 =	vand.u32 $0x7, v4;
	v5 =	vadd.s32 s14, v5  }
0x30c: {  	v4 =	vor.u32 v4, v5  }
0x30d: {  	v4 =	vadd.s32 v2, v4;
	_ =	sdelay $0x4  }
0x30e: {  	v4 =	vld.idx.msk [tilespmem:v4+s11+$0x0], $0xffff;
	_ =	sdelay $0x4  }
0x30f: {  	[tilespmem:s1+$0xFFFFFFF0] =	vst v4  }
0x310: {  	v4 =	vld [tilespmem:$0x21B0];
	_ =	sdelay $0x4  }
0x311: {  	v5 =	vand.u32 $0xFFFFFFF8, v4  }
0x312: {  	v4 =	vand.u32 $0x7, v4;
	v5 =	vadd.s32 s14, v5  }
0x313: {  	v4 =	vor.u32 v4, v5  }
0x314: {  	v4 =	vadd.s32 v3, v4;
	_ =	sdelay $0x4  }
0x315: {  	p0 =	sne.s32 s26, $0xF;
	v4 =	vld.idx.msk [tilespmem:v4+s11+$0x0], $0xffff  }
.Ltmp6:
0x316: {  	_ = 	snop;
	(pc) =	sbr.rel @p0 .LBB2_14-.Ltmp6, $2  }
0x317: {  	_ =	sdelay $0x2  }
0x318: {  	s26 =	sadd.s32 $0x1, s26;
	[tilespmem:s1+$0x0] =	vst v4;
	s1 =	sadd.s32 $0x200, s1  }
0x319: {  	s1 =	simm.s32 $0x1C0  }
0x31a: {  	[tilespmem:s11], [sflag:$0x1] =	stream.indirect.gather [hbm4b:s3+s10], $0x10, s1, s10, $0xb8;
	[tilespmem:$0x8200] =	vst v63  }
0x31b: {  	s26 =	simm.s32 $0x3C0  }
0x31c: {  	[tilespmem:s13], [sflag:$0x1] =	stream.indirect.gather [hbm4b:s3+s10], $0x10, s26, s10, $0xb8;
	[tilespmem:$0x8200] =	vst v63  }
0x31d: {  	s14 =	simm.s32 $0x5C0  }
0x31e: {  	[tilespmem:s15], [sflag:$0x1] =	stream.indirect.gather [hbm4b:s3+s10], $0x10, s14, s10, $0xb8;
	[tilespmem:$0x8200] =	vst v63  }
0x31f: {  	s26 =	simm.s32 $0x7C0  }
0x320: {  	[tilespmem:s17], [sflag:$0x1] =	stream.indirect.gather [hbm4b:s3+s10], $0x10, s26, s10, $0xb8;
	[tilespmem:$0x8200] =	vst v63  }
0x321: {  	s14 =	simm.s32 $0x9C0  }
0x322: {  	[tilespmem:s19], [sflag:$0x1] =	stream.indirect.gather [hbm4b:s3+s10], $0x10, s14, s10, $0xb8;
	[tilespmem:$0x8200] =	vst v63  }
0x323: {  	s26 =	simm.s32 $0xBC0  }
0x324: {  	[tilespmem:s21], [sflag:$0x1] =	stream.indirect.gather [hbm4b:s3+s10], $0x10, s26, s10, $0xb8;
	[tilespmem:$0x8200] =	vst v63  }
0x325: {  	s14 =	simm.s32 $0xDC0  }
0x326: {  	[tilespmem:s23], [sflag:$0x1] =	stream.indirect.gather [hbm4b:s3+s10], $0x10, s14, s10, $0xb8;
	[tilespmem:$0x8200] =	vst v63  }
0x327: {  	s26 =	simm.s32 $0xFC0  }
0x328: {  	[tilespmem:s25], [sflag:$0x1] =	stream.indirect.gather [hbm4b:s3+s10], $0x10, s26, s10, $0xb8;
	[tilespmem:$0x8200] =	vst v63  }
0x329: {  	s14 =	simm.s32 $0x11C0  }
0x32a: {  	[tilespmem:s28], [sflag:$0x1] =	stream.indirect.gather [hbm4b:s3+s10], $0x10, s14, s10, $0xb8;
	[tilespmem:$0x8200] =	vst v63  }
0x32b: {  	s26 =	simm.s32 $0x13C0  }
0x32c: {  	[tilespmem:s30], [sflag:$0x1] =	stream.indirect.gather [hbm4b:s3+s10], $0x10, s26, s10, $0xb8;
	[tilespmem:$0x8200] =	vst v63  }
0x32d: {  	s14 =	simm.s32 $0x15C0  }
0x32e: {  	[tilespmem:s0], [sflag:$0x1] =	stream.indirect.gather [hbm4b:s3+s10], $0x10, s14, s10, $0xb8;
	[tilespmem:$0x8200] =	vst v63  }
0x32f: {  	s26 =	simm.s32 $0x17C0  }
0x330: {  	[tilespmem:s9], [sflag:$0x1] =	stream.indirect.gather [hbm4b:s3+s10], $0x10, s26, s10, $0xb8;
	[tilespmem:$0x8200] =	vst v63  }
0x331: {  	s14 =	simm.s32 $0x19C0  }
0x332: {  	[tilespmem:s16], [sflag:$0x1] =	stream.indirect.gather [hbm4b:s3+s10], $0x10, s14, s10, $0xb8;
	[tilespmem:$0x8200] =	vst v63  }
0x333: {  	s26 =	simm.s32 $0x1BC0  }
0x334: {  	[tilespmem:s20], [sflag:$0x1] =	stream.indirect.gather [hbm4b:s3+s10], $0x10, s26, s10, $0xb8;
	[tilespmem:$0x8200] =	vst v63  }
0x335: {  	s14 =	simm.s32 $0x1DC0  }
0x336: {  	[tilespmem:s24], [sflag:$0x1] =	stream.indirect.gather [hbm4b:s3+s10], $0x10, s14, s10, $0xb8;
	[tilespmem:$0x8200] =	vst v63  }
0x337: {  	s26 =	simm.s32 $0x1FC0  }
0x338: {  	[tilespmem:s29], [sflag:$0x1] =	stream.indirect.gather [hbm4b:s3+s10], $0x10, s26, s10, $0xb8;
	[tilespmem:$0x8200] =	vst v63  }
0x339: {  	_ =	swait.ge [sflag:s31], $0x400  }
0x33a: {  	[sflag:s31] =	ssyncset.done $0x0  }
0x33b: {  	[sflag:s31] =	ssyncadd.s32 $0xFFFFFC00  }
0x33c: {  	_ =	swait.ge [sflag:s31], $0x400  }
0x33d: {  	[sflag:s31] =	ssyncset.done $0x0  }
0x33e: {  	[sflag:s31] =	ssyncadd.s32 $0xFFFFFC00  }
0x33f: {  	_ =	swait.ge [sflag:s31], $0x400  }
0x340: {  	[sflag:s31] =	ssyncset.done $0x0  }
0x341: {  	[sflag:s31] =	ssyncadd.s32 $0xFFFFFC00  }
0x342: {  	_ =	swait.ge [sflag:s31], $0x400  }
0x343: {  	[sflag:s31] =	ssyncset.done $0x0  }
0x344: {  	[sflag:s31] =	ssyncadd.s32 $0xFFFFFC00  }
0x345: {  	_ =	swait.ge [sflag:s31], $0x400  }
0x346: {  	[sflag:s31] =	ssyncset.done $0x0  }
0x347: {  	[sflag:s31] =	ssyncadd.s32 $0xFFFFFC00  }
0x348: {  	_ =	swait.ge [sflag:s31], $0x400  }
0x349: {  	[sflag:s31] =	ssyncset.done $0x0  }
0x34a: {  	[sflag:s31] =	ssyncadd.s32 $0xFFFFFC00  }
0x34b: {  	_ =	swait.ge [sflag:s31], $0x400  }
0x34c: {  	[sflag:s31] =	ssyncset.done $0x0  }
0x34d: {  	[sflag:s31] =	ssyncadd.s32 $0xFFFFFC00  }
0x34e: {  	_ =	swait.ge [sflag:s31], $0x400  }
0x34f: {  	[sflag:s31] =	ssyncset.done $0x0  }
0x350: {  	[sflag:s31] =	ssyncadd.s32 $0xFFFFFC00  }
0x351: {  	_ =	swait.ge [sflag:s31], $0x400  }
0x352: {  	[sflag:s31] =	ssyncset.done $0x0  }
0x353: {  	[sflag:s31] =	ssyncadd.s32 $0xFFFFFC00  }
0x354: {  	_ =	swait.ge [sflag:s31], $0x400  }
0x355: {  	[sflag:s31] =	ssyncset.done $0x0  }
0x356: {  	[sflag:s31] =	ssyncadd.s32 $0xFFFFFC00  }
0x357: {  	_ =	swait.ge [sflag:s31], $0x400  }
0x358: {  	[sflag:s31] =	ssyncset.done $0x0  }
0x359: {  	[sflag:s31] =	ssyncadd.s32 $0xFFFFFC00  }
0x35a: {  	_ =	swait.ge [sflag:s31], $0x400  }
0x35b: {  	[sflag:s31] =	ssyncset.done $0x0  }
0x35c: {  	[sflag:s31] =	ssyncadd.s32 $0xFFFFFC00  }
0x35d: {  	_ =	swait.ge [sflag:s31], $0x400  }
0x35e: {  	[sflag:s31] =	ssyncset.done $0x0  }
0x35f: {  	[sflag:s31] =	ssyncadd.s32 $0xFFFFFC00  }
0x360: {  	_ =	swait.ge [sflag:s31], $0x400  }
0x361: {  	[sflag:s31] =	ssyncset.done $0x0  }
0x362: {  	[sflag:s31] =	ssyncadd.s32 $0xFFFFFC00  }
0x363: {  	_ =	swait.ge [sflag:s31], $0x400  }
0x364: {  	[sflag:s31] =	ssyncset.done $0x0  }
0x365: {  	[sflag:s31] =	ssyncadd.s32 $0xFFFFFC00  }
0x366: {  	_ =	swait.ge [sflag:s31], $0x400  }
0x367: {  	[sflag:s31] =	ssyncset.done $0x0  }
0x368: {  	s1 =	simm.s32 $0x63F0;
	s26 =	simm.s32 $0x0;
	[sflag:s31] =	ssyncadd.s32 $0xFFFFFC00  }
.LBB2_16:
0x369: {  	v4 =	vld [tilespmem:$0x21C0];
	_ =	sdelay $0x4  }
0x36a: {  	s14 =	sshll.u32 s26, $0xA;
	v5 =	vand.u32 $0xFFFFFFF8, v4  }
0x36b: {  	v4 =	vand.u32 $0x7, v4;
	v5 =	vadd.s32 s14, v5  }
0x36c: {  	v4 =	vor.u32 v4, v5  }
0x36d: {  	v4 =	vadd.s32 v0, v4;
	_ =	sdelay $0x4  }
0x36e: {  	v4 =	vld.idx.msk [tilespmem:v4+s11+$0x0], $0xffff;
	_ =	sdelay $0x4  }
0x36f: {  	[tilespmem:s1+$0xFFFFFFD0] =	vst v4  }
0x370: {  	v4 =	vld [tilespmem:$0x21D0];
	_ =	sdelay $0x4  }
0x371: {  	v5 =	vand.u32 $0xFFFFFFF8, v4  }
0x372: {  	v4 =	vand.u32 $0x7, v4;
	v5 =	vadd.s32 s14, v5  }
0x373: {  	v4 =	vor.u32 v4, v5  }
0x374: {  	v4 =	vadd.s32 v1, v4;
	_ =	sdelay $0x4  }
0x375: {  	v4 =	vld.idx.msk [tilespmem:v4+s11+$0x0], $0xffff;
	_ =	sdelay $0x4  }
0x376: {  	[tilespmem:s1+$0xFFFFFFE0] =	vst v4  }
0x377: {  	v4 =	vld [tilespmem:$0x21E0];
	_ =	sdelay $0x4  }
0x378: {  	v5 =	vand.u32 $0xFFFFFFF8, v4  }
0x379: {  	v4 =	vand.u32 $0x7, v4;
	v5 =	vadd.s32 s14, v5  }
0x37a: {  	v4 =	vor.u32 v4, v5  }
0x37b: {  	v4 =	vadd.s32 v2, v4;
	_ =	sdelay $0x4  }
0x37c: {  	v4 =	vld.idx.msk [tilespmem:v4+s11+$0x0], $0xffff;
	_ =	sdelay $0x4  }
0x37d: {  	[tilespmem:s1+$0xFFFFFFF0] =	vst v4  }
0x37e: {  	v4 =	vld [tilespmem:$0x21F0];
	_ =	sdelay $0x4  }
0x37f: {  	v5 =	vand.u32 $0xFFFFFFF8, v4  }
0x380: {  	v4 =	vand.u32 $0x7, v4;
	v5 =	vadd.s32 s14, v5  }
0x381: {  	v4 =	vor.u32 v4, v5  }
0x382: {  	v4 =	vadd.s32 v3, v4;
	_ =	sdelay $0x4  }
0x383: {  	p0 =	sne.s32 s26, $0xF;
	v4 =	vld.idx.msk [tilespmem:v4+s11+$0x0], $0xffff  }
.Ltmp7:
0x384: {  	_ = 	snop;
	(pc) =	sbr.rel @p0 .LBB2_16-.Ltmp7, $2  }
0x385: {  	_ =	sdelay $0x2  }
0x386: {  	s26 =	sadd.s32 $0x1, s26;
	[tilespmem:s1+$0x0] =	vst v4;
	s1 =	sadd.s32 $0x200, s1  }
0x387: {  	s22 =	sadd.s32 $0x1, s22  }
0x388: {  	p0 =	sne.s32 s22, s7  }
.Ltmp8:
0x389: {  	s1 =	simm.s32 $0x4000;
	(pc) =	sbr.rel @p0 .LBB2_1-.Ltmp8, $4  }
0x38a: {  	[hbm4b:s6+s12] =	stream.strided.scatter [tilespmem:s18], [sflag:$0x2], $0x2000, s1, s12, $0x38;
	[tilespmem:$0x8200] =	vst v63  }
0x38b: {  	_ =	swait.ge [sflag:s8], $0x2000  }
0x38c: {  	[sflag:s8] =	ssyncset.done $0x0  }
0x38d: {  	[sflag:s8] =	ssyncadd.s32 $0xFFFFE000  }
0x38e: {  	_ =	sfence.sel $0x180000  }
0x38f: {  	[bflag:$0x0] =	sbarrier.arrive $0xFFFF  }
0x390: {  	_ =	strace $0x90000047  }
0x391: {  	s0 =	stileid.u32;
	[bflag:$0x2] =	sbarrier.arrive $0xFFFF  }
0x392: {  	p0 =	sne.s32 s0, $0x0;
	s0 =	rddreg [dreg:$0x2]  }
0x393: {  	s0 =	sadd.s32 @!p0 $0x100000, s0  }
0x394: {  	[sflag:s0] =	ssyncadd.tile.s32 @!p0 $0x1;
	_ =	shalt  }
.Lfunc_end2:
_tile_overlayer_lowered:
.L_overlay_start_2:
0x395: {  	(tag) =	ssettag $0x2  }
0x396: {  	s0 =	rddreg [dreg:$0x0];
	s2 =	stileid.u32  }
0x397: {  	s1 =	rddreg [dreg:$0x1];
	p0 =	sne.s32 s2, $0x0  }
0x398: {  	s3 =	rddreg [dreg:$0x2];
	[bflag:$0x3] =	sbarrier.arrive $0xFFFF;
	s2 =	simm.s32 @!p0 $0x1C02  }
0x399: {  	[timem:s3], [sflag:s2] =	dma.local @!p0 [hbm:s0], s1  }
0x39a: {  	s0 =	simm.s32 @!p0 $0x2  }
0x39b: {  	_ =	swait.ge @!p0 [sflag:s0], s1  }
0x39c: {  	s1 =	ssub.s32 @!p0 $0x0, s1;
	[sflag:s0] =	ssyncset.done @!p0 $0x0  }
0x39d: {  	[sflag:s0] =	ssyncadd.s32 @!p0 s1  }
0x39e: {  	[bflag:$0x3] =	sbarrier.arrive $0xFFFF  }
0x39f: {  	_ =	shalt  }

// kernel: kernel.16.cloned.1.call-start
scs
__scs_entry_jumppad:
0x0: {  	(pc) =	sbr.rel $0x88, $3  }
0x1: {  	(tag) =	ssettag $0x0;
	lr =	simm.s32 $0x1  }
0x2: {  	[smem:$0x3F8D] =	sst lr;
	_ =	strace $0xD0000000  }
0x3: {  	_ = 	snop  }
0x4: {  	_ = 	snop  }
0x5: {  	_ = 	snop  }
0x6: {  	_ = 	snop  }
0x7: {  	_ = 	snop  }
__scs_overlays_trampoline_lowered:
0x8: {  	[smem:$0x3F9C] =	sst s0  }
0x9: {  	[smem:$0x3F9D] =	sst s1  }
0xa: {  	[smem:$0x3F9E] =	sst s2  }
0xb: {  	[smem:$0x3F9F] =	sst s3  }
0xc: {  	[smem:$0x3FA0] =	sst s4  }
0xd: {  	[smem:$0x3FA1] =	sst s5  }
0xe: {  	[smem:$0x3FA2] =	sst s6  }
0xf: {  	[smem:$0x3FA3] =	sst s7  }
0x10: {  	[smem:$0x3FA4] =	sst s8  }
0x11: {  	[smem:$0x3FA5] =	sst s9;
	s0 =	simm.s32 @!p0 $0x0  }
0x12: {  	s1 =	sld [smem:$0x3F8B];
	s0 =	simm.s32 @p0 $0x1  }
0x13: {  	[smem:$0x3FA6] =	sst s0;
	s0 =	simm.s32 @!p1 $0x0  }
0x14: {  	s2 =	sld [smem:$0x3F8A];
	s0 =	simm.s32 @p1 $0x1  }
0x15: {  	[smem:$0x3FA7] =	sst s0;
	s0 =	simm.s32 @!p2 $0x0  }
0x16: {  	s3 =	sld [smem:$0x3FDB];
	s0 =	simm.s32 @p2 $0x1  }
0x17: {  	s4 =	simm.s32 $0x1BF5;
	[smem:$0x3FA9] =	sst s0  }
0x18: {  	s0 =	sld [smem:$0x3F8C];
	_ =	swait.ge [sflag:s4], $0x0  }
0x19: {  	s7 =	sld [smem:$0x3F8D]  }
0x1a: {  	s8 =	sadd.s32 $0xFFFFE003, lr  }
0x1b: {  	s9 =	sadd.s32 $0xFFFFFEF7, lr;
	s5 =	simm.s32 $0xFFFFFFFF;
	p2 =	slt.u32 s8, $0xFFFFF086  }
0x1c: {  	p1 =	slt.u32 s9, $0xF7A;
	s5 =	simm.s32 @!p2 $0x0  }
0x1d: {  	s5 =	simm.s32 @p1 $0x1;
	p0 =	seq.s32 s7, s2  }
0x1e: {  	s7 =	smul.u32 @!p0 $0xF7A, s2;
	p2 =	seq.s32 @!p0 s5, $0x0  }
0x1f: {  	s9 =	smul.u32 $0xF7A, s1;
	s8 =	simm.s32 @!p0 $0x1BF5;
	p2 =	por !p2, p0  }
0x20: {  	[sflag:s8] =	ssyncset.s32 @!p0 $0xFFFFF086;
	s6 =	sadd.s32 @!p0 s3, s7;
	s7 =	simm.s32 @!p0 $0x108  }
0x21: {  	s3 =	sadd.s32 s3, s9;
	s6 =	sadd.s32 @!p0 $0x88, s6;
	s7 =	simm.s32 @p2 $0x1082  }
0x22: {  	[simem:s7], [sflag:s8] =	dma.local @!p0 [hbm:s6], $0xF7A  }
0x23: {  	s9 =	sor.u32 $0xD0000000, s2;
	s6 =	simm.s32 $0x108;
	_ =	swait.ge @!p0 [sflag:s8], $0x0  }
0x24: {  	s3 =	sadd.s32 $0x88, s3;
	s6 =	simm.s32 @!p1 $0x1082;
	[sflag:s4] =	ssyncset.s32 $0xFFFFF086  }
0x25: {  	[simem:s6], [sflag:s4] =	dma.local [hbm:s3], $0xF7A  }
0x26: {  	[smem:$0x3F8D] =	sst s1;
	(tag) =	ssettag s2;
	_ =	strace s9  }
0x27: {  	s1 =	sld [smem:$0x3F9D]  }
0x28: {  	s2 =	sld [smem:$0x3F9E]  }
0x29: {  	s4 =	sld [smem:$0x3FA0]  }
0x2a: {  	p0 =	seq.s32 s5, $0x0;
	s5 =	sld [smem:$0x3FA1]  }
0x2b: {  	s6 =	sld [smem:$0x3FA2]  }
0x2c: {  	s7 =	sld [smem:$0x3FA3]  }
0x2d: {  	s3 =	simm.s32 $0x108;
	s8 =	sld [smem:$0x3FA4]  }
0x2e: {  	s3 =	simm.s32 @!p0 $0x1082;
	s9 =	sld [smem:$0x3FA5]  }
0x2f: {  	lr =	sadd.s32 s0, s3;
	s0 =	sld [smem:$0x3F9C]  }
0x30: {  	s3 =	sld [smem:$0x3F9F]  }
0x31: {  	[smem:$0x3FA8] =	sst s10  }
0x32: {  	s10 =	sld [smem:$0x3FA6];
	_ =	sdelay $0x3  }
0x33: {  	p0 =	seq.s32 s10, $0x1;
	s10 =	sld [smem:$0x3FA8];
	_ =	sdelay $0x3  }
0x34: {  	[smem:$0x3FA8] =	sst s10  }
0x35: {  	s10 =	sld [smem:$0x3FA7];
	_ =	sdelay $0x3  }
0x36: {  	p1 =	seq.s32 s10, $0x1;
	s10 =	sld [smem:$0x3FA8];
	_ =	sdelay $0x3  }
0x37: {  	[smem:$0x3FA8] =	sst s10  }
0x38: {  	s10 =	sld [smem:$0x3FA9]  }
0x39: {  	_ = 	snop;
	(pc) =	sbr.ind lr, $3  }
0x3a: {  	_ = 	snop  }
0x3b: {  	_ = 	snop  }
0x3c: {  	p2 =	seq.s32 s10, $0x1;
	s10 =	sld [smem:$0x3FA8]  }
0x3d: {  	_ =	shalt  }
0x3e: {  	_ =	shalt  }
0x3f: {  	_ =	shalt  }
0x40: {  	_ =	shalt  }
0x41: {  	_ =	shalt  }
0x42: {  	_ =	shalt  }
0x43: {  	_ =	shalt  }
0x44: {  	_ =	shalt  }
0x45: {  	_ =	shalt  }
0x46: {  	_ =	shalt  }
0x47: {  	_ =	shalt  }
0x48: {  	_ =	shalt  }
0x49: {  	_ =	shalt  }
0x4a: {  	_ =	shalt  }
0x4b: {  	_ =	shalt  }
0x4c: {  	_ =	shalt  }
0x4d: {  	_ =	shalt  }
0x4e: {  	_ =	shalt  }
0x4f: {  	_ =	shalt  }
0x50: {  	_ =	shalt  }
0x51: {  	_ =	shalt  }
0x52: {  	_ =	shalt  }
0x53: {  	_ =	shalt  }
0x54: {  	_ =	shalt  }
0x55: {  	_ =	shalt  }
0x56: {  	_ =	shalt  }
0x57: {  	_ =	shalt  }
0x58: {  	_ =	shalt  }
0x59: {  	_ =	shalt  }
0x5a: {  	_ =	shalt  }
0x5b: {  	_ =	shalt  }
0x5c: {  	_ =	shalt  }
0x5d: {  	_ =	shalt  }
0x5e: {  	_ =	shalt  }
0x5f: {  	_ =	shalt  }
0x60: {  	_ =	shalt  }
0x61: {  	_ =	shalt  }
0x62: {  	_ =	shalt  }
0x63: {  	_ =	shalt  }
0x64: {  	_ =	shalt  }
0x65: {  	_ =	shalt  }
0x66: {  	_ =	shalt  }
0x67: {  	_ =	shalt  }
0x68: {  	_ =	shalt  }
0x69: {  	_ =	shalt  }
0x6a: {  	_ =	shalt  }
0x6b: {  	_ =	shalt  }
0x6c: {  	_ =	shalt  }
0x6d: {  	_ =	shalt  }
0x6e: {  	_ =	shalt  }
0x6f: {  	_ =	shalt  }
0x70: {  	_ =	shalt  }
0x71: {  	_ =	shalt  }
0x72: {  	_ =	shalt  }
0x73: {  	_ =	shalt  }
0x74: {  	_ =	shalt  }
0x75: {  	_ =	shalt  }
0x76: {  	_ =	shalt  }
0x77: {  	_ =	shalt  }
0x78: {  	_ =	shalt  }
0x79: {  	_ =	shalt  }
0x7a: {  	_ =	shalt  }
0x7b: {  	_ =	shalt  }
0x7c: {  	_ =	shalt  }
0x7d: {  	_ =	shalt  }
0x7e: {  	_ =	shalt  }
0x7f: {  	_ =	shalt  }
0x80: {  	_ =	shalt  }
0x81: {  	_ =	shalt  }
0x82: {  	_ =	shalt  }
0x83: {  	_ =	shalt  }
0x84: {  	_ =	shalt  }
0x85: {  	_ =	shalt  }
0x86: {  	_ =	shalt  }
0x87: {  	_ =	shalt  }
.Lfunc_end0:
.L_simem_size_0:
called_computation.2_lowered:
.L_overlay_start_0:
0x88: {  	s2 =	sld [smem:$0x3FD9]  }
0x89: {  	s3 =	sld [smem:$0x3FFE];
	_ =	sdelay $0x1  }
0x8a: {  	s1 =	srdreg.scid  }
0x8b: {  	s0 =	sand.u32 $0x1, s1  }
0x8c: {  	s17 =	sshll.u32 s0, $0xA;
	s2 =	sadd.s32 s3, s2  }
0x8d: {  	s2 =	sadd.s32 s2, s17  }
0x8e: {  	[smem:$0x3FB4] =	sst s2  }
0x8f: {  	_ = 	snop  }
0x90: {  	(tm) =	ssettm $0x1  }
0x91: {  	s18 =	sld [smem:$0x3FFB];
	_ =	sdelay $0x3  }
0x92: {  	_ =	strace s18  }
0x93: {  	s2 =	sld [smem:$0x3FFC];
	_ =	sdelay $0x3  }
0x94: {  	_ =	strace s2  }
0x95: {  	s2 =	sld [smem:$0x3FFD];
	_ =	sdelay $0x3  }
0x96: {  	_ =	strace s2  }
0x97: {  	_ =	strace $0x8FFFFFFF  }
0x98: {  	s19 =	sld [smem:$0x3FDB];
	_ =	sdelay $0x1  }
0x99: {  	s20 =	simm.s32 $_scs_section_size  }
0x9a: {  	s4 =	simm.s32 $_size__tile_overlayer_lowered;
	s5 =	simm.s32 $_tile_overlayer_lowered  }
0x9b: {  	s6 =	simm.s32 $0x1BFF;
	s21 =	sshll.u32 s5, $0x1;
	s3 =	sadd.s32 s20, s19  }
0x9c: {  	s22 =	simm.s32 $0x0;
	s4 =	sshll.u32 s4, $0x1;
	s5 =	sadd.s32 s21, s3  }
0x9d: {  	[timem:s22], [sflag:s6] =	dma.local [hbm:s5], s4  }
0x9e: {  	_ =	swait.ge [sflag:s6], s4  }
0x9f: {  	s4 =	ssub.s32 $0x0, s4;
	[sflag:s6] =	ssyncset.done $0x0  }
0xa0: {  	[sflag:s6] =	ssyncadd.s32 s4;
	_ =	sdelay $0x1  }
0xa1: {  	s23 =	simm.s32 $0x1B8B  }
0xa2: {  	_ =	swait.ge [sflag:s23], $0x1  }
0xa3: {  	[sflag:s23] =	ssyncset.done $0x0  }
0xa4: {  	[sflag:s23] =	ssyncadd.s32 $0xFFFFFFFF  }
0xa5: {  	s4 =	sld [smem:$0x0]  }
0xa6: {  	s5 =	sand.u32 $0xFFFFFFFE, s1  }
0xa7: {  	p0 =	sne.s32 s1, s5  }
0xa8: {  	s5 =	sshll.u32 @p0 s5, $0xE  }
0xa9: {  	s5 =	sadd.s32 @p0 $0x11B8D, s5;
	s6 =	sshll.u32 @p0 s4, $0x11  }
0xaa: {  	s5 =	sor.u32 @p0 s6, s5  }
0xab: {  	[sflag:s5] =	ssyncadd.remote.s32 @p0 $0x1;
	_ =	sdelay $0x1  }
0xac: {  	s5 =	simm.s32 @p0 $0x1B8D  }
0xad: {  	_ =	swait.eq @p0 [sflag:s5], $0x1  }
0xae: {  	[sflag:s5] =	ssyncadd.s32 @p0 $0xFFFFFFFF  }
0xaf: {  	s6 =	sshll.u32 @!p0 s1, $0xE  }
0xb0: {  	s6 =	sor.u32 @!p0 $0x4000, s6;
	s5 =	simm.s32 @!p0 $0x1B8D  }
0xb1: {  	s4 =	sshll.u32 @!p0 s4, $0x11;
	s6 =	sadd.s32 @!p0 $0x11B8D, s6;
	_ =	swait.eq @!p0 [sflag:s5], $0x1  }
0xb2: {  	s4 =	sor.u32 @!p0 s4, s6;
	[sflag:s5] =	ssyncadd.s32 @!p0 $0xFFFFFFFF  }
0xb3: {  	s25 =	simm.s32 $0x1B8E;
	s24 =	sld [smem:$0x3FFE];
	[sflag:s4] =	ssyncadd.remote.s32 @!p0 $0x1  }
0xb4: {  	s26 =	simm.s32 $execute0_lowered;
	[smem:$0x3FD2] =	sst s25  }
0xb5: {  	s5 =	sshll.u32 s26, $0x1;
	_ =	strace $0x8000004C;
	[dreg:$0x1] =	wrdreg $0xFFFFFFFF  }
0xb6: {  	s28 =	simm.s32 $_size_execute0_lowered;
	s3 =	sadd.s32 s3, s5;
	[dreg:$0x0] =	wrdreg $0x0  }
0xb7: {  	s5 =	sshll.u32 s28, $0x1;
	[dreg:$0x2] =	wrdreg s3  }
0xb8: {  	[dreg:$0x3] =	wrdreg s5  }
0xb9: {  	[dreg:$0x4] =	wrdreg $0xC0  }
0xba: {  	_ =	task [dreg:s22], $0x5FFFF  }
0xbb: {  	[dreg:$0x1] =	wrdreg $0xFFFFFFFF  }
0xbc: {  	[dreg:$0x0] =	wrdreg $0x60  }
0xbd: {  	[dreg:$0x2] =	wrdreg s24  }
0xbe: {  	[dreg:$0x3] =	wrdreg $0xB  }
0xbf: {  	_ =	task.clear_ibuf [dreg:s22], $0x4FFFF;
	_ =	strace $0x9000004C  }
0xc0: {  	s29 =	simm.s32 $0xB;
	_ =	strace $0x8000004E  }
0xc1: {  	_ =	swait.ge [sflag:s29], $0x1  }
0xc2: {  	[sflag:s29] =	ssyncadd.s32 $0xFFFFFFFF  }
0xc3: {  	_ =	strace $0x9000004E  }
0xc4: {  	_ =	sfence  }
0xc5: {  	s30 =	sld [smem:$0x0];
	_ =	sdelay $0x2  }
0xc6: {  	s31 =	sshll.u32 s1, $0xD;
	s1 =	sshrl.u32 s1, $0x2  }
0xc7: {  	s4 =	sand.u32 $0x4000, s31;
	s1 =	sadd.s32 s1, s30  }
0xc8: {  	s0 =	sor.u32 s4, s0;
	s1 =	sshll.u32 s1, $0x11  }
0xc9: {  	s0 =	sor.u32 s1, s0  }
0xca: {  	s0 =	sadd.s32 $0x8F2B, s0  }
0xcb: {  	[sflag:s0] =	ssyncadd.remote.s32 $0x1  }
0xcc: {  	_ =	sfence.sel $0xFFFF  }
0xcd: {  	[dreg:$0x0] =	wrdreg $0xFFFFFFFF;
	(pc) =	sbr.abs _section_cstart, $3  }
0xce: {  	[dreg:$0x1] =	wrdreg $0xFFFFFFFF  }
0xcf: {  	_ =	task.clear_ibuf [dreg:s22], $0x2FFFF;
	_ =	strace $0x9FFFFFFF  }
0xd0: {  	(tm) =	ssettm $0x7FFFFFFF  }
0xd1: {  	_ =	shalt  }
tec
execute0_lowered:
.L_overlay_start_1:
0x0: {  	(tag) =	ssettag $0x1  }
0x1: {  	s1 =	srdreg.scid  }
0x2: {  	s0 =	stileid.u32;
	s5 =	rddreg [dreg:$0x0]  }
0x3: {  	s2 =	simm.s32 $0x0;
	s11 =	simm.s32 $0x400;
	s12 =	simm.s32 $0x40  }
0x4: {  	s13 =	simm.s32 $0x800;
	s14 =	simm.s32 $0x1;
	s15 =	simm.s32 $0x80  }
0x5: {  	s16 =	simm.s32 $0xC0;
	s17 =	simm.s32 $0x100;
	s18 =	simm.s32 $0x140  }
0x6: {  	s19 =	simm.s32 $0x180;
	s20 =	simm.s32 $0x1C0;
	s21 =	simm.s32 $0xC00  }
0x7: {  	s22 =	simm.s32 $0x200;
	s23 =	simm.s32 $0x240;
	s24 =	simm.s32 $0x280  }
0x8: {  	s25 =	simm.s32 $0x2C0;
	s28 =	simm.s32 $0x340;
	s29 =	simm.s32 $0x380  }
0x9: {  	s30 =	simm.s32 $0x3C0;
	s4 =	sand.u32 $0x1, s1;
	s1 =	rddreg [dreg:$0x1]  }
0xa: {  	s31 =	simm.s32 $0xE00;
	s3 =	sshll.u32 s0, $0x1;
	[smem:$0x7FF] =	sst s2  }
0xb: {  	s6 =	sor.u32 s4, s3;
	_ =	strace $0x8000004D;
	s8 =	ssub.s32 $0x2, s4  }
0xc: {  	s4 =	sadd.s32 $0x416200, s5;
	s3 =	sshll.u32 s6, $0x7;
	s6 =	sshll.u32 s6, $0x6  }
0xd: {  	v0 =	vlaneseq.u32;
	s26 =	sshrl.u32 s8, $0x1;
	s7 =	sadd.s32 s3, s5;
	s3 =	sadd.s32 $0x3F7800, s5  }
0xe: {  	v0 =	vmul.u32 $0x10, v0;
	s9 =	sadd.s32 s6, s5;
	s10 =	ssub.s32 s8, s26;
	s5 =	sadd.s32 $0x3F6800, s7  }
0xf: {  	s26 =	simm.s32 $0x300;
	s6 =	sadd.s32 $0x4800, s7;
	s7 =	sadd.s32 $0x434C00, s9  }
0x10: {  	v1 =	vor.u32 $0x100, v0;
	v2 =	vor.u32 $0x200, v0;
	v3 =	vor.u32 $0x300, v0;
	s8 =	sadd.s32 $0x435400, s9;
	s9 =	smax.u32 s10, $0x1;
	s10 =	simm.s32 $0x2  }
.LBB2_1:
0x11: {  	[tilespmem:s2], [sflag:$0x2] =	stream.linear.gather [hbm4b:s5+s2], $0x400, $0x38;
	[tilespmem:$0x1000] =	vst v63  }
0x12: {  	_ =	swait.ge [sflag:s10], $0x400  }
0x13: {  	[sflag:s10] =	ssyncset.done $0x0  }
0x14: {  	[sflag:s10] =	ssyncadd.s32 $0xFFFFFC00  }
0x15: {  	[tilespmem:s11], [sflag:$0x2] =	stream.linear.gather [hbm4b:s6+s2], $0x400, $0x38;
	[tilespmem:$0x1000] =	vst v63  }
0x16: {  	_ =	swait.ge [sflag:s10], $0x400  }
0x17: {  	[sflag:s10] =	ssyncset.done $0x0  }
0x18: {  	[sflag:s10] =	ssyncadd.s32 $0xFFFFFC00  }
0x19: {  	[tilespmem:s13], [sflag:$0x1] =	stream.indirect.gather [hbm4b:s3+s12], $0x10, s2, s12, $0xb8;
	[tilespmem:$0x1000] =	vst v63  }
0x1a: {  	_ =	swait.ge [sflag:s14], $0x400  }
0x1b: {  	[sflag:s14] =	ssyncset.done $0x0  }
0x1c: {  	[sflag:s14] =	ssyncadd.s32 $0xFFFFFC00  }
0x1d: {  	v4 =	vld [tilespmem:$0x400];
	_ =	sdelay $0x4  }
0x1e: {  	v4 =	vadd.s32 v0, v4  }
0x1f: {  	v5 =	vld [tilespmem:$0x410];
	_ =	sdelay $0x3  }
0x20: {  	v4 =	vld.idx.msk [tilespmem:v4+s13+$0x0], $0xffff  }
0x21: {  	v5 =	vadd.s32 v1, v5  }
0x22: {  	v6 =	vld [tilespmem:$0x420];
	_ =	sdelay $0x2  }
0x23: {  	[tilespmem:$0xC00] =	vst v4  }
0x24: {  	v4 =	vld.idx.msk [tilespmem:v5+s13+$0x0], $0xffff  }
0x25: {  	v5 =	vadd.s32 v2, v6  }
0x26: {  	v33 =	vld [tilespmem:$0x430];
	_ =	sdelay $0x2  }
0x27: {  	[tilespmem:$0xC10] =	vst v4  }
0x28: {  	v4 =	vld.idx.msk [tilespmem:v5+s13+$0x0], $0xffff  }
0x29: {  	v5 =	vadd.s32 v3, v33;
	_ =	sdelay $0x3  }
0x2a: {  	[tilespmem:$0xC20] =	vst v4  }
0x2b: {  	v4 =	vld.idx.msk [tilespmem:v5+s13+$0x0], $0xffff;
	_ =	sdelay $0x4  }
0x2c: {  	[tilespmem:$0xC30] =	vst v4  }
0x2d: {  	[tilespmem:s13], [sflag:$0x1] =	stream.indirect.gather [hbm4b:s3+s12], $0x10, s12, s12, $0xb8;
	[tilespmem:$0x1000] =	vst v63  }
0x2e: {  	_ =	swait.ge [sflag:s14], $0x400  }
0x2f: {  	[sflag:s14] =	ssyncset.done $0x0  }
0x30: {  	[sflag:s14] =	ssyncadd.s32 $0xFFFFFC00  }
0x31: {  	v4 =	vld [tilespmem:$0x440];
	_ =	sdelay $0x4  }
0x32: {  	v4 =	vadd.s32 v0, v4  }
0x33: {  	v5 =	vld [tilespmem:$0x450];
	_ =	sdelay $0x3  }
0x34: {  	v4 =	vld.idx.msk [tilespmem:v4+s13+$0x0], $0xffff  }
0x35: {  	v5 =	vadd.s32 v1, v5  }
0x36: {  	v34 =	vld [tilespmem:$0x460];
	_ =	sdelay $0x2  }
0x37: {  	[tilespmem:$0xC40] =	vst v4  }
0x38: {  	v4 =	vld.idx.msk [tilespmem:v5+s13+$0x0], $0xffff  }
0x39: {  	v5 =	vadd.s32 v2, v34  }
0x3a: {  	v35 =	vld [tilespmem:$0x470];
	_ =	sdelay $0x2  }
0x3b: {  	[tilespmem:$0xC50] =	vst v4  }
0x3c: {  	v4 =	vld.idx.msk [tilespmem:v5+s13+$0x0], $0xffff  }
0x3d: {  	v5 =	vadd.s32 v3, v35;
	_ =	sdelay $0x3  }
0x3e: {  	[tilespmem:$0xC60] =	vst v4  }
0x3f: {  	v4 =	vld.idx.msk [tilespmem:v5+s13+$0x0], $0xffff;
	_ =	sdelay $0x4  }
0x40: {  	[tilespmem:$0xC70] =	vst v4  }
0x41: {  	[tilespmem:s13], [sflag:$0x1] =	stream.indirect.gather [hbm4b:s3+s12], $0x10, s15, s12, $0xb8;
	[tilespmem:$0x1000] =	vst v63  }
0x42: {  	_ =	swait.ge [sflag:s14], $0x400  }
0x43: {  	[sflag:s14] =	ssyncset.done $0x0  }
0x44: {  	[sflag:s14] =	ssyncadd.s32 $0xFFFFFC00  }
0x45: {  	v4 =	vld [tilespmem:$0x480];
	_ =	sdelay $0x4  }
0x46: {  	v4 =	vadd.s32 v0, v4  }
0x47: {  	v5 =	vld [tilespmem:$0x490];
	_ =	sdelay $0x3  }
0x48: {  	v4 =	vld.idx.msk [tilespmem:v4+s13+$0x0], $0xffff  }
0x49: {  	v5 =	vadd.s32 v1, v5  }
0x4a: {  	v36 =	vld [tilespmem:$0x4A0];
	_ =	sdelay $0x2  }
0x4b: {  	[tilespmem:$0xC80] =	vst v4  }
0x4c: {  	v4 =	vld.idx.msk [tilespmem:v5+s13+$0x0], $0xffff  }
0x4d: {  	v5 =	vadd.s32 v2, v36  }
0x4e: {  	v37 =	vld [tilespmem:$0x4B0];
	_ =	sdelay $0x2  }
0x4f: {  	[tilespmem:$0xC90] =	vst v4  }
0x50: {  	v4 =	vld.idx.msk [tilespmem:v5+s13+$0x0], $0xffff  }
0x51: {  	v5 =	vadd.s32 v3, v37;
	_ =	sdelay $0x3  }
0x52: {  	[tilespmem:$0xCA0] =	vst v4  }
0x53: {  	v4 =	vld.idx.msk [tilespmem:v5+s13+$0x0], $0xffff;
	_ =	sdelay $0x4  }
0x54: {  	[tilespmem:$0xCB0] =	vst v4  }
0x55: {  	[tilespmem:s13], [sflag:$0x1] =	stream.indirect.gather [hbm4b:s3+s12], $0x10, s16, s12, $0xb8;
	[tilespmem:$0x1000] =	vst v63  }
0x56: {  	_ =	swait.ge [sflag:s14], $0x400  }
0x57: {  	[sflag:s14] =	ssyncset.done $0x0  }
0x58: {  	[sflag:s14] =	ssyncadd.s32 $0xFFFFFC00  }
0x59: {  	v4 =	vld [tilespmem:$0x4C0];
	_ =	sdelay $0x4  }
0x5a: {  	v4 =	vadd.s32 v0, v4  }
0x5b: {  	v5 =	vld [tilespmem:$0x4D0];
	_ =	sdelay $0x3  }
0x5c: {  	v4 =	vld.idx.msk [tilespmem:v4+s13+$0x0], $0xffff  }
0x5d: {  	v5 =	vadd.s32 v1, v5  }
0x5e: {  	v38 =	vld [tilespmem:$0x4E0];
	_ =	sdelay $0x2  }
0x5f: {  	[tilespmem:$0xCC0] =	vst v4  }
0x60: {  	v4 =	vld.idx.msk [tilespmem:v5+s13+$0x0], $0xffff  }
0x61: {  	v5 =	vadd.s32 v2, v38  }
0x62: {  	v39 =	vld [tilespmem:$0x4F0];
	_ =	sdelay $0x2  }
0x63: {  	[tilespmem:$0xCD0] =	vst v4  }
0x64: {  	v4 =	vld.idx.msk [tilespmem:v5+s13+$0x0], $0xffff  }
0x65: {  	v5 =	vadd.s32 v3, v39;
	_ =	sdelay $0x3  }
0x66: {  	[tilespmem:$0xCE0] =	vst v4  }
0x67: {  	v4 =	vld.idx.msk [tilespmem:v5+s13+$0x0], $0xffff;
	_ =	sdelay $0x4  }
0x68: {  	[tilespmem:$0xCF0] =	vst v4  }
0x69: {  	[tilespmem:s13], [sflag:$0x1] =	stream.indirect.gather [hbm4b:s3+s12], $0x10, s17, s12, $0xb8;
	[tilespmem:$0x1000] =	vst v63  }
0x6a: {  	_ =	swait.ge [sflag:s14], $0x400  }
0x6b: {  	[sflag:s14] =	ssyncset.done $0x0  }
0x6c: {  	[sflag:s14] =	ssyncadd.s32 $0xFFFFFC00  }
0x6d: {  	v4 =	vld [tilespmem:$0x500];
	_ =	sdelay $0x4  }
0x6e: {  	v4 =	vadd.s32 v0, v4  }
0x6f: {  	v5 =	vld [tilespmem:$0x510];
	_ =	sdelay $0x3  }
0x70: {  	v4 =	vld.idx.msk [tilespmem:v4+s13+$0x0], $0xffff  }
0x71: {  	v5 =	vadd.s32 v1, v5  }
0x72: {  	v40 =	vld [tilespmem:$0x520];
	_ =	sdelay $0x2  }
0x73: {  	[tilespmem:$0xD00] =	vst v4  }
0x74: {  	v4 =	vld.idx.msk [tilespmem:v5+s13+$0x0], $0xffff  }
0x75: {  	v5 =	vadd.s32 v2, v40  }
0x76: {  	v41 =	vld [tilespmem:$0x530];
	_ =	sdelay $0x2  }
0x77: {  	[tilespmem:$0xD10] =	vst v4  }
0x78: {  	v4 =	vld.idx.msk [tilespmem:v5+s13+$0x0], $0xffff  }
0x79: {  	v5 =	vadd.s32 v3, v41;
	_ =	sdelay $0x3  }
0x7a: {  	[tilespmem:$0xD20] =	vst v4  }
0x7b: {  	v4 =	vld.idx.msk [tilespmem:v5+s13+$0x0], $0xffff;
	_ =	sdelay $0x4  }
0x7c: {  	[tilespmem:$0xD30] =	vst v4  }
0x7d: {  	[tilespmem:s13], [sflag:$0x1] =	stream.indirect.gather [hbm4b:s3+s12], $0x10, s18, s12, $0xb8;
	[tilespmem:$0x1000] =	vst v63  }
0x7e: {  	_ =	swait.ge [sflag:s14], $0x400  }
0x7f: {  	[sflag:s14] =	ssyncset.done $0x0  }
0x80: {  	[sflag:s14] =	ssyncadd.s32 $0xFFFFFC00  }
0x81: {  	v4 =	vld [tilespmem:$0x540];
	_ =	sdelay $0x4  }
0x82: {  	v4 =	vadd.s32 v0, v4  }
0x83: {  	v5 =	vld [tilespmem:$0x550];
	_ =	sdelay $0x3  }
0x84: {  	v4 =	vld.idx.msk [tilespmem:v4+s13+$0x0], $0xffff  }
0x85: {  	v5 =	vadd.s32 v1, v5  }
0x86: {  	v42 =	vld [tilespmem:$0x560];
	_ =	sdelay $0x2  }
0x87: {  	[tilespmem:$0xD40] =	vst v4  }
0x88: {  	v4 =	vld.idx.msk [tilespmem:v5+s13+$0x0], $0xffff  }
0x89: {  	v5 =	vadd.s32 v2, v42  }
0x8a: {  	v43 =	vld [tilespmem:$0x570];
	_ =	sdelay $0x2  }
0x8b: {  	[tilespmem:$0xD50] =	vst v4  }
0x8c: {  	v4 =	vld.idx.msk [tilespmem:v5+s13+$0x0], $0xffff  }
0x8d: {  	v5 =	vadd.s32 v3, v43;
	_ =	sdelay $0x3  }
0x8e: {  	[tilespmem:$0xD60] =	vst v4  }
0x8f: {  	v4 =	vld.idx.msk [tilespmem:v5+s13+$0x0], $0xffff;
	_ =	sdelay $0x4  }
0x90: {  	[tilespmem:$0xD70] =	vst v4  }
0x91: {  	[tilespmem:s13], [sflag:$0x1] =	stream.indirect.gather [hbm4b:s3+s12], $0x10, s19, s12, $0xb8;
	[tilespmem:$0x1000] =	vst v63  }
0x92: {  	_ =	swait.ge [sflag:s14], $0x400  }
0x93: {  	[sflag:s14] =	ssyncset.done $0x0  }
0x94: {  	[sflag:s14] =	ssyncadd.s32 $0xFFFFFC00  }
0x95: {  	v4 =	vld [tilespmem:$0x580];
	_ =	sdelay $0x4  }
0x96: {  	v4 =	vadd.s32 v0, v4  }
0x97: {  	v5 =	vld [tilespmem:$0x590];
	_ =	sdelay $0x3  }
0x98: {  	v4 =	vld.idx.msk [tilespmem:v4+s13+$0x0], $0xffff  }
0x99: {  	v5 =	vadd.s32 v1, v5  }
0x9a: {  	v44 =	vld [tilespmem:$0x5A0];
	_ =	sdelay $0x2  }
0x9b: {  	[tilespmem:$0xD80] =	vst v4  }
0x9c: {  	v4 =	vld.idx.msk [tilespmem:v5+s13+$0x0], $0xffff  }
0x9d: {  	v5 =	vadd.s32 v2, v44  }
0x9e: {  	v45 =	vld [tilespmem:$0x5B0];
	_ =	sdelay $0x2  }
0x9f: {  	[tilespmem:$0xD90] =	vst v4  }
0xa0: {  	v4 =	vld.idx.msk [tilespmem:v5+s13+$0x0], $0xffff  }
0xa1: {  	v5 =	vadd.s32 v3, v45;
	_ =	sdelay $0x3  }
0xa2: {  	[tilespmem:$0xDA0] =	vst v4  }
0xa3: {  	v4 =	vld.idx.msk [tilespmem:v5+s13+$0x0], $0xffff;
	_ =	sdelay $0x4  }
0xa4: {  	[tilespmem:$0xDB0] =	vst v4  }
0xa5: {  	[tilespmem:s13], [sflag:$0x1] =	stream.indirect.gather [hbm4b:s3+s12], $0x10, s20, s12, $0xb8;
	[tilespmem:$0x1000] =	vst v63  }
0xa6: {  	_ =	swait.ge [sflag:s14], $0x400  }
0xa7: {  	[sflag:s14] =	ssyncset.done $0x0  }
0xa8: {  	[sflag:s14] =	ssyncadd.s32 $0xFFFFFC00  }
0xa9: {  	v4 =	vld [tilespmem:$0x5C0];
	_ =	sdelay $0x4  }
0xaa: {  	v4 =	vadd.s32 v0, v4  }
0xab: {  	v5 =	vld [tilespmem:$0x5D0];
	_ =	sdelay $0x3  }
0xac: {  	v4 =	vld.idx.msk [tilespmem:v4+s13+$0x0], $0xffff  }
0xad: {  	v5 =	vadd.s32 v1, v5  }
0xae: {  	v46 =	vld [tilespmem:$0x5E0];
	_ =	sdelay $0x2  }
0xaf: {  	[tilespmem:$0xDC0] =	vst v4  }
0xb0: {  	v4 =	vld.idx.msk [tilespmem:v5+s13+$0x0], $0xffff  }
0xb1: {  	v5 =	vadd.s32 v2, v46  }
0xb2: {  	v47 =	vld [tilespmem:$0x5F0];
	_ =	sdelay $0x2  }
0xb3: {  	[tilespmem:$0xDD0] =	vst v4  }
0xb4: {  	v4 =	vld.idx.msk [tilespmem:v5+s13+$0x0], $0xffff  }
0xb5: {  	v5 =	vadd.s32 v3, v47;
	_ =	sdelay $0x3  }
0xb6: {  	[tilespmem:$0xDE0] =	vst v4  }
0xb7: {  	v4 =	vld.idx.msk [tilespmem:v5+s13+$0x0], $0xffff;
	_ =	sdelay $0x4  }
0xb8: {  	[tilespmem:$0xDF0] =	vst v4  }
0xb9: {  	[hbm4b:s7+s2] =	stream.linear.scatter [tilespmem:s21], [sflag:$0x2], $0x200, $0x38;
	[tilespmem:$0x1000] =	vst v63  }
0xba: {  	_ =	swait.ge [sflag:s10], $0x200  }
0xbb: {  	[sflag:s10] =	ssyncset.done $0x0  }
0xbc: {  	[sflag:s10] =	ssyncadd.s32 $0xFFFFFE00  }
0xbd: {  	[tilespmem:s13], [sflag:$0x1] =	stream.indirect.gather [hbm4b:s4+s12], $0x10, s22, s12, $0xb8;
	[tilespmem:$0x1000] =	vst v63  }
0xbe: {  	_ =	swait.ge [sflag:s14], $0x400  }
0xbf: {  	[sflag:s14] =	ssyncset.done $0x0  }
0xc0: {  	[sflag:s14] =	ssyncadd.s32 $0xFFFFFC00  }
0xc1: {  	v4 =	vld [tilespmem:$0x600];
	_ =	sdelay $0x4  }
0xc2: {  	v4 =	vadd.s32 v0, v4  }
0xc3: {  	v5 =	vld [tilespmem:$0x610];
	_ =	sdelay $0x3  }
0xc4: {  	v4 =	vld.idx.msk [tilespmem:v4+s13+$0x0], $0xffff  }
0xc5: {  	v5 =	vadd.s32 v1, v5  }
0xc6: {  	v48 =	vld [tilespmem:$0x620];
	_ =	sdelay $0x2  }
0xc7: {  	[tilespmem:$0xE00] =	vst v4  }
0xc8: {  	v4 =	vld.idx.msk [tilespmem:v5+s13+$0x0], $0xffff  }
0xc9: {  	v5 =	vadd.s32 v2, v48  }
0xca: {  	v49 =	vld [tilespmem:$0x630];
	_ =	sdelay $0x2  }
0xcb: {  	[tilespmem:$0xE10] =	vst v4  }
0xcc: {  	v4 =	vld.idx.msk [tilespmem:v5+s13+$0x0], $0xffff  }
0xcd: {  	v5 =	vadd.s32 v3, v49;
	_ =	sdelay $0x3  }
0xce: {  	[tilespmem:$0xE20] =	vst v4  }
0xcf: {  	v4 =	vld.idx.msk [tilespmem:v5+s13+$0x0], $0xffff;
	_ =	sdelay $0x4  }
0xd0: {  	[tilespmem:$0xE30] =	vst v4  }
0xd1: {  	[tilespmem:s13], [sflag:$0x1] =	stream.indirect.gather [hbm4b:s4+s12], $0x10, s23, s12, $0xb8;
	[tilespmem:$0x1000] =	vst v63  }
0xd2: {  	_ =	swait.ge [sflag:s14], $0x400  }
0xd3: {  	[sflag:s14] =	ssyncset.done $0x0  }
0xd4: {  	[sflag:s14] =	ssyncadd.s32 $0xFFFFFC00  }
0xd5: {  	v4 =	vld [tilespmem:$0x640];
	_ =	sdelay $0x4  }
0xd6: {  	v4 =	vadd.s32 v0, v4  }
0xd7: {  	v5 =	vld [tilespmem:$0x650];
	_ =	sdelay $0x3  }
0xd8: {  	v4 =	vld.idx.msk [tilespmem:v4+s13+$0x0], $0xffff  }
0xd9: {  	v5 =	vadd.s32 v1, v5  }
0xda: {  	v50 =	vld [tilespmem:$0x660];
	_ =	sdelay $0x2  }
0xdb: {  	[tilespmem:$0xE40] =	vst v4  }
0xdc: {  	v4 =	vld.idx.msk [tilespmem:v5+s13+$0x0], $0xffff  }
0xdd: {  	v5 =	vadd.s32 v2, v50  }
0xde: {  	v51 =	vld [tilespmem:$0x670];
	_ =	sdelay $0x2  }
0xdf: {  	[tilespmem:$0xE50] =	vst v4  }
0xe0: {  	v4 =	vld.idx.msk [tilespmem:v5+s13+$0x0], $0xffff  }
0xe1: {  	v5 =	vadd.s32 v3, v51;
	_ =	sdelay $0x3  }
0xe2: {  	[tilespmem:$0xE60] =	vst v4  }
0xe3: {  	v4 =	vld.idx.msk [tilespmem:v5+s13+$0x0], $0xffff;
	_ =	sdelay $0x4  }
0xe4: {  	[tilespmem:$0xE70] =	vst v4  }
0xe5: {  	[tilespmem:s13], [sflag:$0x1] =	stream.indirect.gather [hbm4b:s4+s12], $0x10, s24, s12, $0xb8;
	[tilespmem:$0x1000] =	vst v63  }
0xe6: {  	_ =	swait.ge [sflag:s14], $0x400  }
0xe7: {  	[sflag:s14] =	ssyncset.done $0x0  }
0xe8: {  	[sflag:s14] =	ssyncadd.s32 $0xFFFFFC00  }
0xe9: {  	v4 =	vld [tilespmem:$0x680];
	_ =	sdelay $0x4  }
0xea: {  	v4 =	vadd.s32 v0, v4  }
0xeb: {  	v5 =	vld [tilespmem:$0x690];
	_ =	sdelay $0x3  }
0xec: {  	v4 =	vld.idx.msk [tilespmem:v4+s13+$0x0], $0xffff  }
0xed: {  	v5 =	vadd.s32 v1, v5  }
0xee: {  	v52 =	vld [tilespmem:$0x6A0];
	_ =	sdelay $0x2  }
0xef: {  	[tilespmem:$0xE80] =	vst v4  }
0xf0: {  	v4 =	vld.idx.msk [tilespmem:v5+s13+$0x0], $0xffff  }
0xf1: {  	v5 =	vadd.s32 v2, v52  }
0xf2: {  	v53 =	vld [tilespmem:$0x6B0];
	_ =	sdelay $0x2  }
0xf3: {  	[tilespmem:$0xE90] =	vst v4  }
0xf4: {  	v4 =	vld.idx.msk [tilespmem:v5+s13+$0x0], $0xffff  }
0xf5: {  	v5 =	vadd.s32 v3, v53;
	_ =	sdelay $0x3  }
0xf6: {  	[tilespmem:$0xEA0] =	vst v4  }
0xf7: {  	v4 =	vld.idx.msk [tilespmem:v5+s13+$0x0], $0xffff;
	_ =	sdelay $0x4  }
0xf8: {  	[tilespmem:$0xEB0] =	vst v4  }
0xf9: {  	[tilespmem:s13], [sflag:$0x1] =	stream.indirect.gather [hbm4b:s4+s12], $0x10, s25, s12, $0xb8;
	[tilespmem:$0x1000] =	vst v63  }
0xfa: {  	_ =	swait.ge [sflag:s14], $0x400  }
0xfb: {  	[sflag:s14] =	ssyncset.done $0x0  }
0xfc: {  	[sflag:s14] =	ssyncadd.s32 $0xFFFFFC00  }
0xfd: {  	v4 =	vld [tilespmem:$0x6C0];
	_ =	sdelay $0x4  }
0xfe: {  	v4 =	vadd.s32 v0, v4  }
0xff: {  	v5 =	vld [tilespmem:$0x6D0];
	_ =	sdelay $0x3  }
0x100: {  	v4 =	vld.idx.msk [tilespmem:v4+s13+$0x0], $0xffff  }
0x101: {  	v5 =	vadd.s32 v1, v5  }
0x102: {  	v54 =	vld [tilespmem:$0x6E0];
	_ =	sdelay $0x2  }
0x103: {  	[tilespmem:$0xEC0] =	vst v4  }
0x104: {  	v4 =	vld.idx.msk [tilespmem:v5+s13+$0x0], $0xffff  }
0x105: {  	v5 =	vadd.s32 v2, v54  }
0x106: {  	v55 =	vld [tilespmem:$0x6F0];
	_ =	sdelay $0x2  }
0x107: {  	[tilespmem:$0xED0] =	vst v4  }
0x108: {  	v4 =	vld.idx.msk [tilespmem:v5+s13+$0x0], $0xffff  }
0x109: {  	v5 =	vadd.s32 v3, v55;
	_ =	sdelay $0x3  }
0x10a: {  	[tilespmem:$0xEE0] =	vst v4  }
0x10b: {  	v4 =	vld.idx.msk [tilespmem:v5+s13+$0x0], $0xffff;
	_ =	sdelay $0x4  }
0x10c: {  	[tilespmem:$0xEF0] =	vst v4  }
0x10d: {  	[tilespmem:s13], [sflag:$0x1] =	stream.indirect.gather [hbm4b:s4+s12], $0x10, s26, s12, $0xb8;
	[tilespmem:$0x1000] =	vst v63  }
0x10e: {  	_ =	swait.ge [sflag:s14], $0x400  }
0x10f: {  	[sflag:s14] =	ssyncset.done $0x0  }
0x110: {  	[sflag:s14] =	ssyncadd.s32 $0xFFFFFC00  }
0x111: {  	v4 =	vld [tilespmem:$0x700];
	_ =	sdelay $0x4  }
0x112: {  	v4 =	vadd.s32 v0, v4  }
0x113: {  	v5 =	vld [tilespmem:$0x710];
	_ =	sdelay $0x3  }
0x114: {  	v4 =	vld.idx.msk [tilespmem:v4+s13+$0x0], $0xffff  }
0x115: {  	v5 =	vadd.s32 v1, v5  }
0x116: {  	v56 =	vld [tilespmem:$0x720];
	_ =	sdelay $0x2  }
0x117: {  	[tilespmem:$0xF00] =	vst v4  }
0x118: {  	v4 =	vld.idx.msk [tilespmem:v5+s13+$0x0], $0xffff  }
0x119: {  	v5 =	vadd.s32 v2, v56  }
0x11a: {  	v57 =	vld [tilespmem:$0x730];
	_ =	sdelay $0x2  }
0x11b: {  	[tilespmem:$0xF10] =	vst v4  }
0x11c: {  	v4 =	vld.idx.msk [tilespmem:v5+s13+$0x0], $0xffff  }
0x11d: {  	v5 =	vadd.s32 v3, v57;
	_ =	sdelay $0x3  }
0x11e: {  	[tilespmem:$0xF20] =	vst v4  }
0x11f: {  	v4 =	vld.idx.msk [tilespmem:v5+s13+$0x0], $0xffff;
	_ =	sdelay $0x4  }
0x120: {  	[tilespmem:$0xF30] =	vst v4  }
0x121: {  	[tilespmem:s13], [sflag:$0x1] =	stream.indirect.gather [hbm4b:s4+s12], $0x10, s28, s12, $0xb8;
	[tilespmem:$0x1000] =	vst v63  }
0x122: {  	_ =	swait.ge [sflag:s14], $0x400  }
0x123: {  	[sflag:s14] =	ssyncset.done $0x0  }
0x124: {  	[sflag:s14] =	ssyncadd.s32 $0xFFFFFC00  }
0x125: {  	v4 =	vld [tilespmem:$0x740];
	_ =	sdelay $0x4  }
0x126: {  	v4 =	vadd.s32 v0, v4  }
0x127: {  	v5 =	vld [tilespmem:$0x750];
	_ =	sdelay $0x3  }
0x128: {  	v4 =	vld.idx.msk [tilespmem:v4+s13+$0x0], $0xffff  }
0x129: {  	v5 =	vadd.s32 v1, v5  }
0x12a: {  	v58 =	vld [tilespmem:$0x760];
	_ =	sdelay $0x2  }
0x12b: {  	[tilespmem:$0xF40] =	vst v4  }
0x12c: {  	v4 =	vld.idx.msk [tilespmem:v5+s13+$0x0], $0xffff  }
0x12d: {  	v5 =	vadd.s32 v2, v58  }
0x12e: {  	v59 =	vld [tilespmem:$0x770];
	_ =	sdelay $0x2  }
0x12f: {  	[tilespmem:$0xF50] =	vst v4  }
0x130: {  	v4 =	vld.idx.msk [tilespmem:v5+s13+$0x0], $0xffff  }
0x131: {  	v5 =	vadd.s32 v3, v59;
	_ =	sdelay $0x3  }
0x132: {  	[tilespmem:$0xF60] =	vst v4  }
0x133: {  	v4 =	vld.idx.msk [tilespmem:v5+s13+$0x0], $0xffff;
	_ =	sdelay $0x4  }
0x134: {  	[tilespmem:$0xF70] =	vst v4  }
0x135: {  	[tilespmem:s13], [sflag:$0x1] =	stream.indirect.gather [hbm4b:s4+s12], $0x10, s29, s12, $0xb8;
	[tilespmem:$0x1000] =	vst v63  }
0x136: {  	_ =	swait.ge [sflag:s14], $0x400  }
0x137: {  	[sflag:s14] =	ssyncset.done $0x0  }
0x138: {  	[sflag:s14] =	ssyncadd.s32 $0xFFFFFC00  }
0x139: {  	v4 =	vld [tilespmem:$0x780];
	_ =	sdelay $0x4  }
0x13a: {  	v4 =	vadd.s32 v0, v4  }
0x13b: {  	v5 =	vld [tilespmem:$0x790];
	_ =	sdelay $0x3  }
0x13c: {  	v4 =	vld.idx.msk [tilespmem:v4+s13+$0x0], $0xffff  }
0x13d: {  	v5 =	vadd.s32 v1, v5  }
0x13e: {  	v60 =	vld [tilespmem:$0x7A0];
	_ =	sdelay $0x2  }
0x13f: {  	[tilespmem:$0xF80] =	vst v4  }
0x140: {  	v4 =	vld.idx.msk [tilespmem:v5+s13+$0x0], $0xffff  }
0x141: {  	v5 =	vadd.s32 v2, v60  }
0x142: {  	v61 =	vld [tilespmem:$0x7B0];
	_ =	sdelay $0x2  }
0x143: {  	[tilespmem:$0xF90] =	vst v4  }
0x144: {  	v4 =	vld.idx.msk [tilespmem:v5+s13+$0x0], $0xffff  }
0x145: {  	v5 =	vadd.s32 v3, v61;
	_ =	sdelay $0x3  }
0x146: {  	[tilespmem:$0xFA0] =	vst v4  }
0x147: {  	v4 =	vld.idx.msk [tilespmem:v5+s13+$0x0], $0xffff;
	_ =	sdelay $0x4  }
0x148: {  	[tilespmem:$0xFB0] =	vst v4  }
0x149: {  	[tilespmem:s13], [sflag:$0x1] =	stream.indirect.gather [hbm4b:s4+s12], $0x10, s30, s12, $0xb8;
	[tilespmem:$0x1000] =	vst v63  }
0x14a: {  	_ =	swait.ge [sflag:s14], $0x400  }
0x14b: {  	[sflag:s14] =	ssyncset.done $0x0  }
0x14c: {  	[sflag:s14] =	ssyncadd.s32 $0xFFFFFC00  }
0x14d: {  	v4 =	vld [tilespmem:$0x7C0];
	_ =	sdelay $0x4  }
0x14e: {  	v4 =	vadd.s32 v0, v4  }
0x14f: {  	v5 =	vld [tilespmem:$0x7D0];
	_ =	sdelay $0x3  }
0x150: {  	v4 =	vld.idx.msk [tilespmem:v4+s13+$0x0], $0xffff  }
0x151: {  	v5 =	vadd.s32 v1, v5  }
0x152: {  	v62 =	vld [tilespmem:$0x7E0];
	_ =	sdelay $0x2  }
0x153: {  	[tilespmem:$0xFC0] =	vst v4  }
0x154: {  	v4 =	vld.idx.msk [tilespmem:v5+s13+$0x0], $0xffff  }
0x155: {  	v5 =	vadd.s32 v2, v62  }
0x156: {  	v63 =	vld [tilespmem:$0x7F0];
	_ =	sdelay $0x2  }
0x157: {  	[tilespmem:$0xFD0] =	vst v4  }
0x158: {  	v4 =	vld.idx.msk [tilespmem:v5+s13+$0x0], $0xffff  }
0x159: {  	v5 =	vadd.s32 v3, v63;
	_ =	sdelay $0x3  }
0x15a: {  	[tilespmem:$0xFE0] =	vst v4  }
0x15b: {  	v4 =	vld.idx.msk [tilespmem:v5+s13+$0x0], $0xffff;
	_ =	sdelay $0x3  }
0x15c: {  	p0 =	sne.s32 s9, $0x1  }
.Ltmp0:
0x15d: {  	[tilespmem:$0xFF0] =	vst v4;
	(pc) =	sbr.rel @p0 .LBB2_1-.Ltmp0, $4  }
0x15e: {  	[hbm4b:s8+s2] =	stream.linear.scatter [tilespmem:s31], [sflag:$0x2], $0x200, $0x38;
	[tilespmem:$0x1000] =	vst v63  }
0x15f: {  	_ =	swait.ge [sflag:s10], $0x200  }
0x160: {  	[sflag:s10] =	ssyncset.done $0x0  }
0x161: {  	s9 =	sadd.s32 $0xFFFFFFFF, s9;
	[sflag:s10] =	ssyncadd.s32 $0xFFFFFE00  }
0x162: {  	_ =	sfence.sel $0x180000  }
0x163: {  	[bflag:$0x0] =	sbarrier.arrive $0xFFFF  }
0x164: {  	p0 =	sne.s32 s0, $0x0;
	_ =	strace $0x9000004D  }
0x165: {  	s0 =	sadd.s32 @!p0 $0x100000, s1;
	[bflag:$0x2] =	sbarrier.arrive $0xFFFF  }
0x166: {  	[sflag:s0] =	ssyncadd.tile.s32 @!p0 $0x1;
	_ =	shalt  }
.Lfunc_end2:
_tile_overlayer_lowered:
.L_overlay_start_2:
0x167: {  	(tag) =	ssettag $0x2  }
0x168: {  	s0 =	rddreg [dreg:$0x0];
	s2 =	stileid.u32  }
0x169: {  	s1 =	rddreg [dreg:$0x1];
	p0 =	sne.s32 s2, $0x0  }
0x16a: {  	s3 =	rddreg [dreg:$0x2];
	[bflag:$0x3] =	sbarrier.arrive $0xFFFF;
	s2 =	simm.s32 @!p0 $0x1C02  }
0x16b: {  	[timem:s3], [sflag:s2] =	dma.local @!p0 [hbm:s0], s1  }
0x16c: {  	s0 =	simm.s32 @!p0 $0x2  }
0x16d: {  	_ =	swait.ge @!p0 [sflag:s0], s1  }
0x16e: {  	s1 =	ssub.s32 @!p0 $0x0, s1;
	[sflag:s0] =	ssyncset.done @!p0 $0x0  }
0x16f: {  	[sflag:s0] =	ssyncadd.s32 @!p0 s1  }
0x170: {  	[bflag:$0x3] =	sbarrier.arrive $0xFFFF  }
0x171: {  	_ =	shalt  }

</sc_bundles>
